<compile_context>
chip_gen: v7x
topology: tpu7x:2x2x1
jax: 0.10.2.dev20260603
libtpu: 0.0.44.dev20260713+nightly
codegen_flags: <defaults>
</compile_context>

<pallas_src>
import functools

import jax
import jax.numpy as jnp
from jax import lax
from jax.experimental import pallas as pl
from jax.experimental.pallas import tpu as pltpu
from jax.experimental.pallas import tpu_sc as plsc

N = 10000
E = 320000
H = 128
G = 64
NC = 2
NS = 16
NT = NC * NS
CH = 128
NCHUNK = -(-E // (NT * CH))
EPAD = NT * NCHUNK * CH
NCH0 = 112
NCH1 = 45
EPAD2 = NS * (NCH0 + NCH1) * CH
ACC_R = 10112
RPT = ACC_R // NS
TRASH = N

_mesh = plsc.VectorSubcoreMesh(core_axis_name="c", subcore_axis_name="s")


@functools.partial(
    pl.kernel,
    mesh=_mesh,
    out_type=jax.ShapeDtypeStruct((NC, ACC_R, H), jnp.float32),
    scratch_types=[
        pltpu.VMEM((NCHUNK, CH), jnp.int32),
        pltpu.VMEM((CH, H), jnp.float32),
        pltpu.VMEM_SHARED((ACC_R, H), jnp.float32),
        pltpu.SemaphoreType.DMA,
    ],
)
def _sc_degree(dst_hbm, zero_hbm, ones_hbm, out_hbm, idx_v, ones_v, acc_sh, sem):
    c = lax.axis_index("c")
    s = lax.axis_index("s")
    wid = c * NS + s
    r0 = pl.multiple_of(s * RPT, 8)
    pltpu.sync_copy(zero_hbm.at[pl.ds(r0, RPT)], acc_sh.at[pl.ds(r0, RPT)])
    pltpu.sync_copy(ones_hbm, ones_v)
    pltpu.sync_copy(dst_hbm.at[wid], idx_v)
    plsc.subcore_barrier()

    @pl.loop(0, NCHUNK)
    def _(i):
        pltpu.sync_copy(ones_v, acc_sh.at[idx_v.at[i]], add=True)

    plsc.subcore_barrier()
    pltpu.sync_copy(acc_sh.at[pl.ds(r0, RPT)], out_hbm.at[c, pl.ds(r0, RPT)])


@functools.partial(
    pl.kernel,
    mesh=_mesh,
    out_type=jax.ShapeDtypeStruct((NC, ACC_R, H), jnp.float32),
    scratch_types=[
        pltpu.VMEM((4, 2, CH), jnp.int32),
        pltpu.VMEM((CH, H), jnp.float32),
        pltpu.VMEM((CH, H), jnp.float32),
        pltpu.VMEM_SHARED((ACC_R, H), jnp.float32),
        pltpu.SemaphoreType.DMA,
        pltpu.SemaphoreType.DMA,
        pltpu.SemaphoreType.DMA,
        pltpu.SemaphoreType.DMA,
        pltpu.SemaphoreType.DMA,
        pltpu.SemaphoreType.DMA,
        pltpu.SemaphoreType.DMA,
        pltpu.SemaphoreType.DMA,
    ],
)
def _sc_msgpass(idx0_hbm, idx1_hbm, hs_hbm, zero_hbm, out_hbm,
                idx_v, rows_0, rows_1, acc_sh,
                si_0, si_1, si_2, si_3, sg_0, sg_1, ss_0, ss_1):
    c = lax.axis_index("c")
    s = lax.axis_index("s")
    r0 = pl.multiple_of(s * RPT, 8)
    pltpu.sync_copy(zero_hbm.at[pl.ds(r0, RPT)], acc_sh.at[pl.ds(r0, RPT)])
    plsc.subcore_barrier()

    SI = [si_0, si_1, si_2, si_3]
    SG = [sg_0, sg_1]
    SS = [ss_0, ss_1]
    R = [rows_0, rows_1]

    def _pipe(idx_hbm, nch):
        def idx_load(k, r):
            pltpu.async_copy(idx_hbm.at[s, k], idx_v.at[r], SI[r])

        def idx_wait(k, r):
            pltpu.make_async_copy(idx_hbm.at[s, k], idx_v.at[r], SI[r]).wait()

        def gather_start(r, r2):
            pltpu.async_copy(hs_hbm.at[idx_v.at[r, 0]], R[r2], SG[r2])

        def gather_wait(r, r2):
            pltpu.make_async_copy(hs_hbm.at[idx_v.at[r, 0]], R[r2], SG[r2]).wait()

        def scat_start(r, r2):
            pltpu.async_copy(R[r2], acc_sh.at[idx_v.at[r, 1]], SS[r2], add=True)

        def scat_wait(r, r2):
            pltpu.make_async_copy(R[r2], acc_sh.at[idx_v.at[r, 1]], SS[r2]).wait()

        def slot(k, r, first=False, load=True, nxt=True):
            r2 = r & 1
            q2 = 1 - r2
            if not first:
                scat_wait((r - 1) % 4, q2)
            if nxt:
                idx_wait(k + 1, (r + 1) % 4)
                gather_start((r + 1) % 4, q2)
            gather_wait(r, r2)
            scat_start(r, r2)
            if load:
                idx_load(k + 3, (r + 3) % 4)

        nb = nch // 4
        idx_load(0, 0)
        idx_load(1, 1)
        idx_load(2, 2)
        idx_wait(0, 0)
        gather_start(0, 0)
        slot(0, 0, first=True)
        slot(1, 1)
        slot(2, 2)
        slot(3, 3)

        @pl.loop(1, nb - 2)
        def _(b):
            k0 = b * 4
            slot(k0, 0)
            slot(k0 + 1, 1)
            slot(k0 + 2, 2)
            slot(k0 + 3, 3)

        for t in range(nch - 8, nch):
            slot(t, t % 4, load=(t + 3 < nch), nxt=(t + 1 < nch))
        scat_wait((nch - 1) % 4, (nch - 1) & 1)

    @pl.when(c == 0)
    def _():
        _pipe(idx0_hbm, NCH0)

    def _pipe_sync(idx_hbm, nch):
        idx_a = idx_v.at[0]
        idx_b = idx_v.at[1]
        pltpu.sync_copy(idx_hbm.at[s, 0], idx_a)
        pltpu.async_copy(hs_hbm.at[idx_a.at[0]], rows_0, sg_0)
        pltpu.sync_copy(idx_hbm.at[s, 1], idx_b)

        @pl.loop(0, (nch - 1) // 2)
        def _(j):
            i = j * 2
            pltpu.async_copy(hs_hbm.at[idx_b.at[0]], rows_1, sg_1)
            pltpu.make_async_copy(hs_hbm.at[idx_a.at[0]], rows_0, sg_0).wait()
            pltpu.sync_copy(rows_0, acc_sh.at[idx_a.at[1]], add=True)
            pltpu.sync_copy(idx_hbm.at[s, i + 2], idx_a)
            pltpu.async_copy(hs_hbm.at[idx_a.at[0]], rows_0, sg_0)
            pltpu.make_async_copy(hs_hbm.at[idx_b.at[0]], rows_1, sg_1).wait()
            pltpu.sync_copy(rows_1, acc_sh.at[idx_b.at[1]], add=True)
            pltpu.sync_copy(idx_hbm.at[s, jnp.minimum(i + 3, nch - 1)], idx_b)

        pltpu.make_async_copy(hs_hbm.at[idx_a.at[0]], rows_0, sg_0).wait()
        pltpu.sync_copy(rows_0, acc_sh.at[idx_a.at[1]], add=True)

    @pl.when(c == 1)
    def _():
        _pipe_sync(idx1_hbm, NCH1)

    plsc.subcore_barrier()
    pltpu.sync_copy(acc_sh.at[pl.ds(r0, RPT)], out_hbm.at[c, pl.ds(r0, RPT)])


def _tc_matmul(x_ref, w_ref, o_ref):
    o_ref[...] = jnp.dot(x_ref[...], w_ref[...],
                         preferred_element_type=jnp.float32,
                         precision=lax.Precision.HIGHEST)


def _tc_scale(degp_ref, h1_ref, hs_ref, dis_ref):
    deg = degp_ref[0, :N, 0:1] + degp_ref[1, :N, 0:1] + 1.0
    dis = lax.rsqrt(deg)
    dis_ref[...] = dis
    hs_ref[...] = h1_ref[...] * dis


def _tc_mid(p_ref, hs_ref, dis_ref, b_ref, w_ref, o_ref):
    t = p_ref[0, :N, :] + p_ref[1, :N, :] + hs_ref[...]
    h = jnp.maximum(t * dis_ref[...] + b_ref[...], 0.0)
    o_ref[...] = jnp.dot(h, w_ref[...],
                         preferred_element_type=jnp.float32) * dis_ref[...]


def _tc_final(p_ref, hs_ref, dis_ref, b_ref, batch_ref, o_ref):
    t = p_ref[0, :N, :] + p_ref[1, :N, :] + hs_ref[...]
    h = jnp.maximum(t * dis_ref[...] + b_ref[...], 0.0)
    gid = lax.broadcasted_iota(jnp.int32, (G, N), 0)
    oh = (batch_ref[...] == gid).astype(jnp.float32)
    sums = jnp.dot(oh.astype(jnp.bfloat16), h.astype(jnp.bfloat16),
                   preferred_element_type=jnp.float32)
    counts = jnp.sum(oh, axis=1, keepdims=True)
    o_ref[...] = sums / jnp.maximum(counts, 1.0)


def kernel(x, edge_index, batch, W1, b1, W2, b2):
    src = edge_index[0]
    dst = edge_index[1]
    padmax = max(EPAD, EPAD2) - E
    srcf = jnp.concatenate([src, jnp.zeros((padmax,), jnp.int32)])
    dstf = jnp.concatenate([dst, jnp.full((padmax,), TRASH, jnp.int32)])
    dstp = dstf[:EPAD].reshape(NT, NCHUNK, CH)
    n0 = NS * NCH0 * CH
    idx0 = jnp.stack([srcf[:n0].reshape(NS, NCH0, CH),
                      dstf[:n0].reshape(NS, NCH0, CH)], axis=2)
    idx1 = jnp.stack([srcf[n0:EPAD2].reshape(NS, NCH1, CH),
                      dstf[n0:EPAD2].reshape(NS, NCH1, CH)], axis=2)
    zeros_h = jnp.zeros((ACC_R, H), jnp.float32)
    ones_h = jnp.ones((CH, H), jnp.float32)
    batch2 = batch.reshape(1, N)

    f32 = jnp.float32
    degp = _sc_degree(dstp, zeros_h, ones_h)
    h1 = pl.pallas_call(
        _tc_matmul, out_shape=jax.ShapeDtypeStruct((N, H), f32))(x, W1)

    hs1, dis = pl.pallas_call(
        _tc_scale,
        out_shape=(jax.ShapeDtypeStruct((N, H), f32),
                   jax.ShapeDtypeStruct((N, 1), f32)))(degp, h1)

    p1 = _sc_msgpass(idx0, idx1, hs1, zeros_h)

    hs2 = pl.pallas_call(
        _tc_mid, out_shape=jax.ShapeDtypeStruct((N, H), f32))(p1, hs1, dis, b1, W2)

    p2 = _sc_msgpass(idx0, idx1, hs2, zeros_h)

    out = pl.pallas_call(
        _tc_final, out_shape=jax.ShapeDtypeStruct((G, H), f32))(p2, hs2, dis, b2, batch2)
    return out

# --- scband reference (transcript-rebuilt; emitter-appended) ---
"""Pipeline reference for scband-gcnstack-13606456394315 (READ-ONLY COPY).

The authoritative reference and input builder live on the scoring server;
editing this copy changes nothing except your own understanding.
"""

import jax, jax.numpy as jnp
import numpy as np

N_NODES = 10000
N_EDGES = 320000
HIDDEN = 128
N_GRAPHS = 64


def _gcn_conv(x, src, dst, W, b):
    # PyG GCNConv: x' = D^{-1/2} (A + I) D^{-1/2} X W + b
    h = x @ W
    loop = jnp.arange(N_NODES, dtype=src.dtype)
    s = jnp.concatenate([src, loop])
    d = jnp.concatenate([dst, loop])
    deg = jnp.zeros((N_NODES,), dtype=h.dtype).at[d].add(1.0)
    dis = jnp.where(deg > 0, jax.lax.rsqrt(deg), 0.0)
    norm = dis[s] * dis[d]
    msg = h[s] * norm[:, None]
    out = jax.ops.segment_sum(msg, d, num_segments=N_NODES)
    return out + b


def setup_inputs(seed: int = 0) -> dict:
    key = jax.random.key(seed)
    ks = jax.random.split(key, 8)
    x = jax.random.normal(ks[0], (N_NODES, HIDDEN), dtype=jnp.float32)
    edge_index = jax.random.randint(ks[1], (2, N_EDGES), 0, N_NODES, dtype=jnp.int32)
    batch = jnp.sort(jax.random.randint(ks[2], (N_NODES,), 0, N_GRAPHS, dtype=jnp.int32))
    scale = 1.0 / np.sqrt(HIDDEN)
    W1 = jax.random.normal(ks[3], (HIDDEN, HIDDEN), dtype=jnp.float32) * scale
    b1 = jnp.zeros((HIDDEN,), dtype=jnp.float32)
    W2 = jax.random.normal(ks[4], (HIDDEN, HIDDEN), dtype=jnp.float32) * scale
    b2 = jnp.zeros((HIDDEN,), dtype=jnp.float32)
    return {"x": x, "edge_index": edge_index, "batch": batch,
            "W1": W1, "b1": b1, "W2": W2, "b2": b2}


def reference(x, edge_index, batch, W1, b1, W2, b2):
    src, dst = edge_index[0], edge_index[1]
    h = jax.nn.relu(_gcn_conv(x, src, dst, W1, b1))
    h = jax.nn.relu(_gcn_conv(h, src, dst, W2, b2))
    sums = jax.ops.segment_sum(h, batch, num_segments=N_GRAPHS)
    counts = jax.ops.segment_sum(jnp.ones((N_NODES,), dtype=h.dtype), batch, num_segments=N_GRAPHS)
    out = sums / jnp.maximum(counts, 1.0)[:, None]
    return out

if __name__ == "__main__":
    import jax
    _d = setup_inputs()
    print(jax.jit(kernel)(*tuple(_d.values())))

</pallas_src>

<mosaic_0001>
#map = affine_map<(d0, d1) -> (0, 0, 0, 0)>
#map1 = affine_map<(d0, d1) -> (0, 0)>
#map2 = affine_map<(d0, d1) -> (0, 0, 0)>
module attributes {stable_mosaic.version = 14 : i64} {
  func.func @_sc_msgpass(%arg0: i32, %arg1: i32, %arg2: memref<16x112x2x128xi32, #tpu.memory_space<hbm>>, %arg3: memref<16x45x2x128xi32, #tpu.memory_space<hbm>>, %arg4: memref<10000x128xf32, #tpu.memory_space<hbm>>, %arg5: memref<10112x128xf32, #tpu.memory_space<hbm>>, %arg6: memref<2x10112x128xf32, #tpu.memory_space<hbm>>, %arg7: memref<4x2x128xi32, #tpu.memory_space<vmem>>, %arg8: memref<128x128xf32, #tpu.memory_space<vmem>>, %arg9: memref<128x128xf32, #tpu.memory_space<vmem>>, %arg10: memref<10112x128xf32, #tpu.memory_space<vmem_shared>>, %arg11: memref<!tpu.dma_semaphore, #tpu.memory_space<semaphore_mem>>, %arg12: memref<!tpu.dma_semaphore, #tpu.memory_space<semaphore_mem>>, %arg13: memref<!tpu.dma_semaphore, #tpu.memory_space<semaphore_mem>>, %arg14: memref<!tpu.dma_semaphore, #tpu.memory_space<semaphore_mem>>, %arg15: memref<!tpu.dma_semaphore, #tpu.memory_space<semaphore_mem>>, %arg16: memref<!tpu.dma_semaphore, #tpu.memory_space<semaphore_mem>>, %arg17: memref<!tpu.dma_semaphore, #tpu.memory_space<semaphore_mem>>, %arg18: memref<!tpu.dma_semaphore, #tpu.memory_space<semaphore_mem>>) attributes {dimension_semantics = [#tpu.dimension_semantics<core_parallel>, #tpu.dimension_semantics<subcore_parallel>], iteration_bounds = array<i64: 2, 16>, scalar_prefetch = 0 : i64, scratch_operands = 12 : i64, tpu.core_type = #tpu.core_type<sc_vector_subcore>, window_params = [{transform_indices = #map}, {transform_indices = #map}, {transform_indices = #map1}, {transform_indices = #map1}, {transform_indices = #map2}]} {
    %mul3A = arith.constant 632 : i32
    %mul3A_0 = arith.muli %arg1, %mul3A : i32
    %multiple_of3A = tpu.assume_multiple %mul3A_0, 8 : i32
    "tpu.region"() ({
      %run_scoped3A = tpu.sem_alloc : memref<!tpu.dma_semaphore, #tpu.memory_space<semaphore_mem>>
      %dma_start3A = arith.constant 0 : i32
      %dma_start3A_9 = tpu.memref_slice %arg10[%multiple_of3A, %dma_start3A] : memref<10112x128xf32, #tpu.memory_space<vmem_shared>> -> memref<632x128xf32, #tpu.memory_space<vmem_shared>>
      %dma_start3A_10 = arith.constant 0 : i32
      %dma_start3A_11 = tpu.memref_slice %arg5[%multiple_of3A, %dma_start3A_10] : memref<10112x128xf32, #tpu.memory_space<hbm>> -> memref<632x128xf32, #tpu.memory_space<hbm>>
      tpu.enqueue_dma source(%dma_start3A_11 : memref<632x128xf32, #tpu.memory_space<hbm>>) target(%dma_start3A_9 : memref<632x128xf32, #tpu.memory_space<vmem_shared>>) target_semaphore(%run_scoped3A : memref<!tpu.dma_semaphore, #tpu.memory_space<semaphore_mem>>)
      %dma_wait3A = arith.constant 0 : i32
      %dma_wait3A_12 = tpu.memref_slice %arg10[%multiple_of3A, %dma_wait3A] : memref<10112x128xf32, #tpu.memory_space<vmem_shared>> -> memref<632x128xf32, #tpu.memory_space<vmem_shared>>
      %dma_wait3A_13 = arith.constant 0 : i32
      %dma_wait3A_14 = tpu.memref_slice %arg5[%multiple_of3A, %dma_wait3A_13] : memref<10112x128xf32, #tpu.memory_space<hbm>> -> memref<632x128xf32, #tpu.memory_space<hbm>>
      tpu.wait_dma2 semaphore(%run_scoped3A : memref<!tpu.dma_semaphore, #tpu.memory_space<semaphore_mem>>) src(%dma_wait3A_14 : memref<632x128xf32, #tpu.memory_space<hbm>>) dst(%dma_wait3A_12 : memref<632x128xf32, #tpu.memory_space<vmem_shared>>)
      tpu.yield
    }) : () -> ()
    %barrier3A = arith.constant 0 : index
    tpu.barrier barrier_id(%barrier3A)
    %eq3A = arith.constant 0 : i32
    %eq3A_1 = arith.cmpi eq, %arg0, %eq3A : i32
    %convert_element_type3A = arith.extui %eq3A_1 : i1 to i32
    %cond3A = arith.constant 0 : i32
    %cond3A_2 = arith.cmpi ne, %convert_element_type3A, %cond3A : i32
    scf.if %cond3A_2 {
      %dma_start3A = arith.constant 0 : i32
      %dma_start3A_9 = arith.constant 0 : i32
      %dma_start3A_10 = arith.constant 0 : i32
      %dma_start3A_11 = arith.constant 0 : i32
      %dma_start3A_12 = tpu.memref_slice %arg7[%dma_start3A_9, %dma_start3A_10, %dma_start3A_11] : memref<4x2x128xi32, #tpu.memory_space<vmem>> -> memref<1x2x128xi32, #tpu.memory_space<vmem>>
      %dma_start3A_13 = tpu.memref_squeeze %dma_start3A_12 : memref<1x2x128xi32, #tpu.memory_space<vmem>> -> memref<2x128xi32, #tpu.memory_space<vmem>>
      %dma_start3A_14 = arith.constant 0 : i32
      %dma_start3A_15 = arith.constant 0 : i32
      %dma_start3A_16 = tpu.memref_slice %arg2[%arg1, %dma_start3A, %dma_start3A_14, %dma_start3A_15] : memref<16x112x2x128xi32, #tpu.memory_space<hbm>> -> memref<1x1x2x128xi32, #tpu.memory_space<hbm>>
      %dma_start3A_17 = tpu.memref_squeeze %dma_start3A_16 : memref<1x1x2x128xi32, #tpu.memory_space<hbm>> -> memref<2x128xi32, #tpu.memory_space<hbm>>
      %dma_start3A_18 = arith.constant 0 : i32
      %dma_start3A_19 = arith.constant 0 : i32
      %dma_start3A_20 = tpu.memref_slice %arg7[%dma_start3A_9, %dma_start3A_18, %dma_start3A_19] : memref<4x2x128xi32, #tpu.memory_space<vmem>> -> memref<1x2x128xi32, #tpu.memory_space<vmem>>
      %dma_start3A_21 = tpu.memref_squeeze %dma_start3A_20 : memref<1x2x128xi32, #tpu.memory_space<vmem>> -> memref<2x128xi32, #tpu.memory_space<vmem>>
      %dma_start3A_22 = arith.constant 0 : i32
      %dma_start3A_23 = arith.constant 0 : i32
      %dma_start3A_24 = tpu.memref_slice %arg2[%arg1, %dma_start3A, %dma_start3A_22, %dma_start3A_23] : memref<16x112x2x128xi32, #tpu.memory_space<hbm>> -> memref<1x1x2x128xi32, #tpu.memory_space<hbm>>
      %dma_start3A_25 = tpu.memref_squeeze %dma_start3A_24 : memref<1x1x2x128xi32, #tpu.memory_space<hbm>> -> memref<2x128xi32, #tpu.memory_space<hbm>>
      tpu.enqueue_dma source(%dma_start3A_25 : memref<2x128xi32, #tpu.memory_space<hbm>>) target(%dma_start3A_21 : memref<2x128xi32, #tpu.memory_space<vmem>>) target_semaphore(%arg11 : memref<!tpu.dma_semaphore, #tpu.memory_space<semaphore_mem>>)
      %dma_start3A_26 = arith.constant 1 : i32
      %dma_start3A_27 = arith.constant 1 : i32
      %dma_start3A_28 = arith.constant 0 : i32
      %dma_start3A_29 = arith.constant 0 : i32
      %dma_start3A_30 = tpu.memref_slice %arg7[%dma_start3A_27, %dma_start3A_28, %dma_start3A_29] : memref<4x2x128xi32, #tpu.memory_space<vmem>> -> memref<1x2x128xi32, #tpu.memory_space<vmem>>
      %dma_start3A_31 = tpu.memref_squeeze %dma_start3A_30 : memref<1x2x128xi32, #tpu.memory_space<vmem>> -> memref<2x128xi32, #tpu.memory_space<vmem>>
      %dma_start3A_32 = arith.constant 0 : i32
      %dma_start3A_33 = arith.constant 0 : i32
      %dma_start3A_34 = tpu.memref_slice %arg2[%arg1, %dma_start3A_26, %dma_start3A_32, %dma_start3A_33] : memref<16x112x2x128xi32, #tpu.memory_space<hbm>> -> memref<1x1x2x128xi32, #tpu.memory_space<hbm>>
      %dma_start3A_35 = tpu.memref_squeeze %dma_start3A_34 : memref<1x1x2x128xi32, #tpu.memory_space<hbm>> -> memref<2x128xi32, #tpu.memory_space<hbm>>
      %dma_start3A_36 = arith.constant 0 : i32
      %dma_start3A_37 = arith.constant 0 : i32
      %dma_start3A_38 = tpu.memref_slice %arg7[%dma_start3A_27, %dma_start3A_36, %dma_start3A_37] : memref<4x2x128xi32, #tpu.memory_space<vmem>> -> memref<1x2x128xi32, #tpu.memory_space<vmem>>
      %dma_start3A_39 = tpu.memref_squeeze %dma_start3A_38 : memref<1x2x128xi32, #tpu.memory_space<vmem>> -> memref<2x128xi32, #tpu.memory_space<vmem>>
      %dma_start3A_40 = arith.constant 0 : i32
      %dma_start3A_41 = arith.constant 0 : i32
      %dma_start3A_42 = tpu.memref_slice %arg2[%arg1, %dma_start3A_26, %dma_start3A_40, %dma_start3A_41] : memref<16x112x2x128xi32, #tpu.memory_space<hbm>> -> memref<1x1x2x128xi32, #tpu.memory_space<hbm>>
      %dma_start3A_43 = tpu.memref_squeeze %dma_start3A_42 : memref<1x1x2x128xi32, #tpu.memory_space<hbm>> -> memref<2x128xi32, #tpu.memory_space<hbm>>
      tpu.enqueue_dma source(%dma_start3A_43 : memref<2x128xi32, #tpu.memory_space<hbm>>) target(%dma_start3A_39 : memref<2x128xi32, #tpu.memory_space<vmem>>) target_semaphore(%arg12 : memref<!tpu.dma_semaphore, #tpu.memory_space<semaphore_mem>>)
      %dma_start3A_44 = arith.constant 2 : i32
      %dma_start3A_45 = arith.constant 2 : i32
      %dma_start3A_46 = arith.constant 0 : i32
      %dma_start3A_47 = arith.constant 0 : i32
      %dma_start3A_48 = tpu.memref_slice %arg7[%dma_start3A_45, %dma_start3A_46, %dma_start3A_47] : memref<4x2x128xi32, #tpu.memory_space<vmem>> -> memref<1x2x128xi32, #tpu.memory_space<vmem>>
      %dma_start3A_49 = tpu.memref_squeeze %dma_start3A_48 : memref<1x2x128xi32, #tpu.memory_space<vmem>> -> memref<2x128xi32, #tpu.memory_space<vmem>>
      %dma_start3A_50 = arith.constant 0 : i32
      %dma_start3A_51 = arith.constant 0 : i32
      %dma_start3A_52 = tpu.memref_slice %arg2[%arg1, %dma_start3A_44, %dma_start3A_50, %dma_start3A_51] : memref<16x112x2x128xi32, #tpu.memory_space<hbm>> -> memref<1x1x2x128xi32, #tpu.memory_space<hbm>>
      %dma_start3A_53 = tpu.memref_squeeze %dma_start3A_52 : memref<1x1x2x128xi32, #tpu.memory_space<hbm>> -> memref<2x128xi32, #tpu.memory_space<hbm>>
      %dma_start3A_54 = arith.constant 0 : i32
      %dma_start3A_55 = arith.constant 0 : i32
      %dma_start3A_56 = tpu.memref_slice %arg7[%dma_start3A_45, %dma_start3A_54, %dma_start3A_55] : memref<4x2x128xi32, #tpu.memory_space<vmem>> -> memref<1x2x128xi32, #tpu.memory_space<vmem>>
      %dma_start3A_57 = tpu.memref_squeeze %dma_start3A_56 : memref<1x2x128xi32, #tpu.memory_space<vmem>> -> memref<2x128xi32, #tpu.memory_space<vmem>>
      %dma_start3A_58 = arith.constant 0 : i32
      %dma_start3A_59 = arith.constant 0 : i32
      %dma_start3A_60 = tpu.memref_slice %arg2[%arg1, %dma_start3A_44, %dma_start3A_58, %dma_start3A_59] : memref<16x112x2x128xi32, #tpu.memory_space<hbm>> -> memref<1x1x2x128xi32, #tpu.memory_space<hbm>>
      %dma_start3A_61 = tpu.memref_squeeze %dma_start3A_60 : memref<1x1x2x128xi32, #tpu.memory_space<hbm>> -> memref<2x128xi32, #tpu.memory_space<hbm>>
      tpu.enqueue_dma source(%dma_start3A_61 : memref<2x128xi32, #tpu.memory_space<hbm>>) target(%dma_start3A_57 : memref<2x128xi32, #tpu.memory_space<vmem>>) target_semaphore(%arg13 : memref<!tpu.dma_semaphore, #tpu.memory_space<semaphore_mem>>)
      %dma_wait3A = arith.constant 0 : i32
      %dma_wait3A_62 = arith.constant 0 : i32
      %dma_wait3A_63 = arith.constant 0 : i32
      %dma_wait3A_64 = arith.constant 0 : i32
      %dma_wait3A_65 = tpu.memref_slice %arg7[%dma_wait3A_62, %dma_wait3A_63, %dma_wait3A_64] : memref<4x2x128xi32, #tpu.memory_space<vmem>> -> memref<1x2x128xi32, #tpu.memory_space<vmem>>
      %dma_wait3A_66 = tpu.memref_squeeze %dma_wait3A_65 : memref<1x2x128xi32, #tpu.memory_space<vmem>> -> memref<2x128xi32, #tpu.memory_space<vmem>>
      %dma_wait3A_67 = arith.constant 0 : i32
      %dma_wait3A_68 = arith.constant 0 : i32
      %dma_wait3A_69 = tpu.memref_slice %arg2[%arg1, %dma_wait3A, %dma_wait3A_67, %dma_wait3A_68] : memref<16x112x2x128xi32, #tpu.memory_space<hbm>> -> memref<1x1x2x128xi32, #tpu.memory_space<hbm>>
      %dma_wait3A_70 = tpu.memref_squeeze %dma_wait3A_69 : memref<1x1x2x128xi32, #tpu.memory_space<hbm>> -> memref<2x128xi32, #tpu.memory_space<hbm>>
      %dma_wait3A_71 = arith.constant 0 : i32
      %dma_wait3A_72 = arith.constant 0 : i32
      %dma_wait3A_73 = tpu.memref_slice %arg7[%dma_wait3A_62, %dma_wait3A_71, %dma_wait3A_72] : memref<4x2x128xi32, #tpu.memory_space<vmem>> -> memref<1x2x128xi32, #tpu.memory_space<vmem>>
      %dma_wait3A_74 = tpu.memref_squeeze %dma_wait3A_73 : memref<1x2x128xi32, #tpu.memory_space<vmem>> -> memref<2x128xi32, #tpu.memory_space<vmem>>
      %dma_wait3A_75 = arith.constant 0 : i32
      %dma_wait3A_76 = arith.constant 0 : i32
      %dma_wait3A_77 = tpu.memref_slice %arg2[%arg1, %dma_wait3A, %dma_wait3A_75, %dma_wait3A_76] : memref<16x112x2x128xi32, #tpu.memory_space<hbm>> -> memref<1x1x2x128xi32, #tpu.memory_space<hbm>>
      %dma_wait3A_78 = tpu.memref_squeeze %dma_wait3A_77 : memref<1x1x2x128xi32, #tpu.memory_space<hbm>> -> memref<2x128xi32, #tpu.memory_space<hbm>>
      tpu.wait_dma2 semaphore(%arg11 : memref<!tpu.dma_semaphore, #tpu.memory_space<semaphore_mem>>) src(%dma_wait3A_78 : memref<2x128xi32, #tpu.memory_space<hbm>>) dst(%dma_wait3A_74 : memref<2x128xi32, #tpu.memory_space<vmem>>)
      %dma_start3A_79 = arith.constant 0 : i32
      %dma_start3A_80 = arith.constant 0 : i32
      %dma_start3A_81 = arith.constant 0 : i32
      %dma_start3A_82 = tpu.memref_slice %arg7[%dma_start3A_79, %dma_start3A_80, %dma_start3A_81] : memref<4x2x128xi32, #tpu.memory_space<vmem>> -> memref<1x1x128xi32, #tpu.memory_space<vmem>>
      %dma_start3A_83 = tpu.memref_squeeze %dma_start3A_82 : memref<1x1x128xi32, #tpu.memory_space<vmem>> -> memref<128xi32, #tpu.memory_space<vmem>>
      %dma_start3A_84 = arith.constant 0 : i32
      %dma_start3A_85 = arith.constant 0 : i32
      %dma_start3A_86 = tpu.memref_slice %arg4[%dma_start3A_84, %dma_start3A_85] : memref<10000x128xf32, #tpu.memory_space<hbm>> -> memref<10000x128xf32, #tpu.memory_space<hbm>>
      tpu.enqueue_indirect_dma source(%dma_start3A_86 : memref<10000x128xf32, #tpu.memory_space<hbm>>) target(%arg8 : memref<128x128xf32, #tpu.memory_space<vmem>>) offsets(%dma_start3A_83 : memref<128xi32, #tpu.memory_space<vmem>>) semaphore(%arg15 : memref<!tpu.dma_semaphore, #tpu.memory_space<semaphore_mem>>)
      %dma_wait3A_87 = arith.constant 1 : i32
      %dma_wait3A_88 = arith.constant 1 : i32
      %dma_wait3A_89 = arith.constant 0 : i32
      %dma_wait3A_90 = arith.constant 0 : i32
      %dma_wait3A_91 = tpu.memref_slice %arg7[%dma_wait3A_88, %dma_wait3A_89, %dma_wait3A_90] : memref<4x2x128xi32, #tpu.memory_space<vmem>> -> memref<1x2x128xi32, #tpu.memory_space<vmem>>
      %dma_wait3A_92 = tpu.memref_squeeze %dma_wait3A_91 : memref<1x2x128xi32, #tpu.memory_space<vmem>> -> memref<2x128xi32, #tpu.memory_space<vmem>>
      %dma_wait3A_93 = arith.constant 0 : i32
      %dma_wait3A_94 = arith.constant 0 : i32
      %dma_wait3A_95 = tpu.memref_slice %arg2[%arg1, %dma_wait3A_87, %dma_wait3A_93, %dma_wait3A_94] : memref<16x112x2x128xi32, #tpu.memory_space<hbm>> -> memref<1x1x2x128xi32, #tpu.memory_space<hbm>>
      %dma_wait3A_96 = tpu.memref_squeeze %dma_wait3A_95 : memref<1x1x2x128xi32, #tpu.memory_space<hbm>> -> memref<2x128xi32, #tpu.memory_space<hbm>>
      %dma_wait3A_97 = arith.constant 0 : i32
      %dma_wait3A_98 = arith.constant 0 : i32
      %dma_wait3A_99 = tpu.memref_slice %arg7[%dma_wait3A_88, %dma_wait3A_97, %dma_wait3A_98] : memref<4x2x128xi32, #tpu.memory_space<vmem>> -> memref<1x2x128xi32, #tpu.memory_space<vmem>>
      %dma_wait3A_100 = tpu.memref_squeeze %dma_wait3A_99 : memref<1x2x128xi32, #tpu.memory_space<vmem>> -> memref<2x128xi32, #tpu.memory_space<vmem>>
      %dma_wait3A_101 = arith.constant 0 : i32
      %dma_wait3A_102 = arith.constant 0 : i32
      %dma_wait3A_103 = tpu.memref_slice %arg2[%arg1, %dma_wait3A_87, %dma_wait3A_101, %dma_wait3A_102] : memref<16x112x2x128xi32, #tpu.memory_space<hbm>> -> memref<1x1x2x128xi32, #tpu.memory_space<hbm>>
      %dma_wait3A_104 = tpu.memref_squeeze %dma_wait3A_103 : memref<1x1x2x128xi32, #tpu.memory_space<hbm>> -> memref<2x128xi32, #tpu.memory_space<hbm>>
      tpu.wait_dma2 semaphore(%arg12 : memref<!tpu.dma_semaphore, #tpu.memory_space<semaphore_mem>>) src(%dma_wait3A_104 : memref<2x128xi32, #tpu.memory_space<hbm>>) dst(%dma_wait3A_100 : memref<2x128xi32, #tpu.memory_space<vmem>>)
      %dma_start3A_105 = arith.constant 1 : i32
      %dma_start3A_106 = arith.constant 0 : i32
      %dma_start3A_107 = arith.constant 0 : i32
      %dma_start3A_108 = tpu.memref_slice %arg7[%dma_start3A_105, %dma_start3A_106, %dma_start3A_107] : memref<4x2x128xi32, #tpu.memory_space<vmem>> -> memref<1x1x128xi32, #tpu.memory_space<vmem>>
      %dma_start3A_109 = tpu.memref_squeeze %dma_start3A_108 : memref<1x1x128xi32, #tpu.memory_space<vmem>> -> memref<128xi32, #tpu.memory_space<vmem>>
      %dma_start3A_110 = arith.constant 0 : i32
      %dma_start3A_111 = arith.constant 0 : i32
      %dma_start3A_112 = tpu.memref_slice %arg4[%dma_start3A_110, %dma_start3A_111] : memref<10000x128xf32, #tpu.memory_space<hbm>> -> memref<10000x128xf32, #tpu.memory_space<hbm>>
      tpu.enqueue_indirect_dma source(%dma_start3A_112 : memref<10000x128xf32, #tpu.memory_space<hbm>>) target(%arg9 : memref<128x128xf32, #tpu.memory_space<vmem>>) offsets(%dma_start3A_109 : memref<128xi32, #tpu.memory_space<vmem>>) semaphore(%arg16 : memref<!tpu.dma_semaphore, #tpu.memory_space<semaphore_mem>>)
      %dma_wait3A_113 = arith.constant 0 : i32
      %dma_wait3A_114 = arith.constant 0 : i32
      %dma_wait3A_115 = arith.constant 0 : i32
      %dma_wait3A_116 = tpu.memref_slice %arg7[%dma_wait3A_113, %dma_wait3A_114, %dma_wait3A_115] : memref<4x2x128xi32, #tpu.memory_space<vmem>> -> memref<1x1x128xi32, #tpu.memory_space<vmem>>
      %dma_wait3A_117 = tpu.memref_squeeze %dma_wait3A_116 : memref<1x1x128xi32, #tpu.memory_space<vmem>> -> memref<128xi32, #tpu.memory_space<vmem>>
      %dma_wait3A_118 = arith.constant 0 : i32
      %dma_wait3A_119 = arith.constant 0 : i32
      %dma_wait3A_120 = tpu.memref_slice %arg4[%dma_wait3A_118, %dma_wait3A_119] : memref<10000x128xf32, #tpu.memory_space<hbm>> -> memref<10000x128xf32, #tpu.memory_space<hbm>>
      tpu.wait_indirect_dma semaphore(%arg15 : memref<!tpu.dma_semaphore, #tpu.memory_space<semaphore_mem>>) src(%dma_wait3A_120 : memref<10000x128xf32, #tpu.memory_space<hbm>>) dst(%arg8 : memref<128x128xf32, #tpu.memory_space<vmem>>)
      %dma_start3A_121 = arith.constant 0 : i32
      %dma_start3A_122 = arith.constant 1 : i32
      %dma_start3A_123 = arith.constant 0 : i32
      %dma_start3A_124 = tpu.memref_slice %arg7[%dma_start3A_121, %dma_start3A_122, %dma_start3A_123] : memref<4x2x128xi32, #tpu.memory_space<vmem>> -> memref<1x1x128xi32, #tpu.memory_space<vmem>>
      %dma_start3A_125 = tpu.memref_squeeze %dma_start3A_124 : memref<1x1x128xi32, #tpu.memory_space<vmem>> -> memref<128xi32, #tpu.memory_space<vmem>>
      %dma_start3A_126 = arith.constant 0 : i32
      %dma_start3A_127 = arith.constant 0 : i32
      %dma_start3A_128 = tpu.memref_slice %arg10[%dma_start3A_126, %dma_start3A_127] : memref<10112x128xf32, #tpu.memory_space<vmem_shared>> -> memref<10112x128xf32, #tpu.memory_space<vmem_shared>>
      tpu.enqueue_indirect_dma source(%arg8 : memref<128x128xf32, #tpu.memory_space<vmem>>) target(%dma_start3A_128 : memref<10112x128xf32, #tpu.memory_space<vmem_shared>>) offsets(%dma_start3A_125 : memref<128xi32, #tpu.memory_space<vmem>>) semaphore(%arg17 : memref<!tpu.dma_semaphore, #tpu.memory_space<semaphore_mem>>) {add = true}
      %dma_start3A_129 = arith.constant 3 : i32
      %dma_start3A_130 = arith.constant 3 : i32
      %dma_start3A_131 = arith.constant 0 : i32
      %dma_start3A_132 = arith.constant 0 : i32
      %dma_start3A_133 = tpu.memref_slice %arg7[%dma_start3A_130, %dma_start3A_131, %dma_start3A_132] : memref<4x2x128xi32, #tpu.memory_space<vmem>> -> memref<1x2x128xi32, #tpu.memory_space<vmem>>
      %dma_start3A_134 = tpu.memref_squeeze %dma_start3A_133 : memref<1x2x128xi32, #tpu.memory_space<vmem>> -> memref<2x128xi32, #tpu.memory_space<vmem>>
      %dma_start3A_135 = arith.constant 0 : i32
      %dma_start3A_136 = arith.constant 0 : i32
      %dma_start3A_137 = tpu.memref_slice %arg2[%arg1, %dma_start3A_129, %dma_start3A_135, %dma_start3A_136] : memref<16x112x2x128xi32, #tpu.memory_space<hbm>> -> memref<1x1x2x128xi32, #tpu.memory_space<hbm>>
      %dma_start3A_138 = tpu.memref_squeeze %dma_start3A_137 : memref<1x1x2x128xi32, #tpu.memory_space<hbm>> -> memref<2x128xi32, #tpu.memory_space<hbm>>
      %dma_start3A_139 = arith.constant 0 : i32
      %dma_start3A_140 = arith.constant 0 : i32
      %dma_start3A_141 = tpu.memref_slice %arg7[%dma_start3A_130, %dma_start3A_139, %dma_start3A_140] : memref<4x2x128xi32, #tpu.memory_space<vmem>> -> memref<1x2x128xi32, #tpu.memory_space<vmem>>
      %dma_start3A_142 = tpu.memref_squeeze %dma_start3A_141 : memref<1x2x128xi32, #tpu.memory_space<vmem>> -> memref<2x128xi32, #tpu.memory_space<vmem>>
      %dma_start3A_143 = arith.constant 0 : i32
      %dma_start3A_144 = arith.constant 0 : i32
      %dma_start3A_145 = tpu.memref_slice %arg2[%arg1, %dma_start3A_129, %dma_start3A_143, %dma_start3A_144] : memref<16x112x2x128xi32, #tpu.memory_space<hbm>> -> memref<1x1x2x128xi32, #tpu.memory_space<hbm>>
      %dma_start3A_146 = tpu.memref_squeeze %dma_start3A_145 : memref<1x1x2x128xi32, #tpu.memory_space<hbm>> -> memref<2x128xi32, #tpu.memory_space<hbm>>
      tpu.enqueue_dma source(%dma_start3A_146 : memref<2x128xi32, #tpu.memory_space<hbm>>) target(%dma_start3A_142 : memref<2x128xi32, #tpu.memory_space<vmem>>) target_semaphore(%arg14 : memref<!tpu.dma_semaphore, #tpu.memory_space<semaphore_mem>>)
      %dma_wait3A_147 = arith.constant 0 : i32
      %dma_wait3A_148 = arith.constant 1 : i32
      %dma_wait3A_149 = arith.constant 0 : i32
      %dma_wait3A_150 = tpu.memref_slice %arg7[%dma_wait3A_147, %dma_wait3A_148, %dma_wait3A_149] : memref<4x2x128xi32, #tpu.memory_space<vmem>> -> memref<1x1x128xi32, #tpu.memory_space<vmem>>
      %dma_wait3A_151 = tpu.memref_squeeze %dma_wait3A_150 : memref<1x1x128xi32, #tpu.memory_space<vmem>> -> memref<128xi32, #tpu.memory_space<vmem>>
      %dma_wait3A_152 = arith.constant 0 : i32
      %dma_wait3A_153 = arith.constant 0 : i32
      %dma_wait3A_154 = tpu.memref_slice %arg10[%dma_wait3A_152, %dma_wait3A_153] : memref<10112x128xf32, #tpu.memory_space<vmem_shared>> -> memref<10112x128xf32, #tpu.memory_space<vmem_shared>>
      tpu.wait_indirect_dma semaphore(%arg17 : memref<!tpu.dma_semaphore, #tpu.memory_space<semaphore_mem>>) src(%arg8 : memref<128x128xf32, #tpu.memory_space<vmem>>) dst(%dma_wait3A_154 : memref<10112x128xf32, #tpu.memory_space<vmem_shared>>)
      %dma_wait3A_155 = arith.constant 2 : i32
      %dma_wait3A_156 = arith.constant 2 : i32
      %dma_wait3A_157 = arith.constant 0 : i32
      %dma_wait3A_158 = arith.constant 0 : i32
      %dma_wait3A_159 = tpu.memref_slice %arg7[%dma_wait3A_156, %dma_wait3A_157, %dma_wait3A_158] : memref<4x2x128xi32, #tpu.memory_space<vmem>> -> memref<1x2x128xi32, #tpu.memory_space<vmem>>
      %dma_wait3A_160 = tpu.memref_squeeze %dma_wait3A_159 : memref<1x2x128xi32, #tpu.memory_space<vmem>> -> memref<2x128xi32, #tpu.memory_space<vmem>>
      %dma_wait3A_161 = arith.constant 0 : i32
      %dma_wait3A_162 = arith.constant 0 : i32
      %dma_wait3A_163 = tpu.memref_slice %arg2[%arg1, %dma_wait3A_155, %dma_wait3A_161, %dma_wait3A_162] : memref<16x112x2x128xi32, #tpu.memory_space<hbm>> -> memref<1x1x2x128xi32, #tpu.memory_space<hbm>>
      %dma_wait3A_164 = tpu.memref_squeeze %dma_wait3A_163 : memref<1x1x2x128xi32, #tpu.memory_space<hbm>> -> memref<2x128xi32, #tpu.memory_space<hbm>>
      %dma_wait3A_165 = arith.constant 0 : i32
      %dma_wait3A_166 = arith.constant 0 : i32
      %dma_wait3A_167 = tpu.memref_slice %arg7[%dma_wait3A_156, %dma_wait3A_165, %dma_wait3A_166] : memref<4x2x128xi32, #tpu.memory_space<vmem>> -> memref<1x2x128xi32, #tpu.memory_space<vmem>>
      %dma_wait3A_168 = tpu.memref_squeeze %dma_wait3A_167 : memref<1x2x128xi32, #tpu.memory_space<vmem>> -> memref<2x128xi32, #tpu.memory_space<vmem>>
      %dma_wait3A_169 = arith.constant 0 : i32
      %dma_wait3A_170 = arith.constant 0 : i32
      %dma_wait3A_171 = tpu.memref_slice %arg2[%arg1, %dma_wait3A_155, %dma_wait3A_169, %dma_wait3A_170] : memref<16x112x2x128xi32, #tpu.memory_space<hbm>> -> memref<1x1x2x128xi32, #tpu.memory_space<hbm>>
      %dma_wait3A_172 = tpu.memref_squeeze %dma_wait3A_171 : memref<1x1x2x128xi32, #tpu.memory_space<hbm>> -> memref<2x128xi32, #tpu.memory_space<hbm>>
      tpu.wait_dma2 semaphore(%arg13 : memref<!tpu.dma_semaphore, #tpu.memory_space<semaphore_mem>>) src(%dma_wait3A_172 : memref<2x128xi32, #tpu.memory_space<hbm>>) dst(%dma_wait3A_168 : memref<2x128xi32, #tpu.memory_space<vmem>>)
      %dma_start3A_173 = arith.constant 2 : i32
      %dma_start3A_174 = arith.constant 0 : i32
      %dma_start3A_175 = arith.constant 0 : i32
      %dma_start3A_176 = tpu.memref_slice %arg7[%dma_start3A_173, %dma_start3A_174, %dma_start3A_175] : memref<4x2x128xi32, #tpu.memory_space<vmem>> -> memref<1x1x128xi32, #tpu.memory_space<vmem>>
      %dma_start3A_177 = tpu.memref_squeeze %dma_start3A_176 : memref<1x1x128xi32, #tpu.memory_space<vmem>> -> memref<128xi32, #tpu.memory_space<vmem>>
      %dma_start3A_178 = arith.constant 0 : i32
      %dma_start3A_179 = arith.constant 0 : i32
      %dma_start3A_180 = tpu.memref_slice %arg4[%dma_start3A_178, %dma_start3A_179] : memref<10000x128xf32, #tpu.memory_space<hbm>> -> memref<10000x128xf32, #tpu.memory_space<hbm>>
      tpu.enqueue_indirect_dma source(%dma_start3A_180 : memref<10000x128xf32, #tpu.memory_space<hbm>>) target(%arg8 : memref<128x128xf32, #tpu.memory_space<vmem>>) offsets(%dma_start3A_177 : memref<128xi32, #tpu.memory_space<vmem>>) semaphore(%arg15 : memref<!tpu.dma_semaphore, #tpu.memory_space<semaphore_mem>>)
      %dma_wait3A_181 = arith.constant 1 : i32
      %dma_wait3A_182 = arith.constant 0 : i32
      %dma_wait3A_183 = arith.constant 0 : i32
      %dma_wait3A_184 = tpu.memref_slice %arg7[%dma_wait3A_181, %dma_wait3A_182, %dma_wait3A_183] : memref<4x2x128xi32, #tpu.memory_space<vmem>> -> memref<1x1x128xi32, #tpu.memory_space<vmem>>
      %dma_wait3A_185 = tpu.memref_squeeze %dma_wait3A_184 : memref<1x1x128xi32, #tpu.memory_space<vmem>> -> memref<128xi32, #tpu.memory_space<vmem>>
      %dma_wait3A_186 = arith.constant 0 : i32
      %dma_wait3A_187 = arith.constant 0 : i32
      %dma_wait3A_188 = tpu.memref_slice %arg4[%dma_wait3A_186, %dma_wait3A_187] : memref<10000x128xf32, #tpu.memory_space<hbm>> -> memref<10000x128xf32, #tpu.memory_space<hbm>>
      tpu.wait_indirect_dma semaphore(%arg16 : memref<!tpu.dma_semaphore, #tpu.memory_space<semaphore_mem>>) src(%dma_wait3A_188 : memref<10000x128xf32, #tpu.memory_space<hbm>>) dst(%arg9 : memref<128x128xf32, #tpu.memory_space<vmem>>)
      %dma_start3A_189 = arith.constant 1 : i32
      %dma_start3A_190 = arith.constant 1 : i32
      %dma_start3A_191 = arith.constant 0 : i32
      %dma_start3A_192 = tpu.memref_slice %arg7[%dma_start3A_189, %dma_start3A_190, %dma_start3A_191] : memref<4x2x128xi32, #tpu.memory_space<vmem>> -> memref<1x1x128xi32, #tpu.memory_space<vmem>>
      %dma_start3A_193 = tpu.memref_squeeze %dma_start3A_192 : memref<1x1x128xi32, #tpu.memory_space<vmem>> -> memref<128xi32, #tpu.memory_space<vmem>>
      %dma_start3A_194 = arith.constant 0 : i32
      %dma_start3A_195 = arith.constant 0 : i32
      %dma_start3A_196 = tpu.memref_slice %arg10[%dma_start3A_194, %dma_start3A_195] : memref<10112x128xf32, #tpu.memory_space<vmem_shared>> -> memref<10112x128xf32, #tpu.memory_space<vmem_shared>>
      tpu.enqueue_indirect_dma source(%arg9 : memref<128x128xf32, #tpu.memory_space<vmem>>) target(%dma_start3A_196 : memref<10112x128xf32, #tpu.memory_space<vmem_shared>>) offsets(%dma_start3A_193 : memref<128xi32, #tpu.memory_space<vmem>>) semaphore(%arg18 : memref<!tpu.dma_semaphore, #tpu.memory_space<semaphore_mem>>) {add = true}
      %dma_start3A_197 = arith.constant 4 : i32
      %dma_start3A_198 = arith.constant 0 : i32
      %dma_start3A_199 = arith.constant 0 : i32
      %dma_start3A_200 = arith.constant 0 : i32
      %dma_start3A_201 = tpu.memref_slice %arg7[%dma_start3A_198, %dma_start3A_199, %dma_start3A_200] : memref<4x2x128xi32, #tpu.memory_space<vmem>> -> memref<1x2x128xi32, #tpu.memory_space<vmem>>
      %dma_start3A_202 = tpu.memref_squeeze %dma_start3A_201 : memref<1x2x128xi32, #tpu.memory_space<vmem>> -> memref<2x128xi32, #tpu.memory_space<vmem>>
      %dma_start3A_203 = arith.constant 0 : i32
      %dma_start3A_204 = arith.constant 0 : i32
      %dma_start3A_205 = tpu.memref_slice %arg2[%arg1, %dma_start3A_197, %dma_start3A_203, %dma_start3A_204] : memref<16x112x2x128xi32, #tpu.memory_space<hbm>> -> memref<1x1x2x128xi32, #tpu.memory_space<hbm>>
      %dma_start3A_206 = tpu.memref_squeeze %dma_start3A_205 : memref<1x1x2x128xi32, #tpu.memory_space<hbm>> -> memref<2x128xi32, #tpu.memory_space<hbm>>
      %dma_start3A_207 = arith.constant 0 : i32
      %dma_start3A_208 = arith.constant 0 : i32
      %dma_start3A_209 = tpu.memref_slice %arg7[%dma_start3A_198, %dma_start3A_207, %dma_start3A_208] : memref<4x2x128xi32, #tpu.memory_space<vmem>> -> memref<1x2x128xi32, #tpu.memory_space<vmem>>
      %dma_start3A_210 = tpu.memref_squeeze %dma_start3A_209 : memref<1x2x128xi32, #tpu.memory_space<vmem>> -> memref<2x128xi32, #tpu.memory_space<vmem>>
      %dma_start3A_211 = arith.constant 0 : i32
      %dma_start3A_212 = arith.constant 0 : i32
      %dma_start3A_213 = tpu.memref_slice %arg2[%arg1, %dma_start3A_197, %dma_start3A_211, %dma_start3A_212] : memref<16x112x2x128xi32, #tpu.memory_space<hbm>> -> memref<1x1x2x128xi32, #tpu.memory_space<hbm>>
      %dma_start3A_214 = tpu.memref_squeeze %dma_start3A_213 : memref<1x1x2x128xi32, #tpu.memory_space<hbm>> -> memref<2x128xi32, #tpu.memory_space<hbm>>
      tpu.enqueue_dma source(%dma_start3A_214 : memref<2x128xi32, #tpu.memory_space<hbm>>) target(%dma_start3A_210 : memref<2x128xi32, #tpu.memory_space<vmem>>) target_semaphore(%arg11 : memref<!tpu.dma_semaphore, #tpu.memory_space<semaphore_mem>>)
      %dma_wait3A_215 = arith.constant 1 : i32
      %dma_wait3A_216 = arith.constant 1 : i32
      %dma_wait3A_217 = arith.constant 0 : i32
      %dma_wait3A_218 = tpu.memref_slice %arg7[%dma_wait3A_215, %dma_wait3A_216, %dma_wait3A_217] : memref<4x2x128xi32, #tpu.memory_space<vmem>> -> memref<1x1x128xi32, #tpu.memory_space<vmem>>
      %dma_wait3A_219 = tpu.memref_squeeze %dma_wait3A_218 : memref<1x1x128xi32, #tpu.memory_space<vmem>> -> memref<128xi32, #tpu.memory_space<vmem>>
      %dma_wait3A_220 = arith.constant 0 : i32
      %dma_wait3A_221 = arith.constant 0 : i32
      %dma_wait3A_222 = tpu.memref_slice %arg10[%dma_wait3A_220, %dma_wait3A_221] : memref<10112x128xf32, #tpu.memory_space<vmem_shared>> -> memref<10112x128xf32, #tpu.memory_space<vmem_shared>>
      tpu.wait_indirect_dma semaphore(%arg18 : memref<!tpu.dma_semaphore, #tpu.memory_space<semaphore_mem>>) src(%arg9 : memref<128x128xf32, #tpu.memory_space<vmem>>) dst(%dma_wait3A_222 : memref<10112x128xf32, #tpu.memory_space<vmem_shared>>)
      %dma_wait3A_223 = arith.constant 3 : i32
      %dma_wait3A_224 = arith.constant 3 : i32
      %dma_wait3A_225 = arith.constant 0 : i32
      %dma_wait3A_226 = arith.constant 0 : i32
      %dma_wait3A_227 = tpu.memref_slice %arg7[%dma_wait3A_224, %dma_wait3A_225, %dma_wait3A_226] : memref<4x2x128xi32, #tpu.memory_space<vmem>> -> memref<1x2x128xi32, #tpu.memory_space<vmem>>
      %dma_wait3A_228 = tpu.memref_squeeze %dma_wait3A_227 : memref<1x2x128xi32, #tpu.memory_space<vmem>> -> memref<2x128xi32, #tpu.memory_space<vmem>>
      %dma_wait3A_229 = arith.constant 0 : i32
      %dma_wait3A_230 = arith.constant 0 : i32
      %dma_wait3A_231 = tpu.memref_slice %arg2[%arg1, %dma_wait3A_223, %dma_wait3A_229, %dma_wait3A_230] : memref<16x112x2x128xi32, #tpu.memory_space<hbm>> -> memref<1x1x2x128xi32, #tpu.memory_space<hbm>>
      %dma_wait3A_232 = tpu.memref_squeeze %dma_wait3A_231 : memref<1x1x2x128xi32, #tpu.memory_space<hbm>> -> memref<2x128xi32, #tpu.memory_space<hbm>>
      %dma_wait3A_233 = arith.constant 0 : i32
      %dma_wait3A_234 = arith.constant 0 : i32
      %dma_wait3A_235 = tpu.memref_slice %arg7[%dma_wait3A_224, %dma_wait3A_233, %dma_wait3A_234] : memref<4x2x128xi32, #tpu.memory_space<vmem>> -> memref<1x2x128xi32, #tpu.memory_space<vmem>>
      %dma_wait3A_236 = tpu.memref_squeeze %dma_wait3A_235 : memref<1x2x128xi32, #tpu.memory_space<vmem>> -> memref<2x128xi32, #tpu.memory_space<vmem>>
      %dma_wait3A_237 = arith.constant 0 : i32
      %dma_wait3A_238 = arith.constant 0 : i32
      %dma_wait3A_239 = tpu.memref_slice %arg2[%arg1, %dma_wait3A_223, %dma_wait3A_237, %dma_wait3A_238] : memref<16x112x2x128xi32, #tpu.memory_space<hbm>> -> memref<1x1x2x128xi32, #tpu.memory_space<hbm>>
      %dma_wait3A_240 = tpu.memref_squeeze %dma_wait3A_239 : memref<1x1x2x128xi32, #tpu.memory_space<hbm>> -> memref<2x128xi32, #tpu.memory_space<hbm>>
      tpu.wait_dma2 semaphore(%arg14 : memref<!tpu.dma_semaphore, #tpu.memory_space<semaphore_mem>>) src(%dma_wait3A_240 : memref<2x128xi32, #tpu.memory_space<hbm>>) dst(%dma_wait3A_236 : memref<2x128xi32, #tpu.memory_space<vmem>>)
      %dma_start3A_241 = arith.constant 3 : i32
      %dma_start3A_242 = arith.constant 0 : i32
      %dma_start3A_243 = arith.constant 0 : i32
      %dma_start3A_244 = tpu.memref_slice %arg7[%dma_start3A_241, %dma_start3A_242, %dma_start3A_243] : memref<4x2x128xi32, #tpu.memory_space<vmem>> -> memref<1x1x128xi32, #tpu.memory_space<vmem>>
      %dma_start3A_245 = tpu.memref_squeeze %dma_start3A_244 : memref<1x1x128xi32, #tpu.memory_space<vmem>> -> memref<128xi32, #tpu.memory_space<vmem>>
      %dma_start3A_246 = arith.constant 0 : i32
      %dma_start3A_247 = arith.constant 0 : i32
      %dma_start3A_248 = tpu.memref_slice %arg4[%dma_start3A_246, %dma_start3A_247] : memref<10000x128xf32, #tpu.memory_space<hbm>> -> memref<10000x128xf32, #tpu.memory_space<hbm>>
      tpu.enqueue_indirect_dma source(%dma_start3A_248 : memref<10000x128xf32, #tpu.memory_space<hbm>>) target(%arg9 : memref<128x128xf32, #tpu.memory_space<vmem>>) offsets(%dma_start3A_245 : memref<128xi32, #tpu.memory_space<vmem>>) semaphore(%arg16 : memref<!tpu.dma_semaphore, #tpu.memory_space<semaphore_mem>>)
      %dma_wait3A_249 = arith.constant 2 : i32
      %dma_wait3A_250 = arith.constant 0 : i32
      %dma_wait3A_251 = arith.constant 0 : i32
      %dma_wait3A_252 = tpu.memref_slice %arg7[%dma_wait3A_249, %dma_wait3A_250, %dma_wait3A_251] : memref<4x2x128xi32, #tpu.memory_space<vmem>> -> memref<1x1x128xi32, #tpu.memory_space<vmem>>
      %dma_wait3A_253 = tpu.memref_squeeze %dma_wait3A_252 : memref<1x1x128xi32, #tpu.memory_space<vmem>> -> memref<128xi32, #tpu.memory_space<vmem>>
      %dma_wait3A_254 = arith.constant 0 : i32
      %dma_wait3A_255 = arith.constant 0 : i32
      %dma_wait3A_256 = tpu.memref_slice %arg4[%dma_wait3A_254, %dma_wait3A_255] : memref<10000x128xf32, #tpu.memory_space<hbm>> -> memref<10000x128xf32, #tpu.memory_space<hbm>>
      tpu.wait_indirect_dma semaphore(%arg15 : memref<!tpu.dma_semaphore, #tpu.memory_space<semaphore_mem>>) src(%dma_wait3A_256 : memref<10000x128xf32, #tpu.memory_space<hbm>>) dst(%arg8 : memref<128x128xf32, #tpu.memory_space<vmem>>)
      %dma_start3A_257 = arith.constant 2 : i32
      %dma_start3A_258 = arith.constant 1 : i32
      %dma_start3A_259 = arith.constant 0 : i32
      %dma_start3A_260 = tpu.memref_slice %arg7[%dma_start3A_257, %dma_start3A_258, %dma_start3A_259] : memref<4x2x128xi32, #tpu.memory_space<vmem>> -> memref<1x1x128xi32, #tpu.memory_space<vmem>>
      %dma_start3A_261 = tpu.memref_squeeze %dma_start3A_260 : memref<1x1x128xi32, #tpu.memory_space<vmem>> -> memref<128xi32, #tpu.memory_space<vmem>>
      %dma_start3A_262 = arith.constant 0 : i32
      %dma_start3A_263 = arith.constant 0 : i32
      %dma_start3A_264 = tpu.memref_slice %arg10[%dma_start3A_262, %dma_start3A_263] : memref<10112x128xf32, #tpu.memory_space<vmem_shared>> -> memref<10112x128xf32, #tpu.memory_space<vmem_shared>>
      tpu.enqueue_indirect_dma source(%arg8 : memref<128x128xf32, #tpu.memory_space<vmem>>) target(%dma_start3A_264 : memref<10112x128xf32, #tpu.memory_space<vmem_shared>>) offsets(%dma_start3A_261 : memref<128xi32, #tpu.memory_space<vmem>>) semaphore(%arg17 : memref<!tpu.dma_semaphore, #tpu.memory_space<semaphore_mem>>) {add = true}
      %dma_start3A_265 = arith.constant 5 : i32
      %dma_start3A_266 = arith.constant 1 : i32
      %dma_start3A_267 = arith.constant 0 : i32
      %dma_start3A_268 = arith.constant 0 : i32
      %dma_start3A_269 = tpu.memref_slice %arg7[%dma_start3A_266, %dma_start3A_267, %dma_start3A_268] : memref<4x2x128xi32, #tpu.memory_space<vmem>> -> memref<1x2x128xi32, #tpu.memory_space<vmem>>
      %dma_start3A_270 = tpu.memref_squeeze %dma_start3A_269 : memref<1x2x128xi32, #tpu.memory_space<vmem>> -> memref<2x128xi32, #tpu.memory_space<vmem>>
      %dma_start3A_271 = arith.constant 0 : i32
      %dma_start3A_272 = arith.constant 0 : i32
      %dma_start3A_273 = tpu.memref_slice %arg2[%arg1, %dma_start3A_265, %dma_start3A_271, %dma_start3A_272] : memref<16x112x2x128xi32, #tpu.memory_space<hbm>> -> memref<1x1x2x128xi32, #tpu.memory_space<hbm>>
      %dma_start3A_274 = tpu.memref_squeeze %dma_start3A_273 : memref<1x1x2x128xi32, #tpu.memory_space<hbm>> -> memref<2x128xi32, #tpu.memory_space<hbm>>
      %dma_start3A_275 = arith.constant 0 : i32
      %dma_start3A_276 = arith.constant 0 : i32
      %dma_start3A_277 = tpu.memref_slice %arg7[%dma_start3A_266, %dma_start3A_275, %dma_start3A_276] : memref<4x2x128xi32, #tpu.memory_space<vmem>> -> memref<1x2x128xi32, #tpu.memory_space<vmem>>
      %dma_start3A_278 = tpu.memref_squeeze %dma_start3A_277 : memref<1x2x128xi32, #tpu.memory_space<vmem>> -> memref<2x128xi32, #tpu.memory_space<vmem>>
      %dma_start3A_279 = arith.constant 0 : i32
      %dma_start3A_280 = arith.constant 0 : i32
      %dma_start3A_281 = tpu.memref_slice %arg2[%arg1, %dma_start3A_265, %dma_start3A_279, %dma_start3A_280] : memref<16x112x2x128xi32, #tpu.memory_space<hbm>> -> memref<1x1x2x128xi32, #tpu.memory_space<hbm>>
      %dma_start3A_282 = tpu.memref_squeeze %dma_start3A_281 : memref<1x1x2x128xi32, #tpu.memory_space<hbm>> -> memref<2x128xi32, #tpu.memory_space<hbm>>
      tpu.enqueue_dma source(%dma_start3A_282 : memref<2x128xi32, #tpu.memory_space<hbm>>) target(%dma_start3A_278 : memref<2x128xi32, #tpu.memory_space<vmem>>) target_semaphore(%arg12 : memref<!tpu.dma_semaphore, #tpu.memory_space<semaphore_mem>>)
      %dma_wait3A_283 = arith.constant 2 : i32
      %dma_wait3A_284 = arith.constant 1 : i32
      %dma_wait3A_285 = arith.constant 0 : i32
      %dma_wait3A_286 = tpu.memref_slice %arg7[%dma_wait3A_283, %dma_wait3A_284, %dma_wait3A_285] : memref<4x2x128xi32, #tpu.memory_space<vmem>> -> memref<1x1x128xi32, #tpu.memory_space<vmem>>
      %dma_wait3A_287 = tpu.memref_squeeze %dma_wait3A_286 : memref<1x1x128xi32, #tpu.memory_space<vmem>> -> memref<128xi32, #tpu.memory_space<vmem>>
      %dma_wait3A_288 = arith.constant 0 : i32
      %dma_wait3A_289 = arith.constant 0 : i32
      %dma_wait3A_290 = tpu.memref_slice %arg10[%dma_wait3A_288, %dma_wait3A_289] : memref<10112x128xf32, #tpu.memory_space<vmem_shared>> -> memref<10112x128xf32, #tpu.memory_space<vmem_shared>>
      tpu.wait_indirect_dma semaphore(%arg17 : memref<!tpu.dma_semaphore, #tpu.memory_space<semaphore_mem>>) src(%arg8 : memref<128x128xf32, #tpu.memory_space<vmem>>) dst(%dma_wait3A_290 : memref<10112x128xf32, #tpu.memory_space<vmem_shared>>)
      %dma_wait3A_291 = arith.constant 4 : i32
      %dma_wait3A_292 = arith.constant 0 : i32
      %dma_wait3A_293 = arith.constant 0 : i32
      %dma_wait3A_294 = arith.constant 0 : i32
      %dma_wait3A_295 = tpu.memref_slice %arg7[%dma_wait3A_292, %dma_wait3A_293, %dma_wait3A_294] : memref<4x2x128xi32, #tpu.memory_space<vmem>> -> memref<1x2x128xi32, #tpu.memory_space<vmem>>
      %dma_wait3A_296 = tpu.memref_squeeze %dma_wait3A_295 : memref<1x2x128xi32, #tpu.memory_space<vmem>> -> memref<2x128xi32, #tpu.memory_space<vmem>>
      %dma_wait3A_297 = arith.constant 0 : i32
      %dma_wait3A_298 = arith.constant 0 : i32
      %dma_wait3A_299 = tpu.memref_slice %arg2[%arg1, %dma_wait3A_291, %dma_wait3A_297, %dma_wait3A_298] : memref<16x112x2x128xi32, #tpu.memory_space<hbm>> -> memref<1x1x2x128xi32, #tpu.memory_space<hbm>>
      %dma_wait3A_300 = tpu.memref_squeeze %dma_wait3A_299 : memref<1x1x2x128xi32, #tpu.memory_space<hbm>> -> memref<2x128xi32, #tpu.memory_space<hbm>>
      %dma_wait3A_301 = arith.constant 0 : i32
      %dma_wait3A_302 = arith.constant 0 : i32
      %dma_wait3A_303 = tpu.memref_slice %arg7[%dma_wait3A_292, %dma_wait3A_301, %dma_wait3A_302] : memref<4x2x128xi32, #tpu.memory_space<vmem>> -> memref<1x2x128xi32, #tpu.memory_space<vmem>>
      %dma_wait3A_304 = tpu.memref_squeeze %dma_wait3A_303 : memref<1x2x128xi32, #tpu.memory_space<vmem>> -> memref<2x128xi32, #tpu.memory_space<vmem>>
      %dma_wait3A_305 = arith.constant 0 : i32
      %dma_wait3A_306 = arith.constant 0 : i32
      %dma_wait3A_307 = tpu.memref_slice %arg2[%arg1, %dma_wait3A_291, %dma_wait3A_305, %dma_wait3A_306] : memref<16x112x2x128xi32, #tpu.memory_space<hbm>> -> memref<1x1x2x128xi32, #tpu.memory_space<hbm>>
      %dma_wait3A_308 = tpu.memref_squeeze %dma_wait3A_307 : memref<1x1x2x128xi32, #tpu.memory_space<hbm>> -> memref<2x128xi32, #tpu.memory_space<hbm>>
      tpu.wait_dma2 semaphore(%arg11 : memref<!tpu.dma_semaphore, #tpu.memory_space<semaphore_mem>>) src(%dma_wait3A_308 : memref<2x128xi32, #tpu.memory_space<hbm>>) dst(%dma_wait3A_304 : memref<2x128xi32, #tpu.memory_space<vmem>>)
      %dma_start3A_309 = arith.constant 0 : i32
      %dma_start3A_310 = arith.constant 0 : i32
      %dma_start3A_311 = arith.constant 0 : i32
      %dma_start3A_312 = tpu.memref_slice %arg7[%dma_start3A_309, %dma_start3A_310, %dma_start3A_311] : memref<4x2x128xi32, #tpu.memory_space<vmem>> -> memref<1x1x128xi32, #tpu.memory_space<vmem>>
      %dma_start3A_313 = tpu.memref_squeeze %dma_start3A_312 : memref<1x1x128xi32, #tpu.memory_space<vmem>> -> memref<128xi32, #tpu.memory_space<vmem>>
      %dma_start3A_314 = arith.constant 0 : i32
      %dma_start3A_315 = arith.constant 0 : i32
      %dma_start3A_316 = tpu.memref_slice %arg4[%dma_start3A_314, %dma_start3A_315] : memref<10000x128xf32, #tpu.memory_space<hbm>> -> memref<10000x128xf32, #tpu.memory_space<hbm>>
      tpu.enqueue_indirect_dma source(%dma_start3A_316 : memref<10000x128xf32, #tpu.memory_space<hbm>>) target(%arg8 : memref<128x128xf32, #tpu.memory_space<vmem>>) offsets(%dma_start3A_313 : memref<128xi32, #tpu.memory_space<vmem>>) semaphore(%arg15 : memref<!tpu.dma_semaphore, #tpu.memory_space<semaphore_mem>>)
      %dma_wait3A_317 = arith.constant 3 : i32
      %dma_wait3A_318 = arith.constant 0 : i32
      %dma_wait3A_319 = arith.constant 0 : i32
      %dma_wait3A_320 = tpu.memref_slice %arg7[%dma_wait3A_317, %dma_wait3A_318, %dma_wait3A_319] : memref<4x2x128xi32, #tpu.memory_space<vmem>> -> memref<1x1x128xi32, #tpu.memory_space<vmem>>
      %dma_wait3A_321 = tpu.memref_squeeze %dma_wait3A_320 : memref<1x1x128xi32, #tpu.memory_space<vmem>> -> memref<128xi32, #tpu.memory_space<vmem>>
      %dma_wait3A_322 = arith.constant 0 : i32
      %dma_wait3A_323 = arith.constant 0 : i32
      %dma_wait3A_324 = tpu.memref_slice %arg4[%dma_wait3A_322, %dma_wait3A_323] : memref<10000x128xf32, #tpu.memory_space<hbm>> -> memref<10000x128xf32, #tpu.memory_space<hbm>>
      tpu.wait_indirect_dma semaphore(%arg16 : memref<!tpu.dma_semaphore, #tpu.memory_space<semaphore_mem>>) src(%dma_wait3A_324 : memref<10000x128xf32, #tpu.memory_space<hbm>>) dst(%arg9 : memref<128x128xf32, #tpu.memory_space<vmem>>)
      %dma_start3A_325 = arith.constant 3 : i32
      %dma_start3A_326 = arith.constant 1 : i32
      %dma_start3A_327 = arith.constant 0 : i32
      %dma_start3A_328 = tpu.memref_slice %arg7[%dma_start3A_325, %dma_start3A_326, %dma_start3A_327] : memref<4x2x128xi32, #tpu.memory_space<vmem>> -> memref<1x1x128xi32, #tpu.memory_space<vmem>>
      %dma_start3A_329 = tpu.memref_squeeze %dma_start3A_328 : memref<1x1x128xi32, #tpu.memory_space<vmem>> -> memref<128xi32, #tpu.memory_space<vmem>>
      %dma_start3A_330 = arith.constant 0 : i32
      %dma_start3A_331 = arith.constant 0 : i32
      %dma_start3A_332 = tpu.memref_slice %arg10[%dma_start3A_330, %dma_start3A_331] : memref<10112x128xf32, #tpu.memory_space<vmem_shared>> -> memref<10112x128xf32, #tpu.memory_space<vmem_shared>>
      tpu.enqueue_indirect_dma source(%arg9 : memref<128x128xf32, #tpu.memory_space<vmem>>) target(%dma_start3A_332 : memref<10112x128xf32, #tpu.memory_space<vmem_shared>>) offsets(%dma_start3A_329 : memref<128xi32, #tpu.memory_space<vmem>>) semaphore(%arg18 : memref<!tpu.dma_semaphore, #tpu.memory_space<semaphore_mem>>) {add = true}
      %dma_start3A_333 = arith.constant 6 : i32
      %dma_start3A_334 = arith.constant 2 : i32
      %dma_start3A_335 = arith.constant 0 : i32
      %dma_start3A_336 = arith.constant 0 : i32
      %dma_start3A_337 = tpu.memref_slice %arg7[%dma_start3A_334, %dma_start3A_335, %dma_start3A_336] : memref<4x2x128xi32, #tpu.memory_space<vmem>> -> memref<1x2x128xi32, #tpu.memory_space<vmem>>
      %dma_start3A_338 = tpu.memref_squeeze %dma_start3A_337 : memref<1x2x128xi32, #tpu.memory_space<vmem>> -> memref<2x128xi32, #tpu.memory_space<vmem>>
      %dma_start3A_339 = arith.constant 0 : i32
      %dma_start3A_340 = arith.constant 0 : i32
      %dma_start3A_341 = tpu.memref_slice %arg2[%arg1, %dma_start3A_333, %dma_start3A_339, %dma_start3A_340] : memref<16x112x2x128xi32, #tpu.memory_space<hbm>> -> memref<1x1x2x128xi32, #tpu.memory_space<hbm>>
      %dma_start3A_342 = tpu.memref_squeeze %dma_start3A_341 : memref<1x1x2x128xi32, #tpu.memory_space<hbm>> -> memref<2x128xi32, #tpu.memory_space<hbm>>
      %dma_start3A_343 = arith.constant 0 : i32
      %dma_start3A_344 = arith.constant 0 : i32
      %dma_start3A_345 = tpu.memref_slice %arg7[%dma_start3A_334, %dma_start3A_343, %dma_start3A_344] : memref<4x2x128xi32, #tpu.memory_space<vmem>> -> memref<1x2x128xi32, #tpu.memory_space<vmem>>
      %dma_start3A_346 = tpu.memref_squeeze %dma_start3A_345 : memref<1x2x128xi32, #tpu.memory_space<vmem>> -> memref<2x128xi32, #tpu.memory_space<vmem>>
      %dma_start3A_347 = arith.constant 0 : i32
      %dma_start3A_348 = arith.constant 0 : i32
      %dma_start3A_349 = tpu.memref_slice %arg2[%arg1, %dma_start3A_333, %dma_start3A_347, %dma_start3A_348] : memref<16x112x2x128xi32, #tpu.memory_space<hbm>> -> memref<1x1x2x128xi32, #tpu.memory_space<hbm>>
      %dma_start3A_350 = tpu.memref_squeeze %dma_start3A_349 : memref<1x1x2x128xi32, #tpu.memory_space<hbm>> -> memref<2x128xi32, #tpu.memory_space<hbm>>
      tpu.enqueue_dma source(%dma_start3A_350 : memref<2x128xi32, #tpu.memory_space<hbm>>) target(%dma_start3A_346 : memref<2x128xi32, #tpu.memory_space<vmem>>) target_semaphore(%arg13 : memref<!tpu.dma_semaphore, #tpu.memory_space<semaphore_mem>>)
      %scan3A = arith.constant 0 : i32
      %scan3A_351 = arith.constant 25 : i32
      %scan3A_352 = arith.addi %scan3A, %scan3A_351 : i32
      %scan3A_353 = arith.constant 1 : i32
      scf.for %scan3A_827 = %scan3A to %scan3A_352 step %scan3A_353  : i32 {
        %mul3A_828 = arith.constant 1 : i32
        %mul3A_829 = arith.muli %scan3A_827, %mul3A_828 : i32
        %add3A = arith.constant 1 : i32
        %add3A_830 = arith.addi %add3A, %mul3A_829 : i32
        %mul3A_831 = arith.constant 4 : i32
        %mul3A_832 = arith.muli %add3A_830, %mul3A_831 : i32
        %dma_wait3A_833 = arith.constant 3 : i32
        %dma_wait3A_834 = arith.constant 1 : i32
        %dma_wait3A_835 = arith.constant 0 : i32
        %dma_wait3A_836 = tpu.memref_slice %arg7[%dma_wait3A_833, %dma_wait3A_834, %dma_wait3A_835] : memref<4x2x128xi32, #tpu.memory_space<vmem>> -> memref<1x1x128xi32, #tpu.memory_space<vmem>>
        %dma_wait3A_837 = tpu.memref_squeeze %dma_wait3A_836 : memref<1x1x128xi32, #tpu.memory_space<vmem>> -> memref<128xi32, #tpu.memory_space<vmem>>
        %dma_wait3A_838 = arith.constant 0 : i32
        %dma_wait3A_839 = arith.constant 0 : i32
        %dma_wait3A_840 = tpu.memref_slice %arg10[%dma_wait3A_838, %dma_wait3A_839] : memref<10112x128xf32, #tpu.memory_space<vmem_shared>> -> memref<10112x128xf32, #tpu.memory_space<vmem_shared>>
        tpu.wait_indirect_dma semaphore(%arg18 : memref<!tpu.dma_semaphore, #tpu.memory_space<semaphore_mem>>) src(%arg9 : memref<128x128xf32, #tpu.memory_space<vmem>>) dst(%dma_wait3A_840 : memref<10112x128xf32, #tpu.memory_space<vmem_shared>>)
        %add3A_841 = arith.constant 1 : i32
        %add3A_842 = arith.addi %mul3A_832, %add3A_841 : i32
        %dma_wait3A_843 = arith.constant 1 : i32
        %dma_wait3A_844 = arith.constant 0 : i32
        %dma_wait3A_845 = arith.constant 0 : i32
        %dma_wait3A_846 = tpu.memref_slice %arg7[%dma_wait3A_843, %dma_wait3A_844, %dma_wait3A_845] : memref<4x2x128xi32, #tpu.memory_space<vmem>> -> memref<1x2x128xi32, #tpu.memory_space<vmem>>
        %dma_wait3A_847 = tpu.memref_squeeze %dma_wait3A_846 : memref<1x2x128xi32, #tpu.memory_space<vmem>> -> memref<2x128xi32, #tpu.memory_space<vmem>>
        %dma_wait3A_848 = arith.constant 0 : i32
        %dma_wait3A_849 = arith.constant 0 : i32
        %dma_wait3A_850 = tpu.memref_slice %arg2[%arg1, %add3A_842, %dma_wait3A_848, %dma_wait3A_849] : memref<16x112x2x128xi32, #tpu.memory_space<hbm>> -> memref<1x1x2x128xi32, #tpu.memory_space<hbm>>
        %dma_wait3A_851 = tpu.memref_squeeze %dma_wait3A_850 : memref<1x1x2x128xi32, #tpu.memory_space<hbm>> -> memref<2x128xi32, #tpu.memory_space<hbm>>
        %dma_wait3A_852 = arith.constant 0 : i32
        %dma_wait3A_853 = arith.constant 0 : i32
        %dma_wait3A_854 = tpu.memref_slice %arg7[%dma_wait3A_843, %dma_wait3A_852, %dma_wait3A_853] : memref<4x2x128xi32, #tpu.memory_space<vmem>> -> memref<1x2x128xi32, #tpu.memory_space<vmem>>
        %dma_wait3A_855 = tpu.memref_squeeze %dma_wait3A_854 : memref<1x2x128xi32, #tpu.memory_space<vmem>> -> memref<2x128xi32, #tpu.memory_space<vmem>>
        %dma_wait3A_856 = arith.constant 0 : i32
        %dma_wait3A_857 = arith.constant 0 : i32
        %dma_wait3A_858 = tpu.memref_slice %arg2[%arg1, %add3A_842, %dma_wait3A_856, %dma_wait3A_857] : memref<16x112x2x128xi32, #tpu.memory_space<hbm>> -> memref<1x1x2x128xi32, #tpu.memory_space<hbm>>
        %dma_wait3A_859 = tpu.memref_squeeze %dma_wait3A_858 : memref<1x1x2x128xi32, #tpu.memory_space<hbm>> -> memref<2x128xi32, #tpu.memory_space<hbm>>
        tpu.wait_dma2 semaphore(%arg12 : memref<!tpu.dma_semaphore, #tpu.memory_space<semaphore_mem>>) src(%dma_wait3A_859 : memref<2x128xi32, #tpu.memory_space<hbm>>) dst(%dma_wait3A_855 : memref<2x128xi32, #tpu.memory_space<vmem>>)
        %dma_start3A_860 = arith.constant 1 : i32
        %dma_start3A_861 = arith.constant 0 : i32
        %dma_start3A_862 = arith.constant 0 : i32
        %dma_start3A_863 = tpu.memref_slice %arg7[%dma_start3A_860, %dma_start3A_861, %dma_start3A_862] : memref<4x2x128xi32, #tpu.memory_space<vmem>> -> memref<1x1x128xi32, #tpu.memory_space<vmem>>
        %dma_start3A_864 = tpu.memref_squeeze %dma_start3A_863 : memref<1x1x128xi32, #tpu.memory_space<vmem>> -> memref<128xi32, #tpu.memory_space<vmem>>
        %dma_start3A_865 = arith.constant 0 : i32
        %dma_start3A_866 = arith.constant 0 : i32
        %dma_start3A_867 = tpu.memref_slice %arg4[%dma_start3A_865, %dma_start3A_866] : memref<10000x128xf32, #tpu.memory_space<hbm>> -> memref<10000x128xf32, #tpu.memory_space<hbm>>
        tpu.enqueue_indirect_dma source(%dma_start3A_867 : memref<10000x128xf32, #tpu.memory_space<hbm>>) target(%arg9 : memref<128x128xf32, #tpu.memory_space<vmem>>) offsets(%dma_start3A_864 : memref<128xi32, #tpu.memory_space<vmem>>) semaphore(%arg16 : memref<!tpu.dma_semaphore, #tpu.memory_space<semaphore_mem>>)
        %dma_wait3A_868 = arith.constant 0 : i32
        %dma_wait3A_869 = arith.constant 0 : i32
        %dma_wait3A_870 = arith.constant 0 : i32
        %dma_wait3A_871 = tpu.memref_slice %arg7[%dma_wait3A_868, %dma_wait3A_869, %dma_wait3A_870] : memref<4x2x128xi32, #tpu.memory_space<vmem>> -> memref<1x1x128xi32, #tpu.memory_space<vmem>>
        %dma_wait3A_872 = tpu.memref_squeeze %dma_wait3A_871 : memref<1x1x128xi32, #tpu.memory_space<vmem>> -> memref<128xi32, #tpu.memory_space<vmem>>
        %dma_wait3A_873 = arith.constant 0 : i32
        %dma_wait3A_874 = arith.constant 0 : i32
        %dma_wait3A_875 = tpu.memref_slice %arg4[%dma_wait3A_873, %dma_wait3A_874] : memref<10000x128xf32, #tpu.memory_space<hbm>> -> memref<10000x128xf32, #tpu.memory_space<hbm>>
        tpu.wait_indirect_dma semaphore(%arg15 : memref<!tpu.dma_semaphore, #tpu.memory_space<semaphore_mem>>) src(%dma_wait3A_875 : memref<10000x128xf32, #tpu.memory_space<hbm>>) dst(%arg8 : memref<128x128xf32, #tpu.memory_space<vmem>>)
        %dma_start3A_876 = arith.constant 0 : i32
        %dma_start3A_877 = arith.constant 1 : i32
        %dma_start3A_878 = arith.constant 0 : i32
        %dma_start3A_879 = tpu.memref_slice %arg7[%dma_start3A_876, %dma_start3A_877, %dma_start3A_878] : memref<4x2x128xi32, #tpu.memory_space<vmem>> -> memref<1x1x128xi32, #tpu.memory_space<vmem>>
        %dma_start3A_880 = tpu.memref_squeeze %dma_start3A_879 : memref<1x1x128xi32, #tpu.memory_space<vmem>> -> memref<128xi32, #tpu.memory_space<vmem>>
        %dma_start3A_881 = arith.constant 0 : i32
        %dma_start3A_882 = arith.constant 0 : i32
        %dma_start3A_883 = tpu.memref_slice %arg10[%dma_start3A_881, %dma_start3A_882] : memref<10112x128xf32, #tpu.memory_space<vmem_shared>> -> memref<10112x128xf32, #tpu.memory_space<vmem_shared>>
        tpu.enqueue_indirect_dma source(%arg8 : memref<128x128xf32, #tpu.memory_space<vmem>>) target(%dma_start3A_883 : memref<10112x128xf32, #tpu.memory_space<vmem_shared>>) offsets(%dma_start3A_880 : memref<128xi32, #tpu.memory_space<vmem>>) semaphore(%arg17 : memref<!tpu.dma_semaphore, #tpu.memory_space<semaphore_mem>>) {add = true}
        %add3A_884 = arith.constant 3 : i32
        %add3A_885 = arith.addi %mul3A_832, %add3A_884 : i32
        %dma_start3A_886 = arith.constant 3 : i32
        %dma_start3A_887 = arith.constant 0 : i32
        %dma_start3A_888 = arith.constant 0 : i32
        %dma_start3A_889 = tpu.memref_slice %arg7[%dma_start3A_886, %dma_start3A_887, %dma_start3A_888] : memref<4x2x128xi32, #tpu.memory_space<vmem>> -> memref<1x2x128xi32, #tpu.memory_space<vmem>>
        %dma_start3A_890 = tpu.memref_squeeze %dma_start3A_889 : memref<1x2x128xi32, #tpu.memory_space<vmem>> -> memref<2x128xi32, #tpu.memory_space<vmem>>
        %dma_start3A_891 = arith.constant 0 : i32
        %dma_start3A_892 = arith.constant 0 : i32
        %dma_start3A_893 = tpu.memref_slice %arg2[%arg1, %add3A_885, %dma_start3A_891, %dma_start3A_892] : memref<16x112x2x128xi32, #tpu.memory_space<hbm>> -> memref<1x1x2x128xi32, #tpu.memory_space<hbm>>
        %dma_start3A_894 = tpu.memref_squeeze %dma_start3A_893 : memref<1x1x2x128xi32, #tpu.memory_space<hbm>> -> memref<2x128xi32, #tpu.memory_space<hbm>>
        %dma_start3A_895 = arith.constant 0 : i32
        %dma_start3A_896 = arith.constant 0 : i32
        %dma_start3A_897 = tpu.memref_slice %arg7[%dma_start3A_886, %dma_start3A_895, %dma_start3A_896] : memref<4x2x128xi32, #tpu.memory_space<vmem>> -> memref<1x2x128xi32, #tpu.memory_space<vmem>>
        %dma_start3A_898 = tpu.memref_squeeze %dma_start3A_897 : memref<1x2x128xi32, #tpu.memory_space<vmem>> -> memref<2x128xi32, #tpu.memory_space<vmem>>
        %dma_start3A_899 = arith.constant 0 : i32
        %dma_start3A_900 = arith.constant 0 : i32
        %dma_start3A_901 = tpu.memref_slice %arg2[%arg1, %add3A_885, %dma_start3A_899, %dma_start3A_900] : memref<16x112x2x128xi32, #tpu.memory_space<hbm>> -> memref<1x1x2x128xi32, #tpu.memory_space<hbm>>
        %dma_start3A_902 = tpu.memref_squeeze %dma_start3A_901 : memref<1x1x2x128xi32, #tpu.memory_space<hbm>> -> memref<2x128xi32, #tpu.memory_space<hbm>>
        tpu.enqueue_dma source(%dma_start3A_902 : memref<2x128xi32, #tpu.memory_space<hbm>>) target(%dma_start3A_898 : memref<2x128xi32, #tpu.memory_space<vmem>>) target_semaphore(%arg14 : memref<!tpu.dma_semaphore, #tpu.memory_space<semaphore_mem>>)
        %add3A_903 = arith.constant 1 : i32
        %add3A_904 = arith.addi %mul3A_832, %add3A_903 : i32
        %dma_wait3A_905 = arith.constant 0 : i32
        %dma_wait3A_906 = arith.constant 1 : i32
        %dma_wait3A_907 = arith.constant 0 : i32
        %dma_wait3A_908 = tpu.memref_slice %arg7[%dma_wait3A_905, %dma_wait3A_906, %dma_wait3A_907] : memref<4x2x128xi32, #tpu.memory_space<vmem>> -> memref<1x1x128xi32, #tpu.memory_space<vmem>>
        %dma_wait3A_909 = tpu.memref_squeeze %dma_wait3A_908 : memref<1x1x128xi32, #tpu.memory_space<vmem>> -> memref<128xi32, #tpu.memory_space<vmem>>
        %dma_wait3A_910 = arith.constant 0 : i32
        %dma_wait3A_911 = arith.constant 0 : i32
        %dma_wait3A_912 = tpu.memref_slice %arg10[%dma_wait3A_910, %dma_wait3A_911] : memref<10112x128xf32, #tpu.memory_space<vmem_shared>> -> memref<10112x128xf32, #tpu.memory_space<vmem_shared>>
        tpu.wait_indirect_dma semaphore(%arg17 : memref<!tpu.dma_semaphore, #tpu.memory_space<semaphore_mem>>) src(%arg8 : memref<128x128xf32, #tpu.memory_space<vmem>>) dst(%dma_wait3A_912 : memref<10112x128xf32, #tpu.memory_space<vmem_shared>>)
        %add3A_913 = arith.constant 1 : i32
        %add3A_914 = arith.addi %add3A_904, %add3A_913 : i32
        %dma_wait3A_915 = arith.constant 2 : i32
        %dma_wait3A_916 = arith.constant 0 : i32
        %dma_wait3A_917 = arith.constant 0 : i32
        %dma_wait3A_918 = tpu.memref_slice %arg7[%dma_wait3A_915, %dma_wait3A_916, %dma_wait3A_917] : memref<4x2x128xi32, #tpu.memory_space<vmem>> -> memref<1x2x128xi32, #tpu.memory_space<vmem>>
        %dma_wait3A_919 = tpu.memref_squeeze %dma_wait3A_918 : memref<1x2x128xi32, #tpu.memory_space<vmem>> -> memref<2x128xi32, #tpu.memory_space<vmem>>
        %dma_wait3A_920 = arith.constant 0 : i32
        %dma_wait3A_921 = arith.constant 0 : i32
        %dma_wait3A_922 = tpu.memref_slice %arg2[%arg1, %add3A_914, %dma_wait3A_920, %dma_wait3A_921] : memref<16x112x2x128xi32, #tpu.memory_space<hbm>> -> memref<1x1x2x128xi32, #tpu.memory_space<hbm>>
        %dma_wait3A_923 = tpu.memref_squeeze %dma_wait3A_922 : memref<1x1x2x128xi32, #tpu.memory_space<hbm>> -> memref<2x128xi32, #tpu.memory_space<hbm>>
        %dma_wait3A_924 = arith.constant 0 : i32
        %dma_wait3A_925 = arith.constant 0 : i32
        %dma_wait3A_926 = tpu.memref_slice %arg7[%dma_wait3A_915, %dma_wait3A_924, %dma_wait3A_925] : memref<4x2x128xi32, #tpu.memory_space<vmem>> -> memref<1x2x128xi32, #tpu.memory_space<vmem>>
        %dma_wait3A_927 = tpu.memref_squeeze %dma_wait3A_926 : memref<1x2x128xi32, #tpu.memory_space<vmem>> -> memref<2x128xi32, #tpu.memory_space<vmem>>
        %dma_wait3A_928 = arith.constant 0 : i32
        %dma_wait3A_929 = arith.constant 0 : i32
        %dma_wait3A_930 = tpu.memref_slice %arg2[%arg1, %add3A_914, %dma_wait3A_928, %dma_wait3A_929] : memref<16x112x2x128xi32, #tpu.memory_space<hbm>> -> memref<1x1x2x128xi32, #tpu.memory_space<hbm>>
        %dma_wait3A_931 = tpu.memref_squeeze %dma_wait3A_930 : memref<1x1x2x128xi32, #tpu.memory_space<hbm>> -> memref<2x128xi32, #tpu.memory_space<hbm>>
        tpu.wait_dma2 semaphore(%arg13 : memref<!tpu.dma_semaphore, #tpu.memory_space<semaphore_mem>>) src(%dma_wait3A_931 : memref<2x128xi32, #tpu.memory_space<hbm>>) dst(%dma_wait3A_927 : memref<2x128xi32, #tpu.memory_space<vmem>>)
        %dma_start3A_932 = arith.constant 2 : i32
        %dma_start3A_933 = arith.constant 0 : i32
        %dma_start3A_934 = arith.constant 0 : i32
        %dma_start3A_935 = tpu.memref_slice %arg7[%dma_start3A_932, %dma_start3A_933, %dma_start3A_934] : memref<4x2x128xi32, #tpu.memory_space<vmem>> -> memref<1x1x128xi32, #tpu.memory_space<vmem>>
        %dma_start3A_936 = tpu.memref_squeeze %dma_start3A_935 : memref<1x1x128xi32, #tpu.memory_space<vmem>> -> memref<128xi32, #tpu.memory_space<vmem>>
        %dma_start3A_937 = arith.constant 0 : i32
        %dma_start3A_938 = arith.constant 0 : i32
        %dma_start3A_939 = tpu.memref_slice %arg4[%dma_start3A_937, %dma_start3A_938] : memref<10000x128xf32, #tpu.memory_space<hbm>> -> memref<10000x128xf32, #tpu.memory_space<hbm>>
        tpu.enqueue_indirect_dma source(%dma_start3A_939 : memref<10000x128xf32, #tpu.memory_space<hbm>>) target(%arg8 : memref<128x128xf32, #tpu.memory_space<vmem>>) offsets(%dma_start3A_936 : memref<128xi32, #tpu.memory_space<vmem>>) semaphore(%arg15 : memref<!tpu.dma_semaphore, #tpu.memory_space<semaphore_mem>>)
        %dma_wait3A_940 = arith.constant 1 : i32
        %dma_wait3A_941 = arith.constant 0 : i32
        %dma_wait3A_942 = arith.constant 0 : i32
        %dma_wait3A_943 = tpu.memref_slice %arg7[%dma_wait3A_940, %dma_wait3A_941, %dma_wait3A_942] : memref<4x2x128xi32, #tpu.memory_space<vmem>> -> memref<1x1x128xi32, #tpu.memory_space<vmem>>
        %dma_wait3A_944 = tpu.memref_squeeze %dma_wait3A_943 : memref<1x1x128xi32, #tpu.memory_space<vmem>> -> memref<128xi32, #tpu.memory_space<vmem>>
        %dma_wait3A_945 = arith.constant 0 : i32
        %dma_wait3A_946 = arith.constant 0 : i32
        %dma_wait3A_947 = tpu.memref_slice %arg4[%dma_wait3A_945, %dma_wait3A_946] : memref<10000x128xf32, #tpu.memory_space<hbm>> -> memref<10000x128xf32, #tpu.memory_space<hbm>>
        tpu.wait_indirect_dma semaphore(%arg16 : memref<!tpu.dma_semaphore, #tpu.memory_space<semaphore_mem>>) src(%dma_wait3A_947 : memref<10000x128xf32, #tpu.memory_space<hbm>>) dst(%arg9 : memref<128x128xf32, #tpu.memory_space<vmem>>)
        %dma_start3A_948 = arith.constant 1 : i32
        %dma_start3A_949 = arith.constant 1 : i32
        %dma_start3A_950 = arith.constant 0 : i32
        %dma_start3A_951 = tpu.memref_slice %arg7[%dma_start3A_948, %dma_start3A_949, %dma_start3A_950] : memref<4x2x128xi32, #tpu.memory_space<vmem>> -> memref<1x1x128xi32, #tpu.memory_space<vmem>>
        %dma_start3A_952 = tpu.memref_squeeze %dma_start3A_951 : memref<1x1x128xi32, #tpu.memory_space<vmem>> -> memref<128xi32, #tpu.memory_space<vmem>>
        %dma_start3A_953 = arith.constant 0 : i32
        %dma_start3A_954 = arith.constant 0 : i32
        %dma_start3A_955 = tpu.memref_slice %arg10[%dma_start3A_953, %dma_start3A_954] : memref<10112x128xf32, #tpu.memory_space<vmem_shared>> -> memref<10112x128xf32, #tpu.memory_space<vmem_shared>>
        tpu.enqueue_indirect_dma source(%arg9 : memref<128x128xf32, #tpu.memory_space<vmem>>) target(%dma_start3A_955 : memref<10112x128xf32, #tpu.memory_space<vmem_shared>>) offsets(%dma_start3A_952 : memref<128xi32, #tpu.memory_space<vmem>>) semaphore(%arg18 : memref<!tpu.dma_semaphore, #tpu.memory_space<semaphore_mem>>) {add = true}
        %add3A_956 = arith.constant 3 : i32
        %add3A_957 = arith.addi %add3A_904, %add3A_956 : i32
        %dma_start3A_958 = arith.constant 0 : i32
        %dma_start3A_959 = arith.constant 0 : i32
        %dma_start3A_960 = arith.constant 0 : i32
        %dma_start3A_961 = tpu.memref_slice %arg7[%dma_start3A_958, %dma_start3A_959, %dma_start3A_960] : memref<4x2x128xi32, #tpu.memory_space<vmem>> -> memref<1x2x128xi32, #tpu.memory_space<vmem>>
        %dma_start3A_962 = tpu.memref_squeeze %dma_start3A_961 : memref<1x2x128xi32, #tpu.memory_space<vmem>> -> memref<2x128xi32, #tpu.memory_space<vmem>>
        %dma_start3A_963 = arith.constant 0 : i32
        %dma_start3A_964 = arith.constant 0 : i32
        %dma_start3A_965 = tpu.memref_slice %arg2[%arg1, %add3A_957, %dma_start3A_963, %dma_start3A_964] : memref<16x112x2x128xi32, #tpu.memory_space<hbm>> -> memref<1x1x2x128xi32, #tpu.memory_space<hbm>>
        %dma_start3A_966 = tpu.memref_squeeze %dma_start3A_965 : memref<1x1x2x128xi32, #tpu.memory_space<hbm>> -> memref<2x128xi32, #tpu.memory_space<hbm>>
        %dma_start3A_967 = arith.constant 0 : i32
        %dma_start3A_968 = arith.constant 0 : i32
        %dma_start3A_969 = tpu.memref_slice %arg7[%dma_start3A_958, %dma_start3A_967, %dma_start3A_968] : memref<4x2x128xi32, #tpu.memory_space<vmem>> -> memref<1x2x128xi32, #tpu.memory_space<vmem>>
        %dma_start3A_970 = tpu.memref_squeeze %dma_start3A_969 : memref<1x2x128xi32, #tpu.memory_space<vmem>> -> memref<2x128xi32, #tpu.memory_space<vmem>>
        %dma_start3A_971 = arith.constant 0 : i32
        %dma_start3A_972 = arith.constant 0 : i32
        %dma_start3A_973 = tpu.memref_slice %arg2[%arg1, %add3A_957, %dma_start3A_971, %dma_start3A_972] : memref<16x112x2x128xi32, #tpu.memory_space<hbm>> -> memref<1x1x2x128xi32, #tpu.memory_space<hbm>>
        %dma_start3A_974 = tpu.memref_squeeze %dma_start3A_973 : memref<1x1x2x128xi32, #tpu.memory_space<hbm>> -> memref<2x128xi32, #tpu.memory_space<hbm>>
        tpu.enqueue_dma source(%dma_start3A_974 : memref<2x128xi32, #tpu.memory_space<hbm>>) target(%dma_start3A_970 : memref<2x128xi32, #tpu.memory_space<vmem>>) target_semaphore(%arg11 : memref<!tpu.dma_semaphore, #tpu.memory_space<semaphore_mem>>)
        %add3A_975 = arith.constant 2 : i32
        %add3A_976 = arith.addi %mul3A_832, %add3A_975 : i32
        %dma_wait3A_977 = arith.constant 1 : i32
        %dma_wait3A_978 = arith.constant 1 : i32
        %dma_wait3A_979 = arith.constant 0 : i32
        %dma_wait3A_980 = tpu.memref_slice %arg7[%dma_wait3A_977, %dma_wait3A_978, %dma_wait3A_979] : memref<4x2x128xi32, #tpu.memory_space<vmem>> -> memref<1x1x128xi32, #tpu.memory_space<vmem>>
        %dma_wait3A_981 = tpu.memref_squeeze %dma_wait3A_980 : memref<1x1x128xi32, #tpu.memory_space<vmem>> -> memref<128xi32, #tpu.memory_space<vmem>>
        %dma_wait3A_982 = arith.constant 0 : i32
        %dma_wait3A_983 = arith.constant 0 : i32
        %dma_wait3A_984 = tpu.memref_slice %arg10[%dma_wait3A_982, %dma_wait3A_983] : memref<10112x128xf32, #tpu.memory_space<vmem_shared>> -> memref<10112x128xf32, #tpu.memory_space<vmem_shared>>
        tpu.wait_indirect_dma semaphore(%arg18 : memref<!tpu.dma_semaphore, #tpu.memory_space<semaphore_mem>>) src(%arg9 : memref<128x128xf32, #tpu.memory_space<vmem>>) dst(%dma_wait3A_984 : memref<10112x128xf32, #tpu.memory_space<vmem_shared>>)
        %add3A_985 = arith.constant 1 : i32
        %add3A_986 = arith.addi %add3A_976, %add3A_985 : i32
        %dma_wait3A_987 = arith.constant 3 : i32
        %dma_wait3A_988 = arith.constant 0 : i32
        %dma_wait3A_989 = arith.constant 0 : i32
        %dma_wait3A_990 = tpu.memref_slice %arg7[%dma_wait3A_987, %dma_wait3A_988, %dma_wait3A_989] : memref<4x2x128xi32, #tpu.memory_space<vmem>> -> memref<1x2x128xi32, #tpu.memory_space<vmem>>
        %dma_wait3A_991 = tpu.memref_squeeze %dma_wait3A_990 : memref<1x2x128xi32, #tpu.memory_space<vmem>> -> memref<2x128xi32, #tpu.memory_space<vmem>>
        %dma_wait3A_992 = arith.constant 0 : i32
        %dma_wait3A_993 = arith.constant 0 : i32
        %dma_wait3A_994 = tpu.memref_slice %arg2[%arg1, %add3A_986, %dma_wait3A_992, %dma_wait3A_993] : memref<16x112x2x128xi32, #tpu.memory_space<hbm>> -> memref<1x1x2x128xi32, #tpu.memory_space<hbm>>
        %dma_wait3A_995 = tpu.memref_squeeze %dma_wait3A_994 : memref<1x1x2x128xi32, #tpu.memory_space<hbm>> -> memref<2x128xi32, #tpu.memory_space<hbm>>
        %dma_wait3A_996 = arith.constant 0 : i32
        %dma_wait3A_997 = arith.constant 0 : i32
        %dma_wait3A_998 = tpu.memref_slice %arg7[%dma_wait3A_987, %dma_wait3A_996, %dma_wait3A_997] : memref<4x2x128xi32, #tpu.memory_space<vmem>> -> memref<1x2x128xi32, #tpu.memory_space<vmem>>
        %dma_wait3A_999 = tpu.memref_squeeze %dma_wait3A_998 : memref<1x2x128xi32, #tpu.memory_space<vmem>> -> memref<2x128xi32, #tpu.memory_space<vmem>>
        %dma_wait3A_1000 = arith.constant 0 : i32
        %dma_wait3A_1001 = arith.constant 0 : i32
        %dma_wait3A_1002 = tpu.memref_slice %arg2[%arg1, %add3A_986, %dma_wait3A_1000, %dma_wait3A_1001] : memref<16x112x2x128xi32, #tpu.memory_space<hbm>> -> memref<1x1x2x128xi32, #tpu.memory_space<hbm>>
        %dma_wait3A_1003 = tpu.memref_squeeze %dma_wait3A_1002 : memref<1x1x2x128xi32, #tpu.memory_space<hbm>> -> memref<2x128xi32, #tpu.memory_space<hbm>>
        tpu.wait_dma2 semaphore(%arg14 : memref<!tpu.dma_semaphore, #tpu.memory_space<semaphore_mem>>) src(%dma_wait3A_1003 : memref<2x128xi32, #tpu.memory_space<hbm>>) dst(%dma_wait3A_999 : memref<2x128xi32, #tpu.memory_space<vmem>>)
        %dma_start3A_1004 = arith.constant 3 : i32
        %dma_start3A_1005 = arith.constant 0 : i32
        %dma_start3A_1006 = arith.constant 0 : i32
        %dma_start3A_1007 = tpu.memref_slice %arg7[%dma_start3A_1004, %dma_start3A_1005, %dma_start3A_1006] : memref<4x2x128xi32, #tpu.memory_space<vmem>> -> memref<1x1x128xi32, #tpu.memory_space<vmem>>
        %dma_start3A_1008 = tpu.memref_squeeze %dma_start3A_1007 : memref<1x1x128xi32, #tpu.memory_space<vmem>> -> memref<128xi32, #tpu.memory_space<vmem>>
        %dma_start3A_1009 = arith.constant 0 : i32
        %dma_start3A_1010 = arith.constant 0 : i32
        %dma_start3A_1011 = tpu.memref_slice %arg4[%dma_start3A_1009, %dma_start3A_1010] : memref<10000x128xf32, #tpu.memory_space<hbm>> -> memref<10000x128xf32, #tpu.memory_space<hbm>>
        tpu.enqueue_indirect_dma source(%dma_start3A_1011 : memref<10000x128xf32, #tpu.memory_space<hbm>>) target(%arg9 : memref<128x128xf32, #tpu.memory_space<vmem>>) offsets(%dma_start3A_1008 : memref<128xi32, #tpu.memory_space<vmem>>) semaphore(%arg16 : memref<!tpu.dma_semaphore, #tpu.memory_space<semaphore_mem>>)
        %dma_wait3A_1012 = arith.constant 2 : i32
        %dma_wait3A_1013 = arith.constant 0 : i32
        %dma_wait3A_1014 = arith.constant 0 : i32
        %dma_wait3A_1015 = tpu.memref_slice %arg7[%dma_wait3A_1012, %dma_wait3A_1013, %dma_wait3A_1014] : memref<4x2x128xi32, #tpu.memory_space<vmem>> -> memref<1x1x128xi32, #tpu.memory_space<vmem>>
        %dma_wait3A_1016 = tpu.memref_squeeze %dma_wait3A_1015 : memref<1x1x128xi32, #tpu.memory_space<vmem>> -> memref<128xi32, #tpu.memory_space<vmem>>
        %dma_wait3A_1017 = arith.constant 0 : i32
        %dma_wait3A_1018 = arith.constant 0 : i32
        %dma_wait3A_1019 = tpu.memref_slice %arg4[%dma_wait3A_1017, %dma_wait3A_1018] : memref<10000x128xf32, #tpu.memory_space<hbm>> -> memref<10000x128xf32, #tpu.memory_space<hbm>>
        tpu.wait_indirect_dma semaphore(%arg15 : memref<!tpu.dma_semaphore, #tpu.memory_space<semaphore_mem>>) src(%dma_wait3A_1019 : memref<10000x128xf32, #tpu.memory_space<hbm>>) dst(%arg8 : memref<128x128xf32, #tpu.memory_space<vmem>>)
        %dma_start3A_1020 = arith.constant 2 : i32
        %dma_start3A_1021 = arith.constant 1 : i32
        %dma_start3A_1022 = arith.constant 0 : i32
        %dma_start3A_1023 = tpu.memref_slice %arg7[%dma_start3A_1020, %dma_start3A_1021, %dma_start3A_1022] : memref<4x2x128xi32, #tpu.memory_space<vmem>> -> memref<1x1x128xi32, #tpu.memory_space<vmem>>
        %dma_start3A_1024 = tpu.memref_squeeze %dma_start3A_1023 : memref<1x1x128xi32, #tpu.memory_space<vmem>> -> memref<128xi32, #tpu.memory_space<vmem>>
        %dma_start3A_1025 = arith.constant 0 : i32
        %dma_start3A_1026 = arith.constant 0 : i32
        %dma_start3A_1027 = tpu.memref_slice %arg10[%dma_start3A_1025, %dma_start3A_1026] : memref<10112x128xf32, #tpu.memory_space<vmem_shared>> -> memref<10112x128xf32, #tpu.memory_space<vmem_shared>>
        tpu.enqueue_indirect_dma source(%arg8 : memref<128x128xf32, #tpu.memory_space<vmem>>) target(%dma_start3A_1027 : memref<10112x128xf32, #tpu.memory_space<vmem_shared>>) offsets(%dma_start3A_1024 : memref<128xi32, #tpu.memory_space<vmem>>) semaphore(%arg17 : memref<!tpu.dma_semaphore, #tpu.memory_space<semaphore_mem>>) {add = true}
        %add3A_1028 = arith.constant 3 : i32
        %add3A_1029 = arith.addi %add3A_976, %add3A_1028 : i32
        %dma_start3A_1030 = arith.constant 1 : i32
        %dma_start3A_1031 = arith.constant 0 : i32
        %dma_start3A_1032 = arith.constant 0 : i32
        %dma_start3A_1033 = tpu.memref_slice %arg7[%dma_start3A_1030, %dma_start3A_1031, %dma_start3A_1032] : memref<4x2x128xi32, #tpu.memory_space<vmem>> -> memref<1x2x128xi32, #tpu.memory_space<vmem>>
        %dma_start3A_1034 = tpu.memref_squeeze %dma_start3A_1033 : memref<1x2x128xi32, #tpu.memory_space<vmem>> -> memref<2x128xi32, #tpu.memory_space<vmem>>
        %dma_start3A_1035 = arith.constant 0 : i32
        %dma_start3A_1036 = arith.constant 0 : i32
        %dma_start3A_1037 = tpu.memref_slice %arg2[%arg1, %add3A_1029, %dma_start3A_1035, %dma_start3A_1036] : memref<16x112x2x128xi32, #tpu.memory_space<hbm>> -> memref<1x1x2x128xi32, #tpu.memory_space<hbm>>
        %dma_start3A_1038 = tpu.memref_squeeze %dma_start3A_1037 : memref<1x1x2x128xi32, #tpu.memory_space<hbm>> -> memref<2x128xi32, #tpu.memory_space<hbm>>
        %dma_start3A_1039 = arith.constant 0 : i32
        %dma_start3A_1040 = arith.constant 0 : i32
        %dma_start3A_1041 = tpu.memref_slice %arg7[%dma_start3A_1030, %dma_start3A_1039, %dma_start3A_1040] : memref<4x2x128xi32, #tpu.memory_space<vmem>> -> memref<1x2x128xi32, #tpu.memory_space<vmem>>
        %dma_start3A_1042 = tpu.memref_squeeze %dma_start3A_1041 : memref<1x2x128xi32, #tpu.memory_space<vmem>> -> memref<2x128xi32, #tpu.memory_space<vmem>>
        %dma_start3A_1043 = arith.constant 0 : i32
        %dma_start3A_1044 = arith.constant 0 : i32
        %dma_start3A_1045 = tpu.memref_slice %arg2[%arg1, %add3A_1029, %dma_start3A_1043, %dma_start3A_1044] : memref<16x112x2x128xi32, #tpu.memory_space<hbm>> -> memref<1x1x2x128xi32, #tpu.memory_space<hbm>>
        %dma_start3A_1046 = tpu.memref_squeeze %dma_start3A_1045 : memref<1x1x2x128xi32, #tpu.memory_space<hbm>> -> memref<2x128xi32, #tpu.memory_space<hbm>>
        tpu.enqueue_dma source(%dma_start3A_1046 : memref<2x128xi32, #tpu.memory_space<hbm>>) target(%dma_start3A_1042 : memref<2x128xi32, #tpu.memory_space<vmem>>) target_semaphore(%arg12 : memref<!tpu.dma_semaphore, #tpu.memory_space<semaphore_mem>>)
        %add3A_1047 = arith.constant 3 : i32
        %add3A_1048 = arith.addi %mul3A_832, %add3A_1047 : i32
        %dma_wait3A_1049 = arith.constant 2 : i32
        %dma_wait3A_1050 = arith.constant 1 : i32
        %dma_wait3A_1051 = arith.constant 0 : i32
        %dma_wait3A_1052 = tpu.memref_slice %arg7[%dma_wait3A_1049, %dma_wait3A_1050, %dma_wait3A_1051] : memref<4x2x128xi32, #tpu.memory_space<vmem>> -> memref<1x1x128xi32, #tpu.memory_space<vmem>>
        %dma_wait3A_1053 = tpu.memref_squeeze %dma_wait3A_1052 : memref<1x1x128xi32, #tpu.memory_space<vmem>> -> memref<128xi32, #tpu.memory_space<vmem>>
        %dma_wait3A_1054 = arith.constant 0 : i32
        %dma_wait3A_1055 = arith.constant 0 : i32
        %dma_wait3A_1056 = tpu.memref_slice %arg10[%dma_wait3A_1054, %dma_wait3A_1055] : memref<10112x128xf32, #tpu.memory_space<vmem_shared>> -> memref<10112x128xf32, #tpu.memory_space<vmem_shared>>
        tpu.wait_indirect_dma semaphore(%arg17 : memref<!tpu.dma_semaphore, #tpu.memory_space<semaphore_mem>>) src(%arg8 : memref<128x128xf32, #tpu.memory_space<vmem>>) dst(%dma_wait3A_1056 : memref<10112x128xf32, #tpu.memory_space<vmem_shared>>)
        %add3A_1057 = arith.constant 1 : i32
        %add3A_1058 = arith.addi %add3A_1048, %add3A_1057 : i32
        %dma_wait3A_1059 = arith.constant 0 : i32
        %dma_wait3A_1060 = arith.constant 0 : i32
        %dma_wait3A_1061 = arith.constant 0 : i32
        %dma_wait3A_1062 = tpu.memref_slice %arg7[%dma_wait3A_1059, %dma_wait3A_1060, %dma_wait3A_1061] : memref<4x2x128xi32, #tpu.memory_space<vmem>> -> memref<1x2x128xi32, #tpu.memory_space<vmem>>
        %dma_wait3A_1063 = tpu.memref_squeeze %dma_wait3A_1062 : memref<1x2x128xi32, #tpu.memory_space<vmem>> -> memref<2x128xi32, #tpu.memory_space<vmem>>
        %dma_wait3A_1064 = arith.constant 0 : i32
        %dma_wait3A_1065 = arith.constant 0 : i32
        %dma_wait3A_1066 = tpu.memref_slice %arg2[%arg1, %add3A_1058, %dma_wait3A_1064, %dma_wait3A_1065] : memref<16x112x2x128xi32, #tpu.memory_space<hbm>> -> memref<1x1x2x128xi32, #tpu.memory_space<hbm>>
        %dma_wait3A_1067 = tpu.memref_squeeze %dma_wait3A_1066 : memref<1x1x2x128xi32, #tpu.memory_space<hbm>> -> memref<2x128xi32, #tpu.memory_space<hbm>>
        %dma_wait3A_1068 = arith.constant 0 : i32
        %dma_wait3A_1069 = arith.constant 0 : i32
        %dma_wait3A_1070 = tpu.memref_slice %arg7[%dma_wait3A_1059, %dma_wait3A_1068, %dma_wait3A_1069] : memref<4x2x128xi32, #tpu.memory_space<vmem>> -> memref<1x2x128xi32, #tpu.memory_space<vmem>>
        %dma_wait3A_1071 = tpu.memref_squeeze %dma_wait3A_1070 : memref<1x2x128xi32, #tpu.memory_space<vmem>> -> memref<2x128xi32, #tpu.memory_space<vmem>>
        %dma_wait3A_1072 = arith.constant 0 : i32
        %dma_wait3A_1073 = arith.constant 0 : i32
        %dma_wait3A_1074 = tpu.memref_slice %arg2[%arg1, %add3A_1058, %dma_wait3A_1072, %dma_wait3A_1073] : memref<16x112x2x128xi32, #tpu.memory_space<hbm>> -> memref<1x1x2x128xi32, #tpu.memory_space<hbm>>
        %dma_wait3A_1075 = tpu.memref_squeeze %dma_wait3A_1074 : memref<1x1x2x128xi32, #tpu.memory_space<hbm>> -> memref<2x128xi32, #tpu.memory_space<hbm>>
        tpu.wait_dma2 semaphore(%arg11 : memref<!tpu.dma_semaphore, #tpu.memory_space<semaphore_mem>>) src(%dma_wait3A_1075 : memref<2x128xi32, #tpu.memory_space<hbm>>) dst(%dma_wait3A_1071 : memref<2x128xi32, #tpu.memory_space<vmem>>)
        %dma_start3A_1076 = arith.constant 0 : i32
        %dma_start3A_1077 = arith.constant 0 : i32
        %dma_start3A_1078 = arith.constant 0 : i32
        %dma_start3A_1079 = tpu.memref_slice %arg7[%dma_start3A_1076, %dma_start3A_1077, %dma_start3A_1078] : memref<4x2x128xi32, #tpu.memory_space<vmem>> -> memref<1x1x128xi32, #tpu.memory_space<vmem>>
        %dma_start3A_1080 = tpu.memref_squeeze %dma_start3A_1079 : memref<1x1x128xi32, #tpu.memory_space<vmem>> -> memref<128xi32, #tpu.memory_space<vmem>>
        %dma_start3A_1081 = arith.constant 0 : i32
        %dma_start3A_1082 = arith.constant 0 : i32
        %dma_start3A_1083 = tpu.memref_slice %arg4[%dma_start3A_1081, %dma_start3A_1082] : memref<10000x128xf32, #tpu.memory_space<hbm>> -> memref<10000x128xf32, #tpu.memory_space<hbm>>
        tpu.enqueue_indirect_dma source(%dma_start3A_1083 : memref<10000x128xf32, #tpu.memory_space<hbm>>) target(%arg8 : memref<128x128xf32, #tpu.memory_space<vmem>>) offsets(%dma_start3A_1080 : memref<128xi32, #tpu.memory_space<vmem>>) semaphore(%arg15 : memref<!tpu.dma_semaphore, #tpu.memory_space<semaphore_mem>>)
        %dma_wait3A_1084 = arith.constant 3 : i32
        %dma_wait3A_1085 = arith.constant 0 : i32
        %dma_wait3A_1086 = arith.constant 0 : i32
        %dma_wait3A_1087 = tpu.memref_slice %arg7[%dma_wait3A_1084, %dma_wait3A_1085, %dma_wait3A_1086] : memref<4x2x128xi32, #tpu.memory_space<vmem>> -> memref<1x1x128xi32, #tpu.memory_space<vmem>>
        %dma_wait3A_1088 = tpu.memref_squeeze %dma_wait3A_1087 : memref<1x1x128xi32, #tpu.memory_space<vmem>> -> memref<128xi32, #tpu.memory_space<vmem>>
        %dma_wait3A_1089 = arith.constant 0 : i32
        %dma_wait3A_1090 = arith.constant 0 : i32
        %dma_wait3A_1091 = tpu.memref_slice %arg4[%dma_wait3A_1089, %dma_wait3A_1090] : memref<10000x128xf32, #tpu.memory_space<hbm>> -> memref<10000x128xf32, #tpu.memory_space<hbm>>
        tpu.wait_indirect_dma semaphore(%arg16 : memref<!tpu.dma_semaphore, #tpu.memory_space<semaphore_mem>>) src(%dma_wait3A_1091 : memref<10000x128xf32, #tpu.memory_space<hbm>>) dst(%arg9 : memref<128x128xf32, #tpu.memory_space<vmem>>)
        %dma_start3A_1092 = arith.constant 3 : i32
        %dma_start3A_1093 = arith.constant 1 : i32
        %dma_start3A_1094 = arith.constant 0 : i32
        %dma_start3A_1095 = tpu.memref_slice %arg7[%dma_start3A_1092, %dma_start3A_1093, %dma_start3A_1094] : memref<4x2x128xi32, #tpu.memory_space<vmem>> -> memref<1x1x128xi32, #tpu.memory_space<vmem>>
        %dma_start3A_1096 = tpu.memref_squeeze %dma_start3A_1095 : memref<1x1x128xi32, #tpu.memory_space<vmem>> -> memref<128xi32, #tpu.memory_space<vmem>>
        %dma_start3A_1097 = arith.constant 0 : i32
        %dma_start3A_1098 = arith.constant 0 : i32
        %dma_start3A_1099 = tpu.memref_slice %arg10[%dma_start3A_1097, %dma_start3A_1098] : memref<10112x128xf32, #tpu.memory_space<vmem_shared>> -> memref<10112x128xf32, #tpu.memory_space<vmem_shared>>
        tpu.enqueue_indirect_dma source(%arg9 : memref<128x128xf32, #tpu.memory_space<vmem>>) target(%dma_start3A_1099 : memref<10112x128xf32, #tpu.memory_space<vmem_shared>>) offsets(%dma_start3A_1096 : memref<128xi32, #tpu.memory_space<vmem>>) semaphore(%arg18 : memref<!tpu.dma_semaphore, #tpu.memory_space<semaphore_mem>>) {add = true}
        %add3A_1100 = arith.constant 3 : i32
        %add3A_1101 = arith.addi %add3A_1048, %add3A_1100 : i32
        %dma_start3A_1102 = arith.constant 2 : i32
        %dma_start3A_1103 = arith.constant 0 : i32
        %dma_start3A_1104 = arith.constant 0 : i32
        %dma_start3A_1105 = tpu.memref_slice %arg7[%dma_start3A_1102, %dma_start3A_1103, %dma_start3A_1104] : memref<4x2x128xi32, #tpu.memory_space<vmem>> -> memref<1x2x128xi32, #tpu.memory_space<vmem>>
        %dma_start3A_1106 = tpu.memref_squeeze %dma_start3A_1105 : memref<1x2x128xi32, #tpu.memory_space<vmem>> -> memref<2x128xi32, #tpu.memory_space<vmem>>
        %dma_start3A_1107 = arith.constant 0 : i32
        %dma_start3A_1108 = arith.constant 0 : i32
        %dma_start3A_1109 = tpu.memref_slice %arg2[%arg1, %add3A_1101, %dma_start3A_1107, %dma_start3A_1108] : memref<16x112x2x128xi32, #tpu.memory_space<hbm>> -> memref<1x1x2x128xi32, #tpu.memory_space<hbm>>
        %dma_start3A_1110 = tpu.memref_squeeze %dma_start3A_1109 : memref<1x1x2x128xi32, #tpu.memory_space<hbm>> -> memref<2x128xi32, #tpu.memory_space<hbm>>
        %dma_start3A_1111 = arith.constant 0 : i32
        %dma_start3A_1112 = arith.constant 0 : i32
        %dma_start3A_1113 = tpu.memref_slice %arg7[%dma_start3A_1102, %dma_start3A_1111, %dma_start3A_1112] : memref<4x2x128xi32, #tpu.memory_space<vmem>> -> memref<1x2x128xi32, #tpu.memory_space<vmem>>
        %dma_start3A_1114 = tpu.memref_squeeze %dma_start3A_1113 : memref<1x2x128xi32, #tpu.memory_space<vmem>> -> memref<2x128xi32, #tpu.memory_space<vmem>>
        %dma_start3A_1115 = arith.constant 0 : i32
        %dma_start3A_1116 = arith.constant 0 : i32
        %dma_start3A_1117 = tpu.memref_slice %arg2[%arg1, %add3A_1101, %dma_start3A_1115, %dma_start3A_1116] : memref<16x112x2x128xi32, #tpu.memory_space<hbm>> -> memref<1x1x2x128xi32, #tpu.memory_space<hbm>>
        %dma_start3A_1118 = tpu.memref_squeeze %dma_start3A_1117 : memref<1x1x2x128xi32, #tpu.memory_space<hbm>> -> memref<2x128xi32, #tpu.memory_space<hbm>>
        tpu.enqueue_dma source(%dma_start3A_1118 : memref<2x128xi32, #tpu.memory_space<hbm>>) target(%dma_start3A_1114 : memref<2x128xi32, #tpu.memory_space<vmem>>) target_semaphore(%arg13 : memref<!tpu.dma_semaphore, #tpu.memory_space<semaphore_mem>>)
      }
      %scan3A_354 = arith.constant 25 : i32
      %dma_wait3A_355 = arith.constant 3 : i32
      %dma_wait3A_356 = arith.constant 1 : i32
      %dma_wait3A_357 = arith.constant 0 : i32
      %dma_wait3A_358 = tpu.memref_slice %arg7[%dma_wait3A_355, %dma_wait3A_356, %dma_wait3A_357] : memref<4x2x128xi32, #tpu.memory_space<vmem>> -> memref<1x1x128xi32, #tpu.memory_space<vmem>>
      %dma_wait3A_359 = tpu.memref_squeeze %dma_wait3A_358 : memref<1x1x128xi32, #tpu.memory_space<vmem>> -> memref<128xi32, #tpu.memory_space<vmem>>
      %dma_wait3A_360 = arith.constant 0 : i32
      %dma_wait3A_361 = arith.constant 0 : i32
      %dma_wait3A_362 = tpu.memref_slice %arg10[%dma_wait3A_360, %dma_wait3A_361] : memref<10112x128xf32, #tpu.memory_space<vmem_shared>> -> memref<10112x128xf32, #tpu.memory_space<vmem_shared>>
      tpu.wait_indirect_dma semaphore(%arg18 : memref<!tpu.dma_semaphore, #tpu.memory_space<semaphore_mem>>) src(%arg9 : memref<128x128xf32, #tpu.memory_space<vmem>>) dst(%dma_wait3A_362 : memref<10112x128xf32, #tpu.memory_space<vmem_shared>>)
      %dma_wait3A_363 = arith.constant 105 : i32
      %dma_wait3A_364 = arith.constant 1 : i32
      %dma_wait3A_365 = arith.constant 0 : i32
      %dma_wait3A_366 = arith.constant 0 : i32
      %dma_wait3A_367 = tpu.memref_slice %arg7[%dma_wait3A_364, %dma_wait3A_365, %dma_wait3A_366] : memref<4x2x128xi32, #tpu.memory_space<vmem>> -> memref<1x2x128xi32, #tpu.memory_space<vmem>>
      %dma_wait3A_368 = tpu.memref_squeeze %dma_wait3A_367 : memref<1x2x128xi32, #tpu.memory_space<vmem>> -> memref<2x128xi32, #tpu.memory_space<vmem>>
      %dma_wait3A_369 = arith.constant 0 : i32
      %dma_wait3A_370 = arith.constant 0 : i32
      %dma_wait3A_371 = tpu.memref_slice %arg2[%arg1, %dma_wait3A_363, %dma_wait3A_369, %dma_wait3A_370] : memref<16x112x2x128xi32, #tpu.memory_space<hbm>> -> memref<1x1x2x128xi32, #tpu.memory_space<hbm>>
      %dma_wait3A_372 = tpu.memref_squeeze %dma_wait3A_371 : memref<1x1x2x128xi32, #tpu.memory_space<hbm>> -> memref<2x128xi32, #tpu.memory_space<hbm>>
      %dma_wait3A_373 = arith.constant 0 : i32
      %dma_wait3A_374 = arith.constant 0 : i32
      %dma_wait3A_375 = tpu.memref_slice %arg7[%dma_wait3A_364, %dma_wait3A_373, %dma_wait3A_374] : memref<4x2x128xi32, #tpu.memory_space<vmem>> -> memref<1x2x128xi32, #tpu.memory_space<vmem>>
      %dma_wait3A_376 = tpu.memref_squeeze %dma_wait3A_375 : memref<1x2x128xi32, #tpu.memory_space<vmem>> -> memref<2x128xi32, #tpu.memory_space<vmem>>
      %dma_wait3A_377 = arith.constant 0 : i32
      %dma_wait3A_378 = arith.constant 0 : i32
      %dma_wait3A_379 = tpu.memref_slice %arg2[%arg1, %dma_wait3A_363, %dma_wait3A_377, %dma_wait3A_378] : memref<16x112x2x128xi32, #tpu.memory_space<hbm>> -> memref<1x1x2x128xi32, #tpu.memory_space<hbm>>
      %dma_wait3A_380 = tpu.memref_squeeze %dma_wait3A_379 : memref<1x1x2x128xi32, #tpu.memory_space<hbm>> -> memref<2x128xi32, #tpu.memory_space<hbm>>
      tpu.wait_dma2 semaphore(%arg12 : memref<!tpu.dma_semaphore, #tpu.memory_space<semaphore_mem>>) src(%dma_wait3A_380 : memref<2x128xi32, #tpu.memory_space<hbm>>) dst(%dma_wait3A_376 : memref<2x128xi32, #tpu.memory_space<vmem>>)
      %dma_start3A_381 = arith.constant 1 : i32
      %dma_start3A_382 = arith.constant 0 : i32
      %dma_start3A_383 = arith.constant 0 : i32
      %dma_start3A_384 = tpu.memref_slice %arg7[%dma_start3A_381, %dma_start3A_382, %dma_start3A_383] : memref<4x2x128xi32, #tpu.memory_space<vmem>> -> memref<1x1x128xi32, #tpu.memory_space<vmem>>
      %dma_start3A_385 = tpu.memref_squeeze %dma_start3A_384 : memref<1x1x128xi32, #tpu.memory_space<vmem>> -> memref<128xi32, #tpu.memory_space<vmem>>
      %dma_start3A_386 = arith.constant 0 : i32
      %dma_start3A_387 = arith.constant 0 : i32
      %dma_start3A_388 = tpu.memref_slice %arg4[%dma_start3A_386, %dma_start3A_387] : memref<10000x128xf32, #tpu.memory_space<hbm>> -> memref<10000x128xf32, #tpu.memory_space<hbm>>
      tpu.enqueue_indirect_dma source(%dma_start3A_388 : memref<10000x128xf32, #tpu.memory_space<hbm>>) target(%arg9 : memref<128x128xf32, #tpu.memory_space<vmem>>) offsets(%dma_start3A_385 : memref<128xi32, #tpu.memory_space<vmem>>) semaphore(%arg16 : memref<!tpu.dma_semaphore, #tpu.memory_space<semaphore_mem>>)
      %dma_wait3A_389 = arith.constant 0 : i32
      %dma_wait3A_390 = arith.constant 0 : i32
      %dma_wait3A_391 = arith.constant 0 : i32
      %dma_wait3A_392 = tpu.memref_slice %arg7[%dma_wait3A_389, %dma_wait3A_390, %dma_wait3A_391] : memref<4x2x128xi32, #tpu.memory_space<vmem>> -> memref<1x1x128xi32, #tpu.memory_space<vmem>>
      %dma_wait3A_393 = tpu.memref_squeeze %dma_wait3A_392 : memref<1x1x128xi32, #tpu.memory_space<vmem>> -> memref<128xi32, #tpu.memory_space<vmem>>
      %dma_wait3A_394 = arith.constant 0 : i32
      %dma_wait3A_395 = arith.constant 0 : i32
      %dma_wait3A_396 = tpu.memref_slice %arg4[%dma_wait3A_394, %dma_wait3A_395] : memref<10000x128xf32, #tpu.memory_space<hbm>> -> memref<10000x128xf32, #tpu.memory_space<hbm>>
      tpu.wait_indirect_dma semaphore(%arg15 : memref<!tpu.dma_semaphore, #tpu.memory_space<semaphore_mem>>) src(%dma_wait3A_396 : memref<10000x128xf32, #tpu.memory_space<hbm>>) dst(%arg8 : memref<128x128xf32, #tpu.memory_space<vmem>>)
      %dma_start3A_397 = arith.constant 0 : i32
      %dma_start3A_398 = arith.constant 1 : i32
      %dma_start3A_399 = arith.constant 0 : i32
      %dma_start3A_400 = tpu.memref_slice %arg7[%dma_start3A_397, %dma_start3A_398, %dma_start3A_399] : memref<4x2x128xi32, #tpu.memory_space<vmem>> -> memref<1x1x128xi32, #tpu.memory_space<vmem>>
      %dma_start3A_401 = tpu.memref_squeeze %dma_start3A_400 : memref<1x1x128xi32, #tpu.memory_space<vmem>> -> memref<128xi32, #tpu.memory_space<vmem>>
      %dma_start3A_402 = arith.constant 0 : i32
      %dma_start3A_403 = arith.constant 0 : i32
      %dma_start3A_404 = tpu.memref_slice %arg10[%dma_start3A_402, %dma_start3A_403] : memref<10112x128xf32, #tpu.memory_space<vmem_shared>> -> memref<10112x128xf32, #tpu.memory_space<vmem_shared>>
      tpu.enqueue_indirect_dma source(%arg8 : memref<128x128xf32, #tpu.memory_space<vmem>>) target(%dma_start3A_404 : memref<10112x128xf32, #tpu.memory_space<vmem_shared>>) offsets(%dma_start3A_401 : memref<128xi32, #tpu.memory_space<vmem>>) semaphore(%arg17 : memref<!tpu.dma_semaphore, #tpu.memory_space<semaphore_mem>>) {add = true}
      %dma_start3A_405 = arith.constant 107 : i32
      %dma_start3A_406 = arith.constant 3 : i32
      %dma_start3A_407 = arith.constant 0 : i32
      %dma_start3A_408 = arith.constant 0 : i32
      %dma_start3A_409 = tpu.memref_slice %arg7[%dma_start3A_406, %dma_start3A_407, %dma_start3A_408] : memref<4x2x128xi32, #tpu.memory_space<vmem>> -> memref<1x2x128xi32, #tpu.memory_space<vmem>>
      %dma_start3A_410 = tpu.memref_squeeze %dma_start3A_409 : memref<1x2x128xi32, #tpu.memory_space<vmem>> -> memref<2x128xi32, #tpu.memory_space<vmem>>
      %dma_start3A_411 = arith.constant 0 : i32
      %dma_start3A_412 = arith.constant 0 : i32
      %dma_start3A_413 = tpu.memref_slice %arg2[%arg1, %dma_start3A_405, %dma_start3A_411, %dma_start3A_412] : memref<16x112x2x128xi32, #tpu.memory_space<hbm>> -> memref<1x1x2x128xi32, #tpu.memory_space<hbm>>
      %dma_start3A_414 = tpu.memref_squeeze %dma_start3A_413 : memref<1x1x2x128xi32, #tpu.memory_space<hbm>> -> memref<2x128xi32, #tpu.memory_space<hbm>>
      %dma_start3A_415 = arith.constant 0 : i32
      %dma_start3A_416 = arith.constant 0 : i32
      %dma_start3A_417 = tpu.memref_slice %arg7[%dma_start3A_406, %dma_start3A_415, %dma_start3A_416] : memref<4x2x128xi32, #tpu.memory_space<vmem>> -> memref<1x2x128xi32, #tpu.memory_space<vmem>>
      %dma_start3A_418 = tpu.memref_squeeze %dma_start3A_417 : memref<1x2x128xi32, #tpu.memory_space<vmem>> -> memref<2x128xi32, #tpu.memory_space<vmem>>
      %dma_start3A_419 = arith.constant 0 : i32
      %dma_start3A_420 = arith.constant 0 : i32
      %dma_start3A_421 = tpu.memref_slice %arg2[%arg1, %dma_start3A_405, %dma_start3A_419, %dma_start3A_420] : memref<16x112x2x128xi32, #tpu.memory_space<hbm>> -> memref<1x1x2x128xi32, #tpu.memory_space<hbm>>
      %dma_start3A_422 = tpu.memref_squeeze %dma_start3A_421 : memref<1x1x2x128xi32, #tpu.memory_space<hbm>> -> memref<2x128xi32, #tpu.memory_space<hbm>>
      tpu.enqueue_dma source(%dma_start3A_422 : memref<2x128xi32, #tpu.memory_space<hbm>>) target(%dma_start3A_418 : memref<2x128xi32, #tpu.memory_space<vmem>>) target_semaphore(%arg14 : memref<!tpu.dma_semaphore, #tpu.memory_space<semaphore_mem>>)
      %dma_wait3A_423 = arith.constant 0 : i32
      %dma_wait3A_424 = arith.constant 1 : i32
      %dma_wait3A_425 = arith.constant 0 : i32
      %dma_wait3A_426 = tpu.memref_slice %arg7[%dma_wait3A_423, %dma_wait3A_424, %dma_wait3A_425] : memref<4x2x128xi32, #tpu.memory_space<vmem>> -> memref<1x1x128xi32, #tpu.memory_space<vmem>>
      %dma_wait3A_427 = tpu.memref_squeeze %dma_wait3A_426 : memref<1x1x128xi32, #tpu.memory_space<vmem>> -> memref<128xi32, #tpu.memory_space<vmem>>
      %dma_wait3A_428 = arith.constant 0 : i32
      %dma_wait3A_429 = arith.constant 0 : i32
      %dma_wait3A_430 = tpu.memref_slice %arg10[%dma_wait3A_428, %dma_wait3A_429] : memref<10112x128xf32, #tpu.memory_space<vmem_shared>> -> memref<10112x128xf32, #tpu.memory_space<vmem_shared>>
      tpu.wait_indirect_dma semaphore(%arg17 : memref<!tpu.dma_semaphore, #tpu.memory_space<semaphore_mem>>) src(%arg8 : memref<128x128xf32, #tpu.memory_space<vmem>>) dst(%dma_wait3A_430 : memref<10112x128xf32, #tpu.memory_space<vmem_shared>>)
      %dma_wait3A_431 = arith.constant 106 : i32
      %dma_wait3A_432 = arith.constant 2 : i32
      %dma_wait3A_433 = arith.constant 0 : i32
      %dma_wait3A_434 = arith.constant 0 : i32
      %dma_wait3A_435 = tpu.memref_slice %arg7[%dma_wait3A_432, %dma_wait3A_433, %dma_wait3A_434] : memref<4x2x128xi32, #tpu.memory_space<vmem>> -> memref<1x2x128xi32, #tpu.memory_space<vmem>>
      %dma_wait3A_436 = tpu.memref_squeeze %dma_wait3A_435 : memref<1x2x128xi32, #tpu.memory_space<vmem>> -> memref<2x128xi32, #tpu.memory_space<vmem>>
      %dma_wait3A_437 = arith.constant 0 : i32
      %dma_wait3A_438 = arith.constant 0 : i32
      %dma_wait3A_439 = tpu.memref_slice %arg2[%arg1, %dma_wait3A_431, %dma_wait3A_437, %dma_wait3A_438] : memref<16x112x2x128xi32, #tpu.memory_space<hbm>> -> memref<1x1x2x128xi32, #tpu.memory_space<hbm>>
      %dma_wait3A_440 = tpu.memref_squeeze %dma_wait3A_439 : memref<1x1x2x128xi32, #tpu.memory_space<hbm>> -> memref<2x128xi32, #tpu.memory_space<hbm>>
      %dma_wait3A_441 = arith.constant 0 : i32
      %dma_wait3A_442 = arith.constant 0 : i32
      %dma_wait3A_443 = tpu.memref_slice %arg7[%dma_wait3A_432, %dma_wait3A_441, %dma_wait3A_442] : memref<4x2x128xi32, #tpu.memory_space<vmem>> -> memref<1x2x128xi32, #tpu.memory_space<vmem>>
      %dma_wait3A_444 = tpu.memref_squeeze %dma_wait3A_443 : memref<1x2x128xi32, #tpu.memory_space<vmem>> -> memref<2x128xi32, #tpu.memory_space<vmem>>
      %dma_wait3A_445 = arith.constant 0 : i32
      %dma_wait3A_446 = arith.constant 0 : i32
      %dma_wait3A_447 = tpu.memref_slice %arg2[%arg1, %dma_wait3A_431, %dma_wait3A_445, %dma_wait3A_446] : memref<16x112x2x128xi32, #tpu.memory_space<hbm>> -> memref<1x1x2x128xi32, #tpu.memory_space<hbm>>
      %dma_wait3A_448 = tpu.memref_squeeze %dma_wait3A_447 : memref<1x1x2x128xi32, #tpu.memory_space<hbm>> -> memref<2x128xi32, #tpu.memory_space<hbm>>
      tpu.wait_dma2 semaphore(%arg13 : memref<!tpu.dma_semaphore, #tpu.memory_space<semaphore_mem>>) src(%dma_wait3A_448 : memref<2x128xi32, #tpu.memory_space<hbm>>) dst(%dma_wait3A_444 : memref<2x128xi32, #tpu.memory_space<vmem>>)
      %dma_start3A_449 = arith.constant 2 : i32
      %dma_start3A_450 = arith.constant 0 : i32
      %dma_start3A_451 = arith.constant 0 : i32
      %dma_start3A_452 = tpu.memref_slice %arg7[%dma_start3A_449, %dma_start3A_450, %dma_start3A_451] : memref<4x2x128xi32, #tpu.memory_space<vmem>> -> memref<1x1x128xi32, #tpu.memory_space<vmem>>
      %dma_start3A_453 = tpu.memref_squeeze %dma_start3A_452 : memref<1x1x128xi32, #tpu.memory_space<vmem>> -> memref<128xi32, #tpu.memory_space<vmem>>
      %dma_start3A_454 = arith.constant 0 : i32
      %dma_start3A_455 = arith.constant 0 : i32
      %dma_start3A_456 = tpu.memref_slice %arg4[%dma_start3A_454, %dma_start3A_455] : memref<10000x128xf32, #tpu.memory_space<hbm>> -> memref<10000x128xf32, #tpu.memory_space<hbm>>
      tpu.enqueue_indirect_dma source(%dma_start3A_456 : memref<10000x128xf32, #tpu.memory_space<hbm>>) target(%arg8 : memref<128x128xf32, #tpu.memory_space<vmem>>) offsets(%dma_start3A_453 : memref<128xi32, #tpu.memory_space<vmem>>) semaphore(%arg15 : memref<!tpu.dma_semaphore, #tpu.memory_space<semaphore_mem>>)
      %dma_wait3A_457 = arith.constant 1 : i32
      %dma_wait3A_458 = arith.constant 0 : i32
      %dma_wait3A_459 = arith.constant 0 : i32
      %dma_wait3A_460 = tpu.memref_slice %arg7[%dma_wait3A_457, %dma_wait3A_458, %dma_wait3A_459] : memref<4x2x128xi32, #tpu.memory_space<vmem>> -> memref<1x1x128xi32, #tpu.memory_space<vmem>>
      %dma_wait3A_461 = tpu.memref_squeeze %dma_wait3A_460 : memref<1x1x128xi32, #tpu.memory_space<vmem>> -> memref<128xi32, #tpu.memory_space<vmem>>
      %dma_wait3A_462 = arith.constant 0 : i32
      %dma_wait3A_463 = arith.constant 0 : i32
      %dma_wait3A_464 = tpu.memref_slice %arg4[%dma_wait3A_462, %dma_wait3A_463] : memref<10000x128xf32, #tpu.memory_space<hbm>> -> memref<10000x128xf32, #tpu.memory_space<hbm>>
      tpu.wait_indirect_dma semaphore(%arg16 : memref<!tpu.dma_semaphore, #tpu.memory_space<semaphore_mem>>) src(%dma_wait3A_464 : memref<10000x128xf32, #tpu.memory_space<hbm>>) dst(%arg9 : memref<128x128xf32, #tpu.memory_space<vmem>>)
      %dma_start3A_465 = arith.constant 1 : i32
      %dma_start3A_466 = arith.constant 1 : i32
      %dma_start3A_467 = arith.constant 0 : i32
      %dma_start3A_468 = tpu.memref_slice %arg7[%dma_start3A_465, %dma_start3A_466, %dma_start3A_467] : memref<4x2x128xi32, #tpu.memory_space<vmem>> -> memref<1x1x128xi32, #tpu.memory_space<vmem>>
      %dma_start3A_469 = tpu.memref_squeeze %dma_start3A_468 : memref<1x1x128xi32, #tpu.memory_space<vmem>> -> memref<128xi32, #tpu.memory_space<vmem>>
      %dma_start3A_470 = arith.constant 0 : i32
      %dma_start3A_471 = arith.constant 0 : i32
      %dma_start3A_472 = tpu.memref_slice %arg10[%dma_start3A_470, %dma_start3A_471] : memref<10112x128xf32, #tpu.memory_space<vmem_shared>> -> memref<10112x128xf32, #tpu.memory_space<vmem_shared>>
      tpu.enqueue_indirect_dma source(%arg9 : memref<128x128xf32, #tpu.memory_space<vmem>>) target(%dma_start3A_472 : memref<10112x128xf32, #tpu.memory_space<vmem_shared>>) offsets(%dma_start3A_469 : memref<128xi32, #tpu.memory_space<vmem>>) semaphore(%arg18 : memref<!tpu.dma_semaphore, #tpu.memory_space<semaphore_mem>>) {add = true}
      %dma_start3A_473 = arith.constant 108 : i32
      %dma_start3A_474 = arith.constant 0 : i32
      %dma_start3A_475 = arith.constant 0 : i32
      %dma_start3A_476 = arith.constant 0 : i32
      %dma_start3A_477 = tpu.memref_slice %arg7[%dma_start3A_474, %dma_start3A_475, %dma_start3A_476] : memref<4x2x128xi32, #tpu.memory_space<vmem>> -> memref<1x2x128xi32, #tpu.memory_space<vmem>>
      %dma_start3A_478 = tpu.memref_squeeze %dma_start3A_477 : memref<1x2x128xi32, #tpu.memory_space<vmem>> -> memref<2x128xi32, #tpu.memory_space<vmem>>
      %dma_start3A_479 = arith.constant 0 : i32
      %dma_start3A_480 = arith.constant 0 : i32
      %dma_start3A_481 = tpu.memref_slice %arg2[%arg1, %dma_start3A_473, %dma_start3A_479, %dma_start3A_480] : memref<16x112x2x128xi32, #tpu.memory_space<hbm>> -> memref<1x1x2x128xi32, #tpu.memory_space<hbm>>
      %dma_start3A_482 = tpu.memref_squeeze %dma_start3A_481 : memref<1x1x2x128xi32, #tpu.memory_space<hbm>> -> memref<2x128xi32, #tpu.memory_space<hbm>>
      %dma_start3A_483 = arith.constant 0 : i32
      %dma_start3A_484 = arith.constant 0 : i32
      %dma_start3A_485 = tpu.memref_slice %arg7[%dma_start3A_474, %dma_start3A_483, %dma_start3A_484] : memref<4x2x128xi32, #tpu.memory_space<vmem>> -> memref<1x2x128xi32, #tpu.memory_space<vmem>>
      %dma_start3A_486 = tpu.memref_squeeze %dma_start3A_485 : memref<1x2x128xi32, #tpu.memory_space<vmem>> -> memref<2x128xi32, #tpu.memory_space<vmem>>
      %dma_start3A_487 = arith.constant 0 : i32
      %dma_start3A_488 = arith.constant 0 : i32
      %dma_start3A_489 = tpu.memref_slice %arg2[%arg1, %dma_start3A_473, %dma_start3A_487, %dma_start3A_488] : memref<16x112x2x128xi32, #tpu.memory_space<hbm>> -> memref<1x1x2x128xi32, #tpu.memory_space<hbm>>
      %dma_start3A_490 = tpu.memref_squeeze %dma_start3A_489 : memref<1x1x2x128xi32, #tpu.memory_space<hbm>> -> memref<2x128xi32, #tpu.memory_space<hbm>>
      tpu.enqueue_dma source(%dma_start3A_490 : memref<2x128xi32, #tpu.memory_space<hbm>>) target(%dma_start3A_486 : memref<2x128xi32, #tpu.memory_space<vmem>>) target_semaphore(%arg11 : memref<!tpu.dma_semaphore, #tpu.memory_space<semaphore_mem>>)
      %dma_wait3A_491 = arith.constant 1 : i32
      %dma_wait3A_492 = arith.constant 1 : i32
      %dma_wait3A_493 = arith.constant 0 : i32
      %dma_wait3A_494 = tpu.memref_slice %arg7[%dma_wait3A_491, %dma_wait3A_492, %dma_wait3A_493] : memref<4x2x128xi32, #tpu.memory_space<vmem>> -> memref<1x1x128xi32, #tpu.memory_space<vmem>>
      %dma_wait3A_495 = tpu.memref_squeeze %dma_wait3A_494 : memref<1x1x128xi32, #tpu.memory_space<vmem>> -> memref<128xi32, #tpu.memory_space<vmem>>
      %dma_wait3A_496 = arith.constant 0 : i32
      %dma_wait3A_497 = arith.constant 0 : i32
      %dma_wait3A_498 = tpu.memref_slice %arg10[%dma_wait3A_496, %dma_wait3A_497] : memref<10112x128xf32, #tpu.memory_space<vmem_shared>> -> memref<10112x128xf32, #tpu.memory_space<vmem_shared>>
      tpu.wait_indirect_dma semaphore(%arg18 : memref<!tpu.dma_semaphore, #tpu.memory_space<semaphore_mem>>) src(%arg9 : memref<128x128xf32, #tpu.memory_space<vmem>>) dst(%dma_wait3A_498 : memref<10112x128xf32, #tpu.memory_space<vmem_shared>>)
      %dma_wait3A_499 = arith.constant 107 : i32
      %dma_wait3A_500 = arith.constant 3 : i32
      %dma_wait3A_501 = arith.constant 0 : i32
      %dma_wait3A_502 = arith.constant 0 : i32
      %dma_wait3A_503 = tpu.memref_slice %arg7[%dma_wait3A_500, %dma_wait3A_501, %dma_wait3A_502] : memref<4x2x128xi32, #tpu.memory_space<vmem>> -> memref<1x2x128xi32, #tpu.memory_space<vmem>>
      %dma_wait3A_504 = tpu.memref_squeeze %dma_wait3A_503 : memref<1x2x128xi32, #tpu.memory_space<vmem>> -> memref<2x128xi32, #tpu.memory_space<vmem>>
      %dma_wait3A_505 = arith.constant 0 : i32
      %dma_wait3A_506 = arith.constant 0 : i32
      %dma_wait3A_507 = tpu.memref_slice %arg2[%arg1, %dma_wait3A_499, %dma_wait3A_505, %dma_wait3A_506] : memref<16x112x2x128xi32, #tpu.memory_space<hbm>> -> memref<1x1x2x128xi32, #tpu.memory_space<hbm>>
      %dma_wait3A_508 = tpu.memref_squeeze %dma_wait3A_507 : memref<1x1x2x128xi32, #tpu.memory_space<hbm>> -> memref<2x128xi32, #tpu.memory_space<hbm>>
      %dma_wait3A_509 = arith.constant 0 : i32
      %dma_wait3A_510 = arith.constant 0 : i32
      %dma_wait3A_511 = tpu.memref_slice %arg7[%dma_wait3A_500, %dma_wait3A_509, %dma_wait3A_510] : memref<4x2x128xi32, #tpu.memory_space<vmem>> -> memref<1x2x128xi32, #tpu.memory_space<vmem>>
      %dma_wait3A_512 = tpu.memref_squeeze %dma_wait3A_511 : memref<1x2x128xi32, #tpu.memory_space<vmem>> -> memref<2x128xi32, #tpu.memory_space<vmem>>
      %dma_wait3A_513 = arith.constant 0 : i32
      %dma_wait3A_514 = arith.constant 0 : i32
      %dma_wait3A_515 = tpu.memref_slice %arg2[%arg1, %dma_wait3A_499, %dma_wait3A_513, %dma_wait3A_514] : memref<16x112x2x128xi32, #tpu.memory_space<hbm>> -> memref<1x1x2x128xi32, #tpu.memory_space<hbm>>
      %dma_wait3A_516 = tpu.memref_squeeze %dma_wait3A_515 : memref<1x1x2x128xi32, #tpu.memory_space<hbm>> -> memref<2x128xi32, #tpu.memory_space<hbm>>
      tpu.wait_dma2 semaphore(%arg14 : memref<!tpu.dma_semaphore, #tpu.memory_space<semaphore_mem>>) src(%dma_wait3A_516 : memref<2x128xi32, #tpu.memory_space<hbm>>) dst(%dma_wait3A_512 : memref<2x128xi32, #tpu.memory_space<vmem>>)
      %dma_start3A_517 = arith.constant 3 : i32
      %dma_start3A_518 = arith.constant 0 : i32
      %dma_start3A_519 = arith.constant 0 : i32
      %dma_start3A_520 = tpu.memref_slice %arg7[%dma_start3A_517, %dma_start3A_518, %dma_start3A_519] : memref<4x2x128xi32, #tpu.memory_space<vmem>> -> memref<1x1x128xi32, #tpu.memory_space<vmem>>
      %dma_start3A_521 = tpu.memref_squeeze %dma_start3A_520 : memref<1x1x128xi32, #tpu.memory_space<vmem>> -> memref<128xi32, #tpu.memory_space<vmem>>
      %dma_start3A_522 = arith.constant 0 : i32
      %dma_start3A_523 = arith.constant 0 : i32
      %dma_start3A_524 = tpu.memref_slice %arg4[%dma_start3A_522, %dma_start3A_523] : memref<10000x128xf32, #tpu.memory_space<hbm>> -> memref<10000x128xf32, #tpu.memory_space<hbm>>
      tpu.enqueue_indirect_dma source(%dma_start3A_524 : memref<10000x128xf32, #tpu.memory_space<hbm>>) target(%arg9 : memref<128x128xf32, #tpu.memory_space<vmem>>) offsets(%dma_start3A_521 : memref<128xi32, #tpu.memory_space<vmem>>) semaphore(%arg16 : memref<!tpu.dma_semaphore, #tpu.memory_space<semaphore_mem>>)
      %dma_wait3A_525 = arith.constant 2 : i32
      %dma_wait3A_526 = arith.constant 0 : i32
      %dma_wait3A_527 = arith.constant 0 : i32
      %dma_wait3A_528 = tpu.memref_slice %arg7[%dma_wait3A_525, %dma_wait3A_526, %dma_wait3A_527] : memref<4x2x128xi32, #tpu.memory_space<vmem>> -> memref<1x1x128xi32, #tpu.memory_space<vmem>>
      %dma_wait3A_529 = tpu.memref_squeeze %dma_wait3A_528 : memref<1x1x128xi32, #tpu.memory_space<vmem>> -> memref<128xi32, #tpu.memory_space<vmem>>
      %dma_wait3A_530 = arith.constant 0 : i32
      %dma_wait3A_531 = arith.constant 0 : i32
      %dma_wait3A_532 = tpu.memref_slice %arg4[%dma_wait3A_530, %dma_wait3A_531] : memref<10000x128xf32, #tpu.memory_space<hbm>> -> memref<10000x128xf32, #tpu.memory_space<hbm>>
      tpu.wait_indirect_dma semaphore(%arg15 : memref<!tpu.dma_semaphore, #tpu.memory_space<semaphore_mem>>) src(%dma_wait3A_532 : memref<10000x128xf32, #tpu.memory_space<hbm>>) dst(%arg8 : memref<128x128xf32, #tpu.memory_space<vmem>>)
      %dma_start3A_533 = arith.constant 2 : i32
      %dma_start3A_534 = arith.constant 1 : i32
      %dma_start3A_535 = arith.constant 0 : i32
      %dma_start3A_536 = tpu.memref_slice %arg7[%dma_start3A_533, %dma_start3A_534, %dma_start3A_535] : memref<4x2x128xi32, #tpu.memory_space<vmem>> -> memref<1x1x128xi32, #tpu.memory_space<vmem>>
      %dma_start3A_537 = tpu.memref_squeeze %dma_start3A_536 : memref<1x1x128xi32, #tpu.memory_space<vmem>> -> memref<128xi32, #tpu.memory_space<vmem>>
      %dma_start3A_538 = arith.constant 0 : i32
      %dma_start3A_539 = arith.constant 0 : i32
      %dma_start3A_540 = tpu.memref_slice %arg10[%dma_start3A_538, %dma_start3A_539] : memref<10112x128xf32, #tpu.memory_space<vmem_shared>> -> memref<10112x128xf32, #tpu.memory_space<vmem_shared>>
      tpu.enqueue_indirect_dma source(%arg8 : memref<128x128xf32, #tpu.memory_space<vmem>>) target(%dma_start3A_540 : memref<10112x128xf32, #tpu.memory_space<vmem_shared>>) offsets(%dma_start3A_537 : memref<128xi32, #tpu.memory_space<vmem>>) semaphore(%arg17 : memref<!tpu.dma_semaphore, #tpu.memory_space<semaphore_mem>>) {add = true}
      %dma_start3A_541 = arith.constant 109 : i32
      %dma_start3A_542 = arith.constant 1 : i32
      %dma_start3A_543 = arith.constant 0 : i32
      %dma_start3A_544 = arith.constant 0 : i32
      %dma_start3A_545 = tpu.memref_slice %arg7[%dma_start3A_542, %dma_start3A_543, %dma_start3A_544] : memref<4x2x128xi32, #tpu.memory_space<vmem>> -> memref<1x2x128xi32, #tpu.memory_space<vmem>>
      %dma_start3A_546 = tpu.memref_squeeze %dma_start3A_545 : memref<1x2x128xi32, #tpu.memory_space<vmem>> -> memref<2x128xi32, #tpu.memory_space<vmem>>
      %dma_start3A_547 = arith.constant 0 : i32
      %dma_start3A_548 = arith.constant 0 : i32
      %dma_start3A_549 = tpu.memref_slice %arg2[%arg1, %dma_start3A_541, %dma_start3A_547, %dma_start3A_548] : memref<16x112x2x128xi32, #tpu.memory_space<hbm>> -> memref<1x1x2x128xi32, #tpu.memory_space<hbm>>
      %dma_start3A_550 = tpu.memref_squeeze %dma_start3A_549 : memref<1x1x2x128xi32, #tpu.memory_space<hbm>> -> memref<2x128xi32, #tpu.memory_space<hbm>>
      %dma_start3A_551 = arith.constant 0 : i32
      %dma_start3A_552 = arith.constant 0 : i32
      %dma_start3A_553 = tpu.memref_slice %arg7[%dma_start3A_542, %dma_start3A_551, %dma_start3A_552] : memref<4x2x128xi32, #tpu.memory_space<vmem>> -> memref<1x2x128xi32, #tpu.memory_space<vmem>>
      %dma_start3A_554 = tpu.memref_squeeze %dma_start3A_553 : memref<1x2x128xi32, #tpu.memory_space<vmem>> -> memref<2x128xi32, #tpu.memory_space<vmem>>
      %dma_start3A_555 = arith.constant 0 : i32
      %dma_start3A_556 = arith.constant 0 : i32
      %dma_start3A_557 = tpu.memref_slice %arg2[%arg1, %dma_start3A_541, %dma_start3A_555, %dma_start3A_556] : memref<16x112x2x128xi32, #tpu.memory_space<hbm>> -> memref<1x1x2x128xi32, #tpu.memory_space<hbm>>
      %dma_start3A_558 = tpu.memref_squeeze %dma_start3A_557 : memref<1x1x2x128xi32, #tpu.memory_space<hbm>> -> memref<2x128xi32, #tpu.memory_space<hbm>>
      tpu.enqueue_dma source(%dma_start3A_558 : memref<2x128xi32, #tpu.memory_space<hbm>>) target(%dma_start3A_554 : memref<2x128xi32, #tpu.memory_space<vmem>>) target_semaphore(%arg12 : memref<!tpu.dma_semaphore, #tpu.memory_space<semaphore_mem>>)
      %dma_wait3A_559 = arith.constant 2 : i32
      %dma_wait3A_560 = arith.constant 1 : i32
      %dma_wait3A_561 = arith.constant 0 : i32
      %dma_wait3A_562 = tpu.memref_slice %arg7[%dma_wait3A_559, %dma_wait3A_560, %dma_wait3A_561] : memref<4x2x128xi32, #tpu.memory_space<vmem>> -> memref<1x1x128xi32, #tpu.memory_space<vmem>>
      %dma_wait3A_563 = tpu.memref_squeeze %dma_wait3A_562 : memref<1x1x128xi32, #tpu.memory_space<vmem>> -> memref<128xi32, #tpu.memory_space<vmem>>
      %dma_wait3A_564 = arith.constant 0 : i32
      %dma_wait3A_565 = arith.constant 0 : i32
      %dma_wait3A_566 = tpu.memref_slice %arg10[%dma_wait3A_564, %dma_wait3A_565] : memref<10112x128xf32, #tpu.memory_space<vmem_shared>> -> memref<10112x128xf32, #tpu.memory_space<vmem_shared>>
      tpu.wait_indirect_dma semaphore(%arg17 : memref<!tpu.dma_semaphore, #tpu.memory_space<semaphore_mem>>) src(%arg8 : memref<128x128xf32, #tpu.memory_space<vmem>>) dst(%dma_wait3A_566 : memref<10112x128xf32, #tpu.memory_space<vmem_shared>>)
      %dma_wait3A_567 = arith.constant 108 : i32
      %dma_wait3A_568 = arith.constant 0 : i32
      %dma_wait3A_569 = arith.constant 0 : i32
      %dma_wait3A_570 = arith.constant 0 : i32
      %dma_wait3A_571 = tpu.memref_slice %arg7[%dma_wait3A_568, %dma_wait3A_569, %dma_wait3A_570] : memref<4x2x128xi32, #tpu.memory_space<vmem>> -> memref<1x2x128xi32, #tpu.memory_space<vmem>>
      %dma_wait3A_572 = tpu.memref_squeeze %dma_wait3A_571 : memref<1x2x128xi32, #tpu.memory_space<vmem>> -> memref<2x128xi32, #tpu.memory_space<vmem>>
      %dma_wait3A_573 = arith.constant 0 : i32
      %dma_wait3A_574 = arith.constant 0 : i32
      %dma_wait3A_575 = tpu.memref_slice %arg2[%arg1, %dma_wait3A_567, %dma_wait3A_573, %dma_wait3A_574] : memref<16x112x2x128xi32, #tpu.memory_space<hbm>> -> memref<1x1x2x128xi32, #tpu.memory_space<hbm>>
      %dma_wait3A_576 = tpu.memref_squeeze %dma_wait3A_575 : memref<1x1x2x128xi32, #tpu.memory_space<hbm>> -> memref<2x128xi32, #tpu.memory_space<hbm>>
      %dma_wait3A_577 = arith.constant 0 : i32
      %dma_wait3A_578 = arith.constant 0 : i32
      %dma_wait3A_579 = tpu.memref_slice %arg7[%dma_wait3A_568, %dma_wait3A_577, %dma_wait3A_578] : memref<4x2x128xi32, #tpu.memory_space<vmem>> -> memref<1x2x128xi32, #tpu.memory_space<vmem>>
      %dma_wait3A_580 = tpu.memref_squeeze %dma_wait3A_579 : memref<1x2x128xi32, #tpu.memory_space<vmem>> -> memref<2x128xi32, #tpu.memory_space<vmem>>
      %dma_wait3A_581 = arith.constant 0 : i32
      %dma_wait3A_582 = arith.constant 0 : i32
      %dma_wait3A_583 = tpu.memref_slice %arg2[%arg1, %dma_wait3A_567, %dma_wait3A_581, %dma_wait3A_582] : memref<16x112x2x128xi32, #tpu.memory_space<hbm>> -> memref<1x1x2x128xi32, #tpu.memory_space<hbm>>
      %dma_wait3A_584 = tpu.memref_squeeze %dma_wait3A_583 : memref<1x1x2x128xi32, #tpu.memory_space<hbm>> -> memref<2x128xi32, #tpu.memory_space<hbm>>
      tpu.wait_dma2 semaphore(%arg11 : memref<!tpu.dma_semaphore, #tpu.memory_space<semaphore_mem>>) src(%dma_wait3A_584 : memref<2x128xi32, #tpu.memory_space<hbm>>) dst(%dma_wait3A_580 : memref<2x128xi32, #tpu.memory_space<vmem>>)
      %dma_start3A_585 = arith.constant 0 : i32
      %dma_start3A_586 = arith.constant 0 : i32
      %dma_start3A_587 = arith.constant 0 : i32
      %dma_start3A_588 = tpu.memref_slice %arg7[%dma_start3A_585, %dma_start3A_586, %dma_start3A_587] : memref<4x2x128xi32, #tpu.memory_space<vmem>> -> memref<1x1x128xi32, #tpu.memory_space<vmem>>
      %dma_start3A_589 = tpu.memref_squeeze %dma_start3A_588 : memref<1x1x128xi32, #tpu.memory_space<vmem>> -> memref<128xi32, #tpu.memory_space<vmem>>
      %dma_start3A_590 = arith.constant 0 : i32
      %dma_start3A_591 = arith.constant 0 : i32
      %dma_start3A_592 = tpu.memref_slice %arg4[%dma_start3A_590, %dma_start3A_591] : memref<10000x128xf32, #tpu.memory_space<hbm>> -> memref<10000x128xf32, #tpu.memory_space<hbm>>
      tpu.enqueue_indirect_dma source(%dma_start3A_592 : memref<10000x128xf32, #tpu.memory_space<hbm>>) target(%arg8 : memref<128x128xf32, #tpu.memory_space<vmem>>) offsets(%dma_start3A_589 : memref<128xi32, #tpu.memory_space<vmem>>) semaphore(%arg15 : memref<!tpu.dma_semaphore, #tpu.memory_space<semaphore_mem>>)
      %dma_wait3A_593 = arith.constant 3 : i32
      %dma_wait3A_594 = arith.constant 0 : i32
      %dma_wait3A_595 = arith.constant 0 : i32
      %dma_wait3A_596 = tpu.memref_slice %arg7[%dma_wait3A_593, %dma_wait3A_594, %dma_wait3A_595] : memref<4x2x128xi32, #tpu.memory_space<vmem>> -> memref<1x1x128xi32, #tpu.memory_space<vmem>>
      %dma_wait3A_597 = tpu.memref_squeeze %dma_wait3A_596 : memref<1x1x128xi32, #tpu.memory_space<vmem>> -> memref<128xi32, #tpu.memory_space<vmem>>
      %dma_wait3A_598 = arith.constant 0 : i32
      %dma_wait3A_599 = arith.constant 0 : i32
      %dma_wait3A_600 = tpu.memref_slice %arg4[%dma_wait3A_598, %dma_wait3A_599] : memref<10000x128xf32, #tpu.memory_space<hbm>> -> memref<10000x128xf32, #tpu.memory_space<hbm>>
      tpu.wait_indirect_dma semaphore(%arg16 : memref<!tpu.dma_semaphore, #tpu.memory_space<semaphore_mem>>) src(%dma_wait3A_600 : memref<10000x128xf32, #tpu.memory_space<hbm>>) dst(%arg9 : memref<128x128xf32, #tpu.memory_space<vmem>>)
      %dma_start3A_601 = arith.constant 3 : i32
      %dma_start3A_602 = arith.constant 1 : i32
      %dma_start3A_603 = arith.constant 0 : i32
      %dma_start3A_604 = tpu.memref_slice %arg7[%dma_start3A_601, %dma_start3A_602, %dma_start3A_603] : memref<4x2x128xi32, #tpu.memory_space<vmem>> -> memref<1x1x128xi32, #tpu.memory_space<vmem>>
      %dma_start3A_605 = tpu.memref_squeeze %dma_start3A_604 : memref<1x1x128xi32, #tpu.memory_space<vmem>> -> memref<128xi32, #tpu.memory_space<vmem>>
      %dma_start3A_606 = arith.constant 0 : i32
      %dma_start3A_607 = arith.constant 0 : i32
      %dma_start3A_608 = tpu.memref_slice %arg10[%dma_start3A_606, %dma_start3A_607] : memref<10112x128xf32, #tpu.memory_space<vmem_shared>> -> memref<10112x128xf32, #tpu.memory_space<vmem_shared>>
      tpu.enqueue_indirect_dma source(%arg9 : memref<128x128xf32, #tpu.memory_space<vmem>>) target(%dma_start3A_608 : memref<10112x128xf32, #tpu.memory_space<vmem_shared>>) offsets(%dma_start3A_605 : memref<128xi32, #tpu.memory_space<vmem>>) semaphore(%arg18 : memref<!tpu.dma_semaphore, #tpu.memory_space<semaphore_mem>>) {add = true}
      %dma_start3A_609 = arith.constant 110 : i32
      %dma_start3A_610 = arith.constant 2 : i32
      %dma_start3A_611 = arith.constant 0 : i32
      %dma_start3A_612 = arith.constant 0 : i32
      %dma_start3A_613 = tpu.memref_slice %arg7[%dma_start3A_610, %dma_start3A_611, %dma_start3A_612] : memref<4x2x128xi32, #tpu.memory_space<vmem>> -> memref<1x2x128xi32, #tpu.memory_space<vmem>>
      %dma_start3A_614 = tpu.memref_squeeze %dma_start3A_613 : memref<1x2x128xi32, #tpu.memory_space<vmem>> -> memref<2x128xi32, #tpu.memory_space<vmem>>
      %dma_start3A_615 = arith.constant 0 : i32
      %dma_start3A_616 = arith.constant 0 : i32
      %dma_start3A_617 = tpu.memref_slice %arg2[%arg1, %dma_start3A_609, %dma_start3A_615, %dma_start3A_616] : memref<16x112x2x128xi32, #tpu.memory_space<hbm>> -> memref<1x1x2x128xi32, #tpu.memory_space<hbm>>
      %dma_start3A_618 = tpu.memref_squeeze %dma_start3A_617 : memref<1x1x2x128xi32, #tpu.memory_space<hbm>> -> memref<2x128xi32, #tpu.memory_space<hbm>>
      %dma_start3A_619 = arith.constant 0 : i32
      %dma_start3A_620 = arith.constant 0 : i32
      %dma_start3A_621 = tpu.memref_slice %arg7[%dma_start3A_610, %dma_start3A_619, %dma_start3A_620] : memref<4x2x128xi32, #tpu.memory_space<vmem>> -> memref<1x2x128xi32, #tpu.memory_space<vmem>>
      %dma_start3A_622 = tpu.memref_squeeze %dma_start3A_621 : memref<1x2x128xi32, #tpu.memory_space<vmem>> -> memref<2x128xi32, #tpu.memory_space<vmem>>
      %dma_start3A_623 = arith.constant 0 : i32
      %dma_start3A_624 = arith.constant 0 : i32
      %dma_start3A_625 = tpu.memref_slice %arg2[%arg1, %dma_start3A_609, %dma_start3A_623, %dma_start3A_624] : memref<16x112x2x128xi32, #tpu.memory_space<hbm>> -> memref<1x1x2x128xi32, #tpu.memory_space<hbm>>
      %dma_start3A_626 = tpu.memref_squeeze %dma_start3A_625 : memref<1x1x2x128xi32, #tpu.memory_space<hbm>> -> memref<2x128xi32, #tpu.memory_space<hbm>>
      tpu.enqueue_dma source(%dma_start3A_626 : memref<2x128xi32, #tpu.memory_space<hbm>>) target(%dma_start3A_622 : memref<2x128xi32, #tpu.memory_space<vmem>>) target_semaphore(%arg13 : memref<!tpu.dma_semaphore, #tpu.memory_space<semaphore_mem>>)
      %dma_wait3A_627 = arith.constant 3 : i32
      %dma_wait3A_628 = arith.constant 1 : i32
      %dma_wait3A_629 = arith.constant 0 : i32
      %dma_wait3A_630 = tpu.memref_slice %arg7[%dma_wait3A_627, %dma_wait3A_628, %dma_wait3A_629] : memref<4x2x128xi32, #tpu.memory_space<vmem>> -> memref<1x1x128xi32, #tpu.memory_space<vmem>>
      %dma_wait3A_631 = tpu.memref_squeeze %dma_wait3A_630 : memref<1x1x128xi32, #tpu.memory_space<vmem>> -> memref<128xi32, #tpu.memory_space<vmem>>
      %dma_wait3A_632 = arith.constant 0 : i32
      %dma_wait3A_633 = arith.constant 0 : i32
      %dma_wait3A_634 = tpu.memref_slice %arg10[%dma_wait3A_632, %dma_wait3A_633] : memref<10112x128xf32, #tpu.memory_space<vmem_shared>> -> memref<10112x128xf32, #tpu.memory_space<vmem_shared>>
      tpu.wait_indirect_dma semaphore(%arg18 : memref<!tpu.dma_semaphore, #tpu.memory_space<semaphore_mem>>) src(%arg9 : memref<128x128xf32, #tpu.memory_space<vmem>>) dst(%dma_wait3A_634 : memref<10112x128xf32, #tpu.memory_space<vmem_shared>>)
      %dma_wait3A_635 = arith.constant 109 : i32
      %dma_wait3A_636 = arith.constant 1 : i32
      %dma_wait3A_637 = arith.constant 0 : i32
      %dma_wait3A_638 = arith.constant 0 : i32
      %dma_wait3A_639 = tpu.memref_slice %arg7[%dma_wait3A_636, %dma_wait3A_637, %dma_wait3A_638] : memref<4x2x128xi32, #tpu.memory_space<vmem>> -> memref<1x2x128xi32, #tpu.memory_space<vmem>>
      %dma_wait3A_640 = tpu.memref_squeeze %dma_wait3A_639 : memref<1x2x128xi32, #tpu.memory_space<vmem>> -> memref<2x128xi32, #tpu.memory_space<vmem>>
      %dma_wait3A_641 = arith.constant 0 : i32
      %dma_wait3A_642 = arith.constant 0 : i32
      %dma_wait3A_643 = tpu.memref_slice %arg2[%arg1, %dma_wait3A_635, %dma_wait3A_641, %dma_wait3A_642] : memref<16x112x2x128xi32, #tpu.memory_space<hbm>> -> memref<1x1x2x128xi32, #tpu.memory_space<hbm>>
      %dma_wait3A_644 = tpu.memref_squeeze %dma_wait3A_643 : memref<1x1x2x128xi32, #tpu.memory_space<hbm>> -> memref<2x128xi32, #tpu.memory_space<hbm>>
      %dma_wait3A_645 = arith.constant 0 : i32
      %dma_wait3A_646 = arith.constant 0 : i32
      %dma_wait3A_647 = tpu.memref_slice %arg7[%dma_wait3A_636, %dma_wait3A_645, %dma_wait3A_646] : memref<4x2x128xi32, #tpu.memory_space<vmem>> -> memref<1x2x128xi32, #tpu.memory_space<vmem>>
      %dma_wait3A_648 = tpu.memref_squeeze %dma_wait3A_647 : memref<1x2x128xi32, #tpu.memory_space<vmem>> -> memref<2x128xi32, #tpu.memory_space<vmem>>
      %dma_wait3A_649 = arith.constant 0 : i32
      %dma_wait3A_650 = arith.constant 0 : i32
      %dma_wait3A_651 = tpu.memref_slice %arg2[%arg1, %dma_wait3A_635, %dma_wait3A_649, %dma_wait3A_650] : memref<16x112x2x128xi32, #tpu.memory_space<hbm>> -> memref<1x1x2x128xi32, #tpu.memory_space<hbm>>
      %dma_wait3A_652 = tpu.memref_squeeze %dma_wait3A_651 : memref<1x1x2x128xi32, #tpu.memory_space<hbm>> -> memref<2x128xi32, #tpu.memory_space<hbm>>
      tpu.wait_dma2 semaphore(%arg12 : memref<!tpu.dma_semaphore, #tpu.memory_space<semaphore_mem>>) src(%dma_wait3A_652 : memref<2x128xi32, #tpu.memory_space<hbm>>) dst(%dma_wait3A_648 : memref<2x128xi32, #tpu.memory_space<vmem>>)
      %dma_start3A_653 = arith.constant 1 : i32
      %dma_start3A_654 = arith.constant 0 : i32
      %dma_start3A_655 = arith.constant 0 : i32
      %dma_start3A_656 = tpu.memref_slice %arg7[%dma_start3A_653, %dma_start3A_654, %dma_start3A_655] : memref<4x2x128xi32, #tpu.memory_space<vmem>> -> memref<1x1x128xi32, #tpu.memory_space<vmem>>
      %dma_start3A_657 = tpu.memref_squeeze %dma_start3A_656 : memref<1x1x128xi32, #tpu.memory_space<vmem>> -> memref<128xi32, #tpu.memory_space<vmem>>
      %dma_start3A_658 = arith.constant 0 : i32
      %dma_start3A_659 = arith.constant 0 : i32
      %dma_start3A_660 = tpu.memref_slice %arg4[%dma_start3A_658, %dma_start3A_659] : memref<10000x128xf32, #tpu.memory_space<hbm>> -> memref<10000x128xf32, #tpu.memory_space<hbm>>
      tpu.enqueue_indirect_dma source(%dma_start3A_660 : memref<10000x128xf32, #tpu.memory_space<hbm>>) target(%arg9 : memref<128x128xf32, #tpu.memory_space<vmem>>) offsets(%dma_start3A_657 : memref<128xi32, #tpu.memory_space<vmem>>) semaphore(%arg16 : memref<!tpu.dma_semaphore, #tpu.memory_space<semaphore_mem>>)
      %dma_wait3A_661 = arith.constant 0 : i32
      %dma_wait3A_662 = arith.constant 0 : i32
      %dma_wait3A_663 = arith.constant 0 : i32
      %dma_wait3A_664 = tpu.memref_slice %arg7[%dma_wait3A_661, %dma_wait3A_662, %dma_wait3A_663] : memref<4x2x128xi32, #tpu.memory_space<vmem>> -> memref<1x1x128xi32, #tpu.memory_space<vmem>>
      %dma_wait3A_665 = tpu.memref_squeeze %dma_wait3A_664 : memref<1x1x128xi32, #tpu.memory_space<vmem>> -> memref<128xi32, #tpu.memory_space<vmem>>
      %dma_wait3A_666 = arith.constant 0 : i32
      %dma_wait3A_667 = arith.constant 0 : i32
      %dma_wait3A_668 = tpu.memref_slice %arg4[%dma_wait3A_666, %dma_wait3A_667] : memref<10000x128xf32, #tpu.memory_space<hbm>> -> memref<10000x128xf32, #tpu.memory_space<hbm>>
      tpu.wait_indirect_dma semaphore(%arg15 : memref<!tpu.dma_semaphore, #tpu.memory_space<semaphore_mem>>) src(%dma_wait3A_668 : memref<10000x128xf32, #tpu.memory_space<hbm>>) dst(%arg8 : memref<128x128xf32, #tpu.memory_space<vmem>>)
      %dma_start3A_669 = arith.constant 0 : i32
      %dma_start3A_670 = arith.constant 1 : i32
      %dma_start3A_671 = arith.constant 0 : i32
      %dma_start3A_672 = tpu.memref_slice %arg7[%dma_start3A_669, %dma_start3A_670, %dma_start3A_671] : memref<4x2x128xi32, #tpu.memory_space<vmem>> -> memref<1x1x128xi32, #tpu.memory_space<vmem>>
      %dma_start3A_673 = tpu.memref_squeeze %dma_start3A_672 : memref<1x1x128xi32, #tpu.memory_space<vmem>> -> memref<128xi32, #tpu.memory_space<vmem>>
      %dma_start3A_674 = arith.constant 0 : i32
      %dma_start3A_675 = arith.constant 0 : i32
      %dma_start3A_676 = tpu.memref_slice %arg10[%dma_start3A_674, %dma_start3A_675] : memref<10112x128xf32, #tpu.memory_space<vmem_shared>> -> memref<10112x128xf32, #tpu.memory_space<vmem_shared>>
      tpu.enqueue_indirect_dma source(%arg8 : memref<128x128xf32, #tpu.memory_space<vmem>>) target(%dma_start3A_676 : memref<10112x128xf32, #tpu.memory_space<vmem_shared>>) offsets(%dma_start3A_673 : memref<128xi32, #tpu.memory_space<vmem>>) semaphore(%arg17 : memref<!tpu.dma_semaphore, #tpu.memory_space<semaphore_mem>>) {add = true}
      %dma_start3A_677 = arith.constant 111 : i32
      %dma_start3A_678 = arith.constant 3 : i32
      %dma_start3A_679 = arith.constant 0 : i32
      %dma_start3A_680 = arith.constant 0 : i32
      %dma_start3A_681 = tpu.memref_slice %arg7[%dma_start3A_678, %dma_start3A_679, %dma_start3A_680] : memref<4x2x128xi32, #tpu.memory_space<vmem>> -> memref<1x2x128xi32, #tpu.memory_space<vmem>>
      %dma_start3A_682 = tpu.memref_squeeze %dma_start3A_681 : memref<1x2x128xi32, #tpu.memory_space<vmem>> -> memref<2x128xi32, #tpu.memory_space<vmem>>
      %dma_start3A_683 = arith.constant 0 : i32
      %dma_start3A_684 = arith.constant 0 : i32
      %dma_start3A_685 = tpu.memref_slice %arg2[%arg1, %dma_start3A_677, %dma_start3A_683, %dma_start3A_684] : memref<16x112x2x128xi32, #tpu.memory_space<hbm>> -> memref<1x1x2x128xi32, #tpu.memory_space<hbm>>
      %dma_start3A_686 = tpu.memref_squeeze %dma_start3A_685 : memref<1x1x2x128xi32, #tpu.memory_space<hbm>> -> memref<2x128xi32, #tpu.memory_space<hbm>>
      %dma_start3A_687 = arith.constant 0 : i32
      %dma_start3A_688 = arith.constant 0 : i32
      %dma_start3A_689 = tpu.memref_slice %arg7[%dma_start3A_678, %dma_start3A_687, %dma_start3A_688] : memref<4x2x128xi32, #tpu.memory_space<vmem>> -> memref<1x2x128xi32, #tpu.memory_space<vmem>>
      %dma_start3A_690 = tpu.memref_squeeze %dma_start3A_689 : memref<1x2x128xi32, #tpu.memory_space<vmem>> -> memref<2x128xi32, #tpu.memory_space<vmem>>
      %dma_start3A_691 = arith.constant 0 : i32
      %dma_start3A_692 = arith.constant 0 : i32
      %dma_start3A_693 = tpu.memref_slice %arg2[%arg1, %dma_start3A_677, %dma_start3A_691, %dma_start3A_692] : memref<16x112x2x128xi32, #tpu.memory_space<hbm>> -> memref<1x1x2x128xi32, #tpu.memory_space<hbm>>
      %dma_start3A_694 = tpu.memref_squeeze %dma_start3A_693 : memref<1x1x2x128xi32, #tpu.memory_space<hbm>> -> memref<2x128xi32, #tpu.memory_space<hbm>>
      tpu.enqueue_dma source(%dma_start3A_694 : memref<2x128xi32, #tpu.memory_space<hbm>>) target(%dma_start3A_690 : memref<2x128xi32, #tpu.memory_space<vmem>>) target_semaphore(%arg14 : memref<!tpu.dma_semaphore, #tpu.memory_space<semaphore_mem>>)
      %dma_wait3A_695 = arith.constant 0 : i32
      %dma_wait3A_696 = arith.constant 1 : i32
      %dma_wait3A_697 = arith.constant 0 : i32
      %dma_wait3A_698 = tpu.memref_slice %arg7[%dma_wait3A_695, %dma_wait3A_696, %dma_wait3A_697] : memref<4x2x128xi32, #tpu.memory_space<vmem>> -> memref<1x1x128xi32, #tpu.memory_space<vmem>>
      %dma_wait3A_699 = tpu.memref_squeeze %dma_wait3A_698 : memref<1x1x128xi32, #tpu.memory_space<vmem>> -> memref<128xi32, #tpu.memory_space<vmem>>
      %dma_wait3A_700 = arith.constant 0 : i32
      %dma_wait3A_701 = arith.constant 0 : i32
      %dma_wait3A_702 = tpu.memref_slice %arg10[%dma_wait3A_700, %dma_wait3A_701] : memref<10112x128xf32, #tpu.memory_space<vmem_shared>> -> memref<10112x128xf32, #tpu.memory_space<vmem_shared>>
      tpu.wait_indirect_dma semaphore(%arg17 : memref<!tpu.dma_semaphore, #tpu.memory_space<semaphore_mem>>) src(%arg8 : memref<128x128xf32, #tpu.memory_space<vmem>>) dst(%dma_wait3A_702 : memref<10112x128xf32, #tpu.memory_space<vmem_shared>>)
      %dma_wait3A_703 = arith.constant 110 : i32
      %dma_wait3A_704 = arith.constant 2 : i32
      %dma_wait3A_705 = arith.constant 0 : i32
      %dma_wait3A_706 = arith.constant 0 : i32
      %dma_wait3A_707 = tpu.memref_slice %arg7[%dma_wait3A_704, %dma_wait3A_705, %dma_wait3A_706] : memref<4x2x128xi32, #tpu.memory_space<vmem>> -> memref<1x2x128xi32, #tpu.memory_space<vmem>>
      %dma_wait3A_708 = tpu.memref_squeeze %dma_wait3A_707 : memref<1x2x128xi32, #tpu.memory_space<vmem>> -> memref<2x128xi32, #tpu.memory_space<vmem>>
      %dma_wait3A_709 = arith.constant 0 : i32
      %dma_wait3A_710 = arith.constant 0 : i32
      %dma_wait3A_711 = tpu.memref_slice %arg2[%arg1, %dma_wait3A_703, %dma_wait3A_709, %dma_wait3A_710] : memref<16x112x2x128xi32, #tpu.memory_space<hbm>> -> memref<1x1x2x128xi32, #tpu.memory_space<hbm>>
      %dma_wait3A_712 = tpu.memref_squeeze %dma_wait3A_711 : memref<1x1x2x128xi32, #tpu.memory_space<hbm>> -> memref<2x128xi32, #tpu.memory_space<hbm>>
      %dma_wait3A_713 = arith.constant 0 : i32
      %dma_wait3A_714 = arith.constant 0 : i32
      %dma_wait3A_715 = tpu.memref_slice %arg7[%dma_wait3A_704, %dma_wait3A_713, %dma_wait3A_714] : memref<4x2x128xi32, #tpu.memory_space<vmem>> -> memref<1x2x128xi32, #tpu.memory_space<vmem>>
      %dma_wait3A_716 = tpu.memref_squeeze %dma_wait3A_715 : memref<1x2x128xi32, #tpu.memory_space<vmem>> -> memref<2x128xi32, #tpu.memory_space<vmem>>
      %dma_wait3A_717 = arith.constant 0 : i32
      %dma_wait3A_718 = arith.constant 0 : i32
      %dma_wait3A_719 = tpu.memref_slice %arg2[%arg1, %dma_wait3A_703, %dma_wait3A_717, %dma_wait3A_718] : memref<16x112x2x128xi32, #tpu.memory_space<hbm>> -> memref<1x1x2x128xi32, #tpu.memory_space<hbm>>
      %dma_wait3A_720 = tpu.memref_squeeze %dma_wait3A_719 : memref<1x1x2x128xi32, #tpu.memory_space<hbm>> -> memref<2x128xi32, #tpu.memory_space<hbm>>
      tpu.wait_dma2 semaphore(%arg13 : memref<!tpu.dma_semaphore, #tpu.memory_space<semaphore_mem>>) src(%dma_wait3A_720 : memref<2x128xi32, #tpu.memory_space<hbm>>) dst(%dma_wait3A_716 : memref<2x128xi32, #tpu.memory_space<vmem>>)
      %dma_start3A_721 = arith.constant 2 : i32
      %dma_start3A_722 = arith.constant 0 : i32
      %dma_start3A_723 = arith.constant 0 : i32
      %dma_start3A_724 = tpu.memref_slice %arg7[%dma_start3A_721, %dma_start3A_722, %dma_start3A_723] : memref<4x2x128xi32, #tpu.memory_space<vmem>> -> memref<1x1x128xi32, #tpu.memory_space<vmem>>
      %dma_start3A_725 = tpu.memref_squeeze %dma_start3A_724 : memref<1x1x128xi32, #tpu.memory_space<vmem>> -> memref<128xi32, #tpu.memory_space<vmem>>
      %dma_start3A_726 = arith.constant 0 : i32
      %dma_start3A_727 = arith.constant 0 : i32
      %dma_start3A_728 = tpu.memref_slice %arg4[%dma_start3A_726, %dma_start3A_727] : memref<10000x128xf32, #tpu.memory_space<hbm>> -> memref<10000x128xf32, #tpu.memory_space<hbm>>
      tpu.enqueue_indirect_dma source(%dma_start3A_728 : memref<10000x128xf32, #tpu.memory_space<hbm>>) target(%arg8 : memref<128x128xf32, #tpu.memory_space<vmem>>) offsets(%dma_start3A_725 : memref<128xi32, #tpu.memory_space<vmem>>) semaphore(%arg15 : memref<!tpu.dma_semaphore, #tpu.memory_space<semaphore_mem>>)
      %dma_wait3A_729 = arith.constant 1 : i32
      %dma_wait3A_730 = arith.constant 0 : i32
      %dma_wait3A_731 = arith.constant 0 : i32
      %dma_wait3A_732 = tpu.memref_slice %arg7[%dma_wait3A_729, %dma_wait3A_730, %dma_wait3A_731] : memref<4x2x128xi32, #tpu.memory_space<vmem>> -> memref<1x1x128xi32, #tpu.memory_space<vmem>>
      %dma_wait3A_733 = tpu.memref_squeeze %dma_wait3A_732 : memref<1x1x128xi32, #tpu.memory_space<vmem>> -> memref<128xi32, #tpu.memory_space<vmem>>
      %dma_wait3A_734 = arith.constant 0 : i32
      %dma_wait3A_735 = arith.constant 0 : i32
      %dma_wait3A_736 = tpu.memref_slice %arg4[%dma_wait3A_734, %dma_wait3A_735] : memref<10000x128xf32, #tpu.memory_space<hbm>> -> memref<10000x128xf32, #tpu.memory_space<hbm>>
      tpu.wait_indirect_dma semaphore(%arg16 : memref<!tpu.dma_semaphore, #tpu.memory_space<semaphore_mem>>) src(%dma_wait3A_736 : memref<10000x128xf32, #tpu.memory_space<hbm>>) dst(%arg9 : memref<128x128xf32, #tpu.memory_space<vmem>>)
      %dma_start3A_737 = arith.constant 1 : i32
      %dma_start3A_738 = arith.constant 1 : i32
      %dma_start3A_739 = arith.constant 0 : i32
      %dma_start3A_740 = tpu.memref_slice %arg7[%dma_start3A_737, %dma_start3A_738, %dma_start3A_739] : memref<4x2x128xi32, #tpu.memory_space<vmem>> -> memref<1x1x128xi32, #tpu.memory_space<vmem>>
      %dma_start3A_741 = tpu.memref_squeeze %dma_start3A_740 : memref<1x1x128xi32, #tpu.memory_space<vmem>> -> memref<128xi32, #tpu.memory_space<vmem>>
      %dma_start3A_742 = arith.constant 0 : i32
      %dma_start3A_743 = arith.constant 0 : i32
      %dma_start3A_744 = tpu.memref_slice %arg10[%dma_start3A_742, %dma_start3A_743] : memref<10112x128xf32, #tpu.memory_space<vmem_shared>> -> memref<10112x128xf32, #tpu.memory_space<vmem_shared>>
      tpu.enqueue_indirect_dma source(%arg9 : memref<128x128xf32, #tpu.memory_space<vmem>>) target(%dma_start3A_744 : memref<10112x128xf32, #tpu.memory_space<vmem_shared>>) offsets(%dma_start3A_741 : memref<128xi32, #tpu.memory_space<vmem>>) semaphore(%arg18 : memref<!tpu.dma_semaphore, #tpu.memory_space<semaphore_mem>>) {add = true}
      %dma_wait3A_745 = arith.constant 1 : i32
      %dma_wait3A_746 = arith.constant 1 : i32
      %dma_wait3A_747 = arith.constant 0 : i32
      %dma_wait3A_748 = tpu.memref_slice %arg7[%dma_wait3A_745, %dma_wait3A_746, %dma_wait3A_747] : memref<4x2x128xi32, #tpu.memory_space<vmem>> -> memref<1x1x128xi32, #tpu.memory_space<vmem>>
      %dma_wait3A_749 = tpu.memref_squeeze %dma_wait3A_748 : memref<1x1x128xi32, #tpu.memory_space<vmem>> -> memref<128xi32, #tpu.memory_space<vmem>>
      %dma_wait3A_750 = arith.constant 0 : i32
      %dma_wait3A_751 = arith.constant 0 : i32
      %dma_wait3A_752 = tpu.memref_slice %arg10[%dma_wait3A_750, %dma_wait3A_751] : memref<10112x128xf32, #tpu.memory_space<vmem_shared>> -> memref<10112x128xf32, #tpu.memory_space<vmem_shared>>
      tpu.wait_indirect_dma semaphore(%arg18 : memref<!tpu.dma_semaphore, #tpu.memory_space<semaphore_mem>>) src(%arg9 : memref<128x128xf32, #tpu.memory_space<vmem>>) dst(%dma_wait3A_752 : memref<10112x128xf32, #tpu.memory_space<vmem_shared>>)
      %dma_wait3A_753 = arith.constant 111 : i32
      %dma_wait3A_754 = arith.constant 3 : i32
      %dma_wait3A_755 = arith.constant 0 : i32
      %dma_wait3A_756 = arith.constant 0 : i32
      %dma_wait3A_757 = tpu.memref_slice %arg7[%dma_wait3A_754, %dma_wait3A_755, %dma_wait3A_756] : memref<4x2x128xi32, #tpu.memory_space<vmem>> -> memref<1x2x128xi32, #tpu.memory_space<vmem>>
      %dma_wait3A_758 = tpu.memref_squeeze %dma_wait3A_757 : memref<1x2x128xi32, #tpu.memory_space<vmem>> -> memref<2x128xi32, #tpu.memory_space<vmem>>
      %dma_wait3A_759 = arith.constant 0 : i32
      %dma_wait3A_760 = arith.constant 0 : i32
      %dma_wait3A_761 = tpu.memref_slice %arg2[%arg1, %dma_wait3A_753, %dma_wait3A_759, %dma_wait3A_760] : memref<16x112x2x128xi32, #tpu.memory_space<hbm>> -> memref<1x1x2x128xi32, #tpu.memory_space<hbm>>
      %dma_wait3A_762 = tpu.memref_squeeze %dma_wait3A_761 : memref<1x1x2x128xi32, #tpu.memory_space<hbm>> -> memref<2x128xi32, #tpu.memory_space<hbm>>
      %dma_wait3A_763 = arith.constant 0 : i32
      %dma_wait3A_764 = arith.constant 0 : i32
      %dma_wait3A_765 = tpu.memref_slice %arg7[%dma_wait3A_754, %dma_wait3A_763, %dma_wait3A_764] : memref<4x2x128xi32, #tpu.memory_space<vmem>> -> memref<1x2x128xi32, #tpu.memory_space<vmem>>
      %dma_wait3A_766 = tpu.memref_squeeze %dma_wait3A_765 : memref<1x2x128xi32, #tpu.memory_space<vmem>> -> memref<2x128xi32, #tpu.memory_space<vmem>>
      %dma_wait3A_767 = arith.constant 0 : i32
      %dma_wait3A_768 = arith.constant 0 : i32
      %dma_wait3A_769 = tpu.memref_slice %arg2[%arg1, %dma_wait3A_753, %dma_wait3A_767, %dma_wait3A_768] : memref<16x112x2x128xi32, #tpu.memory_space<hbm>> -> memref<1x1x2x128xi32, #tpu.memory_space<hbm>>
      %dma_wait3A_770 = tpu.memref_squeeze %dma_wait3A_769 : memref<1x1x2x128xi32, #tpu.memory_space<hbm>> -> memref<2x128xi32, #tpu.memory_space<hbm>>
      tpu.wait_dma2 semaphore(%arg14 : memref<!tpu.dma_semaphore, #tpu.memory_space<semaphore_mem>>) src(%dma_wait3A_770 : memref<2x128xi32, #tpu.memory_space<hbm>>) dst(%dma_wait3A_766 : memref<2x128xi32, #tpu.memory_space<vmem>>)
      %dma_start3A_771 = arith.constant 3 : i32
      %dma_start3A_772 = arith.constant 0 : i32
      %dma_start3A_773 = arith.constant 0 : i32
      %dma_start3A_774 = tpu.memref_slice %arg7[%dma_start3A_771, %dma_start3A_772, %dma_start3A_773] : memref<4x2x128xi32, #tpu.memory_space<vmem>> -> memref<1x1x128xi32, #tpu.memory_space<vmem>>
      %dma_start3A_775 = tpu.memref_squeeze %dma_start3A_774 : memref<1x1x128xi32, #tpu.memory_space<vmem>> -> memref<128xi32, #tpu.memory_space<vmem>>
      %dma_start3A_776 = arith.constant 0 : i32
      %dma_start3A_777 = arith.constant 0 : i32
      %dma_start3A_778 = tpu.memref_slice %arg4[%dma_start3A_776, %dma_start3A_777] : memref<10000x128xf32, #tpu.memory_space<hbm>> -> memref<10000x128xf32, #tpu.memory_space<hbm>>
      tpu.enqueue_indirect_dma source(%dma_start3A_778 : memref<10000x128xf32, #tpu.memory_space<hbm>>) target(%arg9 : memref<128x128xf32, #tpu.memory_space<vmem>>) offsets(%dma_start3A_775 : memref<128xi32, #tpu.memory_space<vmem>>) semaphore(%arg16 : memref<!tpu.dma_semaphore, #tpu.memory_space<semaphore_mem>>)
      %dma_wait3A_779 = arith.constant 2 : i32
      %dma_wait3A_780 = arith.constant 0 : i32
      %dma_wait3A_781 = arith.constant 0 : i32
      %dma_wait3A_782 = tpu.memref_slice %arg7[%dma_wait3A_779, %dma_wait3A_780, %dma_wait3A_781] : memref<4x2x128xi32, #tpu.memory_space<vmem>> -> memref<1x1x128xi32, #tpu.memory_space<vmem>>
      %dma_wait3A_783 = tpu.memref_squeeze %dma_wait3A_782 : memref<1x1x128xi32, #tpu.memory_space<vmem>> -> memref<128xi32, #tpu.memory_space<vmem>>
      %dma_wait3A_784 = arith.constant 0 : i32
      %dma_wait3A_785 = arith.constant 0 : i32
      %dma_wait3A_786 = tpu.memref_slice %arg4[%dma_wait3A_784, %dma_wait3A_785] : memref<10000x128xf32, #tpu.memory_space<hbm>> -> memref<10000x128xf32, #tpu.memory_space<hbm>>
      tpu.wait_indirect_dma semaphore(%arg15 : memref<!tpu.dma_semaphore, #tpu.memory_space<semaphore_mem>>) src(%dma_wait3A_786 : memref<10000x128xf32, #tpu.memory_space<hbm>>) dst(%arg8 : memref<128x128xf32, #tpu.memory_space<vmem>>)
      %dma_start3A_787 = arith.constant 2 : i32
      %dma_start3A_788 = arith.constant 1 : i32
      %dma_start3A_789 = arith.constant 0 : i32
      %dma_start3A_790 = tpu.memref_slice %arg7[%dma_start3A_787, %dma_start3A_788, %dma_start3A_789] : memref<4x2x128xi32, #tpu.memory_space<vmem>> -> memref<1x1x128xi32, #tpu.memory_space<vmem>>
      %dma_start3A_791 = tpu.memref_squeeze %dma_start3A_790 : memref<1x1x128xi32, #tpu.memory_space<vmem>> -> memref<128xi32, #tpu.memory_space<vmem>>
      %dma_start3A_792 = arith.constant 0 : i32
      %dma_start3A_793 = arith.constant 0 : i32
      %dma_start3A_794 = tpu.memref_slice %arg10[%dma_start3A_792, %dma_start3A_793] : memref<10112x128xf32, #tpu.memory_space<vmem_shared>> -> memref<10112x128xf32, #tpu.memory_space<vmem_shared>>
      tpu.enqueue_indirect_dma source(%arg8 : memref<128x128xf32, #tpu.memory_space<vmem>>) target(%dma_start3A_794 : memref<10112x128xf32, #tpu.memory_space<vmem_shared>>) offsets(%dma_start3A_791 : memref<128xi32, #tpu.memory_space<vmem>>) semaphore(%arg17 : memref<!tpu.dma_semaphore, #tpu.memory_space<semaphore_mem>>) {add = true}
      %dma_wait3A_795 = arith.constant 2 : i32
      %dma_wait3A_796 = arith.constant 1 : i32
      %dma_wait3A_797 = arith.constant 0 : i32
      %dma_wait3A_798 = tpu.memref_slice %arg7[%dma_wait3A_795, %dma_wait3A_796, %dma_wait3A_797] : memref<4x2x128xi32, #tpu.memory_space<vmem>> -> memref<1x1x128xi32, #tpu.memory_space<vmem>>
      %dma_wait3A_799 = tpu.memref_squeeze %dma_wait3A_798 : memref<1x1x128xi32, #tpu.memory_space<vmem>> -> memref<128xi32, #tpu.memory_space<vmem>>
      %dma_wait3A_800 = arith.constant 0 : i32
      %dma_wait3A_801 = arith.constant 0 : i32
      %dma_wait3A_802 = tpu.memref_slice %arg10[%dma_wait3A_800, %dma_wait3A_801] : memref<10112x128xf32, #tpu.memory_space<vmem_shared>> -> memref<10112x128xf32, #tpu.memory_space<vmem_shared>>
      tpu.wait_indirect_dma semaphore(%arg17 : memref<!tpu.dma_semaphore, #tpu.memory_space<semaphore_mem>>) src(%arg8 : memref<128x128xf32, #tpu.memory_space<vmem>>) dst(%dma_wait3A_802 : memref<10112x128xf32, #tpu.memory_space<vmem_shared>>)
      %dma_wait3A_803 = arith.constant 3 : i32
      %dma_wait3A_804 = arith.constant 0 : i32
      %dma_wait3A_805 = arith.constant 0 : i32
      %dma_wait3A_806 = tpu.memref_slice %arg7[%dma_wait3A_803, %dma_wait3A_804, %dma_wait3A_805] : memref<4x2x128xi32, #tpu.memory_space<vmem>> -> memref<1x1x128xi32, #tpu.memory_space<vmem>>
      %dma_wait3A_807 = tpu.memref_squeeze %dma_wait3A_806 : memref<1x1x128xi32, #tpu.memory_space<vmem>> -> memref<128xi32, #tpu.memory_space<vmem>>
      %dma_wait3A_808 = arith.constant 0 : i32
      %dma_wait3A_809 = arith.constant 0 : i32
      %dma_wait3A_810 = tpu.memref_slice %arg4[%dma_wait3A_808, %dma_wait3A_809] : memref<10000x128xf32, #tpu.memory_space<hbm>> -> memref<10000x128xf32, #tpu.memory_space<hbm>>
      tpu.wait_indirect_dma semaphore(%arg16 : memref<!tpu.dma_semaphore, #tpu.memory_space<semaphore_mem>>) src(%dma_wait3A_810 : memref<10000x128xf32, #tpu.memory_space<hbm>>) dst(%arg9 : memref<128x128xf32, #tpu.memory_space<vmem>>)
      %dma_start3A_811 = arith.constant 3 : i32
      %dma_start3A_812 = arith.constant 1 : i32
      %dma_start3A_813 = arith.constant 0 : i32
      %dma_start3A_814 = tpu.memref_slice %arg7[%dma_start3A_811, %dma_start3A_812, %dma_start3A_813] : memref<4x2x128xi32, #tpu.memory_space<vmem>> -> memref<1x1x128xi32, #tpu.memory_space<vmem>>
      %dma_start3A_815 = tpu.memref_squeeze %dma_start3A_814 : memref<1x1x128xi32, #tpu.memory_space<vmem>> -> memref<128xi32, #tpu.memory_space<vmem>>
      %dma_start3A_816 = arith.constant 0 : i32
      %dma_start3A_817 = arith.constant 0 : i32
      %dma_start3A_818 = tpu.memref_slice %arg10[%dma_start3A_816, %dma_start3A_817] : memref<10112x128xf32, #tpu.memory_space<vmem_shared>> -> memref<10112x128xf32, #tpu.memory_space<vmem_shared>>
      tpu.enqueue_indirect_dma source(%arg9 : memref<128x128xf32, #tpu.memory_space<vmem>>) target(%dma_start3A_818 : memref<10112x128xf32, #tpu.memory_space<vmem_shared>>) offsets(%dma_start3A_815 : memref<128xi32, #tpu.memory_space<vmem>>) semaphore(%arg18 : memref<!tpu.dma_semaphore, #tpu.memory_space<semaphore_mem>>) {add = true}
      %dma_wait3A_819 = arith.constant 3 : i32
      %dma_wait3A_820 = arith.constant 1 : i32
      %dma_wait3A_821 = arith.constant 0 : i32
      %dma_wait3A_822 = tpu.memref_slice %arg7[%dma_wait3A_819, %dma_wait3A_820, %dma_wait3A_821] : memref<4x2x128xi32, #tpu.memory_space<vmem>> -> memref<1x1x128xi32, #tpu.memory_space<vmem>>
      %dma_wait3A_823 = tpu.memref_squeeze %dma_wait3A_822 : memref<1x1x128xi32, #tpu.memory_space<vmem>> -> memref<128xi32, #tpu.memory_space<vmem>>
      %dma_wait3A_824 = arith.constant 0 : i32
      %dma_wait3A_825 = arith.constant 0 : i32
      %dma_wait3A_826 = tpu.memref_slice %arg10[%dma_wait3A_824, %dma_wait3A_825] : memref<10112x128xf32, #tpu.memory_space<vmem_shared>> -> memref<10112x128xf32, #tpu.memory_space<vmem_shared>>
      tpu.wait_indirect_dma semaphore(%arg18 : memref<!tpu.dma_semaphore, #tpu.memory_space<semaphore_mem>>) src(%arg9 : memref<128x128xf32, #tpu.memory_space<vmem>>) dst(%dma_wait3A_826 : memref<10112x128xf32, #tpu.memory_space<vmem_shared>>)
    } else {
    }
    %eq3A_3 = arith.constant 1 : i32
    %eq3A_4 = arith.cmpi eq, %arg0, %eq3A_3 : i32
    %convert_element_type3A_5 = arith.extui %eq3A_4 : i1 to i32
    %cond3A_6 = arith.constant 0 : i32
    %cond3A_7 = arith.cmpi ne, %convert_element_type3A_5, %cond3A_6 : i32
    scf.if %cond3A_7 {
      %run_scoped3A = arith.constant 0 : i32
      %run_scoped3A_9 = arith.constant 0 : i32
      "tpu.region"() ({
        %run_scoped3A_42 = tpu.sem_alloc : memref<!tpu.dma_semaphore, #tpu.memory_space<semaphore_mem>>
        %dma_start3A_43 = arith.constant 0 : i32
        %dma_start3A_44 = arith.constant 0 : i32
        %dma_start3A_45 = tpu.memref_slice %arg7[%run_scoped3A_9, %dma_start3A_43, %dma_start3A_44] : memref<4x2x128xi32, #tpu.memory_space<vmem>> -> memref<1x2x128xi32, #tpu.memory_space<vmem>>
        %dma_start3A_46 = tpu.memref_squeeze %dma_start3A_45 : memref<1x2x128xi32, #tpu.memory_space<vmem>> -> memref<2x128xi32, #tpu.memory_space<vmem>>
        %dma_start3A_47 = arith.constant 0 : i32
        %dma_start3A_48 = arith.constant 0 : i32
        %dma_start3A_49 = tpu.memref_slice %arg3[%arg1, %run_scoped3A, %dma_start3A_47, %dma_start3A_48] : memref<16x45x2x128xi32, #tpu.memory_space<hbm>> -> memref<1x1x2x128xi32, #tpu.memory_space<hbm>>
        %dma_start3A_50 = tpu.memref_squeeze %dma_start3A_49 : memref<1x1x2x128xi32, #tpu.memory_space<hbm>> -> memref<2x128xi32, #tpu.memory_space<hbm>>
        %dma_start3A_51 = arith.constant 0 : i32
        %dma_start3A_52 = arith.constant 0 : i32
        %dma_start3A_53 = tpu.memref_slice %arg7[%run_scoped3A_9, %dma_start3A_51, %dma_start3A_52] : memref<4x2x128xi32, #tpu.memory_space<vmem>> -> memref<1x2x128xi32, #tpu.memory_space<vmem>>
        %dma_start3A_54 = tpu.memref_squeeze %dma_start3A_53 : memref<1x2x128xi32, #tpu.memory_space<vmem>> -> memref<2x128xi32, #tpu.memory_space<vmem>>
        %dma_start3A_55 = arith.constant 0 : i32
        %dma_start3A_56 = arith.constant 0 : i32
        %dma_start3A_57 = tpu.memref_slice %arg3[%arg1, %run_scoped3A, %dma_start3A_55, %dma_start3A_56] : memref<16x45x2x128xi32, #tpu.memory_space<hbm>> -> memref<1x1x2x128xi32, #tpu.memory_space<hbm>>
        %dma_start3A_58 = tpu.memref_squeeze %dma_start3A_57 : memref<1x1x2x128xi32, #tpu.memory_space<hbm>> -> memref<2x128xi32, #tpu.memory_space<hbm>>
        tpu.enqueue_dma source(%dma_start3A_58 : memref<2x128xi32, #tpu.memory_space<hbm>>) target(%dma_start3A_54 : memref<2x128xi32, #tpu.memory_space<vmem>>) target_semaphore(%run_scoped3A_42 : memref<!tpu.dma_semaphore, #tpu.memory_space<semaphore_mem>>)
        %dma_wait3A_59 = arith.constant 0 : i32
        %dma_wait3A_60 = arith.constant 0 : i32
        %dma_wait3A_61 = tpu.memref_slice %arg7[%run_scoped3A_9, %dma_wait3A_59, %dma_wait3A_60] : memref<4x2x128xi32, #tpu.memory_space<vmem>> -> memref<1x2x128xi32, #tpu.memory_space<vmem>>
        %dma_wait3A_62 = tpu.memref_squeeze %dma_wait3A_61 : memref<1x2x128xi32, #tpu.memory_space<vmem>> -> memref<2x128xi32, #tpu.memory_space<vmem>>
        %dma_wait3A_63 = arith.constant 0 : i32
        %dma_wait3A_64 = arith.constant 0 : i32
        %dma_wait3A_65 = tpu.memref_slice %arg3[%arg1, %run_scoped3A, %dma_wait3A_63, %dma_wait3A_64] : memref<16x45x2x128xi32, #tpu.memory_space<hbm>> -> memref<1x1x2x128xi32, #tpu.memory_space<hbm>>
        %dma_wait3A_66 = tpu.memref_squeeze %dma_wait3A_65 : memref<1x1x2x128xi32, #tpu.memory_space<hbm>> -> memref<2x128xi32, #tpu.memory_space<hbm>>
        %dma_wait3A_67 = arith.constant 0 : i32
        %dma_wait3A_68 = arith.constant 0 : i32
        %dma_wait3A_69 = tpu.memref_slice %arg7[%run_scoped3A_9, %dma_wait3A_67, %dma_wait3A_68] : memref<4x2x128xi32, #tpu.memory_space<vmem>> -> memref<1x2x128xi32, #tpu.memory_space<vmem>>
        %dma_wait3A_70 = tpu.memref_squeeze %dma_wait3A_69 : memref<1x2x128xi32, #tpu.memory_space<vmem>> -> memref<2x128xi32, #tpu.memory_space<vmem>>
        %dma_wait3A_71 = arith.constant 0 : i32
        %dma_wait3A_72 = arith.constant 0 : i32
        %dma_wait3A_73 = tpu.memref_slice %arg3[%arg1, %run_scoped3A, %dma_wait3A_71, %dma_wait3A_72] : memref<16x45x2x128xi32, #tpu.memory_space<hbm>> -> memref<1x1x2x128xi32, #tpu.memory_space<hbm>>
        %dma_wait3A_74 = tpu.memref_squeeze %dma_wait3A_73 : memref<1x1x2x128xi32, #tpu.memory_space<hbm>> -> memref<2x128xi32, #tpu.memory_space<hbm>>
        tpu.wait_dma2 semaphore(%run_scoped3A_42 : memref<!tpu.dma_semaphore, #tpu.memory_space<semaphore_mem>>) src(%dma_wait3A_74 : memref<2x128xi32, #tpu.memory_space<hbm>>) dst(%dma_wait3A_70 : memref<2x128xi32, #tpu.memory_space<vmem>>)
        tpu.yield
      }) : () -> ()
      %dma_start3A = arith.constant 0 : i32
      %dma_start3A_10 = arith.constant 0 : i32
      %dma_start3A_11 = arith.constant 0 : i32
      %dma_start3A_12 = arith.constant 0 : i32
      %dma_start3A_13 = tpu.memref_slice %arg7[%dma_start3A, %dma_start3A_11, %dma_start3A_12] : memref<4x2x128xi32, #tpu.memory_space<vmem>> -> memref<1x2x128xi32, #tpu.memory_space<vmem>>
      %dma_start3A_14 = tpu.memref_squeeze %dma_start3A_13 : memref<1x2x128xi32, #tpu.memory_space<vmem>> -> memref<2x128xi32, #tpu.memory_space<vmem>>
      %dma_start3A_15 = arith.constant 0 : i32
      %dma_start3A_16 = tpu.memref_slice %dma_start3A_14[%dma_start3A_10, %dma_start3A_15] : memref<2x128xi32, #tpu.memory_space<vmem>> -> memref<1x128xi32, #tpu.memory_space<vmem>>
      %dma_start3A_17 = tpu.memref_squeeze %dma_start3A_16 : memref<1x128xi32, #tpu.memory_space<vmem>> -> memref<128xi32, #tpu.memory_space<vmem>>
      %dma_start3A_18 = arith.constant 0 : i32
      %dma_start3A_19 = arith.constant 0 : i32
      %dma_start3A_20 = tpu.memref_slice %arg4[%dma_start3A_18, %dma_start3A_19] : memref<10000x128xf32, #tpu.memory_space<hbm>> -> memref<10000x128xf32, #tpu.memory_space<hbm>>
      tpu.enqueue_indirect_dma source(%dma_start3A_20 : memref<10000x128xf32, #tpu.memory_space<hbm>>) target(%arg8 : memref<128x128xf32, #tpu.memory_space<vmem>>) offsets(%dma_start3A_17 : memref<128xi32, #tpu.memory_space<vmem>>) semaphore(%arg15 : memref<!tpu.dma_semaphore, #tpu.memory_space<semaphore_mem>>)
      %run_scoped3A_21 = arith.constant 1 : i32
      %run_scoped3A_22 = arith.constant 1 : i32
      "tpu.region"() ({
        %run_scoped3A_42 = tpu.sem_alloc : memref<!tpu.dma_semaphore, #tpu.memory_space<semaphore_mem>>
        %dma_start3A_43 = arith.constant 0 : i32
        %dma_start3A_44 = arith.constant 0 : i32
        %dma_start3A_45 = tpu.memref_slice %arg7[%run_scoped3A_22, %dma_start3A_43, %dma_start3A_44] : memref<4x2x128xi32, #tpu.memory_space<vmem>> -> memref<1x2x128xi32, #tpu.memory_space<vmem>>
        %dma_start3A_46 = tpu.memref_squeeze %dma_start3A_45 : memref<1x2x128xi32, #tpu.memory_space<vmem>> -> memref<2x128xi32, #tpu.memory_space<vmem>>
        %dma_start3A_47 = arith.constant 0 : i32
        %dma_start3A_48 = arith.constant 0 : i32
        %dma_start3A_49 = tpu.memref_slice %arg3[%arg1, %run_scoped3A_21, %dma_start3A_47, %dma_start3A_48] : memref<16x45x2x128xi32, #tpu.memory_space<hbm>> -> memref<1x1x2x128xi32, #tpu.memory_space<hbm>>
        %dma_start3A_50 = tpu.memref_squeeze %dma_start3A_49 : memref<1x1x2x128xi32, #tpu.memory_space<hbm>> -> memref<2x128xi32, #tpu.memory_space<hbm>>
        %dma_start3A_51 = arith.constant 0 : i32
        %dma_start3A_52 = arith.constant 0 : i32
        %dma_start3A_53 = tpu.memref_slice %arg7[%run_scoped3A_22, %dma_start3A_51, %dma_start3A_52] : memref<4x2x128xi32, #tpu.memory_space<vmem>> -> memref<1x2x128xi32, #tpu.memory_space<vmem>>
        %dma_start3A_54 = tpu.memref_squeeze %dma_start3A_53 : memref<1x2x128xi32, #tpu.memory_space<vmem>> -> memref<2x128xi32, #tpu.memory_space<vmem>>
        %dma_start3A_55 = arith.constant 0 : i32
        %dma_start3A_56 = arith.constant 0 : i32
        %dma_start3A_57 = tpu.memref_slice %arg3[%arg1, %run_scoped3A_21, %dma_start3A_55, %dma_start3A_56] : memref<16x45x2x128xi32, #tpu.memory_space<hbm>> -> memref<1x1x2x128xi32, #tpu.memory_space<hbm>>
        %dma_start3A_58 = tpu.memref_squeeze %dma_start3A_57 : memref<1x1x2x128xi32, #tpu.memory_space<hbm>> -> memref<2x128xi32, #tpu.memory_space<hbm>>
        tpu.enqueue_dma source(%dma_start3A_58 : memref<2x128xi32, #tpu.memory_space<hbm>>) target(%dma_start3A_54 : memref<2x128xi32, #tpu.memory_space<vmem>>) target_semaphore(%run_scoped3A_42 : memref<!tpu.dma_semaphore, #tpu.memory_space<semaphore_mem>>)
        %dma_wait3A_59 = arith.constant 0 : i32
        %dma_wait3A_60 = arith.constant 0 : i32
        %dma_wait3A_61 = tpu.memref_slice %arg7[%run_scoped3A_22, %dma_wait3A_59, %dma_wait3A_60] : memref<4x2x128xi32, #tpu.memory_space<vmem>> -> memref<1x2x128xi32, #tpu.memory_space<vmem>>
        %dma_wait3A_62 = tpu.memref_squeeze %dma_wait3A_61 : memref<1x2x128xi32, #tpu.memory_space<vmem>> -> memref<2x128xi32, #tpu.memory_space<vmem>>
        %dma_wait3A_63 = arith.constant 0 : i32
        %dma_wait3A_64 = arith.constant 0 : i32
        %dma_wait3A_65 = tpu.memref_slice %arg3[%arg1, %run_scoped3A_21, %dma_wait3A_63, %dma_wait3A_64] : memref<16x45x2x128xi32, #tpu.memory_space<hbm>> -> memref<1x1x2x128xi32, #tpu.memory_space<hbm>>
        %dma_wait3A_66 = tpu.memref_squeeze %dma_wait3A_65 : memref<1x1x2x128xi32, #tpu.memory_space<hbm>> -> memref<2x128xi32, #tpu.memory_space<hbm>>
        %dma_wait3A_67 = arith.constant 0 : i32
        %dma_wait3A_68 = arith.constant 0 : i32
        %dma_wait3A_69 = tpu.memref_slice %arg7[%run_scoped3A_22, %dma_wait3A_67, %dma_wait3A_68] : memref<4x2x128xi32, #tpu.memory_space<vmem>> -> memref<1x2x128xi32, #tpu.memory_space<vmem>>
        %dma_wait3A_70 = tpu.memref_squeeze %dma_wait3A_69 : memref<1x2x128xi32, #tpu.memory_space<vmem>> -> memref<2x128xi32, #tpu.memory_space<vmem>>
        %dma_wait3A_71 = arith.constant 0 : i32
        %dma_wait3A_72 = arith.constant 0 : i32
        %dma_wait3A_73 = tpu.memref_slice %arg3[%arg1, %run_scoped3A_21, %dma_wait3A_71, %dma_wait3A_72] : memref<16x45x2x128xi32, #tpu.memory_space<hbm>> -> memref<1x1x2x128xi32, #tpu.memory_space<hbm>>
        %dma_wait3A_74 = tpu.memref_squeeze %dma_wait3A_73 : memref<1x1x2x128xi32, #tpu.memory_space<hbm>> -> memref<2x128xi32, #tpu.memory_space<hbm>>
        tpu.wait_dma2 semaphore(%run_scoped3A_42 : memref<!tpu.dma_semaphore, #tpu.memory_space<semaphore_mem>>) src(%dma_wait3A_74 : memref<2x128xi32, #tpu.memory_space<hbm>>) dst(%dma_wait3A_70 : memref<2x128xi32, #tpu.memory_space<vmem>>)
        tpu.yield
      }) : () -> ()
      %scan3A = arith.constant 1 : i32
      %scan3A_23 = arith.constant 0 : i32
      %scan3A_24 = arith.constant 0 : i32
      %scan3A_25 = arith.constant 22 : i32
      %scan3A_26 = arith.addi %scan3A_24, %scan3A_25 : i32
      %scan3A_27 = arith.constant 1 : i32
      scf.for %scan3A_42 = %scan3A_24 to %scan3A_26 step %scan3A_27  : i32 {
        %mul3A_43 = arith.constant 1 : i32
        %mul3A_44 = arith.muli %scan3A_42, %mul3A_43 : i32
        %add3A = arith.constant 0 : i32
        %add3A_45 = arith.addi %add3A, %mul3A_44 : i32
        %mul3A_46 = arith.constant 2 : i32
        %mul3A_47 = arith.muli %add3A_45, %mul3A_46 : i32
        %dma_start3A_48 = arith.constant 0 : i32
        %dma_start3A_49 = arith.constant 0 : i32
        %dma_start3A_50 = arith.constant 0 : i32
        %dma_start3A_51 = tpu.memref_slice %arg7[%scan3A, %dma_start3A_49, %dma_start3A_50] : memref<4x2x128xi32, #tpu.memory_space<vmem>> -> memref<1x2x128xi32, #tpu.memory_space<vmem>>
        %dma_start3A_52 = tpu.memref_squeeze %dma_start3A_51 : memref<1x2x128xi32, #tpu.memory_space<vmem>> -> memref<2x128xi32, #tpu.memory_space<vmem>>
        %dma_start3A_53 = arith.constant 0 : i32
        %dma_start3A_54 = tpu.memref_slice %dma_start3A_52[%dma_start3A_48, %dma_start3A_53] : memref<2x128xi32, #tpu.memory_space<vmem>> -> memref<1x128xi32, #tpu.memory_space<vmem>>
        %dma_start3A_55 = tpu.memref_squeeze %dma_start3A_54 : memref<1x128xi32, #tpu.memory_space<vmem>> -> memref<128xi32, #tpu.memory_space<vmem>>
        %dma_start3A_56 = arith.constant 0 : i32
        %dma_start3A_57 = arith.constant 0 : i32
        %dma_start3A_58 = tpu.memref_slice %arg4[%dma_start3A_56, %dma_start3A_57] : memref<10000x128xf32, #tpu.memory_space<hbm>> -> memref<10000x128xf32, #tpu.memory_space<hbm>>
        tpu.enqueue_indirect_dma source(%dma_start3A_58 : memref<10000x128xf32, #tpu.memory_space<hbm>>) target(%arg9 : memref<128x128xf32, #tpu.memory_space<vmem>>) offsets(%dma_start3A_55 : memref<128xi32, #tpu.memory_space<vmem>>) semaphore(%arg16 : memref<!tpu.dma_semaphore, #tpu.memory_space<semaphore_mem>>)
        %dma_wait3A_59 = arith.constant 0 : i32
        %dma_wait3A_60 = arith.constant 0 : i32
        %dma_wait3A_61 = arith.constant 0 : i32
        %dma_wait3A_62 = tpu.memref_slice %arg7[%scan3A_23, %dma_wait3A_60, %dma_wait3A_61] : memref<4x2x128xi32, #tpu.memory_space<vmem>> -> memref<1x2x128xi32, #tpu.memory_space<vmem>>
        %dma_wait3A_63 = tpu.memref_squeeze %dma_wait3A_62 : memref<1x2x128xi32, #tpu.memory_space<vmem>> -> memref<2x128xi32, #tpu.memory_space<vmem>>
        %dma_wait3A_64 = arith.constant 0 : i32
        %dma_wait3A_65 = tpu.memref_slice %dma_wait3A_63[%dma_wait3A_59, %dma_wait3A_64] : memref<2x128xi32, #tpu.memory_space<vmem>> -> memref<1x128xi32, #tpu.memory_space<vmem>>
        %dma_wait3A_66 = tpu.memref_squeeze %dma_wait3A_65 : memref<1x128xi32, #tpu.memory_space<vmem>> -> memref<128xi32, #tpu.memory_space<vmem>>
        %dma_wait3A_67 = arith.constant 0 : i32
        %dma_wait3A_68 = arith.constant 0 : i32
        %dma_wait3A_69 = tpu.memref_slice %arg4[%dma_wait3A_67, %dma_wait3A_68] : memref<10000x128xf32, #tpu.memory_space<hbm>> -> memref<10000x128xf32, #tpu.memory_space<hbm>>
        tpu.wait_indirect_dma semaphore(%arg15 : memref<!tpu.dma_semaphore, #tpu.memory_space<semaphore_mem>>) src(%dma_wait3A_69 : memref<10000x128xf32, #tpu.memory_space<hbm>>) dst(%arg8 : memref<128x128xf32, #tpu.memory_space<vmem>>)
        %run_scoped3A_70 = arith.constant 1 : i32
        "tpu.region"() ({
          %run_scoped3A_99 = tpu.sem_alloc : memref<!tpu.dma_semaphore, #tpu.memory_space<semaphore_mem>>
          %dma_start3A_100 = arith.constant 0 : i32
          %dma_start3A_101 = arith.constant 0 : i32
          %dma_start3A_102 = tpu.memref_slice %arg7[%scan3A_23, %dma_start3A_100, %dma_start3A_101] : memref<4x2x128xi32, #tpu.memory_space<vmem>> -> memref<1x2x128xi32, #tpu.memory_space<vmem>>
          %dma_start3A_103 = tpu.memref_squeeze %dma_start3A_102 : memref<1x2x128xi32, #tpu.memory_space<vmem>> -> memref<2x128xi32, #tpu.memory_space<vmem>>
          %dma_start3A_104 = arith.constant 0 : i32
          %dma_start3A_105 = tpu.memref_slice %dma_start3A_103[%run_scoped3A_70, %dma_start3A_104] : memref<2x128xi32, #tpu.memory_space<vmem>> -> memref<1x128xi32, #tpu.memory_space<vmem>>
          %dma_start3A_106 = tpu.memref_squeeze %dma_start3A_105 : memref<1x128xi32, #tpu.memory_space<vmem>> -> memref<128xi32, #tpu.memory_space<vmem>>
          %dma_start3A_107 = arith.constant 0 : i32
          %dma_start3A_108 = arith.constant 0 : i32
          %dma_start3A_109 = tpu.memref_slice %arg10[%dma_start3A_107, %dma_start3A_108] : memref<10112x128xf32, #tpu.memory_space<vmem_shared>> -> memref<10112x128xf32, #tpu.memory_space<vmem_shared>>
          tpu.enqueue_indirect_dma source(%arg8 : memref<128x128xf32, #tpu.memory_space<vmem>>) target(%dma_start3A_109 : memref<10112x128xf32, #tpu.memory_space<vmem_shared>>) offsets(%dma_start3A_106 : memref<128xi32, #tpu.memory_space<vmem>>) semaphore(%run_scoped3A_99 : memref<!tpu.dma_semaphore, #tpu.memory_space<semaphore_mem>>) {add = true}
          %dma_wait3A_110 = arith.constant 0 : i32
          %dma_wait3A_111 = arith.constant 0 : i32
          %dma_wait3A_112 = tpu.memref_slice %arg7[%scan3A_23, %dma_wait3A_110, %dma_wait3A_111] : memref<4x2x128xi32, #tpu.memory_space<vmem>> -> memref<1x2x128xi32, #tpu.memory_space<vmem>>
          %dma_wait3A_113 = tpu.memref_squeeze %dma_wait3A_112 : memref<1x2x128xi32, #tpu.memory_space<vmem>> -> memref<2x128xi32, #tpu.memory_space<vmem>>
          %dma_wait3A_114 = arith.constant 0 : i32
          %dma_wait3A_115 = tpu.memref_slice %dma_wait3A_113[%run_scoped3A_70, %dma_wait3A_114] : memref<2x128xi32, #tpu.memory_space<vmem>> -> memref<1x128xi32, #tpu.memory_space<vmem>>
          %dma_wait3A_116 = tpu.memref_squeeze %dma_wait3A_115 : memref<1x128xi32, #tpu.memory_space<vmem>> -> memref<128xi32, #tpu.memory_space<vmem>>
          %dma_wait3A_117 = arith.constant 0 : i32
          %dma_wait3A_118 = arith.constant 0 : i32
          %dma_wait3A_119 = tpu.memref_slice %arg10[%dma_wait3A_117, %dma_wait3A_118] : memref<10112x128xf32, #tpu.memory_space<vmem_shared>> -> memref<10112x128xf32, #tpu.memory_space<vmem_shared>>
          tpu.wait_indirect_dma semaphore(%run_scoped3A_99 : memref<!tpu.dma_semaphore, #tpu.memory_space<semaphore_mem>>) src(%arg8 : memref<128x128xf32, #tpu.memory_space<vmem>>) dst(%dma_wait3A_119 : memref<10112x128xf32, #tpu.memory_space<vmem_shared>>)
          tpu.yield
        }) : () -> ()
        %add3A_71 = arith.constant 2 : i32
        %add3A_72 = arith.addi %mul3A_47, %add3A_71 : i32
        "tpu.region"() ({
          %run_scoped3A_99 = tpu.sem_alloc : memref<!tpu.dma_semaphore, #tpu.memory_space<semaphore_mem>>
          %dma_start3A_100 = arith.constant 0 : i32
          %dma_start3A_101 = arith.constant 0 : i32
          %dma_start3A_102 = tpu.memref_slice %arg7[%scan3A_23, %dma_start3A_100, %dma_start3A_101] : memref<4x2x128xi32, #tpu.memory_space<vmem>> -> memref<1x2x128xi32, #tpu.memory_space<vmem>>
          %dma_start3A_103 = tpu.memref_squeeze %dma_start3A_102 : memref<1x2x128xi32, #tpu.memory_space<vmem>> -> memref<2x128xi32, #tpu.memory_space<vmem>>
          %dma_start3A_104 = arith.constant 0 : i32
          %dma_start3A_105 = arith.constant 0 : i32
          %dma_start3A_106 = tpu.memref_slice %arg3[%arg1, %add3A_72, %dma_start3A_104, %dma_start3A_105] : memref<16x45x2x128xi32, #tpu.memory_space<hbm>> -> memref<1x1x2x128xi32, #tpu.memory_space<hbm>>
          %dma_start3A_107 = tpu.memref_squeeze %dma_start3A_106 : memref<1x1x2x128xi32, #tpu.memory_space<hbm>> -> memref<2x128xi32, #tpu.memory_space<hbm>>
          %dma_start3A_108 = arith.constant 0 : i32
          %dma_start3A_109 = arith.constant 0 : i32
          %dma_start3A_110 = tpu.memref_slice %arg7[%scan3A_23, %dma_start3A_108, %dma_start3A_109] : memref<4x2x128xi32, #tpu.memory_space<vmem>> -> memref<1x2x128xi32, #tpu.memory_space<vmem>>
          %dma_start3A_111 = tpu.memref_squeeze %dma_start3A_110 : memref<1x2x128xi32, #tpu.memory_space<vmem>> -> memref<2x128xi32, #tpu.memory_space<vmem>>
          %dma_start3A_112 = arith.constant 0 : i32
          %dma_start3A_113 = arith.constant 0 : i32
          %dma_start3A_114 = tpu.memref_slice %arg3[%arg1, %add3A_72, %dma_start3A_112, %dma_start3A_113] : memref<16x45x2x128xi32, #tpu.memory_space<hbm>> -> memref<1x1x2x128xi32, #tpu.memory_space<hbm>>
          %dma_start3A_115 = tpu.memref_squeeze %dma_start3A_114 : memref<1x1x2x128xi32, #tpu.memory_space<hbm>> -> memref<2x128xi32, #tpu.memory_space<hbm>>
          tpu.enqueue_dma source(%dma_start3A_115 : memref<2x128xi32, #tpu.memory_space<hbm>>) target(%dma_start3A_111 : memref<2x128xi32, #tpu.memory_space<vmem>>) target_semaphore(%run_scoped3A_99 : memref<!tpu.dma_semaphore, #tpu.memory_space<semaphore_mem>>)
          %dma_wait3A_116 = arith.constant 0 : i32
          %dma_wait3A_117 = arith.constant 0 : i32
          %dma_wait3A_118 = tpu.memref_slice %arg7[%scan3A_23, %dma_wait3A_116, %dma_wait3A_117] : memref<4x2x128xi32, #tpu.memory_space<vmem>> -> memref<1x2x128xi32, #tpu.memory_space<vmem>>
          %dma_wait3A_119 = tpu.memref_squeeze %dma_wait3A_118 : memref<1x2x128xi32, #tpu.memory_space<vmem>> -> memref<2x128xi32, #tpu.memory_space<vmem>>
          %dma_wait3A_120 = arith.constant 0 : i32
          %dma_wait3A_121 = arith.constant 0 : i32
          %dma_wait3A_122 = tpu.memref_slice %arg3[%arg1, %add3A_72, %dma_wait3A_120, %dma_wait3A_121] : memref<16x45x2x128xi32, #tpu.memory_space<hbm>> -> memref<1x1x2x128xi32, #tpu.memory_space<hbm>>
          %dma_wait3A_123 = tpu.memref_squeeze %dma_wait3A_122 : memref<1x1x2x128xi32, #tpu.memory_space<hbm>> -> memref<2x128xi32, #tpu.memory_space<hbm>>
          %dma_wait3A_124 = arith.constant 0 : i32
          %dma_wait3A_125 = arith.constant 0 : i32
          %dma_wait3A_126 = tpu.memref_slice %arg7[%scan3A_23, %dma_wait3A_124, %dma_wait3A_125] : memref<4x2x128xi32, #tpu.memory_space<vmem>> -> memref<1x2x128xi32, #tpu.memory_space<vmem>>
          %dma_wait3A_127 = tpu.memref_squeeze %dma_wait3A_126 : memref<1x2x128xi32, #tpu.memory_space<vmem>> -> memref<2x128xi32, #tpu.memory_space<vmem>>
          %dma_wait3A_128 = arith.constant 0 : i32
          %dma_wait3A_129 = arith.constant 0 : i32
          %dma_wait3A_130 = tpu.memref_slice %arg3[%arg1, %add3A_72, %dma_wait3A_128, %dma_wait3A_129] : memref<16x45x2x128xi32, #tpu.memory_space<hbm>> -> memref<1x1x2x128xi32, #tpu.memory_space<hbm>>
          %dma_wait3A_131 = tpu.memref_squeeze %dma_wait3A_130 : memref<1x1x2x128xi32, #tpu.memory_space<hbm>> -> memref<2x128xi32, #tpu.memory_space<hbm>>
          tpu.wait_dma2 semaphore(%run_scoped3A_99 : memref<!tpu.dma_semaphore, #tpu.memory_space<semaphore_mem>>) src(%dma_wait3A_131 : memref<2x128xi32, #tpu.memory_space<hbm>>) dst(%dma_wait3A_127 : memref<2x128xi32, #tpu.memory_space<vmem>>)
          tpu.yield
        }) : () -> ()
        %dma_start3A_73 = arith.constant 0 : i32
        %dma_start3A_74 = arith.constant 0 : i32
        %dma_start3A_75 = arith.constant 0 : i32
        %dma_start3A_76 = tpu.memref_slice %arg7[%scan3A_23, %dma_start3A_74, %dma_start3A_75] : memref<4x2x128xi32, #tpu.memory_space<vmem>> -> memref<1x2x128xi32, #tpu.memory_space<vmem>>
        %dma_start3A_77 = tpu.memref_squeeze %dma_start3A_76 : memref<1x2x128xi32, #tpu.memory_space<vmem>> -> memref<2x128xi32, #tpu.memory_space<vmem>>
        %dma_start3A_78 = arith.constant 0 : i32
        %dma_start3A_79 = tpu.memref_slice %dma_start3A_77[%dma_start3A_73, %dma_start3A_78] : memref<2x128xi32, #tpu.memory_space<vmem>> -> memref<1x128xi32, #tpu.memory_space<vmem>>
        %dma_start3A_80 = tpu.memref_squeeze %dma_start3A_79 : memref<1x128xi32, #tpu.memory_space<vmem>> -> memref<128xi32, #tpu.memory_space<vmem>>
        %dma_start3A_81 = arith.constant 0 : i32
        %dma_start3A_82 = arith.constant 0 : i32
        %dma_start3A_83 = tpu.memref_slice %arg4[%dma_start3A_81, %dma_start3A_82] : memref<10000x128xf32, #tpu.memory_space<hbm>> -> memref<10000x128xf32, #tpu.memory_space<hbm>>
        tpu.enqueue_indirect_dma source(%dma_start3A_83 : memref<10000x128xf32, #tpu.memory_space<hbm>>) target(%arg8 : memref<128x128xf32, #tpu.memory_space<vmem>>) offsets(%dma_start3A_80 : memref<128xi32, #tpu.memory_space<vmem>>) semaphore(%arg15 : memref<!tpu.dma_semaphore, #tpu.memory_space<semaphore_mem>>)
        %dma_wait3A_84 = arith.constant 0 : i32
        %dma_wait3A_85 = arith.constant 0 : i32
        %dma_wait3A_86 = arith.constant 0 : i32
        %dma_wait3A_87 = tpu.memref_slice %arg7[%scan3A, %dma_wait3A_85, %dma_wait3A_86] : memref<4x2x128xi32, #tpu.memory_space<vmem>> -> memref<1x2x128xi32, #tpu.memory_space<vmem>>
        %dma_wait3A_88 = tpu.memref_squeeze %dma_wait3A_87 : memref<1x2x128xi32, #tpu.memory_space<vmem>> -> memref<2x128xi32, #tpu.memory_space<vmem>>
        %dma_wait3A_89 = arith.constant 0 : i32
        %dma_wait3A_90 = tpu.memref_slice %dma_wait3A_88[%dma_wait3A_84, %dma_wait3A_89] : memref<2x128xi32, #tpu.memory_space<vmem>> -> memref<1x128xi32, #tpu.memory_space<vmem>>
        %dma_wait3A_91 = tpu.memref_squeeze %dma_wait3A_90 : memref<1x128xi32, #tpu.memory_space<vmem>> -> memref<128xi32, #tpu.memory_space<vmem>>
        %dma_wait3A_92 = arith.constant 0 : i32
        %dma_wait3A_93 = arith.constant 0 : i32
        %dma_wait3A_94 = tpu.memref_slice %arg4[%dma_wait3A_92, %dma_wait3A_93] : memref<10000x128xf32, #tpu.memory_space<hbm>> -> memref<10000x128xf32, #tpu.memory_space<hbm>>
        tpu.wait_indirect_dma semaphore(%arg16 : memref<!tpu.dma_semaphore, #tpu.memory_space<semaphore_mem>>) src(%dma_wait3A_94 : memref<10000x128xf32, #tpu.memory_space<hbm>>) dst(%arg9 : memref<128x128xf32, #tpu.memory_space<vmem>>)
        %run_scoped3A_95 = arith.constant 1 : i32
        "tpu.region"() ({
          %run_scoped3A_99 = tpu.sem_alloc : memref<!tpu.dma_semaphore, #tpu.memory_space<semaphore_mem>>
          %dma_start3A_100 = arith.constant 0 : i32
          %dma_start3A_101 = arith.constant 0 : i32
          %dma_start3A_102 = tpu.memref_slice %arg7[%scan3A, %dma_start3A_100, %dma_start3A_101] : memref<4x2x128xi32, #tpu.memory_space<vmem>> -> memref<1x2x128xi32, #tpu.memory_space<vmem>>
          %dma_start3A_103 = tpu.memref_squeeze %dma_start3A_102 : memref<1x2x128xi32, #tpu.memory_space<vmem>> -> memref<2x128xi32, #tpu.memory_space<vmem>>
          %dma_start3A_104 = arith.constant 0 : i32
          %dma_start3A_105 = tpu.memref_slice %dma_start3A_103[%run_scoped3A_95, %dma_start3A_104] : memref<2x128xi32, #tpu.memory_space<vmem>> -> memref<1x128xi32, #tpu.memory_space<vmem>>
          %dma_start3A_106 = tpu.memref_squeeze %dma_start3A_105 : memref<1x128xi32, #tpu.memory_space<vmem>> -> memref<128xi32, #tpu.memory_space<vmem>>
          %dma_start3A_107 = arith.constant 0 : i32
          %dma_start3A_108 = arith.constant 0 : i32
          %dma_start3A_109 = tpu.memref_slice %arg10[%dma_start3A_107, %dma_start3A_108] : memref<10112x128xf32, #tpu.memory_space<vmem_shared>> -> memref<10112x128xf32, #tpu.memory_space<vmem_shared>>
          tpu.enqueue_indirect_dma source(%arg9 : memref<128x128xf32, #tpu.memory_space<vmem>>) target(%dma_start3A_109 : memref<10112x128xf32, #tpu.memory_space<vmem_shared>>) offsets(%dma_start3A_106 : memref<128xi32, #tpu.memory_space<vmem>>) semaphore(%run_scoped3A_99 : memref<!tpu.dma_semaphore, #tpu.memory_space<semaphore_mem>>) {add = true}
          %dma_wait3A_110 = arith.constant 0 : i32
          %dma_wait3A_111 = arith.constant 0 : i32
          %dma_wait3A_112 = tpu.memref_slice %arg7[%scan3A, %dma_wait3A_110, %dma_wait3A_111] : memref<4x2x128xi32, #tpu.memory_space<vmem>> -> memref<1x2x128xi32, #tpu.memory_space<vmem>>
          %dma_wait3A_113 = tpu.memref_squeeze %dma_wait3A_112 : memref<1x2x128xi32, #tpu.memory_space<vmem>> -> memref<2x128xi32, #tpu.memory_space<vmem>>
          %dma_wait3A_114 = arith.constant 0 : i32
          %dma_wait3A_115 = tpu.memref_slice %dma_wait3A_113[%run_scoped3A_95, %dma_wait3A_114] : memref<2x128xi32, #tpu.memory_space<vmem>> -> memref<1x128xi32, #tpu.memory_space<vmem>>
          %dma_wait3A_116 = tpu.memref_squeeze %dma_wait3A_115 : memref<1x128xi32, #tpu.memory_space<vmem>> -> memref<128xi32, #tpu.memory_space<vmem>>
          %dma_wait3A_117 = arith.constant 0 : i32
          %dma_wait3A_118 = arith.constant 0 : i32
          %dma_wait3A_119 = tpu.memref_slice %arg10[%dma_wait3A_117, %dma_wait3A_118] : memref<10112x128xf32, #tpu.memory_space<vmem_shared>> -> memref<10112x128xf32, #tpu.memory_space<vmem_shared>>
          tpu.wait_indirect_dma semaphore(%run_scoped3A_99 : memref<!tpu.dma_semaphore, #tpu.memory_space<semaphore_mem>>) src(%arg9 : memref<128x128xf32, #tpu.memory_space<vmem>>) dst(%dma_wait3A_119 : memref<10112x128xf32, #tpu.memory_space<vmem_shared>>)
          tpu.yield
        }) : () -> ()
        %add3A_96 = arith.constant 3 : i32
        %add3A_97 = arith.addi %mul3A_47, %add3A_96 : i32
        %min3A = arith.constant 44 : i32
        %min3A_98 = arith.minsi %add3A_97, %min3A : i32
        "tpu.region"() ({
          %run_scoped3A_99 = tpu.sem_alloc : memref<!tpu.dma_semaphore, #tpu.memory_space<semaphore_mem>>
          %dma_start3A_100 = arith.constant 0 : i32
          %dma_start3A_101 = arith.constant 0 : i32
          %dma_start3A_102 = tpu.memref_slice %arg7[%scan3A, %dma_start3A_100, %dma_start3A_101] : memref<4x2x128xi32, #tpu.memory_space<vmem>> -> memref<1x2x128xi32, #tpu.memory_space<vmem>>
          %dma_start3A_103 = tpu.memref_squeeze %dma_start3A_102 : memref<1x2x128xi32, #tpu.memory_space<vmem>> -> memref<2x128xi32, #tpu.memory_space<vmem>>
          %dma_start3A_104 = arith.constant 0 : i32
          %dma_start3A_105 = arith.constant 0 : i32
          %dma_start3A_106 = tpu.memref_slice %arg3[%arg1, %min3A_98, %dma_start3A_104, %dma_start3A_105] : memref<16x45x2x128xi32, #tpu.memory_space<hbm>> -> memref<1x1x2x128xi32, #tpu.memory_space<hbm>>
          %dma_start3A_107 = tpu.memref_squeeze %dma_start3A_106 : memref<1x1x2x128xi32, #tpu.memory_space<hbm>> -> memref<2x128xi32, #tpu.memory_space<hbm>>
          %dma_start3A_108 = arith.constant 0 : i32
          %dma_start3A_109 = arith.constant 0 : i32
          %dma_start3A_110 = tpu.memref_slice %arg7[%scan3A, %dma_start3A_108, %dma_start3A_109] : memref<4x2x128xi32, #tpu.memory_space<vmem>> -> memref<1x2x128xi32, #tpu.memory_space<vmem>>
          %dma_start3A_111 = tpu.memref_squeeze %dma_start3A_110 : memref<1x2x128xi32, #tpu.memory_space<vmem>> -> memref<2x128xi32, #tpu.memory_space<vmem>>
          %dma_start3A_112 = arith.constant 0 : i32
          %dma_start3A_113 = arith.constant 0 : i32
          %dma_start3A_114 = tpu.memref_slice %arg3[%arg1, %min3A_98, %dma_start3A_112, %dma_start3A_113] : memref<16x45x2x128xi32, #tpu.memory_space<hbm>> -> memref<1x1x2x128xi32, #tpu.memory_space<hbm>>
          %dma_start3A_115 = tpu.memref_squeeze %dma_start3A_114 : memref<1x1x2x128xi32, #tpu.memory_space<hbm>> -> memref<2x128xi32, #tpu.memory_space<hbm>>
          tpu.enqueue_dma source(%dma_start3A_115 : memref<2x128xi32, #tpu.memory_space<hbm>>) target(%dma_start3A_111 : memref<2x128xi32, #tpu.memory_space<vmem>>) target_semaphore(%run_scoped3A_99 : memref<!tpu.dma_semaphore, #tpu.memory_space<semaphore_mem>>)
          %dma_wait3A_116 = arith.constant 0 : i32
          %dma_wait3A_117 = arith.constant 0 : i32
          %dma_wait3A_118 = tpu.memref_slice %arg7[%scan3A, %dma_wait3A_116, %dma_wait3A_117] : memref<4x2x128xi32, #tpu.memory_space<vmem>> -> memref<1x2x128xi32, #tpu.memory_space<vmem>>
          %dma_wait3A_119 = tpu.memref_squeeze %dma_wait3A_118 : memref<1x2x128xi32, #tpu.memory_space<vmem>> -> memref<2x128xi32, #tpu.memory_space<vmem>>
          %dma_wait3A_120 = arith.constant 0 : i32
          %dma_wait3A_121 = arith.constant 0 : i32
          %dma_wait3A_122 = tpu.memref_slice %arg3[%arg1, %min3A_98, %dma_wait3A_120, %dma_wait3A_121] : memref<16x45x2x128xi32, #tpu.memory_space<hbm>> -> memref<1x1x2x128xi32, #tpu.memory_space<hbm>>
          %dma_wait3A_123 = tpu.memref_squeeze %dma_wait3A_122 : memref<1x1x2x128xi32, #tpu.memory_space<hbm>> -> memref<2x128xi32, #tpu.memory_space<hbm>>
          %dma_wait3A_124 = arith.constant 0 : i32
          %dma_wait3A_125 = arith.constant 0 : i32
          %dma_wait3A_126 = tpu.memref_slice %arg7[%scan3A, %dma_wait3A_124, %dma_wait3A_125] : memref<4x2x128xi32, #tpu.memory_space<vmem>> -> memref<1x2x128xi32, #tpu.memory_space<vmem>>
          %dma_wait3A_127 = tpu.memref_squeeze %dma_wait3A_126 : memref<1x2x128xi32, #tpu.memory_space<vmem>> -> memref<2x128xi32, #tpu.memory_space<vmem>>
          %dma_wait3A_128 = arith.constant 0 : i32
          %dma_wait3A_129 = arith.constant 0 : i32
          %dma_wait3A_130 = tpu.memref_slice %arg3[%arg1, %min3A_98, %dma_wait3A_128, %dma_wait3A_129] : memref<16x45x2x128xi32, #tpu.memory_space<hbm>> -> memref<1x1x2x128xi32, #tpu.memory_space<hbm>>
          %dma_wait3A_131 = tpu.memref_squeeze %dma_wait3A_130 : memref<1x1x2x128xi32, #tpu.memory_space<hbm>> -> memref<2x128xi32, #tpu.memory_space<hbm>>
          tpu.wait_dma2 semaphore(%run_scoped3A_99 : memref<!tpu.dma_semaphore, #tpu.memory_space<semaphore_mem>>) src(%dma_wait3A_131 : memref<2x128xi32, #tpu.memory_space<hbm>>) dst(%dma_wait3A_127 : memref<2x128xi32, #tpu.memory_space<vmem>>)
          tpu.yield
        }) : () -> ()
      }
      %scan3A_28 = arith.constant 22 : i32
      %dma_wait3A = arith.constant 0 : i32
      %dma_wait3A_29 = arith.constant 0 : i32
      %dma_wait3A_30 = arith.constant 0 : i32
      %dma_wait3A_31 = arith.constant 0 : i32
      %dma_wait3A_32 = tpu.memref_slice %arg7[%dma_wait3A, %dma_wait3A_30, %dma_wait3A_31] : memref<4x2x128xi32, #tpu.memory_space<vmem>> -> memref<1x2x128xi32, #tpu.memory_space<vmem>>
      %dma_wait3A_33 = tpu.memref_squeeze %dma_wait3A_32 : memref<1x2x128xi32, #tpu.memory_space<vmem>> -> memref<2x128xi32, #tpu.memory_space<vmem>>
      %dma_wait3A_34 = arith.constant 0 : i32
      %dma_wait3A_35 = tpu.memref_slice %dma_wait3A_33[%dma_wait3A_29, %dma_wait3A_34] : memref<2x128xi32, #tpu.memory_space<vmem>> -> memref<1x128xi32, #tpu.memory_space<vmem>>
      %dma_wait3A_36 = tpu.memref_squeeze %dma_wait3A_35 : memref<1x128xi32, #tpu.memory_space<vmem>> -> memref<128xi32, #tpu.memory_space<vmem>>
      %dma_wait3A_37 = arith.constant 0 : i32
      %dma_wait3A_38 = arith.constant 0 : i32
      %dma_wait3A_39 = tpu.memref_slice %arg4[%dma_wait3A_37, %dma_wait3A_38] : memref<10000x128xf32, #tpu.memory_space<hbm>> -> memref<10000x128xf32, #tpu.memory_space<hbm>>
      tpu.wait_indirect_dma semaphore(%arg15 : memref<!tpu.dma_semaphore, #tpu.memory_space<semaphore_mem>>) src(%dma_wait3A_39 : memref<10000x128xf32, #tpu.memory_space<hbm>>) dst(%arg8 : memref<128x128xf32, #tpu.memory_space<vmem>>)
      %run_scoped3A_40 = arith.constant 0 : i32
      %run_scoped3A_41 = arith.constant 1 : i32
      "tpu.region"() ({
        %run_scoped3A_42 = tpu.sem_alloc : memref<!tpu.dma_semaphore, #tpu.memory_space<semaphore_mem>>
        %dma_start3A_43 = arith.constant 0 : i32
        %dma_start3A_44 = arith.constant 0 : i32
        %dma_start3A_45 = tpu.memref_slice %arg7[%run_scoped3A_40, %dma_start3A_43, %dma_start3A_44] : memref<4x2x128xi32, #tpu.memory_space<vmem>> -> memref<1x2x128xi32, #tpu.memory_space<vmem>>
        %dma_start3A_46 = tpu.memref_squeeze %dma_start3A_45 : memref<1x2x128xi32, #tpu.memory_space<vmem>> -> memref<2x128xi32, #tpu.memory_space<vmem>>
        %dma_start3A_47 = arith.constant 0 : i32
        %dma_start3A_48 = tpu.memref_slice %dma_start3A_46[%run_scoped3A_41, %dma_start3A_47] : memref<2x128xi32, #tpu.memory_space<vmem>> -> memref<1x128xi32, #tpu.memory_space<vmem>>
        %dma_start3A_49 = tpu.memref_squeeze %dma_start3A_48 : memref<1x128xi32, #tpu.memory_space<vmem>> -> memref<128xi32, #tpu.memory_space<vmem>>
        %dma_start3A_50 = arith.constant 0 : i32
        %dma_start3A_51 = arith.constant 0 : i32
        %dma_start3A_52 = tpu.memref_slice %arg10[%dma_start3A_50, %dma_start3A_51] : memref<10112x128xf32, #tpu.memory_space<vmem_shared>> -> memref<10112x128xf32, #tpu.memory_space<vmem_shared>>
        tpu.enqueue_indirect_dma source(%arg8 : memref<128x128xf32, #tpu.memory_space<vmem>>) target(%dma_start3A_52 : memref<10112x128xf32, #tpu.memory_space<vmem_shared>>) offsets(%dma_start3A_49 : memref<128xi32, #tpu.memory_space<vmem>>) semaphore(%run_scoped3A_42 : memref<!tpu.dma_semaphore, #tpu.memory_space<semaphore_mem>>) {add = true}
        %dma_wait3A_53 = arith.constant 0 : i32
        %dma_wait3A_54 = arith.constant 0 : i32
        %dma_wait3A_55 = tpu.memref_slice %arg7[%run_scoped3A_40, %dma_wait3A_53, %dma_wait3A_54] : memref<4x2x128xi32, #tpu.memory_space<vmem>> -> memref<1x2x128xi32, #tpu.memory_space<vmem>>
        %dma_wait3A_56 = tpu.memref_squeeze %dma_wait3A_55 : memref<1x2x128xi32, #tpu.memory_space<vmem>> -> memref<2x128xi32, #tpu.memory_space<vmem>>
        %dma_wait3A_57 = arith.constant 0 : i32
        %dma_wait3A_58 = tpu.memref_slice %dma_wait3A_56[%run_scoped3A_41, %dma_wait3A_57] : memref<2x128xi32, #tpu.memory_space<vmem>> -> memref<1x128xi32, #tpu.memory_space<vmem>>
        %dma_wait3A_59 = tpu.memref_squeeze %dma_wait3A_58 : memref<1x128xi32, #tpu.memory_space<vmem>> -> memref<128xi32, #tpu.memory_space<vmem>>
        %dma_wait3A_60 = arith.constant 0 : i32
        %dma_wait3A_61 = arith.constant 0 : i32
        %dma_wait3A_62 = tpu.memref_slice %arg10[%dma_wait3A_60, %dma_wait3A_61] : memref<10112x128xf32, #tpu.memory_space<vmem_shared>> -> memref<10112x128xf32, #tpu.memory_space<vmem_shared>>
        tpu.wait_indirect_dma semaphore(%run_scoped3A_42 : memref<!tpu.dma_semaphore, #tpu.memory_space<semaphore_mem>>) src(%arg8 : memref<128x128xf32, #tpu.memory_space<vmem>>) dst(%dma_wait3A_62 : memref<10112x128xf32, #tpu.memory_space<vmem_shared>>)
        tpu.yield
      }) : () -> ()
    } else {
    }
    %barrier3A_8 = arith.constant 0 : index
    tpu.barrier barrier_id(%barrier3A_8)
    "tpu.region"() ({
      %run_scoped3A = tpu.sem_alloc : memref<!tpu.dma_semaphore, #tpu.memory_space<semaphore_mem>>
      %dma_start3A = arith.constant 0 : i32
      %dma_start3A_9 = tpu.memref_slice %arg6[%arg0, %multiple_of3A, %dma_start3A] : memref<2x10112x128xf32, #tpu.memory_space<hbm>> -> memref<1x632x128xf32, #tpu.memory_space<hbm>>
      %dma_start3A_10 = tpu.memref_squeeze %dma_start3A_9 : memref<1x632x128xf32, #tpu.memory_space<hbm>> -> memref<632x128xf32, #tpu.memory_space<hbm>>
      %dma_start3A_11 = arith.constant 0 : i32
      %dma_start3A_12 = tpu.memref_slice %arg10[%multiple_of3A, %dma_start3A_11] : memref<10112x128xf32, #tpu.memory_space<vmem_shared>> -> memref<632x128xf32, #tpu.memory_space<vmem_shared>>
      tpu.enqueue_dma source(%dma_start3A_12 : memref<632x128xf32, #tpu.memory_space<vmem_shared>>) target(%dma_start3A_10 : memref<632x128xf32, #tpu.memory_space<hbm>>) target_semaphore(%run_scoped3A : memref<!tpu.dma_semaphore, #tpu.memory_space<semaphore_mem>>)
      %dma_wait3A = arith.constant 0 : i32
      %dma_wait3A_13 = tpu.memref_slice %arg6[%arg0, %multiple_of3A, %dma_wait3A] : memref<2x10112x128xf32, #tpu.memory_space<hbm>> -> memref<1x632x128xf32, #tpu.memory_space<hbm>>
      %dma_wait3A_14 = tpu.memref_squeeze %dma_wait3A_13 : memref<1x632x128xf32, #tpu.memory_space<hbm>> -> memref<632x128xf32, #tpu.memory_space<hbm>>
      %dma_wait3A_15 = arith.constant 0 : i32
      %dma_wait3A_16 = tpu.memref_slice %arg10[%multiple_of3A, %dma_wait3A_15] : memref<10112x128xf32, #tpu.memory_space<vmem_shared>> -> memref<632x128xf32, #tpu.memory_space<vmem_shared>>
      tpu.wait_dma2 semaphore(%run_scoped3A : memref<!tpu.dma_semaphore, #tpu.memory_space<semaphore_mem>>) src(%dma_wait3A_16 : memref<632x128xf32, #tpu.memory_space<vmem_shared>>) dst(%dma_wait3A_14 : memref<632x128xf32, #tpu.memory_space<hbm>>)
      tpu.yield
    }) : () -> ()
    return
  }
}

#map = affine_map<(d0, d1) -> (0, 0, 0)>
#map1 = affine_map<(d0, d1) -> (0, 0)>
module attributes {stable_mosaic.version = 14 : i64} {
  func.func @_sc_degree(%arg0: i32, %arg1: i32, %arg2: memref<32x79x128xi32, #tpu.memory_space<hbm>>, %arg3: memref<10112x128xf32, #tpu.memory_space<hbm>>, %arg4: memref<128x128xf32, #tpu.memory_space<hbm>>, %arg5: memref<2x10112x128xf32, #tpu.memory_space<hbm>>, %arg6: memref<79x128xi32, #tpu.memory_space<vmem>>, %arg7: memref<128x128xf32, #tpu.memory_space<vmem>>, %arg8: memref<10112x128xf32, #tpu.memory_space<vmem_shared>>, %arg9: memref<!tpu.dma_semaphore, #tpu.memory_space<semaphore_mem>>) attributes {dimension_semantics = [#tpu.dimension_semantics<core_parallel>, #tpu.dimension_semantics<subcore_parallel>], iteration_bounds = array<i64: 2, 16>, scalar_prefetch = 0 : i64, scratch_operands = 4 : i64, tpu.core_type = #tpu.core_type<sc_vector_subcore>, window_params = [{transform_indices = #map}, {transform_indices = #map1}, {transform_indices = #map1}, {transform_indices = #map}]} {
    %mul3A = arith.constant 16 : i32
    %mul3A_0 = arith.muli %arg0, %mul3A : i32
    %add3A = arith.addi %mul3A_0, %arg1 : i32
    %mul3A_1 = arith.constant 632 : i32
    %mul3A_2 = arith.muli %arg1, %mul3A_1 : i32
    %multiple_of3A = tpu.assume_multiple %mul3A_2, 8 : i32
    "tpu.region"() ({
      %run_scoped3A = tpu.sem_alloc : memref<!tpu.dma_semaphore, #tpu.memory_space<semaphore_mem>>
      %dma_start3A = arith.constant 0 : i32
      %dma_start3A_8 = tpu.memref_slice %arg8[%multiple_of3A, %dma_start3A] : memref<10112x128xf32, #tpu.memory_space<vmem_shared>> -> memref<632x128xf32, #tpu.memory_space<vmem_shared>>
      %dma_start3A_9 = arith.constant 0 : i32
      %dma_start3A_10 = tpu.memref_slice %arg3[%multiple_of3A, %dma_start3A_9] : memref<10112x128xf32, #tpu.memory_space<hbm>> -> memref<632x128xf32, #tpu.memory_space<hbm>>
      tpu.enqueue_dma source(%dma_start3A_10 : memref<632x128xf32, #tpu.memory_space<hbm>>) target(%dma_start3A_8 : memref<632x128xf32, #tpu.memory_space<vmem_shared>>) target_semaphore(%run_scoped3A : memref<!tpu.dma_semaphore, #tpu.memory_space<semaphore_mem>>)
      %dma_wait3A = arith.constant 0 : i32
      %dma_wait3A_11 = tpu.memref_slice %arg8[%multiple_of3A, %dma_wait3A] : memref<10112x128xf32, #tpu.memory_space<vmem_shared>> -> memref<632x128xf32, #tpu.memory_space<vmem_shared>>
      %dma_wait3A_12 = arith.constant 0 : i32
      %dma_wait3A_13 = tpu.memref_slice %arg3[%multiple_of3A, %dma_wait3A_12] : memref<10112x128xf32, #tpu.memory_space<hbm>> -> memref<632x128xf32, #tpu.memory_space<hbm>>
      tpu.wait_dma2 semaphore(%run_scoped3A : memref<!tpu.dma_semaphore, #tpu.memory_space<semaphore_mem>>) src(%dma_wait3A_13 : memref<632x128xf32, #tpu.memory_space<hbm>>) dst(%dma_wait3A_11 : memref<632x128xf32, #tpu.memory_space<vmem_shared>>)
      tpu.yield
    }) : () -> ()
    "tpu.region"() ({
      %run_scoped3A = tpu.sem_alloc : memref<!tpu.dma_semaphore, #tpu.memory_space<semaphore_mem>>
      tpu.enqueue_dma source(%arg4 : memref<128x128xf32, #tpu.memory_space<hbm>>) target(%arg7 : memref<128x128xf32, #tpu.memory_space<vmem>>) target_semaphore(%run_scoped3A : memref<!tpu.dma_semaphore, #tpu.memory_space<semaphore_mem>>)
      tpu.wait_dma2 semaphore(%run_scoped3A : memref<!tpu.dma_semaphore, #tpu.memory_space<semaphore_mem>>) src(%arg4 : memref<128x128xf32, #tpu.memory_space<hbm>>) dst(%arg7 : memref<128x128xf32, #tpu.memory_space<vmem>>)
      tpu.yield
    }) : () -> ()
    "tpu.region"() ({
      %run_scoped3A = tpu.sem_alloc : memref<!tpu.dma_semaphore, #tpu.memory_space<semaphore_mem>>
      %dma_start3A = arith.constant 0 : i32
      %dma_start3A_8 = arith.constant 0 : i32
      %dma_start3A_9 = tpu.memref_slice %arg2[%add3A, %dma_start3A, %dma_start3A_8] : memref<32x79x128xi32, #tpu.memory_space<hbm>> -> memref<1x79x128xi32, #tpu.memory_space<hbm>>
      %dma_start3A_10 = tpu.memref_squeeze %dma_start3A_9 : memref<1x79x128xi32, #tpu.memory_space<hbm>> -> memref<79x128xi32, #tpu.memory_space<hbm>>
      %dma_start3A_11 = arith.constant 0 : i32
      %dma_start3A_12 = arith.constant 0 : i32
      %dma_start3A_13 = tpu.memref_slice %arg2[%add3A, %dma_start3A_11, %dma_start3A_12] : memref<32x79x128xi32, #tpu.memory_space<hbm>> -> memref<1x79x128xi32, #tpu.memory_space<hbm>>
      %dma_start3A_14 = tpu.memref_squeeze %dma_start3A_13 : memref<1x79x128xi32, #tpu.memory_space<hbm>> -> memref<79x128xi32, #tpu.memory_space<hbm>>
      tpu.enqueue_dma source(%dma_start3A_14 : memref<79x128xi32, #tpu.memory_space<hbm>>) target(%arg6 : memref<79x128xi32, #tpu.memory_space<vmem>>) target_semaphore(%run_scoped3A : memref<!tpu.dma_semaphore, #tpu.memory_space<semaphore_mem>>)
      %dma_wait3A = arith.constant 0 : i32
      %dma_wait3A_15 = arith.constant 0 : i32
      %dma_wait3A_16 = tpu.memref_slice %arg2[%add3A, %dma_wait3A, %dma_wait3A_15] : memref<32x79x128xi32, #tpu.memory_space<hbm>> -> memref<1x79x128xi32, #tpu.memory_space<hbm>>
      %dma_wait3A_17 = tpu.memref_squeeze %dma_wait3A_16 : memref<1x79x128xi32, #tpu.memory_space<hbm>> -> memref<79x128xi32, #tpu.memory_space<hbm>>
      %dma_wait3A_18 = arith.constant 0 : i32
      %dma_wait3A_19 = arith.constant 0 : i32
      %dma_wait3A_20 = tpu.memref_slice %arg2[%add3A, %dma_wait3A_18, %dma_wait3A_19] : memref<32x79x128xi32, #tpu.memory_space<hbm>> -> memref<1x79x128xi32, #tpu.memory_space<hbm>>
      %dma_wait3A_21 = tpu.memref_squeeze %dma_wait3A_20 : memref<1x79x128xi32, #tpu.memory_space<hbm>> -> memref<79x128xi32, #tpu.memory_space<hbm>>
      tpu.wait_dma2 semaphore(%run_scoped3A : memref<!tpu.dma_semaphore, #tpu.memory_space<semaphore_mem>>) src(%dma_wait3A_21 : memref<79x128xi32, #tpu.memory_space<hbm>>) dst(%arg6 : memref<79x128xi32, #tpu.memory_space<vmem>>)
      tpu.yield
    }) : () -> ()
    %barrier3A = arith.constant 0 : index
    tpu.barrier barrier_id(%barrier3A)
    %scan3A = arith.constant 0 : i32
    %scan3A_3 = arith.constant 79 : i32
    %scan3A_4 = arith.addi %scan3A, %scan3A_3 : i32
    %scan3A_5 = arith.constant 1 : i32
    scf.for %scan3A_8 = %scan3A to %scan3A_4 step %scan3A_5  : i32 {
      %mul3A_9 = arith.constant 1 : i32
      %mul3A_10 = arith.muli %scan3A_8, %mul3A_9 : i32
      %add3A_11 = arith.constant 0 : i32
      %add3A_12 = arith.addi %add3A_11, %mul3A_10 : i32
      "tpu.region"() ({
        %run_scoped3A = tpu.sem_alloc : memref<!tpu.dma_semaphore, #tpu.memory_space<semaphore_mem>>
        %dma_start3A = arith.constant 0 : i32
        %dma_start3A_13 = tpu.memref_slice %arg6[%add3A_12, %dma_start3A] : memref<79x128xi32, #tpu.memory_space<vmem>> -> memref<1x128xi32, #tpu.memory_space<vmem>>
        %dma_start3A_14 = tpu.memref_squeeze %dma_start3A_13 : memref<1x128xi32, #tpu.memory_space<vmem>> -> memref<128xi32, #tpu.memory_space<vmem>>
        %dma_start3A_15 = arith.constant 0 : i32
        %dma_start3A_16 = arith.constant 0 : i32
        %dma_start3A_17 = tpu.memref_slice %arg8[%dma_start3A_15, %dma_start3A_16] : memref<10112x128xf32, #tpu.memory_space<vmem_shared>> -> memref<10112x128xf32, #tpu.memory_space<vmem_shared>>
        tpu.enqueue_indirect_dma source(%arg7 : memref<128x128xf32, #tpu.memory_space<vmem>>) target(%dma_start3A_17 : memref<10112x128xf32, #tpu.memory_space<vmem_shared>>) offsets(%dma_start3A_14 : memref<128xi32, #tpu.memory_space<vmem>>) semaphore(%run_scoped3A : memref<!tpu.dma_semaphore, #tpu.memory_space<semaphore_mem>>) {add = true}
        %dma_wait3A = arith.constant 0 : i32
        %dma_wait3A_18 = tpu.memref_slice %arg6[%add3A_12, %dma_wait3A] : memref<79x128xi32, #tpu.memory_space<vmem>> -> memref<1x128xi32, #tpu.memory_space<vmem>>
        %dma_wait3A_19 = tpu.memref_squeeze %dma_wait3A_18 : memref<1x128xi32, #tpu.memory_space<vmem>> -> memref<128xi32, #tpu.memory_space<vmem>>
        %dma_wait3A_20 = arith.constant 0 : i32
        %dma_wait3A_21 = arith.constant 0 : i32
        %dma_wait3A_22 = tpu.memref_slice %arg8[%dma_wait3A_20, %dma_wait3A_21] : memref<10112x128xf32, #tpu.memory_space<vmem_shared>> -> memref<10112x128xf32, #tpu.memory_space<vmem_shared>>
        tpu.wait_indirect_dma semaphore(%run_scoped3A : memref<!tpu.dma_semaphore, #tpu.memory_space<semaphore_mem>>) src(%arg7 : memref<128x128xf32, #tpu.memory_space<vmem>>) dst(%dma_wait3A_22 : memref<10112x128xf32, #tpu.memory_space<vmem_shared>>)
        tpu.yield
      }) : () -> ()
    }
    %scan3A_6 = arith.constant 79 : i32
    %barrier3A_7 = arith.constant 0 : index
    tpu.barrier barrier_id(%barrier3A_7)
    "tpu.region"() ({
      %run_scoped3A = tpu.sem_alloc : memref<!tpu.dma_semaphore, #tpu.memory_space<semaphore_mem>>
      %dma_start3A = arith.constant 0 : i32
      %dma_start3A_8 = tpu.memref_slice %arg5[%arg0, %multiple_of3A, %dma_start3A] : memref<2x10112x128xf32, #tpu.memory_space<hbm>> -> memref<1x632x128xf32, #tpu.memory_space<hbm>>
      %dma_start3A_9 = tpu.memref_squeeze %dma_start3A_8 : memref<1x632x128xf32, #tpu.memory_space<hbm>> -> memref<632x128xf32, #tpu.memory_space<hbm>>
      %dma_start3A_10 = arith.constant 0 : i32
      %dma_start3A_11 = tpu.memref_slice %arg8[%multiple_of3A, %dma_start3A_10] : memref<10112x128xf32, #tpu.memory_space<vmem_shared>> -> memref<632x128xf32, #tpu.memory_space<vmem_shared>>
      tpu.enqueue_dma source(%dma_start3A_11 : memref<632x128xf32, #tpu.memory_space<vmem_shared>>) target(%dma_start3A_9 : memref<632x128xf32, #tpu.memory_space<hbm>>) target_semaphore(%run_scoped3A : memref<!tpu.dma_semaphore, #tpu.memory_space<semaphore_mem>>)
      %dma_wait3A = arith.constant 0 : i32
      %dma_wait3A_12 = tpu.memref_slice %arg5[%arg0, %multiple_of3A, %dma_wait3A] : memref<2x10112x128xf32, #tpu.memory_space<hbm>> -> memref<1x632x128xf32, #tpu.memory_space<hbm>>
      %dma_wait3A_13 = tpu.memref_squeeze %dma_wait3A_12 : memref<1x632x128xf32, #tpu.memory_space<hbm>> -> memref<632x128xf32, #tpu.memory_space<hbm>>
      %dma_wait3A_14 = arith.constant 0 : i32
      %dma_wait3A_15 = tpu.memref_slice %arg8[%multiple_of3A, %dma_wait3A_14] : memref<10112x128xf32, #tpu.memory_space<vmem_shared>> -> memref<632x128xf32, #tpu.memory_space<vmem_shared>>
      tpu.wait_dma2 semaphore(%run_scoped3A : memref<!tpu.dma_semaphore, #tpu.memory_space<semaphore_mem>>) src(%dma_wait3A_15 : memref<632x128xf32, #tpu.memory_space<vmem_shared>>) dst(%dma_wait3A_13 : memref<632x128xf32, #tpu.memory_space<hbm>>)
      tpu.yield
    }) : () -> ()
    return
  }
}

#map = affine_map<(d0, d1) -> (0, 0, 0, 0)>
#map1 = affine_map<(d0, d1) -> (0, 0)>
#map2 = affine_map<(d0, d1) -> (0, 0, 0)>
module attributes {stable_mosaic.version = 14 : i64} {
  func.func @_sc_msgpass(%arg0: i32, %arg1: i32, %arg2: memref<16x112x2x128xi32, #tpu.memory_space<hbm>>, %arg3: memref<16x45x2x128xi32, #tpu.memory_space<hbm>>, %arg4: memref<10000x128xf32, #tpu.memory_space<hbm>>, %arg5: memref<10112x128xf32, #tpu.memory_space<hbm>>, %arg6: memref<2x10112x128xf32, #tpu.memory_space<hbm>>, %arg7: memref<4x2x128xi32, #tpu.memory_space<vmem>>, %arg8: memref<128x128xf32, #tpu.memory_space<vmem>>, %arg9: memref<128x128xf32, #tpu.memory_space<vmem>>, %arg10: memref<10112x128xf32, #tpu.memory_space<vmem_shared>>, %arg11: memref<!tpu.dma_semaphore, #tpu.memory_space<semaphore_mem>>, %arg12: memref<!tpu.dma_semaphore, #tpu.memory_space<semaphore_mem>>, %arg13: memref<!tpu.dma_semaphore, #tpu.memory_space<semaphore_mem>>, %arg14: memref<!tpu.dma_semaphore, #tpu.memory_space<semaphore_mem>>, %arg15: memref<!tpu.dma_semaphore, #tpu.memory_space<semaphore_mem>>, %arg16: memref<!tpu.dma_semaphore, #tpu.memory_space<semaphore_mem>>, %arg17: memref<!tpu.dma_semaphore, #tpu.memory_space<semaphore_mem>>, %arg18: memref<!tpu.dma_semaphore, #tpu.memory_space<semaphore_mem>>) attributes {dimension_semantics = [#tpu.dimension_semantics<core_parallel>, #tpu.dimension_semantics<subcore_parallel>], iteration_bounds = array<i64: 2, 16>, scalar_prefetch = 0 : i64, scratch_operands = 12 : i64, tpu.core_type = #tpu.core_type<sc_vector_subcore>, window_params = [{transform_indices = #map}, {transform_indices = #map}, {transform_indices = #map1}, {transform_indices = #map1}, {transform_indices = #map2}]} {
    %mul3A = arith.constant 632 : i32
    %mul3A_0 = arith.muli %arg1, %mul3A : i32
    %multiple_of3A = tpu.assume_multiple %mul3A_0, 8 : i32
    "tpu.region"() ({
      %run_scoped3A = tpu.sem_alloc : memref<!tpu.dma_semaphore, #tpu.memory_space<semaphore_mem>>
      %dma_start3A = arith.constant 0 : i32
      %dma_start3A_9 = tpu.memref_slice %arg10[%multiple_of3A, %dma_start3A] : memref<10112x128xf32, #tpu.memory_space<vmem_shared>> -> memref<632x128xf32, #tpu.memory_space<vmem_shared>>
      %dma_start3A_10 = arith.constant 0 : i32
      %dma_start3A_11 = tpu.memref_slice %arg5[%multiple_of3A, %dma_start3A_10] : memref<10112x128xf32, #tpu.memory_space<hbm>> -> memref<632x128xf32, #tpu.memory_space<hbm>>
      tpu.enqueue_dma source(%dma_start3A_11 : memref<632x128xf32, #tpu.memory_space<hbm>>) target(%dma_start3A_9 : memref<632x128xf32, #tpu.memory_space<vmem_shared>>) target_semaphore(%run_scoped3A : memref<!tpu.dma_semaphore, #tpu.memory_space<semaphore_mem>>)
      %dma_wait3A = arith.constant 0 : i32
      %dma_wait3A_12 = tpu.memref_slice %arg10[%multiple_of3A, %dma_wait3A] : memref<10112x128xf32, #tpu.memory_space<vmem_shared>> -> memref<632x128xf32, #tpu.memory_space<vmem_shared>>
      %dma_wait3A_13 = arith.constant 0 : i32
      %dma_wait3A_14 = tpu.memref_slice %arg5[%multiple_of3A, %dma_wait3A_13] : memref<10112x128xf32, #tpu.memory_space<hbm>> -> memref<632x128xf32, #tpu.memory_space<hbm>>
      tpu.wait_dma2 semaphore(%run_scoped3A : memref<!tpu.dma_semaphore, #tpu.memory_space<semaphore_mem>>) src(%dma_wait3A_14 : memref<632x128xf32, #tpu.memory_space<hbm>>) dst(%dma_wait3A_12 : memref<632x128xf32, #tpu.memory_space<vmem_shared>>)
      tpu.yield
    }) : () -> ()
    %barrier3A = arith.constant 0 : index
    tpu.barrier barrier_id(%barrier3A)
    %eq3A = arith.constant 0 : i32
    %eq3A_1 = arith.cmpi eq, %arg0, %eq3A : i32
    %convert_element_type3A = arith.extui %eq3A_1 : i1 to i32
    %cond3A = arith.constant 0 : i32
    %cond3A_2 = arith.cmpi ne, %convert_element_type3A, %cond3A : i32
    scf.if %cond3A_2 {
      %dma_start3A = arith.constant 0 : i32
      %dma_start3A_9 = arith.constant 0 : i32
      %dma_start3A_10 = arith.constant 0 : i32
      %dma_start3A_11 = arith.constant 0 : i32
      %dma_start3A_12 = tpu.memref_slice %arg7[%dma_start3A_9, %dma_start3A_10, %dma_start3A_11] : memref<4x2x128xi32, #tpu.memory_space<vmem>> -> memref<1x2x128xi32, #tpu.memory_space<vmem>>
      %dma_start3A_13 = tpu.memref_squeeze %dma_start3A_12 : memref<1x2x128xi32, #tpu.memory_space<vmem>> -> memref<2x128xi32, #tpu.memory_space<vmem>>
      %dma_start3A_14 = arith.constant 0 : i32
      %dma_start3A_15 = arith.constant 0 : i32
      %dma_start3A_16 = tpu.memref_slice %arg2[%arg1, %dma_start3A, %dma_start3A_14, %dma_start3A_15] : memref<16x112x2x128xi32, #tpu.memory_space<hbm>> -> memref<1x1x2x128xi32, #tpu.memory_space<hbm>>
      %dma_start3A_17 = tpu.memref_squeeze %dma_start3A_16 : memref<1x1x2x128xi32, #tpu.memory_space<hbm>> -> memref<2x128xi32, #tpu.memory_space<hbm>>
      %dma_start3A_18 = arith.constant 0 : i32
      %dma_start3A_19 = arith.constant 0 : i32
      %dma_start3A_20 = tpu.memref_slice %arg7[%dma_start3A_9, %dma_start3A_18, %dma_start3A_19] : memref<4x2x128xi32, #tpu.memory_space<vmem>> -> memref<1x2x128xi32, #tpu.memory_space<vmem>>
      %dma_start3A_21 = tpu.memref_squeeze %dma_start3A_20 : memref<1x2x128xi32, #tpu.memory_space<vmem>> -> memref<2x128xi32, #tpu.memory_space<vmem>>
      %dma_start3A_22 = arith.constant 0 : i32
      %dma_start3A_23 = arith.constant 0 : i32
      %dma_start3A_24 = tpu.memref_slice %arg2[%arg1, %dma_start3A, %dma_start3A_22, %dma_start3A_23] : memref<16x112x2x128xi32, #tpu.memory_space<hbm>> -> memref<1x1x2x128xi32, #tpu.memory_space<hbm>>
      %dma_start3A_25 = tpu.memref_squeeze %dma_start3A_24 : memref<1x1x2x128xi32, #tpu.memory_space<hbm>> -> memref<2x128xi32, #tpu.memory_space<hbm>>
      tpu.enqueue_dma source(%dma_start3A_25 : memref<2x128xi32, #tpu.memory_space<hbm>>) target(%dma_start3A_21 : memref<2x128xi32, #tpu.memory_space<vmem>>) target_semaphore(%arg11 : memref<!tpu.dma_semaphore, #tpu.memory_space<semaphore_mem>>)
      %dma_start3A_26 = arith.constant 1 : i32
      %dma_start3A_27 = arith.constant 1 : i32
      %dma_start3A_28 = arith.constant 0 : i32
      %dma_start3A_29 = arith.constant 0 : i32
      %dma_start3A_30 = tpu.memref_slice %arg7[%dma_start3A_27, %dma_start3A_28, %dma_start3A_29] : memref<4x2x128xi32, #tpu.memory_space<vmem>> -> memref<1x2x128xi32, #tpu.memory_space<vmem>>
      %dma_start3A_31 = tpu.memref_squeeze %dma_start3A_30 : memref<1x2x128xi32, #tpu.memory_space<vmem>> -> memref<2x128xi32, #tpu.memory_space<vmem>>
      %dma_start3A_32 = arith.constant 0 : i32
      %dma_start3A_33 = arith.constant 0 : i32
      %dma_start3A_34 = tpu.memref_slice %arg2[%arg1, %dma_start3A_26, %dma_start3A_32, %dma_start3A_33] : memref<16x112x2x128xi32, #tpu.memory_space<hbm>> -> memref<1x1x2x128xi32, #tpu.memory_space<hbm>>
      %dma_start3A_35 = tpu.memref_squeeze %dma_start3A_34 : memref<1x1x2x128xi32, #tpu.memory_space<hbm>> -> memref<2x128xi32, #tpu.memory_space<hbm>>
      %dma_start3A_36 = arith.constant 0 : i32
      %dma_start3A_37 = arith.constant 0 : i32
      %dma_start3A_38 = tpu.memref_slice %arg7[%dma_start3A_27, %dma_start3A_36, %dma_start3A_37] : memref<4x2x128xi32, #tpu.memory_space<vmem>> -> memref<1x2x128xi32, #tpu.memory_space<vmem>>
      %dma_start3A_39 = tpu.memref_squeeze %dma_start3A_38 : memref<1x2x128xi32, #tpu.memory_space<vmem>> -> memref<2x128xi32, #tpu.memory_space<vmem>>
      %dma_start3A_40 = arith.constant 0 : i32
      %dma_start3A_41 = arith.constant 0 : i32
      %dma_start3A_42 = tpu.memref_slice %arg2[%arg1, %dma_start3A_26, %dma_start3A_40, %dma_start3A_41] : memref<16x112x2x128xi32, #tpu.memory_space<hbm>> -> memref<1x1x2x128xi32, #tpu.memory_space<hbm>>
      %dma_start3A_43 = tpu.memref_squeeze %dma_start3A_42 : memref<1x1x2x128xi32, #tpu.memory_space<hbm>> -> memref<2x128xi32, #tpu.memory_space<hbm>>
      tpu.enqueue_dma source(%dma_start3A_43 : memref<2x128xi32, #tpu.memory_space<hbm>>) target(%dma_start3A_39 : memref<2x128xi32, #tpu.memory_space<vmem>>) target_semaphore(%arg12 : memref<!tpu.dma_semaphore, #tpu.memory_space<semaphore_mem>>)
      %dma_start3A_44 = arith.constant 2 : i32
      %dma_start3A_45 = arith.constant 2 : i32
      %dma_start3A_46 = arith.constant 0 : i32
      %dma_start3A_47 = arith.constant 0 : i32
      %dma_start3A_48 = tpu.memref_slice %arg7[%dma_start3A_45, %dma_start3A_46, %dma_start3A_47] : memref<4x2x128xi32, #tpu.memory_space<vmem>> -> memref<1x2x128xi32, #tpu.memory_space<vmem>>
      %dma_start3A_49 = tpu.memref_squeeze %dma_start3A_48 : memref<1x2x128xi32, #tpu.memory_space<vmem>> -> memref<2x128xi32, #tpu.memory_space<vmem>>
      %dma_start3A_50 = arith.constant 0 : i32
      %dma_start3A_51 = arith.constant 0 : i32
      %dma_start3A_52 = tpu.memref_slice %arg2[%arg1, %dma_start3A_44, %dma_start3A_50, %dma_start3A_51] : memref<16x112x2x128xi32, #tpu.memory_space<hbm>> -> memref<1x1x2x128xi32, #tpu.memory_space<hbm>>
      %dma_start3A_53 = tpu.memref_squeeze %dma_start3A_52 : memref<1x1x2x128xi32, #tpu.memory_space<hbm>> -> memref<2x128xi32, #tpu.memory_space<hbm>>
      %dma_start3A_54 = arith.constant 0 : i32
      %dma_start3A_55 = arith.constant 0 : i32
      %dma_start3A_56 = tpu.memref_slice %arg7[%dma_start3A_45, %dma_start3A_54, %dma_start3A_55] : memref<4x2x128xi32, #tpu.memory_space<vmem>> -> memref<1x2x128xi32, #tpu.memory_space<vmem>>
      %dma_start3A_57 = tpu.memref_squeeze %dma_start3A_56 : memref<1x2x128xi32, #tpu.memory_space<vmem>> -> memref<2x128xi32, #tpu.memory_space<vmem>>
      %dma_start3A_58 = arith.constant 0 : i32
      %dma_start3A_59 = arith.constant 0 : i32
      %dma_start3A_60 = tpu.memref_slice %arg2[%arg1, %dma_start3A_44, %dma_start3A_58, %dma_start3A_59] : memref<16x112x2x128xi32, #tpu.memory_space<hbm>> -> memref<1x1x2x128xi32, #tpu.memory_space<hbm>>
      %dma_start3A_61 = tpu.memref_squeeze %dma_start3A_60 : memref<1x1x2x128xi32, #tpu.memory_space<hbm>> -> memref<2x128xi32, #tpu.memory_space<hbm>>
      tpu.enqueue_dma source(%dma_start3A_61 : memref<2x128xi32, #tpu.memory_space<hbm>>) target(%dma_start3A_57 : memref<2x128xi32, #tpu.memory_space<vmem>>) target_semaphore(%arg13 : memref<!tpu.dma_semaphore, #tpu.memory_space<semaphore_mem>>)
      %dma_wait3A = arith.constant 0 : i32
      %dma_wait3A_62 = arith.constant 0 : i32
      %dma_wait3A_63 = arith.constant 0 : i32
      %dma_wait3A_64 = arith.constant 0 : i32
      %dma_wait3A_65 = tpu.memref_slice %arg7[%dma_wait3A_62, %dma_wait3A_63, %dma_wait3A_64] : memref<4x2x128xi32, #tpu.memory_space<vmem>> -> memref<1x2x128xi32, #tpu.memory_space<vmem>>
      %dma_wait3A_66 = tpu.memref_squeeze %dma_wait3A_65 : memref<1x2x128xi32, #tpu.memory_space<vmem>> -> memref<2x128xi32, #tpu.memory_space<vmem>>
      %dma_wait3A_67 = arith.constant 0 : i32
      %dma_wait3A_68 = arith.constant 0 : i32
      %dma_wait3A_69 = tpu.memref_slice %arg2[%arg1, %dma_wait3A, %dma_wait3A_67, %dma_wait3A_68] : memref<16x112x2x128xi32, #tpu.memory_space<hbm>> -> memref<1x1x2x128xi32, #tpu.memory_space<hbm>>
      %dma_wait3A_70 = tpu.memref_squeeze %dma_wait3A_69 : memref<1x1x2x128xi32, #tpu.memory_space<hbm>> -> memref<2x128xi32, #tpu.memory_space<hbm>>
      %dma_wait3A_71 = arith.constant 0 : i32
      %dma_wait3A_72 = arith.constant 0 : i32
      %dma_wait3A_73 = tpu.memref_slice %arg7[%dma_wait3A_62, %dma_wait3A_71, %dma_wait3A_72] : memref<4x2x128xi32, #tpu.memory_space<vmem>> -> memref<1x2x128xi32, #tpu.memory_space<vmem>>
      %dma_wait3A_74 = tpu.memref_squeeze %dma_wait3A_73 : memref<1x2x128xi32, #tpu.memory_space<vmem>> -> memref<2x128xi32, #tpu.memory_space<vmem>>
      %dma_wait3A_75 = arith.constant 0 : i32
      %dma_wait3A_76 = arith.constant 0 : i32
      %dma_wait3A_77 = tpu.memref_slice %arg2[%arg1, %dma_wait3A, %dma_wait3A_75, %dma_wait3A_76] : memref<16x112x2x128xi32, #tpu.memory_space<hbm>> -> memref<1x1x2x128xi32, #tpu.memory_space<hbm>>
      %dma_wait3A_78 = tpu.memref_squeeze %dma_wait3A_77 : memref<1x1x2x128xi32, #tpu.memory_space<hbm>> -> memref<2x128xi32, #tpu.memory_space<hbm>>
      tpu.wait_dma2 semaphore(%arg11 : memref<!tpu.dma_semaphore, #tpu.memory_space<semaphore_mem>>) src(%dma_wait3A_78 : memref<2x128xi32, #tpu.memory_space<hbm>>) dst(%dma_wait3A_74 : memref<2x128xi32, #tpu.memory_space<vmem>>)
      %dma_start3A_79 = arith.constant 0 : i32
      %dma_start3A_80 = arith.constant 0 : i32
      %dma_start3A_81 = arith.constant 0 : i32
      %dma_start3A_82 = tpu.memref_slice %arg7[%dma_start3A_79, %dma_start3A_80, %dma_start3A_81] : memref<4x2x128xi32, #tpu.memory_space<vmem>> -> memref<1x1x128xi32, #tpu.memory_space<vmem>>
      %dma_start3A_83 = tpu.memref_squeeze %dma_start3A_82 : memref<1x1x128xi32, #tpu.memory_space<vmem>> -> memref<128xi32, #tpu.memory_space<vmem>>
      %dma_start3A_84 = arith.constant 0 : i32
      %dma_start3A_85 = arith.constant 0 : i32
      %dma_start3A_86 = tpu.memref_slice %arg4[%dma_start3A_84, %dma_start3A_85] : memref<10000x128xf32, #tpu.memory_space<hbm>> -> memref<10000x128xf32, #tpu.memory_space<hbm>>
      tpu.enqueue_indirect_dma source(%dma_start3A_86 : memref<10000x128xf32, #tpu.memory_space<hbm>>) target(%arg8 : memref<128x128xf32, #tpu.memory_space<vmem>>) offsets(%dma_start3A_83 : memref<128xi32, #tpu.memory_space<vmem>>) semaphore(%arg15 : memref<!tpu.dma_semaphore, #tpu.memory_space<semaphore_mem>>)
      %dma_wait3A_87 = arith.constant 1 : i32
      %dma_wait3A_88 = arith.constant 1 : i32
      %dma_wait3A_89 = arith.constant 0 : i32
      %dma_wait3A_90 = arith.constant 0 : i32
      %dma_wait3A_91 = tpu.memref_slice %arg7[%dma_wait3A_88, %dma_wait3A_89, %dma_wait3A_90] : memref<4x2x128xi32, #tpu.memory_space<vmem>> -> memref<1x2x128xi32, #tpu.memory_space<vmem>>
      %dma_wait3A_92 = tpu.memref_squeeze %dma_wait3A_91 : memref<1x2x128xi32, #tpu.memory_space<vmem>> -> memref<2x128xi32, #tpu.memory_space<vmem>>
      %dma_wait3A_93 = arith.constant 0 : i32
      %dma_wait3A_94 = arith.constant 0 : i32
      %dma_wait3A_95 = tpu.memref_slice %arg2[%arg1, %dma_wait3A_87, %dma_wait3A_93, %dma_wait3A_94] : memref<16x112x2x128xi32, #tpu.memory_space<hbm>> -> memref<1x1x2x128xi32, #tpu.memory_space<hbm>>
      %dma_wait3A_96 = tpu.memref_squeeze %dma_wait3A_95 : memref<1x1x2x128xi32, #tpu.memory_space<hbm>> -> memref<2x128xi32, #tpu.memory_space<hbm>>
      %dma_wait3A_97 = arith.constant 0 : i32
      %dma_wait3A_98 = arith.constant 0 : i32
      %dma_wait3A_99 = tpu.memref_slice %arg7[%dma_wait3A_88, %dma_wait3A_97, %dma_wait3A_98] : memref<4x2x128xi32, #tpu.memory_space<vmem>> -> memref<1x2x128xi32, #tpu.memory_space<vmem>>
      %dma_wait3A_100 = tpu.memref_squeeze %dma_wait3A_99 : memref<1x2x128xi32, #tpu.memory_space<vmem>> -> memref<2x128xi32, #tpu.memory_space<vmem>>
      %dma_wait3A_101 = arith.constant 0 : i32
      %dma_wait3A_102 = arith.constant 0 : i32
      %dma_wait3A_103 = tpu.memref_slice %arg2[%arg1, %dma_wait3A_87, %dma_wait3A_101, %dma_wait3A_102] : memref<16x112x2x128xi32, #tpu.memory_space<hbm>> -> memref<1x1x2x128xi32, #tpu.memory_space<hbm>>
      %dma_wait3A_104 = tpu.memref_squeeze %dma_wait3A_103 : memref<1x1x2x128xi32, #tpu.memory_space<hbm>> -> memref<2x128xi32, #tpu.memory_space<hbm>>
      tpu.wait_dma2 semaphore(%arg12 : memref<!tpu.dma_semaphore, #tpu.memory_space<semaphore_mem>>) src(%dma_wait3A_104 : memref<2x128xi32, #tpu.memory_space<hbm>>) dst(%dma_wait3A_100 : memref<2x128xi32, #tpu.memory_space<vmem>>)
      %dma_start3A_105 = arith.constant 1 : i32
      %dma_start3A_106 = arith.constant 0 : i32
      %dma_start3A_107 = arith.constant 0 : i32
      %dma_start3A_108 = tpu.memref_slice %arg7[%dma_start3A_105, %dma_start3A_106, %dma_start3A_107] : memref<4x2x128xi32, #tpu.memory_space<vmem>> -> memref<1x1x128xi32, #tpu.memory_space<vmem>>
      %dma_start3A_109 = tpu.memref_squeeze %dma_start3A_108 : memref<1x1x128xi32, #tpu.memory_space<vmem>> -> memref<128xi32, #tpu.memory_space<vmem>>
      %dma_start3A_110 = arith.constant 0 : i32
      %dma_start3A_111 = arith.constant 0 : i32
      %dma_start3A_112 = tpu.memref_slice %arg4[%dma_start3A_110, %dma_start3A_111] : memref<10000x128xf32, #tpu.memory_space<hbm>> -> memref<10000x128xf32, #tpu.memory_space<hbm>>
      tpu.enqueue_indirect_dma source(%dma_start3A_112 : memref<10000x128xf32, #tpu.memory_space<hbm>>) target(%arg9 : memref<128x128xf32, #tpu.memory_space<vmem>>) offsets(%dma_start3A_109 : memref<128xi32, #tpu.memory_space<vmem>>) semaphore(%arg16 : memref<!tpu.dma_semaphore, #tpu.memory_space<semaphore_mem>>)
      %dma_wait3A_113 = arith.constant 0 : i32
      %dma_wait3A_114 = arith.constant 0 : i32
      %dma_wait3A_115 = arith.constant 0 : i32
      %dma_wait3A_116 = tpu.memref_slice %arg7[%dma_wait3A_113, %dma_wait3A_114, %dma_wait3A_115] : memref<4x2x128xi32, #tpu.memory_space<vmem>> -> memref<1x1x128xi32, #tpu.memory_space<vmem>>
      %dma_wait3A_117 = tpu.memref_squeeze %dma_wait3A_116 : memref<1x1x128xi32, #tpu.memory_space<vmem>> -> memref<128xi32, #tpu.memory_space<vmem>>
      %dma_wait3A_118 = arith.constant 0 : i32
      %dma_wait3A_119 = arith.constant 0 : i32
      %dma_wait3A_120 = tpu.memref_slice %arg4[%dma_wait3A_118, %dma_wait3A_119] : memref<10000x128xf32, #tpu.memory_space<hbm>> -> memref<10000x128xf32, #tpu.memory_space<hbm>>
      tpu.wait_indirect_dma semaphore(%arg15 : memref<!tpu.dma_semaphore, #tpu.memory_space<semaphore_mem>>) src(%dma_wait3A_120 : memref<10000x128xf32, #tpu.memory_space<hbm>>) dst(%arg8 : memref<128x128xf32, #tpu.memory_space<vmem>>)
      %dma_start3A_121 = arith.constant 0 : i32
      %dma_start3A_122 = arith.constant 1 : i32
      %dma_start3A_123 = arith.constant 0 : i32
      %dma_start3A_124 = tpu.memref_slice %arg7[%dma_start3A_121, %dma_start3A_122, %dma_start3A_123] : memref<4x2x128xi32, #tpu.memory_space<vmem>> -> memref<1x1x128xi32, #tpu.memory_space<vmem>>
      %dma_start3A_125 = tpu.memref_squeeze %dma_start3A_124 : memref<1x1x128xi32, #tpu.memory_space<vmem>> -> memref<128xi32, #tpu.memory_space<vmem>>
      %dma_start3A_126 = arith.constant 0 : i32
      %dma_start3A_127 = arith.constant 0 : i32
      %dma_start3A_128 = tpu.memref_slice %arg10[%dma_start3A_126, %dma_start3A_127] : memref<10112x128xf32, #tpu.memory_space<vmem_shared>> -> memref<10112x128xf32, #tpu.memory_space<vmem_shared>>
      tpu.enqueue_indirect_dma source(%arg8 : memref<128x128xf32, #tpu.memory_space<vmem>>) target(%dma_start3A_128 : memref<10112x128xf32, #tpu.memory_space<vmem_shared>>) offsets(%dma_start3A_125 : memref<128xi32, #tpu.memory_space<vmem>>) semaphore(%arg17 : memref<!tpu.dma_semaphore, #tpu.memory_space<semaphore_mem>>) {add = true}
      %dma_start3A_129 = arith.constant 3 : i32
      %dma_start3A_130 = arith.constant 3 : i32
      %dma_start3A_131 = arith.constant 0 : i32
      %dma_start3A_132 = arith.constant 0 : i32
      %dma_start3A_133 = tpu.memref_slice %arg7[%dma_start3A_130, %dma_start3A_131, %dma_start3A_132] : memref<4x2x128xi32, #tpu.memory_space<vmem>> -> memref<1x2x128xi32, #tpu.memory_space<vmem>>
      %dma_start3A_134 = tpu.memref_squeeze %dma_start3A_133 : memref<1x2x128xi32, #tpu.memory_space<vmem>> -> memref<2x128xi32, #tpu.memory_space<vmem>>
      %dma_start3A_135 = arith.constant 0 : i32
      %dma_start3A_136 = arith.constant 0 : i32
      %dma_start3A_137 = tpu.memref_slice %arg2[%arg1, %dma_start3A_129, %dma_start3A_135, %dma_start3A_136] : memref<16x112x2x128xi32, #tpu.memory_space<hbm>> -> memref<1x1x2x128xi32, #tpu.memory_space<hbm>>
      %dma_start3A_138 = tpu.memref_squeeze %dma_start3A_137 : memref<1x1x2x128xi32, #tpu.memory_space<hbm>> -> memref<2x128xi32, #tpu.memory_space<hbm>>
      %dma_start3A_139 = arith.constant 0 : i32
      %dma_start3A_140 = arith.constant 0 : i32
      %dma_start3A_141 = tpu.memref_slice %arg7[%dma_start3A_130, %dma_start3A_139, %dma_start3A_140] : memref<4x2x128xi32, #tpu.memory_space<vmem>> -> memref<1x2x128xi32, #tpu.memory_space<vmem>>
      %dma_start3A_142 = tpu.memref_squeeze %dma_start3A_141 : memref<1x2x128xi32, #tpu.memory_space<vmem>> -> memref<2x128xi32, #tpu.memory_space<vmem>>
      %dma_start3A_143 = arith.constant 0 : i32
      %dma_start3A_144 = arith.constant 0 : i32
      %dma_start3A_145 = tpu.memref_slice %arg2[%arg1, %dma_start3A_129, %dma_start3A_143, %dma_start3A_144] : memref<16x112x2x128xi32, #tpu.memory_space<hbm>> -> memref<1x1x2x128xi32, #tpu.memory_space<hbm>>
      %dma_start3A_146 = tpu.memref_squeeze %dma_start3A_145 : memref<1x1x2x128xi32, #tpu.memory_space<hbm>> -> memref<2x128xi32, #tpu.memory_space<hbm>>
      tpu.enqueue_dma source(%dma_start3A_146 : memref<2x128xi32, #tpu.memory_space<hbm>>) target(%dma_start3A_142 : memref<2x128xi32, #tpu.memory_space<vmem>>) target_semaphore(%arg14 : memref<!tpu.dma_semaphore, #tpu.memory_space<semaphore_mem>>)
      %dma_wait3A_147 = arith.constant 0 : i32
      %dma_wait3A_148 = arith.constant 1 : i32
      %dma_wait3A_149 = arith.constant 0 : i32
      %dma_wait3A_150 = tpu.memref_slice %arg7[%dma_wait3A_147, %dma_wait3A_148, %dma_wait3A_149] : memref<4x2x128xi32, #tpu.memory_space<vmem>> -> memref<1x1x128xi32, #tpu.memory_space<vmem>>
      %dma_wait3A_151 = tpu.memref_squeeze %dma_wait3A_150 : memref<1x1x128xi32, #tpu.memory_space<vmem>> -> memref<128xi32, #tpu.memory_space<vmem>>
      %dma_wait3A_152 = arith.constant 0 : i32
      %dma_wait3A_153 = arith.constant 0 : i32
      %dma_wait3A_154 = tpu.memref_slice %arg10[%dma_wait3A_152, %dma_wait3A_153] : memref<10112x128xf32, #tpu.memory_space<vmem_shared>> -> memref<10112x128xf32, #tpu.memory_space<vmem_shared>>
      tpu.wait_indirect_dma semaphore(%arg17 : memref<!tpu.dma_semaphore, #tpu.memory_space<semaphore_mem>>) src(%arg8 : memref<128x128xf32, #tpu.memory_space<vmem>>) dst(%dma_wait3A_154 : memref<10112x128xf32, #tpu.memory_space<vmem_shared>>)
      %dma_wait3A_155 = arith.constant 2 : i32
      %dma_wait3A_156 = arith.constant 2 : i32
      %dma_wait3A_157 = arith.constant 0 : i32
      %dma_wait3A_158 = arith.constant 0 : i32
      %dma_wait3A_159 = tpu.memref_slice %arg7[%dma_wait3A_156, %dma_wait3A_157, %dma_wait3A_158] : memref<4x2x128xi32, #tpu.memory_space<vmem>> -> memref<1x2x128xi32, #tpu.memory_space<vmem>>
      %dma_wait3A_160 = tpu.memref_squeeze %dma_wait3A_159 : memref<1x2x128xi32, #tpu.memory_space<vmem>> -> memref<2x128xi32, #tpu.memory_space<vmem>>
      %dma_wait3A_161 = arith.constant 0 : i32
      %dma_wait3A_162 = arith.constant 0 : i32
      %dma_wait3A_163 = tpu.memref_slice %arg2[%arg1, %dma_wait3A_155, %dma_wait3A_161, %dma_wait3A_162] : memref<16x112x2x128xi32, #tpu.memory_space<hbm>> -> memref<1x1x2x128xi32, #tpu.memory_space<hbm>>
      %dma_wait3A_164 = tpu.memref_squeeze %dma_wait3A_163 : memref<1x1x2x128xi32, #tpu.memory_space<hbm>> -> memref<2x128xi32, #tpu.memory_space<hbm>>
      %dma_wait3A_165 = arith.constant 0 : i32
      %dma_wait3A_166 = arith.constant 0 : i32
      %dma_wait3A_167 = tpu.memref_slice %arg7[%dma_wait3A_156, %dma_wait3A_165, %dma_wait3A_166] : memref<4x2x128xi32, #tpu.memory_space<vmem>> -> memref<1x2x128xi32, #tpu.memory_space<vmem>>
      %dma_wait3A_168 = tpu.memref_squeeze %dma_wait3A_167 : memref<1x2x128xi32, #tpu.memory_space<vmem>> -> memref<2x128xi32, #tpu.memory_space<vmem>>
      %dma_wait3A_169 = arith.constant 0 : i32
      %dma_wait3A_170 = arith.constant 0 : i32
      %dma_wait3A_171 = tpu.memref_slice %arg2[%arg1, %dma_wait3A_155, %dma_wait3A_169, %dma_wait3A_170] : memref<16x112x2x128xi32, #tpu.memory_space<hbm>> -> memref<1x1x2x128xi32, #tpu.memory_space<hbm>>
      %dma_wait3A_172 = tpu.memref_squeeze %dma_wait3A_171 : memref<1x1x2x128xi32, #tpu.memory_space<hbm>> -> memref<2x128xi32, #tpu.memory_space<hbm>>
      tpu.wait_dma2 semaphore(%arg13 : memref<!tpu.dma_semaphore, #tpu.memory_space<semaphore_mem>>) src(%dma_wait3A_172 : memref<2x128xi32, #tpu.memory_space<hbm>>) dst(%dma_wait3A_168 : memref<2x128xi32, #tpu.memory_space<vmem>>)
      %dma_start3A_173 = arith.constant 2 : i32
      %dma_start3A_174 = arith.constant 0 : i32
      %dma_start3A_175 = arith.constant 0 : i32
      %dma_start3A_176 = tpu.memref_slice %arg7[%dma_start3A_173, %dma_start3A_174, %dma_start3A_175] : memref<4x2x128xi32, #tpu.memory_space<vmem>> -> memref<1x1x128xi32, #tpu.memory_space<vmem>>
      %dma_start3A_177 = tpu.memref_squeeze %dma_start3A_176 : memref<1x1x128xi32, #tpu.memory_space<vmem>> -> memref<128xi32, #tpu.memory_space<vmem>>
      %dma_start3A_178 = arith.constant 0 : i32
      %dma_start3A_179 = arith.constant 0 : i32
      %dma_start3A_180 = tpu.memref_slice %arg4[%dma_start3A_178, %dma_start3A_179] : memref<10000x128xf32, #tpu.memory_space<hbm>> -> memref<10000x128xf32, #tpu.memory_space<hbm>>
      tpu.enqueue_indirect_dma source(%dma_start3A_180 : memref<10000x128xf32, #tpu.memory_space<hbm>>) target(%arg8 : memref<128x128xf32, #tpu.memory_space<vmem>>) offsets(%dma_start3A_177 : memref<128xi32, #tpu.memory_space<vmem>>) semaphore(%arg15 : memref<!tpu.dma_semaphore, #tpu.memory_space<semaphore_mem>>)
      %dma_wait3A_181 = arith.constant 1 : i32
      %dma_wait3A_182 = arith.constant 0 : i32
      %dma_wait3A_183 = arith.constant 0 : i32
      %dma_wait3A_184 = tpu.memref_slice %arg7[%dma_wait3A_181, %dma_wait3A_182, %dma_wait3A_183] : memref<4x2x128xi32, #tpu.memory_space<vmem>> -> memref<1x1x128xi32, #tpu.memory_space<vmem>>
      %dma_wait3A_185 = tpu.memref_squeeze %dma_wait3A_184 : memref<1x1x128xi32, #tpu.memory_space<vmem>> -> memref<128xi32, #tpu.memory_space<vmem>>
      %dma_wait3A_186 = arith.constant 0 : i32
      %dma_wait3A_187 = arith.constant 0 : i32
      %dma_wait3A_188 = tpu.memref_slice %arg4[%dma_wait3A_186, %dma_wait3A_187] : memref<10000x128xf32, #tpu.memory_space<hbm>> -> memref<10000x128xf32, #tpu.memory_space<hbm>>
      tpu.wait_indirect_dma semaphore(%arg16 : memref<!tpu.dma_semaphore, #tpu.memory_space<semaphore_mem>>) src(%dma_wait3A_188 : memref<10000x128xf32, #tpu.memory_space<hbm>>) dst(%arg9 : memref<128x128xf32, #tpu.memory_space<vmem>>)
      %dma_start3A_189 = arith.constant 1 : i32
      %dma_start3A_190 = arith.constant 1 : i32
      %dma_start3A_191 = arith.constant 0 : i32
      %dma_start3A_192 = tpu.memref_slice %arg7[%dma_start3A_189, %dma_start3A_190, %dma_start3A_191] : memref<4x2x128xi32, #tpu.memory_space<vmem>> -> memref<1x1x128xi32, #tpu.memory_space<vmem>>
      %dma_start3A_193 = tpu.memref_squeeze %dma_start3A_192 : memref<1x1x128xi32, #tpu.memory_space<vmem>> -> memref<128xi32, #tpu.memory_space<vmem>>
      %dma_start3A_194 = arith.constant 0 : i32
      %dma_start3A_195 = arith.constant 0 : i32
      %dma_start3A_196 = tpu.memref_slice %arg10[%dma_start3A_194, %dma_start3A_195] : memref<10112x128xf32, #tpu.memory_space<vmem_shared>> -> memref<10112x128xf32, #tpu.memory_space<vmem_shared>>
      tpu.enqueue_indirect_dma source(%arg9 : memref<128x128xf32, #tpu.memory_space<vmem>>) target(%dma_start3A_196 : memref<10112x128xf32, #tpu.memory_space<vmem_shared>>) offsets(%dma_start3A_193 : memref<128xi32, #tpu.memory_space<vmem>>) semaphore(%arg18 : memref<!tpu.dma_semaphore, #tpu.memory_space<semaphore_mem>>) {add = true}
      %dma_start3A_197 = arith.constant 4 : i32
      %dma_start3A_198 = arith.constant 0 : i32
      %dma_start3A_199 = arith.constant 0 : i32
      %dma_start3A_200 = arith.constant 0 : i32
      %dma_start3A_201 = tpu.memref_slice %arg7[%dma_start3A_198, %dma_start3A_199, %dma_start3A_200] : memref<4x2x128xi32, #tpu.memory_space<vmem>> -> memref<1x2x128xi32, #tpu.memory_space<vmem>>
      %dma_start3A_202 = tpu.memref_squeeze %dma_start3A_201 : memref<1x2x128xi32, #tpu.memory_space<vmem>> -> memref<2x128xi32, #tpu.memory_space<vmem>>
      %dma_start3A_203 = arith.constant 0 : i32
      %dma_start3A_204 = arith.constant 0 : i32
      %dma_start3A_205 = tpu.memref_slice %arg2[%arg1, %dma_start3A_197, %dma_start3A_203, %dma_start3A_204] : memref<16x112x2x128xi32, #tpu.memory_space<hbm>> -> memref<1x1x2x128xi32, #tpu.memory_space<hbm>>
      %dma_start3A_206 = tpu.memref_squeeze %dma_start3A_205 : memref<1x1x2x128xi32, #tpu.memory_space<hbm>> -> memref<2x128xi32, #tpu.memory_space<hbm>>
      %dma_start3A_207 = arith.constant 0 : i32
      %dma_start3A_208 = arith.constant 0 : i32
      %dma_start3A_209 = tpu.memref_slice %arg7[%dma_start3A_198, %dma_start3A_207, %dma_start3A_208] : memref<4x2x128xi32, #tpu.memory_space<vmem>> -> memref<1x2x128xi32, #tpu.memory_space<vmem>>
      %dma_start3A_210 = tpu.memref_squeeze %dma_start3A_209 : memref<1x2x128xi32, #tpu.memory_space<vmem>> -> memref<2x128xi32, #tpu.memory_space<vmem>>
      %dma_start3A_211 = arith.constant 0 : i32
      %dma_start3A_212 = arith.constant 0 : i32
      %dma_start3A_213 = tpu.memref_slice %arg2[%arg1, %dma_start3A_197, %dma_start3A_211, %dma_start3A_212] : memref<16x112x2x128xi32, #tpu.memory_space<hbm>> -> memref<1x1x2x128xi32, #tpu.memory_space<hbm>>
      %dma_start3A_214 = tpu.memref_squeeze %dma_start3A_213 : memref<1x1x2x128xi32, #tpu.memory_space<hbm>> -> memref<2x128xi32, #tpu.memory_space<hbm>>
      tpu.enqueue_dma source(%dma_start3A_214 : memref<2x128xi32, #tpu.memory_space<hbm>>) target(%dma_start3A_210 : memref<2x128xi32, #tpu.memory_space<vmem>>) target_semaphore(%arg11 : memref<!tpu.dma_semaphore, #tpu.memory_space<semaphore_mem>>)
      %dma_wait3A_215 = arith.constant 1 : i32
      %dma_wait3A_216 = arith.constant 1 : i32
      %dma_wait3A_217 = arith.constant 0 : i32
      %dma_wait3A_218 = tpu.memref_slice %arg7[%dma_wait3A_215, %dma_wait3A_216, %dma_wait3A_217] : memref<4x2x128xi32, #tpu.memory_space<vmem>> -> memref<1x1x128xi32, #tpu.memory_space<vmem>>
      %dma_wait3A_219 = tpu.memref_squeeze %dma_wait3A_218 : memref<1x1x128xi32, #tpu.memory_space<vmem>> -> memref<128xi32, #tpu.memory_space<vmem>>
      %dma_wait3A_220 = arith.constant 0 : i32
      %dma_wait3A_221 = arith.constant 0 : i32
      %dma_wait3A_222 = tpu.memref_slice %arg10[%dma_wait3A_220, %dma_wait3A_221] : memref<10112x128xf32, #tpu.memory_space<vmem_shared>> -> memref<10112x128xf32, #tpu.memory_space<vmem_shared>>
      tpu.wait_indirect_dma semaphore(%arg18 : memref<!tpu.dma_semaphore, #tpu.memory_space<semaphore_mem>>) src(%arg9 : memref<128x128xf32, #tpu.memory_space<vmem>>) dst(%dma_wait3A_222 : memref<10112x128xf32, #tpu.memory_space<vmem_shared>>)
      %dma_wait3A_223 = arith.constant 3 : i32
      %dma_wait3A_224 = arith.constant 3 : i32
      %dma_wait3A_225 = arith.constant 0 : i32
      %dma_wait3A_226 = arith.constant 0 : i32
      %dma_wait3A_227 = tpu.memref_slice %arg7[%dma_wait3A_224, %dma_wait3A_225, %dma_wait3A_226] : memref<4x2x128xi32, #tpu.memory_space<vmem>> -> memref<1x2x128xi32, #tpu.memory_space<vmem>>
      %dma_wait3A_228 = tpu.memref_squeeze %dma_wait3A_227 : memref<1x2x128xi32, #tpu.memory_space<vmem>> -> memref<2x128xi32, #tpu.memory_space<vmem>>
      %dma_wait3A_229 = arith.constant 0 : i32
      %dma_wait3A_230 = arith.constant 0 : i32
      %dma_wait3A_231 = tpu.memref_slice %arg2[%arg1, %dma_wait3A_223, %dma_wait3A_229, %dma_wait3A_230] : memref<16x112x2x128xi32, #tpu.memory_space<hbm>> -> memref<1x1x2x128xi32, #tpu.memory_space<hbm>>
      %dma_wait3A_232 = tpu.memref_squeeze %dma_wait3A_231 : memref<1x1x2x128xi32, #tpu.memory_space<hbm>> -> memref<2x128xi32, #tpu.memory_space<hbm>>
      %dma_wait3A_233 = arith.constant 0 : i32
      %dma_wait3A_234 = arith.constant 0 : i32
      %dma_wait3A_235 = tpu.memref_slice %arg7[%dma_wait3A_224, %dma_wait3A_233, %dma_wait3A_234] : memref<4x2x128xi32, #tpu.memory_space<vmem>> -> memref<1x2x128xi32, #tpu.memory_space<vmem>>
      %dma_wait3A_236 = tpu.memref_squeeze %dma_wait3A_235 : memref<1x2x128xi32, #tpu.memory_space<vmem>> -> memref<2x128xi32, #tpu.memory_space<vmem>>
      %dma_wait3A_237 = arith.constant 0 : i32
      %dma_wait3A_238 = arith.constant 0 : i32
      %dma_wait3A_239 = tpu.memref_slice %arg2[%arg1, %dma_wait3A_223, %dma_wait3A_237, %dma_wait3A_238] : memref<16x112x2x128xi32, #tpu.memory_space<hbm>> -> memref<1x1x2x128xi32, #tpu.memory_space<hbm>>
      %dma_wait3A_240 = tpu.memref_squeeze %dma_wait3A_239 : memref<1x1x2x128xi32, #tpu.memory_space<hbm>> -> memref<2x128xi32, #tpu.memory_space<hbm>>
      tpu.wait_dma2 semaphore(%arg14 : memref<!tpu.dma_semaphore, #tpu.memory_space<semaphore_mem>>) src(%dma_wait3A_240 : memref<2x128xi32, #tpu.memory_space<hbm>>) dst(%dma_wait3A_236 : memref<2x128xi32, #tpu.memory_space<vmem>>)
      %dma_start3A_241 = arith.constant 3 : i32
      %dma_start3A_242 = arith.constant 0 : i32
      %dma_start3A_243 = arith.constant 0 : i32
      %dma_start3A_244 = tpu.memref_slice %arg7[%dma_start3A_241, %dma_start3A_242, %dma_start3A_243] : memref<4x2x128xi32, #tpu.memory_space<vmem>> -> memref<1x1x128xi32, #tpu.memory_space<vmem>>
      %dma_start3A_245 = tpu.memref_squeeze %dma_start3A_244 : memref<1x1x128xi32, #tpu.memory_space<vmem>> -> memref<128xi32, #tpu.memory_space<vmem>>
      %dma_start3A_246 = arith.constant 0 : i32
      %dma_start3A_247 = arith.constant 0 : i32
      %dma_start3A_248 = tpu.memref_slice %arg4[%dma_start3A_246, %dma_start3A_247] : memref<10000x128xf32, #tpu.memory_space<hbm>> -> memref<10000x128xf32, #tpu.memory_space<hbm>>
      tpu.enqueue_indirect_dma source(%dma_start3A_248 : memref<10000x128xf32, #tpu.memory_space<hbm>>) target(%arg9 : memref<128x128xf32, #tpu.memory_space<vmem>>) offsets(%dma_start3A_245 : memref<128xi32, #tpu.memory_space<vmem>>) semaphore(%arg16 : memref<!tpu.dma_semaphore, #tpu.memory_space<semaphore_mem>>)
      %dma_wait3A_249 = arith.constant 2 : i32
      %dma_wait3A_250 = arith.constant 0 : i32
      %dma_wait3A_251 = arith.constant 0 : i32
      %dma_wait3A_252 = tpu.memref_slice %arg7[%dma_wait3A_249, %dma_wait3A_250, %dma_wait3A_251] : memref<4x2x128xi32, #tpu.memory_space<vmem>> -> memref<1x1x128xi32, #tpu.memory_space<vmem>>
      %dma_wait3A_253 = tpu.memref_squeeze %dma_wait3A_252 : memref<1x1x128xi32, #tpu.memory_space<vmem>> -> memref<128xi32, #tpu.memory_space<vmem>>
      %dma_wait3A_254 = arith.constant 0 : i32
      %dma_wait3A_255 = arith.constant 0 : i32
      %dma_wait3A_256 = tpu.memref_slice %arg4[%dma_wait3A_254, %dma_wait3A_255] : memref<10000x128xf32, #tpu.memory_space<hbm>> -> memref<10000x128xf32, #tpu.memory_space<hbm>>
      tpu.wait_indirect_dma semaphore(%arg15 : memref<!tpu.dma_semaphore, #tpu.memory_space<semaphore_mem>>) src(%dma_wait3A_256 : memref<10000x128xf32, #tpu.memory_space<hbm>>) dst(%arg8 : memref<128x128xf32, #tpu.memory_space<vmem>>)
      %dma_start3A_257 = arith.constant 2 : i32
      %dma_start3A_258 = arith.constant 1 : i32
      %dma_start3A_259 = arith.constant 0 : i32
      %dma_start3A_260 = tpu.memref_slice %arg7[%dma_start3A_257, %dma_start3A_258, %dma_start3A_259] : memref<4x2x128xi32, #tpu.memory_space<vmem>> -> memref<1x1x128xi32, #tpu.memory_space<vmem>>
      %dma_start3A_261 = tpu.memref_squeeze %dma_start3A_260 : memref<1x1x128xi32, #tpu.memory_space<vmem>> -> memref<128xi32, #tpu.memory_space<vmem>>
      %dma_start3A_262 = arith.constant 0 : i32
      %dma_start3A_263 = arith.constant 0 : i32
      %dma_start3A_264 = tpu.memref_slice %arg10[%dma_start3A_262, %dma_start3A_263] : memref<10112x128xf32, #tpu.memory_space<vmem_shared>> -> memref<10112x128xf32, #tpu.memory_space<vmem_shared>>
      tpu.enqueue_indirect_dma source(%arg8 : memref<128x128xf32, #tpu.memory_space<vmem>>) target(%dma_start3A_264 : memref<10112x128xf32, #tpu.memory_space<vmem_shared>>) offsets(%dma_start3A_261 : memref<128xi32, #tpu.memory_space<vmem>>) semaphore(%arg17 : memref<!tpu.dma_semaphore, #tpu.memory_space<semaphore_mem>>) {add = true}
      %dma_start3A_265 = arith.constant 5 : i32
      %dma_start3A_266 = arith.constant 1 : i32
      %dma_start3A_267 = arith.constant 0 : i32
      %dma_start3A_268 = arith.constant 0 : i32
      %dma_start3A_269 = tpu.memref_slice %arg7[%dma_start3A_266, %dma_start3A_267, %dma_start3A_268] : memref<4x2x128xi32, #tpu.memory_space<vmem>> -> memref<1x2x128xi32, #tpu.memory_space<vmem>>
      %dma_start3A_270 = tpu.memref_squeeze %dma_start3A_269 : memref<1x2x128xi32, #tpu.memory_space<vmem>> -> memref<2x128xi32, #tpu.memory_space<vmem>>
      %dma_start3A_271 = arith.constant 0 : i32
      %dma_start3A_272 = arith.constant 0 : i32
      %dma_start3A_273 = tpu.memref_slice %arg2[%arg1, %dma_start3A_265, %dma_start3A_271, %dma_start3A_272] : memref<16x112x2x128xi32, #tpu.memory_space<hbm>> -> memref<1x1x2x128xi32, #tpu.memory_space<hbm>>
      %dma_start3A_274 = tpu.memref_squeeze %dma_start3A_273 : memref<1x1x2x128xi32, #tpu.memory_space<hbm>> -> memref<2x128xi32, #tpu.memory_space<hbm>>
      %dma_start3A_275 = arith.constant 0 : i32
      %dma_start3A_276 = arith.constant 0 : i32
      %dma_start3A_277 = tpu.memref_slice %arg7[%dma_start3A_266, %dma_start3A_275, %dma_start3A_276] : memref<4x2x128xi32, #tpu.memory_space<vmem>> -> memref<1x2x128xi32, #tpu.memory_space<vmem>>
      %dma_start3A_278 = tpu.memref_squeeze %dma_start3A_277 : memref<1x2x128xi32, #tpu.memory_space<vmem>> -> memref<2x128xi32, #tpu.memory_space<vmem>>
      %dma_start3A_279 = arith.constant 0 : i32
      %dma_start3A_280 = arith.constant 0 : i32
      %dma_start3A_281 = tpu.memref_slice %arg2[%arg1, %dma_start3A_265, %dma_start3A_279, %dma_start3A_280] : memref<16x112x2x128xi32, #tpu.memory_space<hbm>> -> memref<1x1x2x128xi32, #tpu.memory_space<hbm>>
      %dma_start3A_282 = tpu.memref_squeeze %dma_start3A_281 : memref<1x1x2x128xi32, #tpu.memory_space<hbm>> -> memref<2x128xi32, #tpu.memory_space<hbm>>
      tpu.enqueue_dma source(%dma_start3A_282 : memref<2x128xi32, #tpu.memory_space<hbm>>) target(%dma_start3A_278 : memref<2x128xi32, #tpu.memory_space<vmem>>) target_semaphore(%arg12 : memref<!tpu.dma_semaphore, #tpu.memory_space<semaphore_mem>>)
      %dma_wait3A_283 = arith.constant 2 : i32
      %dma_wait3A_284 = arith.constant 1 : i32
      %dma_wait3A_285 = arith.constant 0 : i32
      %dma_wait3A_286 = tpu.memref_slice %arg7[%dma_wait3A_283, %dma_wait3A_284, %dma_wait3A_285] : memref<4x2x128xi32, #tpu.memory_space<vmem>> -> memref<1x1x128xi32, #tpu.memory_space<vmem>>
      %dma_wait3A_287 = tpu.memref_squeeze %dma_wait3A_286 : memref<1x1x128xi32, #tpu.memory_space<vmem>> -> memref<128xi32, #tpu.memory_space<vmem>>
      %dma_wait3A_288 = arith.constant 0 : i32
      %dma_wait3A_289 = arith.constant 0 : i32
      %dma_wait3A_290 = tpu.memref_slice %arg10[%dma_wait3A_288, %dma_wait3A_289] : memref<10112x128xf32, #tpu.memory_space<vmem_shared>> -> memref<10112x128xf32, #tpu.memory_space<vmem_shared>>
      tpu.wait_indirect_dma semaphore(%arg17 : memref<!tpu.dma_semaphore, #tpu.memory_space<semaphore_mem>>) src(%arg8 : memref<128x128xf32, #tpu.memory_space<vmem>>) dst(%dma_wait3A_290 : memref<10112x128xf32, #tpu.memory_space<vmem_shared>>)
      %dma_wait3A_291 = arith.constant 4 : i32
      %dma_wait3A_292 = arith.constant 0 : i32
      %dma_wait3A_293 = arith.constant 0 : i32
      %dma_wait3A_294 = arith.constant 0 : i32
      %dma_wait3A_295 = tpu.memref_slice %arg7[%dma_wait3A_292, %dma_wait3A_293, %dma_wait3A_294] : memref<4x2x128xi32, #tpu.memory_space<vmem>> -> memref<1x2x128xi32, #tpu.memory_space<vmem>>
      %dma_wait3A_296 = tpu.memref_squeeze %dma_wait3A_295 : memref<1x2x128xi32, #tpu.memory_space<vmem>> -> memref<2x128xi32, #tpu.memory_space<vmem>>
      %dma_wait3A_297 = arith.constant 0 : i32
      %dma_wait3A_298 = arith.constant 0 : i32
      %dma_wait3A_299 = tpu.memref_slice %arg2[%arg1, %dma_wait3A_291, %dma_wait3A_297, %dma_wait3A_298] : memref<16x112x2x128xi32, #tpu.memory_space<hbm>> -> memref<1x1x2x128xi32, #tpu.memory_space<hbm>>
      %dma_wait3A_300 = tpu.memref_squeeze %dma_wait3A_299 : memref<1x1x2x128xi32, #tpu.memory_space<hbm>> -> memref<2x128xi32, #tpu.memory_space<hbm>>
      %dma_wait3A_301 = arith.constant 0 : i32
      %dma_wait3A_302 = arith.constant 0 : i32
      %dma_wait3A_303 = tpu.memref_slice %arg7[%dma_wait3A_292, %dma_wait3A_301, %dma_wait3A_302] : memref<4x2x128xi32, #tpu.memory_space<vmem>> -> memref<1x2x128xi32, #tpu.memory_space<vmem>>
      %dma_wait3A_304 = tpu.memref_squeeze %dma_wait3A_303 : memref<1x2x128xi32, #tpu.memory_space<vmem>> -> memref<2x128xi32, #tpu.memory_space<vmem>>
      %dma_wait3A_305 = arith.constant 0 : i32
      %dma_wait3A_306 = arith.constant 0 : i32
      %dma_wait3A_307 = tpu.memref_slice %arg2[%arg1, %dma_wait3A_291, %dma_wait3A_305, %dma_wait3A_306] : memref<16x112x2x128xi32, #tpu.memory_space<hbm>> -> memref<1x1x2x128xi32, #tpu.memory_space<hbm>>
      %dma_wait3A_308 = tpu.memref_squeeze %dma_wait3A_307 : memref<1x1x2x128xi32, #tpu.memory_space<hbm>> -> memref<2x128xi32, #tpu.memory_space<hbm>>
      tpu.wait_dma2 semaphore(%arg11 : memref<!tpu.dma_semaphore, #tpu.memory_space<semaphore_mem>>) src(%dma_wait3A_308 : memref<2x128xi32, #tpu.memory_space<hbm>>) dst(%dma_wait3A_304 : memref<2x128xi32, #tpu.memory_space<vmem>>)
      %dma_start3A_309 = arith.constant 0 : i32
      %dma_start3A_310 = arith.constant 0 : i32
      %dma_start3A_311 = arith.constant 0 : i32
      %dma_start3A_312 = tpu.memref_slice %arg7[%dma_start3A_309, %dma_start3A_310, %dma_start3A_311] : memref<4x2x128xi32, #tpu.memory_space<vmem>> -> memref<1x1x128xi32, #tpu.memory_space<vmem>>
      %dma_start3A_313 = tpu.memref_squeeze %dma_start3A_312 : memref<1x1x128xi32, #tpu.memory_space<vmem>> -> memref<128xi32, #tpu.memory_space<vmem>>
      %dma_start3A_314 = arith.constant 0 : i32
      %dma_start3A_315 = arith.constant 0 : i32
      %dma_start3A_316 = tpu.memref_slice %arg4[%dma_start3A_314, %dma_start3A_315] : memref<10000x128xf32, #tpu.memory_space<hbm>> -> memref<10000x128xf32, #tpu.memory_space<hbm>>
      tpu.enqueue_indirect_dma source(%dma_start3A_316 : memref<10000x128xf32, #tpu.memory_space<hbm>>) target(%arg8 : memref<128x128xf32, #tpu.memory_space<vmem>>) offsets(%dma_start3A_313 : memref<128xi32, #tpu.memory_space<vmem>>) semaphore(%arg15 : memref<!tpu.dma_semaphore, #tpu.memory_space<semaphore_mem>>)
      %dma_wait3A_317 = arith.constant 3 : i32
      %dma_wait3A_318 = arith.constant 0 : i32
      %dma_wait3A_319 = arith.constant 0 : i32
      %dma_wait3A_320 = tpu.memref_slice %arg7[%dma_wait3A_317, %dma_wait3A_318, %dma_wait3A_319] : memref<4x2x128xi32, #tpu.memory_space<vmem>> -> memref<1x1x128xi32, #tpu.memory_space<vmem>>
      %dma_wait3A_321 = tpu.memref_squeeze %dma_wait3A_320 : memref<1x1x128xi32, #tpu.memory_space<vmem>> -> memref<128xi32, #tpu.memory_space<vmem>>
      %dma_wait3A_322 = arith.constant 0 : i32
      %dma_wait3A_323 = arith.constant 0 : i32
      %dma_wait3A_324 = tpu.memref_slice %arg4[%dma_wait3A_322, %dma_wait3A_323] : memref<10000x128xf32, #tpu.memory_space<hbm>> -> memref<10000x128xf32, #tpu.memory_space<hbm>>
      tpu.wait_indirect_dma semaphore(%arg16 : memref<!tpu.dma_semaphore, #tpu.memory_space<semaphore_mem>>) src(%dma_wait3A_324 : memref<10000x128xf32, #tpu.memory_space<hbm>>) dst(%arg9 : memref<128x128xf32, #tpu.memory_space<vmem>>)
      %dma_start3A_325 = arith.constant 3 : i32
      %dma_start3A_326 = arith.constant 1 : i32
      %dma_start3A_327 = arith.constant 0 : i32
      %dma_start3A_328 = tpu.memref_slice %arg7[%dma_start3A_325, %dma_start3A_326, %dma_start3A_327] : memref<4x2x128xi32, #tpu.memory_space<vmem>> -> memref<1x1x128xi32, #tpu.memory_space<vmem>>
      %dma_start3A_329 = tpu.memref_squeeze %dma_start3A_328 : memref<1x1x128xi32, #tpu.memory_space<vmem>> -> memref<128xi32, #tpu.memory_space<vmem>>
      %dma_start3A_330 = arith.constant 0 : i32
      %dma_start3A_331 = arith.constant 0 : i32
      %dma_start3A_332 = tpu.memref_slice %arg10[%dma_start3A_330, %dma_start3A_331] : memref<10112x128xf32, #tpu.memory_space<vmem_shared>> -> memref<10112x128xf32, #tpu.memory_space<vmem_shared>>
      tpu.enqueue_indirect_dma source(%arg9 : memref<128x128xf32, #tpu.memory_space<vmem>>) target(%dma_start3A_332 : memref<10112x128xf32, #tpu.memory_space<vmem_shared>>) offsets(%dma_start3A_329 : memref<128xi32, #tpu.memory_space<vmem>>) semaphore(%arg18 : memref<!tpu.dma_semaphore, #tpu.memory_space<semaphore_mem>>) {add = true}
      %dma_start3A_333 = arith.constant 6 : i32
      %dma_start3A_334 = arith.constant 2 : i32
      %dma_start3A_335 = arith.constant 0 : i32
      %dma_start3A_336 = arith.constant 0 : i32
      %dma_start3A_337 = tpu.memref_slice %arg7[%dma_start3A_334, %dma_start3A_335, %dma_start3A_336] : memref<4x2x128xi32, #tpu.memory_space<vmem>> -> memref<1x2x128xi32, #tpu.memory_space<vmem>>
      %dma_start3A_338 = tpu.memref_squeeze %dma_start3A_337 : memref<1x2x128xi32, #tpu.memory_space<vmem>> -> memref<2x128xi32, #tpu.memory_space<vmem>>
      %dma_start3A_339 = arith.constant 0 : i32
      %dma_start3A_340 = arith.constant 0 : i32
      %dma_start3A_341 = tpu.memref_slice %arg2[%arg1, %dma_start3A_333, %dma_start3A_339, %dma_start3A_340] : memref<16x112x2x128xi32, #tpu.memory_space<hbm>> -> memref<1x1x2x128xi32, #tpu.memory_space<hbm>>
      %dma_start3A_342 = tpu.memref_squeeze %dma_start3A_341 : memref<1x1x2x128xi32, #tpu.memory_space<hbm>> -> memref<2x128xi32, #tpu.memory_space<hbm>>
      %dma_start3A_343 = arith.constant 0 : i32
      %dma_start3A_344 = arith.constant 0 : i32
      %dma_start3A_345 = tpu.memref_slice %arg7[%dma_start3A_334, %dma_start3A_343, %dma_start3A_344] : memref<4x2x128xi32, #tpu.memory_space<vmem>> -> memref<1x2x128xi32, #tpu.memory_space<vmem>>
      %dma_start3A_346 = tpu.memref_squeeze %dma_start3A_345 : memref<1x2x128xi32, #tpu.memory_space<vmem>> -> memref<2x128xi32, #tpu.memory_space<vmem>>
      %dma_start3A_347 = arith.constant 0 : i32
      %dma_start3A_348 = arith.constant 0 : i32
      %dma_start3A_349 = tpu.memref_slice %arg2[%arg1, %dma_start3A_333, %dma_start3A_347, %dma_start3A_348] : memref<16x112x2x128xi32, #tpu.memory_space<hbm>> -> memref<1x1x2x128xi32, #tpu.memory_space<hbm>>
      %dma_start3A_350 = tpu.memref_squeeze %dma_start3A_349 : memref<1x1x2x128xi32, #tpu.memory_space<hbm>> -> memref<2x128xi32, #tpu.memory_space<hbm>>
      tpu.enqueue_dma source(%dma_start3A_350 : memref<2x128xi32, #tpu.memory_space<hbm>>) target(%dma_start3A_346 : memref<2x128xi32, #tpu.memory_space<vmem>>) target_semaphore(%arg13 : memref<!tpu.dma_semaphore, #tpu.memory_space<semaphore_mem>>)
      %scan3A = arith.constant 0 : i32
      %scan3A_351 = arith.constant 25 : i32
      %scan3A_352 = arith.addi %scan3A, %scan3A_351 : i32
      %scan3A_353 = arith.constant 1 : i32
      scf.for %scan3A_827 = %scan3A to %scan3A_352 step %scan3A_353  : i32 {
        %mul3A_828 = arith.constant 1 : i32
        %mul3A_829 = arith.muli %scan3A_827, %mul3A_828 : i32
        %add3A = arith.constant 1 : i32
        %add3A_830 = arith.addi %add3A, %mul3A_829 : i32
        %mul3A_831 = arith.constant 4 : i32
        %mul3A_832 = arith.muli %add3A_830, %mul3A_831 : i32
        %dma_wait3A_833 = arith.constant 3 : i32
        %dma_wait3A_834 = arith.constant 1 : i32
        %dma_wait3A_835 = arith.constant 0 : i32
        %dma_wait3A_836 = tpu.memref_slice %arg7[%dma_wait3A_833, %dma_wait3A_834, %dma_wait3A_835] : memref<4x2x128xi32, #tpu.memory_space<vmem>> -> memref<1x1x128xi32, #tpu.memory_space<vmem>>
        %dma_wait3A_837 = tpu.memref_squeeze %dma_wait3A_836 : memref<1x1x128xi32, #tpu.memory_space<vmem>> -> memref<128xi32, #tpu.memory_space<vmem>>
        %dma_wait3A_838 = arith.constant 0 : i32
        %dma_wait3A_839 = arith.constant 0 : i32
        %dma_wait3A_840 = tpu.memref_slice %arg10[%dma_wait3A_838, %dma_wait3A_839] : memref<10112x128xf32, #tpu.memory_space<vmem_shared>> -> memref<10112x128xf32, #tpu.memory_space<vmem_shared>>
        tpu.wait_indirect_dma semaphore(%arg18 : memref<!tpu.dma_semaphore, #tpu.memory_space<semaphore_mem>>) src(%arg9 : memref<128x128xf32, #tpu.memory_space<vmem>>) dst(%dma_wait3A_840 : memref<10112x128xf32, #tpu.memory_space<vmem_shared>>)
        %add3A_841 = arith.constant 1 : i32
        %add3A_842 = arith.addi %mul3A_832, %add3A_841 : i32
        %dma_wait3A_843 = arith.constant 1 : i32
        %dma_wait3A_844 = arith.constant 0 : i32
        %dma_wait3A_845 = arith.constant 0 : i32
        %dma_wait3A_846 = tpu.memref_slice %arg7[%dma_wait3A_843, %dma_wait3A_844, %dma_wait3A_845] : memref<4x2x128xi32, #tpu.memory_space<vmem>> -> memref<1x2x128xi32, #tpu.memory_space<vmem>>
        %dma_wait3A_847 = tpu.memref_squeeze %dma_wait3A_846 : memref<1x2x128xi32, #tpu.memory_space<vmem>> -> memref<2x128xi32, #tpu.memory_space<vmem>>
        %dma_wait3A_848 = arith.constant 0 : i32
        %dma_wait3A_849 = arith.constant 0 : i32
        %dma_wait3A_850 = tpu.memref_slice %arg2[%arg1, %add3A_842, %dma_wait3A_848, %dma_wait3A_849] : memref<16x112x2x128xi32, #tpu.memory_space<hbm>> -> memref<1x1x2x128xi32, #tpu.memory_space<hbm>>
        %dma_wait3A_851 = tpu.memref_squeeze %dma_wait3A_850 : memref<1x1x2x128xi32, #tpu.memory_space<hbm>> -> memref<2x128xi32, #tpu.memory_space<hbm>>
        %dma_wait3A_852 = arith.constant 0 : i32
        %dma_wait3A_853 = arith.constant 0 : i32
        %dma_wait3A_854 = tpu.memref_slice %arg7[%dma_wait3A_843, %dma_wait3A_852, %dma_wait3A_853] : memref<4x2x128xi32, #tpu.memory_space<vmem>> -> memref<1x2x128xi32, #tpu.memory_space<vmem>>
        %dma_wait3A_855 = tpu.memref_squeeze %dma_wait3A_854 : memref<1x2x128xi32, #tpu.memory_space<vmem>> -> memref<2x128xi32, #tpu.memory_space<vmem>>
        %dma_wait3A_856 = arith.constant 0 : i32
        %dma_wait3A_857 = arith.constant 0 : i32
        %dma_wait3A_858 = tpu.memref_slice %arg2[%arg1, %add3A_842, %dma_wait3A_856, %dma_wait3A_857] : memref<16x112x2x128xi32, #tpu.memory_space<hbm>> -> memref<1x1x2x128xi32, #tpu.memory_space<hbm>>
        %dma_wait3A_859 = tpu.memref_squeeze %dma_wait3A_858 : memref<1x1x2x128xi32, #tpu.memory_space<hbm>> -> memref<2x128xi32, #tpu.memory_space<hbm>>
        tpu.wait_dma2 semaphore(%arg12 : memref<!tpu.dma_semaphore, #tpu.memory_space<semaphore_mem>>) src(%dma_wait3A_859 : memref<2x128xi32, #tpu.memory_space<hbm>>) dst(%dma_wait3A_855 : memref<2x128xi32, #tpu.memory_space<vmem>>)
        %dma_start3A_860 = arith.constant 1 : i32
        %dma_start3A_861 = arith.constant 0 : i32
        %dma_start3A_862 = arith.constant 0 : i32
        %dma_start3A_863 = tpu.memref_slice %arg7[%dma_start3A_860, %dma_start3A_861, %dma_start3A_862] : memref<4x2x128xi32, #tpu.memory_space<vmem>> -> memref<1x1x128xi32, #tpu.memory_space<vmem>>
        %dma_start3A_864 = tpu.memref_squeeze %dma_start3A_863 : memref<1x1x128xi32, #tpu.memory_space<vmem>> -> memref<128xi32, #tpu.memory_space<vmem>>
        %dma_start3A_865 = arith.constant 0 : i32
        %dma_start3A_866 = arith.constant 0 : i32
        %dma_start3A_867 = tpu.memref_slice %arg4[%dma_start3A_865, %dma_start3A_866] : memref<10000x128xf32, #tpu.memory_space<hbm>> -> memref<10000x128xf32, #tpu.memory_space<hbm>>
        tpu.enqueue_indirect_dma source(%dma_start3A_867 : memref<10000x128xf32, #tpu.memory_space<hbm>>) target(%arg9 : memref<128x128xf32, #tpu.memory_space<vmem>>) offsets(%dma_start3A_864 : memref<128xi32, #tpu.memory_space<vmem>>) semaphore(%arg16 : memref<!tpu.dma_semaphore, #tpu.memory_space<semaphore_mem>>)
        %dma_wait3A_868 = arith.constant 0 : i32
        %dma_wait3A_869 = arith.constant 0 : i32
        %dma_wait3A_870 = arith.constant 0 : i32
        %dma_wait3A_871 = tpu.memref_slice %arg7[%dma_wait3A_868, %dma_wait3A_869, %dma_wait3A_870] : memref<4x2x128xi32, #tpu.memory_space<vmem>> -> memref<1x1x128xi32, #tpu.memory_space<vmem>>
        %dma_wait3A_872 = tpu.memref_squeeze %dma_wait3A_871 : memref<1x1x128xi32, #tpu.memory_space<vmem>> -> memref<128xi32, #tpu.memory_space<vmem>>
        %dma_wait3A_873 = arith.constant 0 : i32
        %dma_wait3A_874 = arith.constant 0 : i32
        %dma_wait3A_875 = tpu.memref_slice %arg4[%dma_wait3A_873, %dma_wait3A_874] : memref<10000x128xf32, #tpu.memory_space<hbm>> -> memref<10000x128xf32, #tpu.memory_space<hbm>>
        tpu.wait_indirect_dma semaphore(%arg15 : memref<!tpu.dma_semaphore, #tpu.memory_space<semaphore_mem>>) src(%dma_wait3A_875 : memref<10000x128xf32, #tpu.memory_space<hbm>>) dst(%arg8 : memref<128x128xf32, #tpu.memory_space<vmem>>)
        %dma_start3A_876 = arith.constant 0 : i32
        %dma_start3A_877 = arith.constant 1 : i32
        %dma_start3A_878 = arith.constant 0 : i32
        %dma_start3A_879 = tpu.memref_slice %arg7[%dma_start3A_876, %dma_start3A_877, %dma_start3A_878] : memref<4x2x128xi32, #tpu.memory_space<vmem>> -> memref<1x1x128xi32, #tpu.memory_space<vmem>>
        %dma_start3A_880 = tpu.memref_squeeze %dma_start3A_879 : memref<1x1x128xi32, #tpu.memory_space<vmem>> -> memref<128xi32, #tpu.memory_space<vmem>>
        %dma_start3A_881 = arith.constant 0 : i32
        %dma_start3A_882 = arith.constant 0 : i32
        %dma_start3A_883 = tpu.memref_slice %arg10[%dma_start3A_881, %dma_start3A_882] : memref<10112x128xf32, #tpu.memory_space<vmem_shared>> -> memref<10112x128xf32, #tpu.memory_space<vmem_shared>>
        tpu.enqueue_indirect_dma source(%arg8 : memref<128x128xf32, #tpu.memory_space<vmem>>) target(%dma_start3A_883 : memref<10112x128xf32, #tpu.memory_space<vmem_shared>>) offsets(%dma_start3A_880 : memref<128xi32, #tpu.memory_space<vmem>>) semaphore(%arg17 : memref<!tpu.dma_semaphore, #tpu.memory_space<semaphore_mem>>) {add = true}
        %add3A_884 = arith.constant 3 : i32
        %add3A_885 = arith.addi %mul3A_832, %add3A_884 : i32
        %dma_start3A_886 = arith.constant 3 : i32
        %dma_start3A_887 = arith.constant 0 : i32
        %dma_start3A_888 = arith.constant 0 : i32
        %dma_start3A_889 = tpu.memref_slice %arg7[%dma_start3A_886, %dma_start3A_887, %dma_start3A_888] : memref<4x2x128xi32, #tpu.memory_space<vmem>> -> memref<1x2x128xi32, #tpu.memory_space<vmem>>
        %dma_start3A_890 = tpu.memref_squeeze %dma_start3A_889 : memref<1x2x128xi32, #tpu.memory_space<vmem>> -> memref<2x128xi32, #tpu.memory_space<vmem>>
        %dma_start3A_891 = arith.constant 0 : i32
        %dma_start3A_892 = arith.constant 0 : i32
        %dma_start3A_893 = tpu.memref_slice %arg2[%arg1, %add3A_885, %dma_start3A_891, %dma_start3A_892] : memref<16x112x2x128xi32, #tpu.memory_space<hbm>> -> memref<1x1x2x128xi32, #tpu.memory_space<hbm>>
        %dma_start3A_894 = tpu.memref_squeeze %dma_start3A_893 : memref<1x1x2x128xi32, #tpu.memory_space<hbm>> -> memref<2x128xi32, #tpu.memory_space<hbm>>
        %dma_start3A_895 = arith.constant 0 : i32
        %dma_start3A_896 = arith.constant 0 : i32
        %dma_start3A_897 = tpu.memref_slice %arg7[%dma_start3A_886, %dma_start3A_895, %dma_start3A_896] : memref<4x2x128xi32, #tpu.memory_space<vmem>> -> memref<1x2x128xi32, #tpu.memory_space<vmem>>
        %dma_start3A_898 = tpu.memref_squeeze %dma_start3A_897 : memref<1x2x128xi32, #tpu.memory_space<vmem>> -> memref<2x128xi32, #tpu.memory_space<vmem>>
        %dma_start3A_899 = arith.constant 0 : i32
        %dma_start3A_900 = arith.constant 0 : i32
        %dma_start3A_901 = tpu.memref_slice %arg2[%arg1, %add3A_885, %dma_start3A_899, %dma_start3A_900] : memref<16x112x2x128xi32, #tpu.memory_space<hbm>> -> memref<1x1x2x128xi32, #tpu.memory_space<hbm>>
        %dma_start3A_902 = tpu.memref_squeeze %dma_start3A_901 : memref<1x1x2x128xi32, #tpu.memory_space<hbm>> -> memref<2x128xi32, #tpu.memory_space<hbm>>
        tpu.enqueue_dma source(%dma_start3A_902 : memref<2x128xi32, #tpu.memory_space<hbm>>) target(%dma_start3A_898 : memref<2x128xi32, #tpu.memory_space<vmem>>) target_semaphore(%arg14 : memref<!tpu.dma_semaphore, #tpu.memory_space<semaphore_mem>>)
        %add3A_903 = arith.constant 1 : i32
        %add3A_904 = arith.addi %mul3A_832, %add3A_903 : i32
        %dma_wait3A_905 = arith.constant 0 : i32
        %dma_wait3A_906 = arith.constant 1 : i32
        %dma_wait3A_907 = arith.constant 0 : i32
        %dma_wait3A_908 = tpu.memref_slice %arg7[%dma_wait3A_905, %dma_wait3A_906, %dma_wait3A_907] : memref<4x2x128xi32, #tpu.memory_space<vmem>> -> memref<1x1x128xi32, #tpu.memory_space<vmem>>
        %dma_wait3A_909 = tpu.memref_squeeze %dma_wait3A_908 : memref<1x1x128xi32, #tpu.memory_space<vmem>> -> memref<128xi32, #tpu.memory_space<vmem>>
        %dma_wait3A_910 = arith.constant 0 : i32
        %dma_wait3A_911 = arith.constant 0 : i32
        %dma_wait3A_912 = tpu.memref_slice %arg10[%dma_wait3A_910, %dma_wait3A_911] : memref<10112x128xf32, #tpu.memory_space<vmem_shared>> -> memref<10112x128xf32, #tpu.memory_space<vmem_shared>>
        tpu.wait_indirect_dma semaphore(%arg17 : memref<!tpu.dma_semaphore, #tpu.memory_space<semaphore_mem>>) src(%arg8 : memref<128x128xf32, #tpu.memory_space<vmem>>) dst(%dma_wait3A_912 : memref<10112x128xf32, #tpu.memory_space<vmem_shared>>)
        %add3A_913 = arith.constant 1 : i32
        %add3A_914 = arith.addi %add3A_904, %add3A_913 : i32
        %dma_wait3A_915 = arith.constant 2 : i32
        %dma_wait3A_916 = arith.constant 0 : i32
        %dma_wait3A_917 = arith.constant 0 : i32
        %dma_wait3A_918 = tpu.memref_slice %arg7[%dma_wait3A_915, %dma_wait3A_916, %dma_wait3A_917] : memref<4x2x128xi32, #tpu.memory_space<vmem>> -> memref<1x2x128xi32, #tpu.memory_space<vmem>>
        %dma_wait3A_919 = tpu.memref_squeeze %dma_wait3A_918 : memref<1x2x128xi32, #tpu.memory_space<vmem>> -> memref<2x128xi32, #tpu.memory_space<vmem>>
        %dma_wait3A_920 = arith.constant 0 : i32
        %dma_wait3A_921 = arith.constant 0 : i32
        %dma_wait3A_922 = tpu.memref_slice %arg2[%arg1, %add3A_914, %dma_wait3A_920, %dma_wait3A_921] : memref<16x112x2x128xi32, #tpu.memory_space<hbm>> -> memref<1x1x2x128xi32, #tpu.memory_space<hbm>>
        %dma_wait3A_923 = tpu.memref_squeeze %dma_wait3A_922 : memref<1x1x2x128xi32, #tpu.memory_space<hbm>> -> memref<2x128xi32, #tpu.memory_space<hbm>>
        %dma_wait3A_924 = arith.constant 0 : i32
        %dma_wait3A_925 = arith.constant 0 : i32
        %dma_wait3A_926 = tpu.memref_slice %arg7[%dma_wait3A_915, %dma_wait3A_924, %dma_wait3A_925] : memref<4x2x128xi32, #tpu.memory_space<vmem>> -> memref<1x2x128xi32, #tpu.memory_space<vmem>>
        %dma_wait3A_927 = tpu.memref_squeeze %dma_wait3A_926 : memref<1x2x128xi32, #tpu.memory_space<vmem>> -> memref<2x128xi32, #tpu.memory_space<vmem>>
        %dma_wait3A_928 = arith.constant 0 : i32
        %dma_wait3A_929 = arith.constant 0 : i32
        %dma_wait3A_930 = tpu.memref_slice %arg2[%arg1, %add3A_914, %dma_wait3A_928, %dma_wait3A_929] : memref<16x112x2x128xi32, #tpu.memory_space<hbm>> -> memref<1x1x2x128xi32, #tpu.memory_space<hbm>>
        %dma_wait3A_931 = tpu.memref_squeeze %dma_wait3A_930 : memref<1x1x2x128xi32, #tpu.memory_space<hbm>> -> memref<2x128xi32, #tpu.memory_space<hbm>>
        tpu.wait_dma2 semaphore(%arg13 : memref<!tpu.dma_semaphore, #tpu.memory_space<semaphore_mem>>) src(%dma_wait3A_931 : memref<2x128xi32, #tpu.memory_space<hbm>>) dst(%dma_wait3A_927 : memref<2x128xi32, #tpu.memory_space<vmem>>)
        %dma_start3A_932 = arith.constant 2 : i32
        %dma_start3A_933 = arith.constant 0 : i32
        %dma_start3A_934 = arith.constant 0 : i32
        %dma_start3A_935 = tpu.memref_slice %arg7[%dma_start3A_932, %dma_start3A_933, %dma_start3A_934] : memref<4x2x128xi32, #tpu.memory_space<vmem>> -> memref<1x1x128xi32, #tpu.memory_space<vmem>>
        %dma_start3A_936 = tpu.memref_squeeze %dma_start3A_935 : memref<1x1x128xi32, #tpu.memory_space<vmem>> -> memref<128xi32, #tpu.memory_space<vmem>>
        %dma_start3A_937 = arith.constant 0 : i32
        %dma_start3A_938 = arith.constant 0 : i32
        %dma_start3A_939 = tpu.memref_slice %arg4[%dma_start3A_937, %dma_start3A_938] : memref<10000x128xf32, #tpu.memory_space<hbm>> -> memref<10000x128xf32, #tpu.memory_space<hbm>>
        tpu.enqueue_indirect_dma source(%dma_start3A_939 : memref<10000x128xf32, #tpu.memory_space<hbm>>) target(%arg8 : memref<128x128xf32, #tpu.memory_space<vmem>>) offsets(%dma_start3A_936 : memref<128xi32, #tpu.memory_space<vmem>>) semaphore(%arg15 : memref<!tpu.dma_semaphore, #tpu.memory_space<semaphore_mem>>)
        %dma_wait3A_940 = arith.constant 1 : i32
        %dma_wait3A_941 = arith.constant 0 : i32
        %dma_wait3A_942 = arith.constant 0 : i32
        %dma_wait3A_943 = tpu.memref_slice %arg7[%dma_wait3A_940, %dma_wait3A_941, %dma_wait3A_942] : memref<4x2x128xi32, #tpu.memory_space<vmem>> -> memref<1x1x128xi32, #tpu.memory_space<vmem>>
        %dma_wait3A_944 = tpu.memref_squeeze %dma_wait3A_943 : memref<1x1x128xi32, #tpu.memory_space<vmem>> -> memref<128xi32, #tpu.memory_space<vmem>>
        %dma_wait3A_945 = arith.constant 0 : i32
        %dma_wait3A_946 = arith.constant 0 : i32
        %dma_wait3A_947 = tpu.memref_slice %arg4[%dma_wait3A_945, %dma_wait3A_946] : memref<10000x128xf32, #tpu.memory_space<hbm>> -> memref<10000x128xf32, #tpu.memory_space<hbm>>
        tpu.wait_indirect_dma semaphore(%arg16 : memref<!tpu.dma_semaphore, #tpu.memory_space<semaphore_mem>>) src(%dma_wait3A_947 : memref<10000x128xf32, #tpu.memory_space<hbm>>) dst(%arg9 : memref<128x128xf32, #tpu.memory_space<vmem>>)
        %dma_start3A_948 = arith.constant 1 : i32
        %dma_start3A_949 = arith.constant 1 : i32
        %dma_start3A_950 = arith.constant 0 : i32
        %dma_start3A_951 = tpu.memref_slice %arg7[%dma_start3A_948, %dma_start3A_949, %dma_start3A_950] : memref<4x2x128xi32, #tpu.memory_space<vmem>> -> memref<1x1x128xi32, #tpu.memory_space<vmem>>
        %dma_start3A_952 = tpu.memref_squeeze %dma_start3A_951 : memref<1x1x128xi32, #tpu.memory_space<vmem>> -> memref<128xi32, #tpu.memory_space<vmem>>
        %dma_start3A_953 = arith.constant 0 : i32
        %dma_start3A_954 = arith.constant 0 : i32
        %dma_start3A_955 = tpu.memref_slice %arg10[%dma_start3A_953, %dma_start3A_954] : memref<10112x128xf32, #tpu.memory_space<vmem_shared>> -> memref<10112x128xf32, #tpu.memory_space<vmem_shared>>
        tpu.enqueue_indirect_dma source(%arg9 : memref<128x128xf32, #tpu.memory_space<vmem>>) target(%dma_start3A_955 : memref<10112x128xf32, #tpu.memory_space<vmem_shared>>) offsets(%dma_start3A_952 : memref<128xi32, #tpu.memory_space<vmem>>) semaphore(%arg18 : memref<!tpu.dma_semaphore, #tpu.memory_space<semaphore_mem>>) {add = true}
        %add3A_956 = arith.constant 3 : i32
        %add3A_957 = arith.addi %add3A_904, %add3A_956 : i32
        %dma_start3A_958 = arith.constant 0 : i32
        %dma_start3A_959 = arith.constant 0 : i32
        %dma_start3A_960 = arith.constant 0 : i32
        %dma_start3A_961 = tpu.memref_slice %arg7[%dma_start3A_958, %dma_start3A_959, %dma_start3A_960] : memref<4x2x128xi32, #tpu.memory_space<vmem>> -> memref<1x2x128xi32, #tpu.memory_space<vmem>>
        %dma_start3A_962 = tpu.memref_squeeze %dma_start3A_961 : memref<1x2x128xi32, #tpu.memory_space<vmem>> -> memref<2x128xi32, #tpu.memory_space<vmem>>
        %dma_start3A_963 = arith.constant 0 : i32
        %dma_start3A_964 = arith.constant 0 : i32
        %dma_start3A_965 = tpu.memref_slice %arg2[%arg1, %add3A_957, %dma_start3A_963, %dma_start3A_964] : memref<16x112x2x128xi32, #tpu.memory_space<hbm>> -> memref<1x1x2x128xi32, #tpu.memory_space<hbm>>
        %dma_start3A_966 = tpu.memref_squeeze %dma_start3A_965 : memref<1x1x2x128xi32, #tpu.memory_space<hbm>> -> memref<2x128xi32, #tpu.memory_space<hbm>>
        %dma_start3A_967 = arith.constant 0 : i32
        %dma_start3A_968 = arith.constant 0 : i32
        %dma_start3A_969 = tpu.memref_slice %arg7[%dma_start3A_958, %dma_start3A_967, %dma_start3A_968] : memref<4x2x128xi32, #tpu.memory_space<vmem>> -> memref<1x2x128xi32, #tpu.memory_space<vmem>>
        %dma_start3A_970 = tpu.memref_squeeze %dma_start3A_969 : memref<1x2x128xi32, #tpu.memory_space<vmem>> -> memref<2x128xi32, #tpu.memory_space<vmem>>
        %dma_start3A_971 = arith.constant 0 : i32
        %dma_start3A_972 = arith.constant 0 : i32
        %dma_start3A_973 = tpu.memref_slice %arg2[%arg1, %add3A_957, %dma_start3A_971, %dma_start3A_972] : memref<16x112x2x128xi32, #tpu.memory_space<hbm>> -> memref<1x1x2x128xi32, #tpu.memory_space<hbm>>
        %dma_start3A_974 = tpu.memref_squeeze %dma_start3A_973 : memref<1x1x2x128xi32, #tpu.memory_space<hbm>> -> memref<2x128xi32, #tpu.memory_space<hbm>>
        tpu.enqueue_dma source(%dma_start3A_974 : memref<2x128xi32, #tpu.memory_space<hbm>>) target(%dma_start3A_970 : memref<2x128xi32, #tpu.memory_space<vmem>>) target_semaphore(%arg11 : memref<!tpu.dma_semaphore, #tpu.memory_space<semaphore_mem>>)
        %add3A_975 = arith.constant 2 : i32
        %add3A_976 = arith.addi %mul3A_832, %add3A_975 : i32
        %dma_wait3A_977 = arith.constant 1 : i32
        %dma_wait3A_978 = arith.constant 1 : i32
        %dma_wait3A_979 = arith.constant 0 : i32
        %dma_wait3A_980 = tpu.memref_slice %arg7[%dma_wait3A_977, %dma_wait3A_978, %dma_wait3A_979] : memref<4x2x128xi32, #tpu.memory_space<vmem>> -> memref<1x1x128xi32, #tpu.memory_space<vmem>>
        %dma_wait3A_981 = tpu.memref_squeeze %dma_wait3A_980 : memref<1x1x128xi32, #tpu.memory_space<vmem>> -> memref<128xi32, #tpu.memory_space<vmem>>
        %dma_wait3A_982 = arith.constant 0 : i32
        %dma_wait3A_983 = arith.constant 0 : i32
        %dma_wait3A_984 = tpu.memref_slice %arg10[%dma_wait3A_982, %dma_wait3A_983] : memref<10112x128xf32, #tpu.memory_space<vmem_shared>> -> memref<10112x128xf32, #tpu.memory_space<vmem_shared>>
        tpu.wait_indirect_dma semaphore(%arg18 : memref<!tpu.dma_semaphore, #tpu.memory_space<semaphore_mem>>) src(%arg9 : memref<128x128xf32, #tpu.memory_space<vmem>>) dst(%dma_wait3A_984 : memref<10112x128xf32, #tpu.memory_space<vmem_shared>>)
        %add3A_985 = arith.constant 1 : i32
        %add3A_986 = arith.addi %add3A_976, %add3A_985 : i32
        %dma_wait3A_987 = arith.constant 3 : i32
        %dma_wait3A_988 = arith.constant 0 : i32
        %dma_wait3A_989 = arith.constant 0 : i32
        %dma_wait3A_990 = tpu.memref_slice %arg7[%dma_wait3A_987, %dma_wait3A_988, %dma_wait3A_989] : memref<4x2x128xi32, #tpu.memory_space<vmem>> -> memref<1x2x128xi32, #tpu.memory_space<vmem>>
        %dma_wait3A_991 = tpu.memref_squeeze %dma_wait3A_990 : memref<1x2x128xi32, #tpu.memory_space<vmem>> -> memref<2x128xi32, #tpu.memory_space<vmem>>
        %dma_wait3A_992 = arith.constant 0 : i32
        %dma_wait3A_993 = arith.constant 0 : i32
        %dma_wait3A_994 = tpu.memref_slice %arg2[%arg1, %add3A_986, %dma_wait3A_992, %dma_wait3A_993] : memref<16x112x2x128xi32, #tpu.memory_space<hbm>> -> memref<1x1x2x128xi32, #tpu.memory_space<hbm>>
        %dma_wait3A_995 = tpu.memref_squeeze %dma_wait3A_994 : memref<1x1x2x128xi32, #tpu.memory_space<hbm>> -> memref<2x128xi32, #tpu.memory_space<hbm>>
        %dma_wait3A_996 = arith.constant 0 : i32
        %dma_wait3A_997 = arith.constant 0 : i32
        %dma_wait3A_998 = tpu.memref_slice %arg7[%dma_wait3A_987, %dma_wait3A_996, %dma_wait3A_997] : memref<4x2x128xi32, #tpu.memory_space<vmem>> -> memref<1x2x128xi32, #tpu.memory_space<vmem>>
        %dma_wait3A_999 = tpu.memref_squeeze %dma_wait3A_998 : memref<1x2x128xi32, #tpu.memory_space<vmem>> -> memref<2x128xi32, #tpu.memory_space<vmem>>
        %dma_wait3A_1000 = arith.constant 0 : i32
        %dma_wait3A_1001 = arith.constant 0 : i32
        %dma_wait3A_1002 = tpu.memref_slice %arg2[%arg1, %add3A_986, %dma_wait3A_1000, %dma_wait3A_1001] : memref<16x112x2x128xi32, #tpu.memory_space<hbm>> -> memref<1x1x2x128xi32, #tpu.memory_space<hbm>>
        %dma_wait3A_1003 = tpu.memref_squeeze %dma_wait3A_1002 : memref<1x1x2x128xi32, #tpu.memory_space<hbm>> -> memref<2x128xi32, #tpu.memory_space<hbm>>
        tpu.wait_dma2 semaphore(%arg14 : memref<!tpu.dma_semaphore, #tpu.memory_space<semaphore_mem>>) src(%dma_wait3A_1003 : memref<2x128xi32, #tpu.memory_space<hbm>>) dst(%dma_wait3A_999 : memref<2x128xi32, #tpu.memory_space<vmem>>)
        %dma_start3A_1004 = arith.constant 3 : i32
        %dma_start3A_1005 = arith.constant 0 : i32
        %dma_start3A_1006 = arith.constant 0 : i32
        %dma_start3A_1007 = tpu.memref_slice %arg7[%dma_start3A_1004, %dma_start3A_1005, %dma_start3A_1006] : memref<4x2x128xi32, #tpu.memory_space<vmem>> -> memref<1x1x128xi32, #tpu.memory_space<vmem>>
        %dma_start3A_1008 = tpu.memref_squeeze %dma_start3A_1007 : memref<1x1x128xi32, #tpu.memory_space<vmem>> -> memref<128xi32, #tpu.memory_space<vmem>>
        %dma_start3A_1009 = arith.constant 0 : i32
        %dma_start3A_1010 = arith.constant 0 : i32
        %dma_start3A_1011 = tpu.memref_slice %arg4[%dma_start3A_1009, %dma_start3A_1010] : memref<10000x128xf32, #tpu.memory_space<hbm>> -> memref<10000x128xf32, #tpu.memory_space<hbm>>
        tpu.enqueue_indirect_dma source(%dma_start3A_1011 : memref<10000x128xf32, #tpu.memory_space<hbm>>) target(%arg9 : memref<128x128xf32, #tpu.memory_space<vmem>>) offsets(%dma_start3A_1008 : memref<128xi32, #tpu.memory_space<vmem>>) semaphore(%arg16 : memref<!tpu.dma_semaphore, #tpu.memory_space<semaphore_mem>>)
        %dma_wait3A_1012 = arith.constant 2 : i32
        %dma_wait3A_1013 = arith.constant 0 : i32
        %dma_wait3A_1014 = arith.constant 0 : i32
        %dma_wait3A_1015 = tpu.memref_slice %arg7[%dma_wait3A_1012, %dma_wait3A_1013, %dma_wait3A_1014] : memref<4x2x128xi32, #tpu.memory_space<vmem>> -> memref<1x1x128xi32, #tpu.memory_space<vmem>>
        %dma_wait3A_1016 = tpu.memref_squeeze %dma_wait3A_1015 : memref<1x1x128xi32, #tpu.memory_space<vmem>> -> memref<128xi32, #tpu.memory_space<vmem>>
        %dma_wait3A_1017 = arith.constant 0 : i32
        %dma_wait3A_1018 = arith.constant 0 : i32
        %dma_wait3A_1019 = tpu.memref_slice %arg4[%dma_wait3A_1017, %dma_wait3A_1018] : memref<10000x128xf32, #tpu.memory_space<hbm>> -> memref<10000x128xf32, #tpu.memory_space<hbm>>
        tpu.wait_indirect_dma semaphore(%arg15 : memref<!tpu.dma_semaphore, #tpu.memory_space<semaphore_mem>>) src(%dma_wait3A_1019 : memref<10000x128xf32, #tpu.memory_space<hbm>>) dst(%arg8 : memref<128x128xf32, #tpu.memory_space<vmem>>)
        %dma_start3A_1020 = arith.constant 2 : i32
        %dma_start3A_1021 = arith.constant 1 : i32
        %dma_start3A_1022 = arith.constant 0 : i32
        %dma_start3A_1023 = tpu.memref_slice %arg7[%dma_start3A_1020, %dma_start3A_1021, %dma_start3A_1022] : memref<4x2x128xi32, #tpu.memory_space<vmem>> -> memref<1x1x128xi32, #tpu.memory_space<vmem>>
        %dma_start3A_1024 = tpu.memref_squeeze %dma_start3A_1023 : memref<1x1x128xi32, #tpu.memory_space<vmem>> -> memref<128xi32, #tpu.memory_space<vmem>>
        %dma_start3A_1025 = arith.constant 0 : i32
        %dma_start3A_1026 = arith.constant 0 : i32
        %dma_start3A_1027 = tpu.memref_slice %arg10[%dma_start3A_1025, %dma_start3A_1026] : memref<10112x128xf32, #tpu.memory_space<vmem_shared>> -> memref<10112x128xf32, #tpu.memory_space<vmem_shared>>
        tpu.enqueue_indirect_dma source(%arg8 : memref<128x128xf32, #tpu.memory_space<vmem>>) target(%dma_start3A_1027 : memref<10112x128xf32, #tpu.memory_space<vmem_shared>>) offsets(%dma_start3A_1024 : memref<128xi32, #tpu.memory_space<vmem>>) semaphore(%arg17 : memref<!tpu.dma_semaphore, #tpu.memory_space<semaphore_mem>>) {add = true}
        %add3A_1028 = arith.constant 3 : i32
        %add3A_1029 = arith.addi %add3A_976, %add3A_1028 : i32
        %dma_start3A_1030 = arith.constant 1 : i32
        %dma_start3A_1031 = arith.constant 0 : i32
        %dma_start3A_1032 = arith.constant 0 : i32
        %dma_start3A_1033 = tpu.memref_slice %arg7[%dma_start3A_1030, %dma_start3A_1031, %dma_start3A_1032] : memref<4x2x128xi32, #tpu.memory_space<vmem>> -> memref<1x2x128xi32, #tpu.memory_space<vmem>>
        %dma_start3A_1034 = tpu.memref_squeeze %dma_start3A_1033 : memref<1x2x128xi32, #tpu.memory_space<vmem>> -> memref<2x128xi32, #tpu.memory_space<vmem>>
        %dma_start3A_1035 = arith.constant 0 : i32
        %dma_start3A_1036 = arith.constant 0 : i32
        %dma_start3A_1037 = tpu.memref_slice %arg2[%arg1, %add3A_1029, %dma_start3A_1035, %dma_start3A_1036] : memref<16x112x2x128xi32, #tpu.memory_space<hbm>> -> memref<1x1x2x128xi32, #tpu.memory_space<hbm>>
        %dma_start3A_1038 = tpu.memref_squeeze %dma_start3A_1037 : memref<1x1x2x128xi32, #tpu.memory_space<hbm>> -> memref<2x128xi32, #tpu.memory_space<hbm>>
        %dma_start3A_1039 = arith.constant 0 : i32
        %dma_start3A_1040 = arith.constant 0 : i32
        %dma_start3A_1041 = tpu.memref_slice %arg7[%dma_start3A_1030, %dma_start3A_1039, %dma_start3A_1040] : memref<4x2x128xi32, #tpu.memory_space<vmem>> -> memref<1x2x128xi32, #tpu.memory_space<vmem>>
        %dma_start3A_1042 = tpu.memref_squeeze %dma_start3A_1041 : memref<1x2x128xi32, #tpu.memory_space<vmem>> -> memref<2x128xi32, #tpu.memory_space<vmem>>
        %dma_start3A_1043 = arith.constant 0 : i32
        %dma_start3A_1044 = arith.constant 0 : i32
        %dma_start3A_1045 = tpu.memref_slice %arg2[%arg1, %add3A_1029, %dma_start3A_1043, %dma_start3A_1044] : memref<16x112x2x128xi32, #tpu.memory_space<hbm>> -> memref<1x1x2x128xi32, #tpu.memory_space<hbm>>
        %dma_start3A_1046 = tpu.memref_squeeze %dma_start3A_1045 : memref<1x1x2x128xi32, #tpu.memory_space<hbm>> -> memref<2x128xi32, #tpu.memory_space<hbm>>
        tpu.enqueue_dma source(%dma_start3A_1046 : memref<2x128xi32, #tpu.memory_space<hbm>>) target(%dma_start3A_1042 : memref<2x128xi32, #tpu.memory_space<vmem>>) target_semaphore(%arg12 : memref<!tpu.dma_semaphore, #tpu.memory_space<semaphore_mem>>)
        %add3A_1047 = arith.constant 3 : i32
        %add3A_1048 = arith.addi %mul3A_832, %add3A_1047 : i32
        %dma_wait3A_1049 = arith.constant 2 : i32
        %dma_wait3A_1050 = arith.constant 1 : i32
        %dma_wait3A_1051 = arith.constant 0 : i32
        %dma_wait3A_1052 = tpu.memref_slice %arg7[%dma_wait3A_1049, %dma_wait3A_1050, %dma_wait3A_1051] : memref<4x2x128xi32, #tpu.memory_space<vmem>> -> memref<1x1x128xi32, #tpu.memory_space<vmem>>
        %dma_wait3A_1053 = tpu.memref_squeeze %dma_wait3A_1052 : memref<1x1x128xi32, #tpu.memory_space<vmem>> -> memref<128xi32, #tpu.memory_space<vmem>>
        %dma_wait3A_1054 = arith.constant 0 : i32
        %dma_wait3A_1055 = arith.constant 0 : i32
        %dma_wait3A_1056 = tpu.memref_slice %arg10[%dma_wait3A_1054, %dma_wait3A_1055] : memref<10112x128xf32, #tpu.memory_space<vmem_shared>> -> memref<10112x128xf32, #tpu.memory_space<vmem_shared>>
        tpu.wait_indirect_dma semaphore(%arg17 : memref<!tpu.dma_semaphore, #tpu.memory_space<semaphore_mem>>) src(%arg8 : memref<128x128xf32, #tpu.memory_space<vmem>>) dst(%dma_wait3A_1056 : memref<10112x128xf32, #tpu.memory_space<vmem_shared>>)
        %add3A_1057 = arith.constant 1 : i32
        %add3A_1058 = arith.addi %add3A_1048, %add3A_1057 : i32
        %dma_wait3A_1059 = arith.constant 0 : i32
        %dma_wait3A_1060 = arith.constant 0 : i32
        %dma_wait3A_1061 = arith.constant 0 : i32
        %dma_wait3A_1062 = tpu.memref_slice %arg7[%dma_wait3A_1059, %dma_wait3A_1060, %dma_wait3A_1061] : memref<4x2x128xi32, #tpu.memory_space<vmem>> -> memref<1x2x128xi32, #tpu.memory_space<vmem>>
        %dma_wait3A_1063 = tpu.memref_squeeze %dma_wait3A_1062 : memref<1x2x128xi32, #tpu.memory_space<vmem>> -> memref<2x128xi32, #tpu.memory_space<vmem>>
        %dma_wait3A_1064 = arith.constant 0 : i32
        %dma_wait3A_1065 = arith.constant 0 : i32
        %dma_wait3A_1066 = tpu.memref_slice %arg2[%arg1, %add3A_1058, %dma_wait3A_1064, %dma_wait3A_1065] : memref<16x112x2x128xi32, #tpu.memory_space<hbm>> -> memref<1x1x2x128xi32, #tpu.memory_space<hbm>>
        %dma_wait3A_1067 = tpu.memref_squeeze %dma_wait3A_1066 : memref<1x1x2x128xi32, #tpu.memory_space<hbm>> -> memref<2x128xi32, #tpu.memory_space<hbm>>
        %dma_wait3A_1068 = arith.constant 0 : i32
        %dma_wait3A_1069 = arith.constant 0 : i32
        %dma_wait3A_1070 = tpu.memref_slice %arg7[%dma_wait3A_1059, %dma_wait3A_1068, %dma_wait3A_1069] : memref<4x2x128xi32, #tpu.memory_space<vmem>> -> memref<1x2x128xi32, #tpu.memory_space<vmem>>
        %dma_wait3A_1071 = tpu.memref_squeeze %dma_wait3A_1070 : memref<1x2x128xi32, #tpu.memory_space<vmem>> -> memref<2x128xi32, #tpu.memory_space<vmem>>
        %dma_wait3A_1072 = arith.constant 0 : i32
        %dma_wait3A_1073 = arith.constant 0 : i32
        %dma_wait3A_1074 = tpu.memref_slice %arg2[%arg1, %add3A_1058, %dma_wait3A_1072, %dma_wait3A_1073] : memref<16x112x2x128xi32, #tpu.memory_space<hbm>> -> memref<1x1x2x128xi32, #tpu.memory_space<hbm>>
        %dma_wait3A_1075 = tpu.memref_squeeze %dma_wait3A_1074 : memref<1x1x2x128xi32, #tpu.memory_space<hbm>> -> memref<2x128xi32, #tpu.memory_space<hbm>>
        tpu.wait_dma2 semaphore(%arg11 : memref<!tpu.dma_semaphore, #tpu.memory_space<semaphore_mem>>) src(%dma_wait3A_1075 : memref<2x128xi32, #tpu.memory_space<hbm>>) dst(%dma_wait3A_1071 : memref<2x128xi32, #tpu.memory_space<vmem>>)
        %dma_start3A_1076 = arith.constant 0 : i32
        %dma_start3A_1077 = arith.constant 0 : i32
        %dma_start3A_1078 = arith.constant 0 : i32
        %dma_start3A_1079 = tpu.memref_slice %arg7[%dma_start3A_1076, %dma_start3A_1077, %dma_start3A_1078] : memref<4x2x128xi32, #tpu.memory_space<vmem>> -> memref<1x1x128xi32, #tpu.memory_space<vmem>>
        %dma_start3A_1080 = tpu.memref_squeeze %dma_start3A_1079 : memref<1x1x128xi32, #tpu.memory_space<vmem>> -> memref<128xi32, #tpu.memory_space<vmem>>
        %dma_start3A_1081 = arith.constant 0 : i32
        %dma_start3A_1082 = arith.constant 0 : i32
        %dma_start3A_1083 = tpu.memref_slice %arg4[%dma_start3A_1081, %dma_start3A_1082] : memref<10000x128xf32, #tpu.memory_space<hbm>> -> memref<10000x128xf32, #tpu.memory_space<hbm>>
        tpu.enqueue_indirect_dma source(%dma_start3A_1083 : memref<10000x128xf32, #tpu.memory_space<hbm>>) target(%arg8 : memref<128x128xf32, #tpu.memory_space<vmem>>) offsets(%dma_start3A_1080 : memref<128xi32, #tpu.memory_space<vmem>>) semaphore(%arg15 : memref<!tpu.dma_semaphore, #tpu.memory_space<semaphore_mem>>)
        %dma_wait3A_1084 = arith.constant 3 : i32
        %dma_wait3A_1085 = arith.constant 0 : i32
        %dma_wait3A_1086 = arith.constant 0 : i32
        %dma_wait3A_1087 = tpu.memref_slice %arg7[%dma_wait3A_1084, %dma_wait3A_1085, %dma_wait3A_1086] : memref<4x2x128xi32, #tpu.memory_space<vmem>> -> memref<1x1x128xi32, #tpu.memory_space<vmem>>
        %dma_wait3A_1088 = tpu.memref_squeeze %dma_wait3A_1087 : memref<1x1x128xi32, #tpu.memory_space<vmem>> -> memref<128xi32, #tpu.memory_space<vmem>>
        %dma_wait3A_1089 = arith.constant 0 : i32
        %dma_wait3A_1090 = arith.constant 0 : i32
        %dma_wait3A_1091 = tpu.memref_slice %arg4[%dma_wait3A_1089, %dma_wait3A_1090] : memref<10000x128xf32, #tpu.memory_space<hbm>> -> memref<10000x128xf32, #tpu.memory_space<hbm>>
        tpu.wait_indirect_dma semaphore(%arg16 : memref<!tpu.dma_semaphore, #tpu.memory_space<semaphore_mem>>) src(%dma_wait3A_1091 : memref<10000x128xf32, #tpu.memory_space<hbm>>) dst(%arg9 : memref<128x128xf32, #tpu.memory_space<vmem>>)
        %dma_start3A_1092 = arith.constant 3 : i32
        %dma_start3A_1093 = arith.constant 1 : i32
        %dma_start3A_1094 = arith.constant 0 : i32
        %dma_start3A_1095 = tpu.memref_slice %arg7[%dma_start3A_1092, %dma_start3A_1093, %dma_start3A_1094] : memref<4x2x128xi32, #tpu.memory_space<vmem>> -> memref<1x1x128xi32, #tpu.memory_space<vmem>>
        %dma_start3A_1096 = tpu.memref_squeeze %dma_start3A_1095 : memref<1x1x128xi32, #tpu.memory_space<vmem>> -> memref<128xi32, #tpu.memory_space<vmem>>
        %dma_start3A_1097 = arith.constant 0 : i32
        %dma_start3A_1098 = arith.constant 0 : i32
        %dma_start3A_1099 = tpu.memref_slice %arg10[%dma_start3A_1097, %dma_start3A_1098] : memref<10112x128xf32, #tpu.memory_space<vmem_shared>> -> memref<10112x128xf32, #tpu.memory_space<vmem_shared>>
        tpu.enqueue_indirect_dma source(%arg9 : memref<128x128xf32, #tpu.memory_space<vmem>>) target(%dma_start3A_1099 : memref<10112x128xf32, #tpu.memory_space<vmem_shared>>) offsets(%dma_start3A_1096 : memref<128xi32, #tpu.memory_space<vmem>>) semaphore(%arg18 : memref<!tpu.dma_semaphore, #tpu.memory_space<semaphore_mem>>) {add = true}
        %add3A_1100 = arith.constant 3 : i32
        %add3A_1101 = arith.addi %add3A_1048, %add3A_1100 : i32
        %dma_start3A_1102 = arith.constant 2 : i32
        %dma_start3A_1103 = arith.constant 0 : i32
        %dma_start3A_1104 = arith.constant 0 : i32
        %dma_start3A_1105 = tpu.memref_slice %arg7[%dma_start3A_1102, %dma_start3A_1103, %dma_start3A_1104] : memref<4x2x128xi32, #tpu.memory_space<vmem>> -> memref<1x2x128xi32, #tpu.memory_space<vmem>>
        %dma_start3A_1106 = tpu.memref_squeeze %dma_start3A_1105 : memref<1x2x128xi32, #tpu.memory_space<vmem>> -> memref<2x128xi32, #tpu.memory_space<vmem>>
        %dma_start3A_1107 = arith.constant 0 : i32
        %dma_start3A_1108 = arith.constant 0 : i32
        %dma_start3A_1109 = tpu.memref_slice %arg2[%arg1, %add3A_1101, %dma_start3A_1107, %dma_start3A_1108] : memref<16x112x2x128xi32, #tpu.memory_space<hbm>> -> memref<1x1x2x128xi32, #tpu.memory_space<hbm>>
        %dma_start3A_1110 = tpu.memref_squeeze %dma_start3A_1109 : memref<1x1x2x128xi32, #tpu.memory_space<hbm>> -> memref<2x128xi32, #tpu.memory_space<hbm>>
        %dma_start3A_1111 = arith.constant 0 : i32
        %dma_start3A_1112 = arith.constant 0 : i32
        %dma_start3A_1113 = tpu.memref_slice %arg7[%dma_start3A_1102, %dma_start3A_1111, %dma_start3A_1112] : memref<4x2x128xi32, #tpu.memory_space<vmem>> -> memref<1x2x128xi32, #tpu.memory_space<vmem>>
        %dma_start3A_1114 = tpu.memref_squeeze %dma_start3A_1113 : memref<1x2x128xi32, #tpu.memory_space<vmem>> -> memref<2x128xi32, #tpu.memory_space<vmem>>
        %dma_start3A_1115 = arith.constant 0 : i32
        %dma_start3A_1116 = arith.constant 0 : i32
        %dma_start3A_1117 = tpu.memref_slice %arg2[%arg1, %add3A_1101, %dma_start3A_1115, %dma_start3A_1116] : memref<16x112x2x128xi32, #tpu.memory_space<hbm>> -> memref<1x1x2x128xi32, #tpu.memory_space<hbm>>
        %dma_start3A_1118 = tpu.memref_squeeze %dma_start3A_1117 : memref<1x1x2x128xi32, #tpu.memory_space<hbm>> -> memref<2x128xi32, #tpu.memory_space<hbm>>
        tpu.enqueue_dma source(%dma_start3A_1118 : memref<2x128xi32, #tpu.memory_space<hbm>>) target(%dma_start3A_1114 : memref<2x128xi32, #tpu.memory_space<vmem>>) target_semaphore(%arg13 : memref<!tpu.dma_semaphore, #tpu.memory_space<semaphore_mem>>)
      }
      %scan3A_354 = arith.constant 25 : i32
      %dma_wait3A_355 = arith.constant 3 : i32
      %dma_wait3A_356 = arith.constant 1 : i32
      %dma_wait3A_357 = arith.constant 0 : i32
      %dma_wait3A_358 = tpu.memref_slice %arg7[%dma_wait3A_355, %dma_wait3A_356, %dma_wait3A_357] : memref<4x2x128xi32, #tpu.memory_space<vmem>> -> memref<1x1x128xi32, #tpu.memory_space<vmem>>
      %dma_wait3A_359 = tpu.memref_squeeze %dma_wait3A_358 : memref<1x1x128xi32, #tpu.memory_space<vmem>> -> memref<128xi32, #tpu.memory_space<vmem>>
      %dma_wait3A_360 = arith.constant 0 : i32
      %dma_wait3A_361 = arith.constant 0 : i32
      %dma_wait3A_362 = tpu.memref_slice %arg10[%dma_wait3A_360, %dma_wait3A_361] : memref<10112x128xf32, #tpu.memory_space<vmem_shared>> -> memref<10112x128xf32, #tpu.memory_space<vmem_shared>>
      tpu.wait_indirect_dma semaphore(%arg18 : memref<!tpu.dma_semaphore, #tpu.memory_space<semaphore_mem>>) src(%arg9 : memref<128x128xf32, #tpu.memory_space<vmem>>) dst(%dma_wait3A_362 : memref<10112x128xf32, #tpu.memory_space<vmem_shared>>)
      %dma_wait3A_363 = arith.constant 105 : i32
      %dma_wait3A_364 = arith.constant 1 : i32
      %dma_wait3A_365 = arith.constant 0 : i32
      %dma_wait3A_366 = arith.constant 0 : i32
      %dma_wait3A_367 = tpu.memref_slice %arg7[%dma_wait3A_364, %dma_wait3A_365, %dma_wait3A_366] : memref<4x2x128xi32, #tpu.memory_space<vmem>> -> memref<1x2x128xi32, #tpu.memory_space<vmem>>
      %dma_wait3A_368 = tpu.memref_squeeze %dma_wait3A_367 : memref<1x2x128xi32, #tpu.memory_space<vmem>> -> memref<2x128xi32, #tpu.memory_space<vmem>>
      %dma_wait3A_369 = arith.constant 0 : i32
      %dma_wait3A_370 = arith.constant 0 : i32
      %dma_wait3A_371 = tpu.memref_slice %arg2[%arg1, %dma_wait3A_363, %dma_wait3A_369, %dma_wait3A_370] : memref<16x112x2x128xi32, #tpu.memory_space<hbm>> -> memref<1x1x2x128xi32, #tpu.memory_space<hbm>>
      %dma_wait3A_372 = tpu.memref_squeeze %dma_wait3A_371 : memref<1x1x2x128xi32, #tpu.memory_space<hbm>> -> memref<2x128xi32, #tpu.memory_space<hbm>>
      %dma_wait3A_373 = arith.constant 0 : i32
      %dma_wait3A_374 = arith.constant 0 : i32
      %dma_wait3A_375 = tpu.memref_slice %arg7[%dma_wait3A_364, %dma_wait3A_373, %dma_wait3A_374] : memref<4x2x128xi32, #tpu.memory_space<vmem>> -> memref<1x2x128xi32, #tpu.memory_space<vmem>>
      %dma_wait3A_376 = tpu.memref_squeeze %dma_wait3A_375 : memref<1x2x128xi32, #tpu.memory_space<vmem>> -> memref<2x128xi32, #tpu.memory_space<vmem>>
      %dma_wait3A_377 = arith.constant 0 : i32
      %dma_wait3A_378 = arith.constant 0 : i32
      %dma_wait3A_379 = tpu.memref_slice %arg2[%arg1, %dma_wait3A_363, %dma_wait3A_377, %dma_wait3A_378] : memref<16x112x2x128xi32, #tpu.memory_space<hbm>> -> memref<1x1x2x128xi32, #tpu.memory_space<hbm>>
      %dma_wait3A_380 = tpu.memref_squeeze %dma_wait3A_379 : memref<1x1x2x128xi32, #tpu.memory_space<hbm>> -> memref<2x128xi32, #tpu.memory_space<hbm>>
      tpu.wait_dma2 semaphore(%arg12 : memref<!tpu.dma_semaphore, #tpu.memory_space<semaphore_mem>>) src(%dma_wait3A_380 : memref<2x128xi32, #tpu.memory_space<hbm>>) dst(%dma_wait3A_376 : memref<2x128xi32, #tpu.memory_space<vmem>>)
      %dma_start3A_381 = arith.constant 1 : i32
      %dma_start3A_382 = arith.constant 0 : i32
      %dma_start3A_383 = arith.constant 0 : i32
      %dma_start3A_384 = tpu.memref_slice %arg7[%dma_start3A_381, %dma_start3A_382, %dma_start3A_383] : memref<4x2x128xi32, #tpu.memory_space<vmem>> -> memref<1x1x128xi32, #tpu.memory_space<vmem>>
      %dma_start3A_385 = tpu.memref_squeeze %dma_start3A_384 : memref<1x1x128xi32, #tpu.memory_space<vmem>> -> memref<128xi32, #tpu.memory_space<vmem>>
      %dma_start3A_386 = arith.constant 0 : i32
      %dma_start3A_387 = arith.constant 0 : i32
      %dma_start3A_388 = tpu.memref_slice %arg4[%dma_start3A_386, %dma_start3A_387] : memref<10000x128xf32, #tpu.memory_space<hbm>> -> memref<10000x128xf32, #tpu.memory_space<hbm>>
      tpu.enqueue_indirect_dma source(%dma_start3A_388 : memref<10000x128xf32, #tpu.memory_space<hbm>>) target(%arg9 : memref<128x128xf32, #tpu.memory_space<vmem>>) offsets(%dma_start3A_385 : memref<128xi32, #tpu.memory_space<vmem>>) semaphore(%arg16 : memref<!tpu.dma_semaphore, #tpu.memory_space<semaphore_mem>>)
      %dma_wait3A_389 = arith.constant 0 : i32
      %dma_wait3A_390 = arith.constant 0 : i32
      %dma_wait3A_391 = arith.constant 0 : i32
      %dma_wait3A_392 = tpu.memref_slice %arg7[%dma_wait3A_389, %dma_wait3A_390, %dma_wait3A_391] : memref<4x2x128xi32, #tpu.memory_space<vmem>> -> memref<1x1x128xi32, #tpu.memory_space<vmem>>
      %dma_wait3A_393 = tpu.memref_squeeze %dma_wait3A_392 : memref<1x1x128xi32, #tpu.memory_space<vmem>> -> memref<128xi32, #tpu.memory_space<vmem>>
      %dma_wait3A_394 = arith.constant 0 : i32
      %dma_wait3A_395 = arith.constant 0 : i32
      %dma_wait3A_396 = tpu.memref_slice %arg4[%dma_wait3A_394, %dma_wait3A_395] : memref<10000x128xf32, #tpu.memory_space<hbm>> -> memref<10000x128xf32, #tpu.memory_space<hbm>>
      tpu.wait_indirect_dma semaphore(%arg15 : memref<!tpu.dma_semaphore, #tpu.memory_space<semaphore_mem>>) src(%dma_wait3A_396 : memref<10000x128xf32, #tpu.memory_space<hbm>>) dst(%arg8 : memref<128x128xf32, #tpu.memory_space<vmem>>)
      %dma_start3A_397 = arith.constant 0 : i32
      %dma_start3A_398 = arith.constant 1 : i32
      %dma_start3A_399 = arith.constant 0 : i32
      %dma_start3A_400 = tpu.memref_slice %arg7[%dma_start3A_397, %dma_start3A_398, %dma_start3A_399] : memref<4x2x128xi32, #tpu.memory_space<vmem>> -> memref<1x1x128xi32, #tpu.memory_space<vmem>>
      %dma_start3A_401 = tpu.memref_squeeze %dma_start3A_400 : memref<1x1x128xi32, #tpu.memory_space<vmem>> -> memref<128xi32, #tpu.memory_space<vmem>>
      %dma_start3A_402 = arith.constant 0 : i32
      %dma_start3A_403 = arith.constant 0 : i32
      %dma_start3A_404 = tpu.memref_slice %arg10[%dma_start3A_402, %dma_start3A_403] : memref<10112x128xf32, #tpu.memory_space<vmem_shared>> -> memref<10112x128xf32, #tpu.memory_space<vmem_shared>>
      tpu.enqueue_indirect_dma source(%arg8 : memref<128x128xf32, #tpu.memory_space<vmem>>) target(%dma_start3A_404 : memref<10112x128xf32, #tpu.memory_space<vmem_shared>>) offsets(%dma_start3A_401 : memref<128xi32, #tpu.memory_space<vmem>>) semaphore(%arg17 : memref<!tpu.dma_semaphore, #tpu.memory_space<semaphore_mem>>) {add = true}
      %dma_start3A_405 = arith.constant 107 : i32
      %dma_start3A_406 = arith.constant 3 : i32
      %dma_start3A_407 = arith.constant 0 : i32
      %dma_start3A_408 = arith.constant 0 : i32
      %dma_start3A_409 = tpu.memref_slice %arg7[%dma_start3A_406, %dma_start3A_407, %dma_start3A_408] : memref<4x2x128xi32, #tpu.memory_space<vmem>> -> memref<1x2x128xi32, #tpu.memory_space<vmem>>
      %dma_start3A_410 = tpu.memref_squeeze %dma_start3A_409 : memref<1x2x128xi32, #tpu.memory_space<vmem>> -> memref<2x128xi32, #tpu.memory_space<vmem>>
      %dma_start3A_411 = arith.constant 0 : i32
      %dma_start3A_412 = arith.constant 0 : i32
      %dma_start3A_413 = tpu.memref_slice %arg2[%arg1, %dma_start3A_405, %dma_start3A_411, %dma_start3A_412] : memref<16x112x2x128xi32, #tpu.memory_space<hbm>> -> memref<1x1x2x128xi32, #tpu.memory_space<hbm>>
      %dma_start3A_414 = tpu.memref_squeeze %dma_start3A_413 : memref<1x1x2x128xi32, #tpu.memory_space<hbm>> -> memref<2x128xi32, #tpu.memory_space<hbm>>
      %dma_start3A_415 = arith.constant 0 : i32
      %dma_start3A_416 = arith.constant 0 : i32
      %dma_start3A_417 = tpu.memref_slice %arg7[%dma_start3A_406, %dma_start3A_415, %dma_start3A_416] : memref<4x2x128xi32, #tpu.memory_space<vmem>> -> memref<1x2x128xi32, #tpu.memory_space<vmem>>
      %dma_start3A_418 = tpu.memref_squeeze %dma_start3A_417 : memref<1x2x128xi32, #tpu.memory_space<vmem>> -> memref<2x128xi32, #tpu.memory_space<vmem>>
      %dma_start3A_419 = arith.constant 0 : i32
      %dma_start3A_420 = arith.constant 0 : i32
      %dma_start3A_421 = tpu.memref_slice %arg2[%arg1, %dma_start3A_405, %dma_start3A_419, %dma_start3A_420] : memref<16x112x2x128xi32, #tpu.memory_space<hbm>> -> memref<1x1x2x128xi32, #tpu.memory_space<hbm>>
      %dma_start3A_422 = tpu.memref_squeeze %dma_start3A_421 : memref<1x1x2x128xi32, #tpu.memory_space<hbm>> -> memref<2x128xi32, #tpu.memory_space<hbm>>
      tpu.enqueue_dma source(%dma_start3A_422 : memref<2x128xi32, #tpu.memory_space<hbm>>) target(%dma_start3A_418 : memref<2x128xi32, #tpu.memory_space<vmem>>) target_semaphore(%arg14 : memref<!tpu.dma_semaphore, #tpu.memory_space<semaphore_mem>>)
      %dma_wait3A_423 = arith.constant 0 : i32
      %dma_wait3A_424 = arith.constant 1 : i32
      %dma_wait3A_425 = arith.constant 0 : i32
      %dma_wait3A_426 = tpu.memref_slice %arg7[%dma_wait3A_423, %dma_wait3A_424, %dma_wait3A_425] : memref<4x2x128xi32, #tpu.memory_space<vmem>> -> memref<1x1x128xi32, #tpu.memory_space<vmem>>
      %dma_wait3A_427 = tpu.memref_squeeze %dma_wait3A_426 : memref<1x1x128xi32, #tpu.memory_space<vmem>> -> memref<128xi32, #tpu.memory_space<vmem>>
      %dma_wait3A_428 = arith.constant 0 : i32
      %dma_wait3A_429 = arith.constant 0 : i32
      %dma_wait3A_430 = tpu.memref_slice %arg10[%dma_wait3A_428, %dma_wait3A_429] : memref<10112x128xf32, #tpu.memory_space<vmem_shared>> -> memref<10112x128xf32, #tpu.memory_space<vmem_shared>>
      tpu.wait_indirect_dma semaphore(%arg17 : memref<!tpu.dma_semaphore, #tpu.memory_space<semaphore_mem>>) src(%arg8 : memref<128x128xf32, #tpu.memory_space<vmem>>) dst(%dma_wait3A_430 : memref<10112x128xf32, #tpu.memory_space<vmem_shared>>)
      %dma_wait3A_431 = arith.constant 106 : i32
      %dma_wait3A_432 = arith.constant 2 : i32
      %dma_wait3A_433 = arith.constant 0 : i32
      %dma_wait3A_434 = arith.constant 0 : i32
      %dma_wait3A_435 = tpu.memref_slice %arg7[%dma_wait3A_432, %dma_wait3A_433, %dma_wait3A_434] : memref<4x2x128xi32, #tpu.memory_space<vmem>> -> memref<1x2x128xi32, #tpu.memory_space<vmem>>
      %dma_wait3A_436 = tpu.memref_squeeze %dma_wait3A_435 : memref<1x2x128xi32, #tpu.memory_space<vmem>> -> memref<2x128xi32, #tpu.memory_space<vmem>>
      %dma_wait3A_437 = arith.constant 0 : i32
      %dma_wait3A_438 = arith.constant 0 : i32
      %dma_wait3A_439 = tpu.memref_slice %arg2[%arg1, %dma_wait3A_431, %dma_wait3A_437, %dma_wait3A_438] : memref<16x112x2x128xi32, #tpu.memory_space<hbm>> -> memref<1x1x2x128xi32, #tpu.memory_space<hbm>>
      %dma_wait3A_440 = tpu.memref_squeeze %dma_wait3A_439 : memref<1x1x2x128xi32, #tpu.memory_space<hbm>> -> memref<2x128xi32, #tpu.memory_space<hbm>>
      %dma_wait3A_441 = arith.constant 0 : i32
      %dma_wait3A_442 = arith.constant 0 : i32
      %dma_wait3A_443 = tpu.memref_slice %arg7[%dma_wait3A_432, %dma_wait3A_441, %dma_wait3A_442] : memref<4x2x128xi32, #tpu.memory_space<vmem>> -> memref<1x2x128xi32, #tpu.memory_space<vmem>>
      %dma_wait3A_444 = tpu.memref_squeeze %dma_wait3A_443 : memref<1x2x128xi32, #tpu.memory_space<vmem>> -> memref<2x128xi32, #tpu.memory_space<vmem>>
      %dma_wait3A_445 = arith.constant 0 : i32
      %dma_wait3A_446 = arith.constant 0 : i32
      %dma_wait3A_447 = tpu.memref_slice %arg2[%arg1, %dma_wait3A_431, %dma_wait3A_445, %dma_wait3A_446] : memref<16x112x2x128xi32, #tpu.memory_space<hbm>> -> memref<1x1x2x128xi32, #tpu.memory_space<hbm>>
      %dma_wait3A_448 = tpu.memref_squeeze %dma_wait3A_447 : memref<1x1x2x128xi32, #tpu.memory_space<hbm>> -> memref<2x128xi32, #tpu.memory_space<hbm>>
      tpu.wait_dma2 semaphore(%arg13 : memref<!tpu.dma_semaphore, #tpu.memory_space<semaphore_mem>>) src(%dma_wait3A_448 : memref<2x128xi32, #tpu.memory_space<hbm>>) dst(%dma_wait3A_444 : memref<2x128xi32, #tpu.memory_space<vmem>>)
      %dma_start3A_449 = arith.constant 2 : i32
      %dma_start3A_450 = arith.constant 0 : i32
      %dma_start3A_451 = arith.constant 0 : i32
      %dma_start3A_452 = tpu.memref_slice %arg7[%dma_start3A_449, %dma_start3A_450, %dma_start3A_451] : memref<4x2x128xi32, #tpu.memory_space<vmem>> -> memref<1x1x128xi32, #tpu.memory_space<vmem>>
      %dma_start3A_453 = tpu.memref_squeeze %dma_start3A_452 : memref<1x1x128xi32, #tpu.memory_space<vmem>> -> memref<128xi32, #tpu.memory_space<vmem>>
      %dma_start3A_454 = arith.constant 0 : i32
      %dma_start3A_455 = arith.constant 0 : i32
      %dma_start3A_456 = tpu.memref_slice %arg4[%dma_start3A_454, %dma_start3A_455] : memref<10000x128xf32, #tpu.memory_space<hbm>> -> memref<10000x128xf32, #tpu.memory_space<hbm>>
      tpu.enqueue_indirect_dma source(%dma_start3A_456 : memref<10000x128xf32, #tpu.memory_space<hbm>>) target(%arg8 : memref<128x128xf32, #tpu.memory_space<vmem>>) offsets(%dma_start3A_453 : memref<128xi32, #tpu.memory_space<vmem>>) semaphore(%arg15 : memref<!tpu.dma_semaphore, #tpu.memory_space<semaphore_mem>>)
      %dma_wait3A_457 = arith.constant 1 : i32
      %dma_wait3A_458 = arith.constant 0 : i32
      %dma_wait3A_459 = arith.constant 0 : i32
      %dma_wait3A_460 = tpu.memref_slice %arg7[%dma_wait3A_457, %dma_wait3A_458, %dma_wait3A_459] : memref<4x2x128xi32, #tpu.memory_space<vmem>> -> memref<1x1x128xi32, #tpu.memory_space<vmem>>
      %dma_wait3A_461 = tpu.memref_squeeze %dma_wait3A_460 : memref<1x1x128xi32, #tpu.memory_space<vmem>> -> memref<128xi32, #tpu.memory_space<vmem>>
      %dma_wait3A_462 = arith.constant 0 : i32
      %dma_wait3A_463 = arith.constant 0 : i32
      %dma_wait3A_464 = tpu.memref_slice %arg4[%dma_wait3A_462, %dma_wait3A_463] : memref<10000x128xf32, #tpu.memory_space<hbm>> -> memref<10000x128xf32, #tpu.memory_space<hbm>>
      tpu.wait_indirect_dma semaphore(%arg16 : memref<!tpu.dma_semaphore, #tpu.memory_space<semaphore_mem>>) src(%dma_wait3A_464 : memref<10000x128xf32, #tpu.memory_space<hbm>>) dst(%arg9 : memref<128x128xf32, #tpu.memory_space<vmem>>)
      %dma_start3A_465 = arith.constant 1 : i32
      %dma_start3A_466 = arith.constant 1 : i32
      %dma_start3A_467 = arith.constant 0 : i32
      %dma_start3A_468 = tpu.memref_slice %arg7[%dma_start3A_465, %dma_start3A_466, %dma_start3A_467] : memref<4x2x128xi32, #tpu.memory_space<vmem>> -> memref<1x1x128xi32, #tpu.memory_space<vmem>>
      %dma_start3A_469 = tpu.memref_squeeze %dma_start3A_468 : memref<1x1x128xi32, #tpu.memory_space<vmem>> -> memref<128xi32, #tpu.memory_space<vmem>>
      %dma_start3A_470 = arith.constant 0 : i32
      %dma_start3A_471 = arith.constant 0 : i32
      %dma_start3A_472 = tpu.memref_slice %arg10[%dma_start3A_470, %dma_start3A_471] : memref<10112x128xf32, #tpu.memory_space<vmem_shared>> -> memref<10112x128xf32, #tpu.memory_space<vmem_shared>>
      tpu.enqueue_indirect_dma source(%arg9 : memref<128x128xf32, #tpu.memory_space<vmem>>) target(%dma_start3A_472 : memref<10112x128xf32, #tpu.memory_space<vmem_shared>>) offsets(%dma_start3A_469 : memref<128xi32, #tpu.memory_space<vmem>>) semaphore(%arg18 : memref<!tpu.dma_semaphore, #tpu.memory_space<semaphore_mem>>) {add = true}
      %dma_start3A_473 = arith.constant 108 : i32
      %dma_start3A_474 = arith.constant 0 : i32
      %dma_start3A_475 = arith.constant 0 : i32
      %dma_start3A_476 = arith.constant 0 : i32
      %dma_start3A_477 = tpu.memref_slice %arg7[%dma_start3A_474, %dma_start3A_475, %dma_start3A_476] : memref<4x2x128xi32, #tpu.memory_space<vmem>> -> memref<1x2x128xi32, #tpu.memory_space<vmem>>
      %dma_start3A_478 = tpu.memref_squeeze %dma_start3A_477 : memref<1x2x128xi32, #tpu.memory_space<vmem>> -> memref<2x128xi32, #tpu.memory_space<vmem>>
      %dma_start3A_479 = arith.constant 0 : i32
      %dma_start3A_480 = arith.constant 0 : i32
      %dma_start3A_481 = tpu.memref_slice %arg2[%arg1, %dma_start3A_473, %dma_start3A_479, %dma_start3A_480] : memref<16x112x2x128xi32, #tpu.memory_space<hbm>> -> memref<1x1x2x128xi32, #tpu.memory_space<hbm>>
      %dma_start3A_482 = tpu.memref_squeeze %dma_start3A_481 : memref<1x1x2x128xi32, #tpu.memory_space<hbm>> -> memref<2x128xi32, #tpu.memory_space<hbm>>
      %dma_start3A_483 = arith.constant 0 : i32
      %dma_start3A_484 = arith.constant 0 : i32
      %dma_start3A_485 = tpu.memref_slice %arg7[%dma_start3A_474, %dma_start3A_483, %dma_start3A_484] : memref<4x2x128xi32, #tpu.memory_space<vmem>> -> memref<1x2x128xi32, #tpu.memory_space<vmem>>
      %dma_start3A_486 = tpu.memref_squeeze %dma_start3A_485 : memref<1x2x128xi32, #tpu.memory_space<vmem>> -> memref<2x128xi32, #tpu.memory_space<vmem>>
      %dma_start3A_487 = arith.constant 0 : i32
      %dma_start3A_488 = arith.constant 0 : i32
      %dma_start3A_489 = tpu.memref_slice %arg2[%arg1, %dma_start3A_473, %dma_start3A_487, %dma_start3A_488] : memref<16x112x2x128xi32, #tpu.memory_space<hbm>> -> memref<1x1x2x128xi32, #tpu.memory_space<hbm>>
      %dma_start3A_490 = tpu.memref_squeeze %dma_start3A_489 : memref<1x1x2x128xi32, #tpu.memory_space<hbm>> -> memref<2x128xi32, #tpu.memory_space<hbm>>
      tpu.enqueue_dma source(%dma_start3A_490 : memref<2x128xi32, #tpu.memory_space<hbm>>) target(%dma_start3A_486 : memref<2x128xi32, #tpu.memory_space<vmem>>) target_semaphore(%arg11 : memref<!tpu.dma_semaphore, #tpu.memory_space<semaphore_mem>>)
      %dma_wait3A_491 = arith.constant 1 : i32
      %dma_wait3A_492 = arith.constant 1 : i32
      %dma_wait3A_493 = arith.constant 0 : i32
      %dma_wait3A_494 = tpu.memref_slice %arg7[%dma_wait3A_491, %dma_wait3A_492, %dma_wait3A_493] : memref<4x2x128xi32, #tpu.memory_space<vmem>> -> memref<1x1x128xi32, #tpu.memory_space<vmem>>
      %dma_wait3A_495 = tpu.memref_squeeze %dma_wait3A_494 : memref<1x1x128xi32, #tpu.memory_space<vmem>> -> memref<128xi32, #tpu.memory_space<vmem>>
      %dma_wait3A_496 = arith.constant 0 : i32
      %dma_wait3A_497 = arith.constant 0 : i32
      %dma_wait3A_498 = tpu.memref_slice %arg10[%dma_wait3A_496, %dma_wait3A_497] : memref<10112x128xf32, #tpu.memory_space<vmem_shared>> -> memref<10112x128xf32, #tpu.memory_space<vmem_shared>>
      tpu.wait_indirect_dma semaphore(%arg18 : memref<!tpu.dma_semaphore, #tpu.memory_space<semaphore_mem>>) src(%arg9 : memref<128x128xf32, #tpu.memory_space<vmem>>) dst(%dma_wait3A_498 : memref<10112x128xf32, #tpu.memory_space<vmem_shared>>)
      %dma_wait3A_499 = arith.constant 107 : i32
      %dma_wait3A_500 = arith.constant 3 : i32
      %dma_wait3A_501 = arith.constant 0 : i32
      %dma_wait3A_502 = arith.constant 0 : i32
      %dma_wait3A_503 = tpu.memref_slice %arg7[%dma_wait3A_500, %dma_wait3A_501, %dma_wait3A_502] : memref<4x2x128xi32, #tpu.memory_space<vmem>> -> memref<1x2x128xi32, #tpu.memory_space<vmem>>
      %dma_wait3A_504 = tpu.memref_squeeze %dma_wait3A_503 : memref<1x2x128xi32, #tpu.memory_space<vmem>> -> memref<2x128xi32, #tpu.memory_space<vmem>>
      %dma_wait3A_505 = arith.constant 0 : i32
      %dma_wait3A_506 = arith.constant 0 : i32
      %dma_wait3A_507 = tpu.memref_slice %arg2[%arg1, %dma_wait3A_499, %dma_wait3A_505, %dma_wait3A_506] : memref<16x112x2x128xi32, #tpu.memory_space<hbm>> -> memref<1x1x2x128xi32, #tpu.memory_space<hbm>>
      %dma_wait3A_508 = tpu.memref_squeeze %dma_wait3A_507 : memref<1x1x2x128xi32, #tpu.memory_space<hbm>> -> memref<2x128xi32, #tpu.memory_space<hbm>>
      %dma_wait3A_509 = arith.constant 0 : i32
      %dma_wait3A_510 = arith.constant 0 : i32
      %dma_wait3A_511 = tpu.memref_slice %arg7[%dma_wait3A_500, %dma_wait3A_509, %dma_wait3A_510] : memref<4x2x128xi32, #tpu.memory_space<vmem>> -> memref<1x2x128xi32, #tpu.memory_space<vmem>>
      %dma_wait3A_512 = tpu.memref_squeeze %dma_wait3A_511 : memref<1x2x128xi32, #tpu.memory_space<vmem>> -> memref<2x128xi32, #tpu.memory_space<vmem>>
      %dma_wait3A_513 = arith.constant 0 : i32
      %dma_wait3A_514 = arith.constant 0 : i32
      %dma_wait3A_515 = tpu.memref_slice %arg2[%arg1, %dma_wait3A_499, %dma_wait3A_513, %dma_wait3A_514] : memref<16x112x2x128xi32, #tpu.memory_space<hbm>> -> memref<1x1x2x128xi32, #tpu.memory_space<hbm>>
      %dma_wait3A_516 = tpu.memref_squeeze %dma_wait3A_515 : memref<1x1x2x128xi32, #tpu.memory_space<hbm>> -> memref<2x128xi32, #tpu.memory_space<hbm>>
      tpu.wait_dma2 semaphore(%arg14 : memref<!tpu.dma_semaphore, #tpu.memory_space<semaphore_mem>>) src(%dma_wait3A_516 : memref<2x128xi32, #tpu.memory_space<hbm>>) dst(%dma_wait3A_512 : memref<2x128xi32, #tpu.memory_space<vmem>>)
      %dma_start3A_517 = arith.constant 3 : i32
      %dma_start3A_518 = arith.constant 0 : i32
      %dma_start3A_519 = arith.constant 0 : i32
      %dma_start3A_520 = tpu.memref_slice %arg7[%dma_start3A_517, %dma_start3A_518, %dma_start3A_519] : memref<4x2x128xi32, #tpu.memory_space<vmem>> -> memref<1x1x128xi32, #tpu.memory_space<vmem>>
      %dma_start3A_521 = tpu.memref_squeeze %dma_start3A_520 : memref<1x1x128xi32, #tpu.memory_space<vmem>> -> memref<128xi32, #tpu.memory_space<vmem>>
      %dma_start3A_522 = arith.constant 0 : i32
      %dma_start3A_523 = arith.constant 0 : i32
      %dma_start3A_524 = tpu.memref_slice %arg4[%dma_start3A_522, %dma_start3A_523] : memref<10000x128xf32, #tpu.memory_space<hbm>> -> memref<10000x128xf32, #tpu.memory_space<hbm>>
      tpu.enqueue_indirect_dma source(%dma_start3A_524 : memref<10000x128xf32, #tpu.memory_space<hbm>>) target(%arg9 : memref<128x128xf32, #tpu.memory_space<vmem>>) offsets(%dma_start3A_521 : memref<128xi32, #tpu.memory_space<vmem>>) semaphore(%arg16 : memref<!tpu.dma_semaphore, #tpu.memory_space<semaphore_mem>>)
      %dma_wait3A_525 = arith.constant 2 : i32
      %dma_wait3A_526 = arith.constant 0 : i32
      %dma_wait3A_527 = arith.constant 0 : i32
      %dma_wait3A_528 = tpu.memref_slice %arg7[%dma_wait3A_525, %dma_wait3A_526, %dma_wait3A_527] : memref<4x2x128xi32, #tpu.memory_space<vmem>> -> memref<1x1x128xi32, #tpu.memory_space<vmem>>
      %dma_wait3A_529 = tpu.memref_squeeze %dma_wait3A_528 : memref<1x1x128xi32, #tpu.memory_space<vmem>> -> memref<128xi32, #tpu.memory_space<vmem>>
      %dma_wait3A_530 = arith.constant 0 : i32
      %dma_wait3A_531 = arith.constant 0 : i32
      %dma_wait3A_532 = tpu.memref_slice %arg4[%dma_wait3A_530, %dma_wait3A_531] : memref<10000x128xf32, #tpu.memory_space<hbm>> -> memref<10000x128xf32, #tpu.memory_space<hbm>>
      tpu.wait_indirect_dma semaphore(%arg15 : memref<!tpu.dma_semaphore, #tpu.memory_space<semaphore_mem>>) src(%dma_wait3A_532 : memref<10000x128xf32, #tpu.memory_space<hbm>>) dst(%arg8 : memref<128x128xf32, #tpu.memory_space<vmem>>)
      %dma_start3A_533 = arith.constant 2 : i32
      %dma_start3A_534 = arith.constant 1 : i32
      %dma_start3A_535 = arith.constant 0 : i32
      %dma_start3A_536 = tpu.memref_slice %arg7[%dma_start3A_533, %dma_start3A_534, %dma_start3A_535] : memref<4x2x128xi32, #tpu.memory_space<vmem>> -> memref<1x1x128xi32, #tpu.memory_space<vmem>>
      %dma_start3A_537 = tpu.memref_squeeze %dma_start3A_536 : memref<1x1x128xi32, #tpu.memory_space<vmem>> -> memref<128xi32, #tpu.memory_space<vmem>>
      %dma_start3A_538 = arith.constant 0 : i32
      %dma_start3A_539 = arith.constant 0 : i32
      %dma_start3A_540 = tpu.memref_slice %arg10[%dma_start3A_538, %dma_start3A_539] : memref<10112x128xf32, #tpu.memory_space<vmem_shared>> -> memref<10112x128xf32, #tpu.memory_space<vmem_shared>>
      tpu.enqueue_indirect_dma source(%arg8 : memref<128x128xf32, #tpu.memory_space<vmem>>) target(%dma_start3A_540 : memref<10112x128xf32, #tpu.memory_space<vmem_shared>>) offsets(%dma_start3A_537 : memref<128xi32, #tpu.memory_space<vmem>>) semaphore(%arg17 : memref<!tpu.dma_semaphore, #tpu.memory_space<semaphore_mem>>) {add = true}
      %dma_start3A_541 = arith.constant 109 : i32
      %dma_start3A_542 = arith.constant 1 : i32
      %dma_start3A_543 = arith.constant 0 : i32
      %dma_start3A_544 = arith.constant 0 : i32
      %dma_start3A_545 = tpu.memref_slice %arg7[%dma_start3A_542, %dma_start3A_543, %dma_start3A_544] : memref<4x2x128xi32, #tpu.memory_space<vmem>> -> memref<1x2x128xi32, #tpu.memory_space<vmem>>
      %dma_start3A_546 = tpu.memref_squeeze %dma_start3A_545 : memref<1x2x128xi32, #tpu.memory_space<vmem>> -> memref<2x128xi32, #tpu.memory_space<vmem>>
      %dma_start3A_547 = arith.constant 0 : i32
      %dma_start3A_548 = arith.constant 0 : i32
      %dma_start3A_549 = tpu.memref_slice %arg2[%arg1, %dma_start3A_541, %dma_start3A_547, %dma_start3A_548] : memref<16x112x2x128xi32, #tpu.memory_space<hbm>> -> memref<1x1x2x128xi32, #tpu.memory_space<hbm>>
      %dma_start3A_550 = tpu.memref_squeeze %dma_start3A_549 : memref<1x1x2x128xi32, #tpu.memory_space<hbm>> -> memref<2x128xi32, #tpu.memory_space<hbm>>
      %dma_start3A_551 = arith.constant 0 : i32
      %dma_start3A_552 = arith.constant 0 : i32
      %dma_start3A_553 = tpu.memref_slice %arg7[%dma_start3A_542, %dma_start3A_551, %dma_start3A_552] : memref<4x2x128xi32, #tpu.memory_space<vmem>> -> memref<1x2x128xi32, #tpu.memory_space<vmem>>
      %dma_start3A_554 = tpu.memref_squeeze %dma_start3A_553 : memref<1x2x128xi32, #tpu.memory_space<vmem>> -> memref<2x128xi32, #tpu.memory_space<vmem>>
      %dma_start3A_555 = arith.constant 0 : i32
      %dma_start3A_556 = arith.constant 0 : i32
      %dma_start3A_557 = tpu.memref_slice %arg2[%arg1, %dma_start3A_541, %dma_start3A_555, %dma_start3A_556] : memref<16x112x2x128xi32, #tpu.memory_space<hbm>> -> memref<1x1x2x128xi32, #tpu.memory_space<hbm>>
      %dma_start3A_558 = tpu.memref_squeeze %dma_start3A_557 : memref<1x1x2x128xi32, #tpu.memory_space<hbm>> -> memref<2x128xi32, #tpu.memory_space<hbm>>
      tpu.enqueue_dma source(%dma_start3A_558 : memref<2x128xi32, #tpu.memory_space<hbm>>) target(%dma_start3A_554 : memref<2x128xi32, #tpu.memory_space<vmem>>) target_semaphore(%arg12 : memref<!tpu.dma_semaphore, #tpu.memory_space<semaphore_mem>>)
      %dma_wait3A_559 = arith.constant 2 : i32
      %dma_wait3A_560 = arith.constant 1 : i32
      %dma_wait3A_561 = arith.constant 0 : i32
      %dma_wait3A_562 = tpu.memref_slice %arg7[%dma_wait3A_559, %dma_wait3A_560, %dma_wait3A_561] : memref<4x2x128xi32, #tpu.memory_space<vmem>> -> memref<1x1x128xi32, #tpu.memory_space<vmem>>
      %dma_wait3A_563 = tpu.memref_squeeze %dma_wait3A_562 : memref<1x1x128xi32, #tpu.memory_space<vmem>> -> memref<128xi32, #tpu.memory_space<vmem>>
      %dma_wait3A_564 = arith.constant 0 : i32
      %dma_wait3A_565 = arith.constant 0 : i32
      %dma_wait3A_566 = tpu.memref_slice %arg10[%dma_wait3A_564, %dma_wait3A_565] : memref<10112x128xf32, #tpu.memory_space<vmem_shared>> -> memref<10112x128xf32, #tpu.memory_space<vmem_shared>>
      tpu.wait_indirect_dma semaphore(%arg17 : memref<!tpu.dma_semaphore, #tpu.memory_space<semaphore_mem>>) src(%arg8 : memref<128x128xf32, #tpu.memory_space<vmem>>) dst(%dma_wait3A_566 : memref<10112x128xf32, #tpu.memory_space<vmem_shared>>)
      %dma_wait3A_567 = arith.constant 108 : i32
      %dma_wait3A_568 = arith.constant 0 : i32
      %dma_wait3A_569 = arith.constant 0 : i32
      %dma_wait3A_570 = arith.constant 0 : i32
      %dma_wait3A_571 = tpu.memref_slice %arg7[%dma_wait3A_568, %dma_wait3A_569, %dma_wait3A_570] : memref<4x2x128xi32, #tpu.memory_space<vmem>> -> memref<1x2x128xi32, #tpu.memory_space<vmem>>
      %dma_wait3A_572 = tpu.memref_squeeze %dma_wait3A_571 : memref<1x2x128xi32, #tpu.memory_space<vmem>> -> memref<2x128xi32, #tpu.memory_space<vmem>>
      %dma_wait3A_573 = arith.constant 0 : i32
      %dma_wait3A_574 = arith.constant 0 : i32
      %dma_wait3A_575 = tpu.memref_slice %arg2[%arg1, %dma_wait3A_567, %dma_wait3A_573, %dma_wait3A_574] : memref<16x112x2x128xi32, #tpu.memory_space<hbm>> -> memref<1x1x2x128xi32, #tpu.memory_space<hbm>>
      %dma_wait3A_576 = tpu.memref_squeeze %dma_wait3A_575 : memref<1x1x2x128xi32, #tpu.memory_space<hbm>> -> memref<2x128xi32, #tpu.memory_space<hbm>>
      %dma_wait3A_577 = arith.constant 0 : i32
      %dma_wait3A_578 = arith.constant 0 : i32
      %dma_wait3A_579 = tpu.memref_slice %arg7[%dma_wait3A_568, %dma_wait3A_577, %dma_wait3A_578] : memref<4x2x128xi32, #tpu.memory_space<vmem>> -> memref<1x2x128xi32, #tpu.memory_space<vmem>>
      %dma_wait3A_580 = tpu.memref_squeeze %dma_wait3A_579 : memref<1x2x128xi32, #tpu.memory_space<vmem>> -> memref<2x128xi32, #tpu.memory_space<vmem>>
      %dma_wait3A_581 = arith.constant 0 : i32
      %dma_wait3A_582 = arith.constant 0 : i32
      %dma_wait3A_583 = tpu.memref_slice %arg2[%arg1, %dma_wait3A_567, %dma_wait3A_581, %dma_wait3A_582] : memref<16x112x2x128xi32, #tpu.memory_space<hbm>> -> memref<1x1x2x128xi32, #tpu.memory_space<hbm>>
      %dma_wait3A_584 = tpu.memref_squeeze %dma_wait3A_583 : memref<1x1x2x128xi32, #tpu.memory_space<hbm>> -> memref<2x128xi32, #tpu.memory_space<hbm>>
      tpu.wait_dma2 semaphore(%arg11 : memref<!tpu.dma_semaphore, #tpu.memory_space<semaphore_mem>>) src(%dma_wait3A_584 : memref<2x128xi32, #tpu.memory_space<hbm>>) dst(%dma_wait3A_580 : memref<2x128xi32, #tpu.memory_space<vmem>>)
      %dma_start3A_585 = arith.constant 0 : i32
      %dma_start3A_586 = arith.constant 0 : i32
      %dma_start3A_587 = arith.constant 0 : i32
      %dma_start3A_588 = tpu.memref_slice %arg7[%dma_start3A_585, %dma_start3A_586, %dma_start3A_587] : memref<4x2x128xi32, #tpu.memory_space<vmem>> -> memref<1x1x128xi32, #tpu.memory_space<vmem>>
      %dma_start3A_589 = tpu.memref_squeeze %dma_start3A_588 : memref<1x1x128xi32, #tpu.memory_space<vmem>> -> memref<128xi32, #tpu.memory_space<vmem>>
      %dma_start3A_590 = arith.constant 0 : i32
      %dma_start3A_591 = arith.constant 0 : i32
      %dma_start3A_592 = tpu.memref_slice %arg4[%dma_start3A_590, %dma_start3A_591] : memref<10000x128xf32, #tpu.memory_space<hbm>> -> memref<10000x128xf32, #tpu.memory_space<hbm>>
      tpu.enqueue_indirect_dma source(%dma_start3A_592 : memref<10000x128xf32, #tpu.memory_space<hbm>>) target(%arg8 : memref<128x128xf32, #tpu.memory_space<vmem>>) offsets(%dma_start3A_589 : memref<128xi32, #tpu.memory_space<vmem>>) semaphore(%arg15 : memref<!tpu.dma_semaphore, #tpu.memory_space<semaphore_mem>>)
      %dma_wait3A_593 = arith.constant 3 : i32
      %dma_wait3A_594 = arith.constant 0 : i32
      %dma_wait3A_595 = arith.constant 0 : i32
      %dma_wait3A_596 = tpu.memref_slice %arg7[%dma_wait3A_593, %dma_wait3A_594, %dma_wait3A_595] : memref<4x2x128xi32, #tpu.memory_space<vmem>> -> memref<1x1x128xi32, #tpu.memory_space<vmem>>
      %dma_wait3A_597 = tpu.memref_squeeze %dma_wait3A_596 : memref<1x1x128xi32, #tpu.memory_space<vmem>> -> memref<128xi32, #tpu.memory_space<vmem>>
      %dma_wait3A_598 = arith.constant 0 : i32
      %dma_wait3A_599 = arith.constant 0 : i32
      %dma_wait3A_600 = tpu.memref_slice %arg4[%dma_wait3A_598, %dma_wait3A_599] : memref<10000x128xf32, #tpu.memory_space<hbm>> -> memref<10000x128xf32, #tpu.memory_space<hbm>>
      tpu.wait_indirect_dma semaphore(%arg16 : memref<!tpu.dma_semaphore, #tpu.memory_space<semaphore_mem>>) src(%dma_wait3A_600 : memref<10000x128xf32, #tpu.memory_space<hbm>>) dst(%arg9 : memref<128x128xf32, #tpu.memory_space<vmem>>)
      %dma_start3A_601 = arith.constant 3 : i32
      %dma_start3A_602 = arith.constant 1 : i32
      %dma_start3A_603 = arith.constant 0 : i32
      %dma_start3A_604 = tpu.memref_slice %arg7[%dma_start3A_601, %dma_start3A_602, %dma_start3A_603] : memref<4x2x128xi32, #tpu.memory_space<vmem>> -> memref<1x1x128xi32, #tpu.memory_space<vmem>>
      %dma_start3A_605 = tpu.memref_squeeze %dma_start3A_604 : memref<1x1x128xi32, #tpu.memory_space<vmem>> -> memref<128xi32, #tpu.memory_space<vmem>>
      %dma_start3A_606 = arith.constant 0 : i32
      %dma_start3A_607 = arith.constant 0 : i32
      %dma_start3A_608 = tpu.memref_slice %arg10[%dma_start3A_606, %dma_start3A_607] : memref<10112x128xf32, #tpu.memory_space<vmem_shared>> -> memref<10112x128xf32, #tpu.memory_space<vmem_shared>>
      tpu.enqueue_indirect_dma source(%arg9 : memref<128x128xf32, #tpu.memory_space<vmem>>) target(%dma_start3A_608 : memref<10112x128xf32, #tpu.memory_space<vmem_shared>>) offsets(%dma_start3A_605 : memref<128xi32, #tpu.memory_space<vmem>>) semaphore(%arg18 : memref<!tpu.dma_semaphore, #tpu.memory_space<semaphore_mem>>) {add = true}
      %dma_start3A_609 = arith.constant 110 : i32
      %dma_start3A_610 = arith.constant 2 : i32
      %dma_start3A_611 = arith.constant 0 : i32
      %dma_start3A_612 = arith.constant 0 : i32
      %dma_start3A_613 = tpu.memref_slice %arg7[%dma_start3A_610, %dma_start3A_611, %dma_start3A_612] : memref<4x2x128xi32, #tpu.memory_space<vmem>> -> memref<1x2x128xi32, #tpu.memory_space<vmem>>
      %dma_start3A_614 = tpu.memref_squeeze %dma_start3A_613 : memref<1x2x128xi32, #tpu.memory_space<vmem>> -> memref<2x128xi32, #tpu.memory_space<vmem>>
      %dma_start3A_615 = arith.constant 0 : i32
      %dma_start3A_616 = arith.constant 0 : i32
      %dma_start3A_617 = tpu.memref_slice %arg2[%arg1, %dma_start3A_609, %dma_start3A_615, %dma_start3A_616] : memref<16x112x2x128xi32, #tpu.memory_space<hbm>> -> memref<1x1x2x128xi32, #tpu.memory_space<hbm>>
      %dma_start3A_618 = tpu.memref_squeeze %dma_start3A_617 : memref<1x1x2x128xi32, #tpu.memory_space<hbm>> -> memref<2x128xi32, #tpu.memory_space<hbm>>
      %dma_start3A_619 = arith.constant 0 : i32
      %dma_start3A_620 = arith.constant 0 : i32
      %dma_start3A_621 = tpu.memref_slice %arg7[%dma_start3A_610, %dma_start3A_619, %dma_start3A_620] : memref<4x2x128xi32, #tpu.memory_space<vmem>> -> memref<1x2x128xi32, #tpu.memory_space<vmem>>
      %dma_start3A_622 = tpu.memref_squeeze %dma_start3A_621 : memref<1x2x128xi32, #tpu.memory_space<vmem>> -> memref<2x128xi32, #tpu.memory_space<vmem>>
      %dma_start3A_623 = arith.constant 0 : i32
      %dma_start3A_624 = arith.constant 0 : i32
      %dma_start3A_625 = tpu.memref_slice %arg2[%arg1, %dma_start3A_609, %dma_start3A_623, %dma_start3A_624] : memref<16x112x2x128xi32, #tpu.memory_space<hbm>> -> memref<1x1x2x128xi32, #tpu.memory_space<hbm>>
      %dma_start3A_626 = tpu.memref_squeeze %dma_start3A_625 : memref<1x1x2x128xi32, #tpu.memory_space<hbm>> -> memref<2x128xi32, #tpu.memory_space<hbm>>
      tpu.enqueue_dma source(%dma_start3A_626 : memref<2x128xi32, #tpu.memory_space<hbm>>) target(%dma_start3A_622 : memref<2x128xi32, #tpu.memory_space<vmem>>) target_semaphore(%arg13 : memref<!tpu.dma_semaphore, #tpu.memory_space<semaphore_mem>>)
      %dma_wait3A_627 = arith.constant 3 : i32
      %dma_wait3A_628 = arith.constant 1 : i32
      %dma_wait3A_629 = arith.constant 0 : i32
      %dma_wait3A_630 = tpu.memref_slice %arg7[%dma_wait3A_627, %dma_wait3A_628, %dma_wait3A_629] : memref<4x2x128xi32, #tpu.memory_space<vmem>> -> memref<1x1x128xi32, #tpu.memory_space<vmem>>
      %dma_wait3A_631 = tpu.memref_squeeze %dma_wait3A_630 : memref<1x1x128xi32, #tpu.memory_space<vmem>> -> memref<128xi32, #tpu.memory_space<vmem>>
      %dma_wait3A_632 = arith.constant 0 : i32
      %dma_wait3A_633 = arith.constant 0 : i32
      %dma_wait3A_634 = tpu.memref_slice %arg10[%dma_wait3A_632, %dma_wait3A_633] : memref<10112x128xf32, #tpu.memory_space<vmem_shared>> -> memref<10112x128xf32, #tpu.memory_space<vmem_shared>>
      tpu.wait_indirect_dma semaphore(%arg18 : memref<!tpu.dma_semaphore, #tpu.memory_space<semaphore_mem>>) src(%arg9 : memref<128x128xf32, #tpu.memory_space<vmem>>) dst(%dma_wait3A_634 : memref<10112x128xf32, #tpu.memory_space<vmem_shared>>)
      %dma_wait3A_635 = arith.constant 109 : i32
      %dma_wait3A_636 = arith.constant 1 : i32
      %dma_wait3A_637 = arith.constant 0 : i32
      %dma_wait3A_638 = arith.constant 0 : i32
      %dma_wait3A_639 = tpu.memref_slice %arg7[%dma_wait3A_636, %dma_wait3A_637, %dma_wait3A_638] : memref<4x2x128xi32, #tpu.memory_space<vmem>> -> memref<1x2x128xi32, #tpu.memory_space<vmem>>
      %dma_wait3A_640 = tpu.memref_squeeze %dma_wait3A_639 : memref<1x2x128xi32, #tpu.memory_space<vmem>> -> memref<2x128xi32, #tpu.memory_space<vmem>>
      %dma_wait3A_641 = arith.constant 0 : i32
      %dma_wait3A_642 = arith.constant 0 : i32
      %dma_wait3A_643 = tpu.memref_slice %arg2[%arg1, %dma_wait3A_635, %dma_wait3A_641, %dma_wait3A_642] : memref<16x112x2x128xi32, #tpu.memory_space<hbm>> -> memref<1x1x2x128xi32, #tpu.memory_space<hbm>>
      %dma_wait3A_644 = tpu.memref_squeeze %dma_wait3A_643 : memref<1x1x2x128xi32, #tpu.memory_space<hbm>> -> memref<2x128xi32, #tpu.memory_space<hbm>>
      %dma_wait3A_645 = arith.constant 0 : i32
      %dma_wait3A_646 = arith.constant 0 : i32
      %dma_wait3A_647 = tpu.memref_slice %arg7[%dma_wait3A_636, %dma_wait3A_645, %dma_wait3A_646] : memref<4x2x128xi32, #tpu.memory_space<vmem>> -> memref<1x2x128xi32, #tpu.memory_space<vmem>>
      %dma_wait3A_648 = tpu.memref_squeeze %dma_wait3A_647 : memref<1x2x128xi32, #tpu.memory_space<vmem>> -> memref<2x128xi32, #tpu.memory_space<vmem>>
      %dma_wait3A_649 = arith.constant 0 : i32
      %dma_wait3A_650 = arith.constant 0 : i32
      %dma_wait3A_651 = tpu.memref_slice %arg2[%arg1, %dma_wait3A_635, %dma_wait3A_649, %dma_wait3A_650] : memref<16x112x2x128xi32, #tpu.memory_space<hbm>> -> memref<1x1x2x128xi32, #tpu.memory_space<hbm>>
      %dma_wait3A_652 = tpu.memref_squeeze %dma_wait3A_651 : memref<1x1x2x128xi32, #tpu.memory_space<hbm>> -> memref<2x128xi32, #tpu.memory_space<hbm>>
      tpu.wait_dma2 semaphore(%arg12 : memref<!tpu.dma_semaphore, #tpu.memory_space<semaphore_mem>>) src(%dma_wait3A_652 : memref<2x128xi32, #tpu.memory_space<hbm>>) dst(%dma_wait3A_648 : memref<2x128xi32, #tpu.memory_space<vmem>>)
      %dma_start3A_653 = arith.constant 1 : i32
      %dma_start3A_654 = arith.constant 0 : i32
      %dma_start3A_655 = arith.constant 0 : i32
      %dma_start3A_656 = tpu.memref_slice %arg7[%dma_start3A_653, %dma_start3A_654, %dma_start3A_655] : memref<4x2x128xi32, #tpu.memory_space<vmem>> -> memref<1x1x128xi32, #tpu.memory_space<vmem>>
      %dma_start3A_657 = tpu.memref_squeeze %dma_start3A_656 : memref<1x1x128xi32, #tpu.memory_space<vmem>> -> memref<128xi32, #tpu.memory_space<vmem>>
      %dma_start3A_658 = arith.constant 0 : i32
      %dma_start3A_659 = arith.constant 0 : i32
      %dma_start3A_660 = tpu.memref_slice %arg4[%dma_start3A_658, %dma_start3A_659] : memref<10000x128xf32, #tpu.memory_space<hbm>> -> memref<10000x128xf32, #tpu.memory_space<hbm>>
      tpu.enqueue_indirect_dma source(%dma_start3A_660 : memref<10000x128xf32, #tpu.memory_space<hbm>>) target(%arg9 : memref<128x128xf32, #tpu.memory_space<vmem>>) offsets(%dma_start3A_657 : memref<128xi32, #tpu.memory_space<vmem>>) semaphore(%arg16 : memref<!tpu.dma_semaphore, #tpu.memory_space<semaphore_mem>>)
      %dma_wait3A_661 = arith.constant 0 : i32
      %dma_wait3A_662 = arith.constant 0 : i32
      %dma_wait3A_663 = arith.constant 0 : i32
      %dma_wait3A_664 = tpu.memref_slice %arg7[%dma_wait3A_661, %dma_wait3A_662, %dma_wait3A_663] : memref<4x2x128xi32, #tpu.memory_space<vmem>> -> memref<1x1x128xi32, #tpu.memory_space<vmem>>
      %dma_wait3A_665 = tpu.memref_squeeze %dma_wait3A_664 : memref<1x1x128xi32, #tpu.memory_space<vmem>> -> memref<128xi32, #tpu.memory_space<vmem>>
      %dma_wait3A_666 = arith.constant 0 : i32
      %dma_wait3A_667 = arith.constant 0 : i32
      %dma_wait3A_668 = tpu.memref_slice %arg4[%dma_wait3A_666, %dma_wait3A_667] : memref<10000x128xf32, #tpu.memory_space<hbm>> -> memref<10000x128xf32, #tpu.memory_space<hbm>>
      tpu.wait_indirect_dma semaphore(%arg15 : memref<!tpu.dma_semaphore, #tpu.memory_space<semaphore_mem>>) src(%dma_wait3A_668 : memref<10000x128xf32, #tpu.memory_space<hbm>>) dst(%arg8 : memref<128x128xf32, #tpu.memory_space<vmem>>)
      %dma_start3A_669 = arith.constant 0 : i32
      %dma_start3A_670 = arith.constant 1 : i32
      %dma_start3A_671 = arith.constant 0 : i32
      %dma_start3A_672 = tpu.memref_slice %arg7[%dma_start3A_669, %dma_start3A_670, %dma_start3A_671] : memref<4x2x128xi32, #tpu.memory_space<vmem>> -> memref<1x1x128xi32, #tpu.memory_space<vmem>>
      %dma_start3A_673 = tpu.memref_squeeze %dma_start3A_672 : memref<1x1x128xi32, #tpu.memory_space<vmem>> -> memref<128xi32, #tpu.memory_space<vmem>>
      %dma_start3A_674 = arith.constant 0 : i32
      %dma_start3A_675 = arith.constant 0 : i32
      %dma_start3A_676 = tpu.memref_slice %arg10[%dma_start3A_674, %dma_start3A_675] : memref<10112x128xf32, #tpu.memory_space<vmem_shared>> -> memref<10112x128xf32, #tpu.memory_space<vmem_shared>>
      tpu.enqueue_indirect_dma source(%arg8 : memref<128x128xf32, #tpu.memory_space<vmem>>) target(%dma_start3A_676 : memref<10112x128xf32, #tpu.memory_space<vmem_shared>>) offsets(%dma_start3A_673 : memref<128xi32, #tpu.memory_space<vmem>>) semaphore(%arg17 : memref<!tpu.dma_semaphore, #tpu.memory_space<semaphore_mem>>) {add = true}
      %dma_start3A_677 = arith.constant 111 : i32
      %dma_start3A_678 = arith.constant 3 : i32
      %dma_start3A_679 = arith.constant 0 : i32
      %dma_start3A_680 = arith.constant 0 : i32
      %dma_start3A_681 = tpu.memref_slice %arg7[%dma_start3A_678, %dma_start3A_679, %dma_start3A_680] : memref<4x2x128xi32, #tpu.memory_space<vmem>> -> memref<1x2x128xi32, #tpu.memory_space<vmem>>
      %dma_start3A_682 = tpu.memref_squeeze %dma_start3A_681 : memref<1x2x128xi32, #tpu.memory_space<vmem>> -> memref<2x128xi32, #tpu.memory_space<vmem>>
      %dma_start3A_683 = arith.constant 0 : i32
      %dma_start3A_684 = arith.constant 0 : i32
      %dma_start3A_685 = tpu.memref_slice %arg2[%arg1, %dma_start3A_677, %dma_start3A_683, %dma_start3A_684] : memref<16x112x2x128xi32, #tpu.memory_space<hbm>> -> memref<1x1x2x128xi32, #tpu.memory_space<hbm>>
      %dma_start3A_686 = tpu.memref_squeeze %dma_start3A_685 : memref<1x1x2x128xi32, #tpu.memory_space<hbm>> -> memref<2x128xi32, #tpu.memory_space<hbm>>
      %dma_start3A_687 = arith.constant 0 : i32
      %dma_start3A_688 = arith.constant 0 : i32
      %dma_start3A_689 = tpu.memref_slice %arg7[%dma_start3A_678, %dma_start3A_687, %dma_start3A_688] : memref<4x2x128xi32, #tpu.memory_space<vmem>> -> memref<1x2x128xi32, #tpu.memory_space<vmem>>
      %dma_start3A_690 = tpu.memref_squeeze %dma_start3A_689 : memref<1x2x128xi32, #tpu.memory_space<vmem>> -> memref<2x128xi32, #tpu.memory_space<vmem>>
      %dma_start3A_691 = arith.constant 0 : i32
      %dma_start3A_692 = arith.constant 0 : i32
      %dma_start3A_693 = tpu.memref_slice %arg2[%arg1, %dma_start3A_677, %dma_start3A_691, %dma_start3A_692] : memref<16x112x2x128xi32, #tpu.memory_space<hbm>> -> memref<1x1x2x128xi32, #tpu.memory_space<hbm>>
      %dma_start3A_694 = tpu.memref_squeeze %dma_start3A_693 : memref<1x1x2x128xi32, #tpu.memory_space<hbm>> -> memref<2x128xi32, #tpu.memory_space<hbm>>
      tpu.enqueue_dma source(%dma_start3A_694 : memref<2x128xi32, #tpu.memory_space<hbm>>) target(%dma_start3A_690 : memref<2x128xi32, #tpu.memory_space<vmem>>) target_semaphore(%arg14 : memref<!tpu.dma_semaphore, #tpu.memory_space<semaphore_mem>>)
      %dma_wait3A_695 = arith.constant 0 : i32
      %dma_wait3A_696 = arith.constant 1 : i32
      %dma_wait3A_697 = arith.constant 0 : i32
      %dma_wait3A_698 = tpu.memref_slice %arg7[%dma_wait3A_695, %dma_wait3A_696, %dma_wait3A_697] : memref<4x2x128xi32, #tpu.memory_space<vmem>> -> memref<1x1x128xi32, #tpu.memory_space<vmem>>
      %dma_wait3A_699 = tpu.memref_squeeze %dma_wait3A_698 : memref<1x1x128xi32, #tpu.memory_space<vmem>> -> memref<128xi32, #tpu.memory_space<vmem>>
      %dma_wait3A_700 = arith.constant 0 : i32
      %dma_wait3A_701 = arith.constant 0 : i32
      %dma_wait3A_702 = tpu.memref_slice %arg10[%dma_wait3A_700, %dma_wait3A_701] : memref<10112x128xf32, #tpu.memory_space<vmem_shared>> -> memref<10112x128xf32, #tpu.memory_space<vmem_shared>>
      tpu.wait_indirect_dma semaphore(%arg17 : memref<!tpu.dma_semaphore, #tpu.memory_space<semaphore_mem>>) src(%arg8 : memref<128x128xf32, #tpu.memory_space<vmem>>) dst(%dma_wait3A_702 : memref<10112x128xf32, #tpu.memory_space<vmem_shared>>)
      %dma_wait3A_703 = arith.constant 110 : i32
      %dma_wait3A_704 = arith.constant 2 : i32
      %dma_wait3A_705 = arith.constant 0 : i32
      %dma_wait3A_706 = arith.constant 0 : i32
      %dma_wait3A_707 = tpu.memref_slice %arg7[%dma_wait3A_704, %dma_wait3A_705, %dma_wait3A_706] : memref<4x2x128xi32, #tpu.memory_space<vmem>> -> memref<1x2x128xi32, #tpu.memory_space<vmem>>
      %dma_wait3A_708 = tpu.memref_squeeze %dma_wait3A_707 : memref<1x2x128xi32, #tpu.memory_space<vmem>> -> memref<2x128xi32, #tpu.memory_space<vmem>>
      %dma_wait3A_709 = arith.constant 0 : i32
      %dma_wait3A_710 = arith.constant 0 : i32
      %dma_wait3A_711 = tpu.memref_slice %arg2[%arg1, %dma_wait3A_703, %dma_wait3A_709, %dma_wait3A_710] : memref<16x112x2x128xi32, #tpu.memory_space<hbm>> -> memref<1x1x2x128xi32, #tpu.memory_space<hbm>>
      %dma_wait3A_712 = tpu.memref_squeeze %dma_wait3A_711 : memref<1x1x2x128xi32, #tpu.memory_space<hbm>> -> memref<2x128xi32, #tpu.memory_space<hbm>>
      %dma_wait3A_713 = arith.constant 0 : i32
      %dma_wait3A_714 = arith.constant 0 : i32
      %dma_wait3A_715 = tpu.memref_slice %arg7[%dma_wait3A_704, %dma_wait3A_713, %dma_wait3A_714] : memref<4x2x128xi32, #tpu.memory_space<vmem>> -> memref<1x2x128xi32, #tpu.memory_space<vmem>>
      %dma_wait3A_716 = tpu.memref_squeeze %dma_wait3A_715 : memref<1x2x128xi32, #tpu.memory_space<vmem>> -> memref<2x128xi32, #tpu.memory_space<vmem>>
      %dma_wait3A_717 = arith.constant 0 : i32
      %dma_wait3A_718 = arith.constant 0 : i32
      %dma_wait3A_719 = tpu.memref_slice %arg2[%arg1, %dma_wait3A_703, %dma_wait3A_717, %dma_wait3A_718] : memref<16x112x2x128xi32, #tpu.memory_space<hbm>> -> memref<1x1x2x128xi32, #tpu.memory_space<hbm>>
      %dma_wait3A_720 = tpu.memref_squeeze %dma_wait3A_719 : memref<1x1x2x128xi32, #tpu.memory_space<hbm>> -> memref<2x128xi32, #tpu.memory_space<hbm>>
      tpu.wait_dma2 semaphore(%arg13 : memref<!tpu.dma_semaphore, #tpu.memory_space<semaphore_mem>>) src(%dma_wait3A_720 : memref<2x128xi32, #tpu.memory_space<hbm>>) dst(%dma_wait3A_716 : memref<2x128xi32, #tpu.memory_space<vmem>>)
      %dma_start3A_721 = arith.constant 2 : i32
      %dma_start3A_722 = arith.constant 0 : i32
      %dma_start3A_723 = arith.constant 0 : i32
      %dma_start3A_724 = tpu.memref_slice %arg7[%dma_start3A_721, %dma_start3A_722, %dma_start3A_723] : memref<4x2x128xi32, #tpu.memory_space<vmem>> -> memref<1x1x128xi32, #tpu.memory_space<vmem>>
      %dma_start3A_725 = tpu.memref_squeeze %dma_start3A_724 : memref<1x1x128xi32, #tpu.memory_space<vmem>> -> memref<128xi32, #tpu.memory_space<vmem>>
      %dma_start3A_726 = arith.constant 0 : i32
      %dma_start3A_727 = arith.constant 0 : i32
      %dma_start3A_728 = tpu.memref_slice %arg4[%dma_start3A_726, %dma_start3A_727] : memref<10000x128xf32, #tpu.memory_space<hbm>> -> memref<10000x128xf32, #tpu.memory_space<hbm>>
      tpu.enqueue_indirect_dma source(%dma_start3A_728 : memref<10000x128xf32, #tpu.memory_space<hbm>>) target(%arg8 : memref<128x128xf32, #tpu.memory_space<vmem>>) offsets(%dma_start3A_725 : memref<128xi32, #tpu.memory_space<vmem>>) semaphore(%arg15 : memref<!tpu.dma_semaphore, #tpu.memory_space<semaphore_mem>>)
      %dma_wait3A_729 = arith.constant 1 : i32
      %dma_wait3A_730 = arith.constant 0 : i32
      %dma_wait3A_731 = arith.constant 0 : i32
      %dma_wait3A_732 = tpu.memref_slice %arg7[%dma_wait3A_729, %dma_wait3A_730, %dma_wait3A_731] : memref<4x2x128xi32, #tpu.memory_space<vmem>> -> memref<1x1x128xi32, #tpu.memory_space<vmem>>
      %dma_wait3A_733 = tpu.memref_squeeze %dma_wait3A_732 : memref<1x1x128xi32, #tpu.memory_space<vmem>> -> memref<128xi32, #tpu.memory_space<vmem>>
      %dma_wait3A_734 = arith.constant 0 : i32
      %dma_wait3A_735 = arith.constant 0 : i32
      %dma_wait3A_736 = tpu.memref_slice %arg4[%dma_wait3A_734, %dma_wait3A_735] : memref<10000x128xf32, #tpu.memory_space<hbm>> -> memref<10000x128xf32, #tpu.memory_space<hbm>>
      tpu.wait_indirect_dma semaphore(%arg16 : memref<!tpu.dma_semaphore, #tpu.memory_space<semaphore_mem>>) src(%dma_wait3A_736 : memref<10000x128xf32, #tpu.memory_space<hbm>>) dst(%arg9 : memref<128x128xf32, #tpu.memory_space<vmem>>)
      %dma_start3A_737 = arith.constant 1 : i32
      %dma_start3A_738 = arith.constant 1 : i32
      %dma_start3A_739 = arith.constant 0 : i32
      %dma_start3A_740 = tpu.memref_slice %arg7[%dma_start3A_737, %dma_start3A_738, %dma_start3A_739] : memref<4x2x128xi32, #tpu.memory_space<vmem>> -> memref<1x1x128xi32, #tpu.memory_space<vmem>>
      %dma_start3A_741 = tpu.memref_squeeze %dma_start3A_740 : memref<1x1x128xi32, #tpu.memory_space<vmem>> -> memref<128xi32, #tpu.memory_space<vmem>>
      %dma_start3A_742 = arith.constant 0 : i32
      %dma_start3A_743 = arith.constant 0 : i32
      %dma_start3A_744 = tpu.memref_slice %arg10[%dma_start3A_742, %dma_start3A_743] : memref<10112x128xf32, #tpu.memory_space<vmem_shared>> -> memref<10112x128xf32, #tpu.memory_space<vmem_shared>>
      tpu.enqueue_indirect_dma source(%arg9 : memref<128x128xf32, #tpu.memory_space<vmem>>) target(%dma_start3A_744 : memref<10112x128xf32, #tpu.memory_space<vmem_shared>>) offsets(%dma_start3A_741 : memref<128xi32, #tpu.memory_space<vmem>>) semaphore(%arg18 : memref<!tpu.dma_semaphore, #tpu.memory_space<semaphore_mem>>) {add = true}
      %dma_wait3A_745 = arith.constant 1 : i32
      %dma_wait3A_746 = arith.constant 1 : i32
      %dma_wait3A_747 = arith.constant 0 : i32
      %dma_wait3A_748 = tpu.memref_slice %arg7[%dma_wait3A_745, %dma_wait3A_746, %dma_wait3A_747] : memref<4x2x128xi32, #tpu.memory_space<vmem>> -> memref<1x1x128xi32, #tpu.memory_space<vmem>>
      %dma_wait3A_749 = tpu.memref_squeeze %dma_wait3A_748 : memref<1x1x128xi32, #tpu.memory_space<vmem>> -> memref<128xi32, #tpu.memory_space<vmem>>
      %dma_wait3A_750 = arith.constant 0 : i32
      %dma_wait3A_751 = arith.constant 0 : i32
      %dma_wait3A_752 = tpu.memref_slice %arg10[%dma_wait3A_750, %dma_wait3A_751] : memref<10112x128xf32, #tpu.memory_space<vmem_shared>> -> memref<10112x128xf32, #tpu.memory_space<vmem_shared>>
      tpu.wait_indirect_dma semaphore(%arg18 : memref<!tpu.dma_semaphore, #tpu.memory_space<semaphore_mem>>) src(%arg9 : memref<128x128xf32, #tpu.memory_space<vmem>>) dst(%dma_wait3A_752 : memref<10112x128xf32, #tpu.memory_space<vmem_shared>>)
      %dma_wait3A_753 = arith.constant 111 : i32
      %dma_wait3A_754 = arith.constant 3 : i32
      %dma_wait3A_755 = arith.constant 0 : i32
      %dma_wait3A_756 = arith.constant 0 : i32
      %dma_wait3A_757 = tpu.memref_slice %arg7[%dma_wait3A_754, %dma_wait3A_755, %dma_wait3A_756] : memref<4x2x128xi32, #tpu.memory_space<vmem>> -> memref<1x2x128xi32, #tpu.memory_space<vmem>>
      %dma_wait3A_758 = tpu.memref_squeeze %dma_wait3A_757 : memref<1x2x128xi32, #tpu.memory_space<vmem>> -> memref<2x128xi32, #tpu.memory_space<vmem>>
      %dma_wait3A_759 = arith.constant 0 : i32
      %dma_wait3A_760 = arith.constant 0 : i32
      %dma_wait3A_761 = tpu.memref_slice %arg2[%arg1, %dma_wait3A_753, %dma_wait3A_759, %dma_wait3A_760] : memref<16x112x2x128xi32, #tpu.memory_space<hbm>> -> memref<1x1x2x128xi32, #tpu.memory_space<hbm>>
      %dma_wait3A_762 = tpu.memref_squeeze %dma_wait3A_761 : memref<1x1x2x128xi32, #tpu.memory_space<hbm>> -> memref<2x128xi32, #tpu.memory_space<hbm>>
      %dma_wait3A_763 = arith.constant 0 : i32
      %dma_wait3A_764 = arith.constant 0 : i32
      %dma_wait3A_765 = tpu.memref_slice %arg7[%dma_wait3A_754, %dma_wait3A_763, %dma_wait3A_764] : memref<4x2x128xi32, #tpu.memory_space<vmem>> -> memref<1x2x128xi32, #tpu.memory_space<vmem>>
      %dma_wait3A_766 = tpu.memref_squeeze %dma_wait3A_765 : memref<1x2x128xi32, #tpu.memory_space<vmem>> -> memref<2x128xi32, #tpu.memory_space<vmem>>
      %dma_wait3A_767 = arith.constant 0 : i32
      %dma_wait3A_768 = arith.constant 0 : i32
      %dma_wait3A_769 = tpu.memref_slice %arg2[%arg1, %dma_wait3A_753, %dma_wait3A_767, %dma_wait3A_768] : memref<16x112x2x128xi32, #tpu.memory_space<hbm>> -> memref<1x1x2x128xi32, #tpu.memory_space<hbm>>
      %dma_wait3A_770 = tpu.memref_squeeze %dma_wait3A_769 : memref<1x1x2x128xi32, #tpu.memory_space<hbm>> -> memref<2x128xi32, #tpu.memory_space<hbm>>
      tpu.wait_dma2 semaphore(%arg14 : memref<!tpu.dma_semaphore, #tpu.memory_space<semaphore_mem>>) src(%dma_wait3A_770 : memref<2x128xi32, #tpu.memory_space<hbm>>) dst(%dma_wait3A_766 : memref<2x128xi32, #tpu.memory_space<vmem>>)
      %dma_start3A_771 = arith.constant 3 : i32
      %dma_start3A_772 = arith.constant 0 : i32
      %dma_start3A_773 = arith.constant 0 : i32
      %dma_start3A_774 = tpu.memref_slice %arg7[%dma_start3A_771, %dma_start3A_772, %dma_start3A_773] : memref<4x2x128xi32, #tpu.memory_space<vmem>> -> memref<1x1x128xi32, #tpu.memory_space<vmem>>
      %dma_start3A_775 = tpu.memref_squeeze %dma_start3A_774 : memref<1x1x128xi32, #tpu.memory_space<vmem>> -> memref<128xi32, #tpu.memory_space<vmem>>
      %dma_start3A_776 = arith.constant 0 : i32
      %dma_start3A_777 = arith.constant 0 : i32
      %dma_start3A_778 = tpu.memref_slice %arg4[%dma_start3A_776, %dma_start3A_777] : memref<10000x128xf32, #tpu.memory_space<hbm>> -> memref<10000x128xf32, #tpu.memory_space<hbm>>
      tpu.enqueue_indirect_dma source(%dma_start3A_778 : memref<10000x128xf32, #tpu.memory_space<hbm>>) target(%arg9 : memref<128x128xf32, #tpu.memory_space<vmem>>) offsets(%dma_start3A_775 : memref<128xi32, #tpu.memory_space<vmem>>) semaphore(%arg16 : memref<!tpu.dma_semaphore, #tpu.memory_space<semaphore_mem>>)
      %dma_wait3A_779 = arith.constant 2 : i32
      %dma_wait3A_780 = arith.constant 0 : i32
      %dma_wait3A_781 = arith.constant 0 : i32
      %dma_wait3A_782 = tpu.memref_slice %arg7[%dma_wait3A_779, %dma_wait3A_780, %dma_wait3A_781] : memref<4x2x128xi32, #tpu.memory_space<vmem>> -> memref<1x1x128xi32, #tpu.memory_space<vmem>>
      %dma_wait3A_783 = tpu.memref_squeeze %dma_wait3A_782 : memref<1x1x128xi32, #tpu.memory_space<vmem>> -> memref<128xi32, #tpu.memory_space<vmem>>
      %dma_wait3A_784 = arith.constant 0 : i32
      %dma_wait3A_785 = arith.constant 0 : i32
      %dma_wait3A_786 = tpu.memref_slice %arg4[%dma_wait3A_784, %dma_wait3A_785] : memref<10000x128xf32, #tpu.memory_space<hbm>> -> memref<10000x128xf32, #tpu.memory_space<hbm>>
      tpu.wait_indirect_dma semaphore(%arg15 : memref<!tpu.dma_semaphore, #tpu.memory_space<semaphore_mem>>) src(%dma_wait3A_786 : memref<10000x128xf32, #tpu.memory_space<hbm>>) dst(%arg8 : memref<128x128xf32, #tpu.memory_space<vmem>>)
      %dma_start3A_787 = arith.constant 2 : i32
      %dma_start3A_788 = arith.constant 1 : i32
      %dma_start3A_789 = arith.constant 0 : i32
      %dma_start3A_790 = tpu.memref_slice %arg7[%dma_start3A_787, %dma_start3A_788, %dma_start3A_789] : memref<4x2x128xi32, #tpu.memory_space<vmem>> -> memref<1x1x128xi32, #tpu.memory_space<vmem>>
      %dma_start3A_791 = tpu.memref_squeeze %dma_start3A_790 : memref<1x1x128xi32, #tpu.memory_space<vmem>> -> memref<128xi32, #tpu.memory_space<vmem>>
      %dma_start3A_792 = arith.constant 0 : i32
      %dma_start3A_793 = arith.constant 0 : i32
      %dma_start3A_794 = tpu.memref_slice %arg10[%dma_start3A_792, %dma_start3A_793] : memref<10112x128xf32, #tpu.memory_space<vmem_shared>> -> memref<10112x128xf32, #tpu.memory_space<vmem_shared>>
      tpu.enqueue_indirect_dma source(%arg8 : memref<128x128xf32, #tpu.memory_space<vmem>>) target(%dma_start3A_794 : memref<10112x128xf32, #tpu.memory_space<vmem_shared>>) offsets(%dma_start3A_791 : memref<128xi32, #tpu.memory_space<vmem>>) semaphore(%arg17 : memref<!tpu.dma_semaphore, #tpu.memory_space<semaphore_mem>>) {add = true}
      %dma_wait3A_795 = arith.constant 2 : i32
      %dma_wait3A_796 = arith.constant 1 : i32
      %dma_wait3A_797 = arith.constant 0 : i32
      %dma_wait3A_798 = tpu.memref_slice %arg7[%dma_wait3A_795, %dma_wait3A_796, %dma_wait3A_797] : memref<4x2x128xi32, #tpu.memory_space<vmem>> -> memref<1x1x128xi32, #tpu.memory_space<vmem>>
      %dma_wait3A_799 = tpu.memref_squeeze %dma_wait3A_798 : memref<1x1x128xi32, #tpu.memory_space<vmem>> -> memref<128xi32, #tpu.memory_space<vmem>>
      %dma_wait3A_800 = arith.constant 0 : i32
      %dma_wait3A_801 = arith.constant 0 : i32
      %dma_wait3A_802 = tpu.memref_slice %arg10[%dma_wait3A_800, %dma_wait3A_801] : memref<10112x128xf32, #tpu.memory_space<vmem_shared>> -> memref<10112x128xf32, #tpu.memory_space<vmem_shared>>
      tpu.wait_indirect_dma semaphore(%arg17 : memref<!tpu.dma_semaphore, #tpu.memory_space<semaphore_mem>>) src(%arg8 : memref<128x128xf32, #tpu.memory_space<vmem>>) dst(%dma_wait3A_802 : memref<10112x128xf32, #tpu.memory_space<vmem_shared>>)
      %dma_wait3A_803 = arith.constant 3 : i32
      %dma_wait3A_804 = arith.constant 0 : i32
      %dma_wait3A_805 = arith.constant 0 : i32
      %dma_wait3A_806 = tpu.memref_slice %arg7[%dma_wait3A_803, %dma_wait3A_804, %dma_wait3A_805] : memref<4x2x128xi32, #tpu.memory_space<vmem>> -> memref<1x1x128xi32, #tpu.memory_space<vmem>>
      %dma_wait3A_807 = tpu.memref_squeeze %dma_wait3A_806 : memref<1x1x128xi32, #tpu.memory_space<vmem>> -> memref<128xi32, #tpu.memory_space<vmem>>
      %dma_wait3A_808 = arith.constant 0 : i32
      %dma_wait3A_809 = arith.constant 0 : i32
      %dma_wait3A_810 = tpu.memref_slice %arg4[%dma_wait3A_808, %dma_wait3A_809] : memref<10000x128xf32, #tpu.memory_space<hbm>> -> memref<10000x128xf32, #tpu.memory_space<hbm>>
      tpu.wait_indirect_dma semaphore(%arg16 : memref<!tpu.dma_semaphore, #tpu.memory_space<semaphore_mem>>) src(%dma_wait3A_810 : memref<10000x128xf32, #tpu.memory_space<hbm>>) dst(%arg9 : memref<128x128xf32, #tpu.memory_space<vmem>>)
      %dma_start3A_811 = arith.constant 3 : i32
      %dma_start3A_812 = arith.constant 1 : i32
      %dma_start3A_813 = arith.constant 0 : i32
      %dma_start3A_814 = tpu.memref_slice %arg7[%dma_start3A_811, %dma_start3A_812, %dma_start3A_813] : memref<4x2x128xi32, #tpu.memory_space<vmem>> -> memref<1x1x128xi32, #tpu.memory_space<vmem>>
      %dma_start3A_815 = tpu.memref_squeeze %dma_start3A_814 : memref<1x1x128xi32, #tpu.memory_space<vmem>> -> memref<128xi32, #tpu.memory_space<vmem>>
      %dma_start3A_816 = arith.constant 0 : i32
      %dma_start3A_817 = arith.constant 0 : i32
      %dma_start3A_818 = tpu.memref_slice %arg10[%dma_start3A_816, %dma_start3A_817] : memref<10112x128xf32, #tpu.memory_space<vmem_shared>> -> memref<10112x128xf32, #tpu.memory_space<vmem_shared>>
      tpu.enqueue_indirect_dma source(%arg9 : memref<128x128xf32, #tpu.memory_space<vmem>>) target(%dma_start3A_818 : memref<10112x128xf32, #tpu.memory_space<vmem_shared>>) offsets(%dma_start3A_815 : memref<128xi32, #tpu.memory_space<vmem>>) semaphore(%arg18 : memref<!tpu.dma_semaphore, #tpu.memory_space<semaphore_mem>>) {add = true}
      %dma_wait3A_819 = arith.constant 3 : i32
      %dma_wait3A_820 = arith.constant 1 : i32
      %dma_wait3A_821 = arith.constant 0 : i32
      %dma_wait3A_822 = tpu.memref_slice %arg7[%dma_wait3A_819, %dma_wait3A_820, %dma_wait3A_821] : memref<4x2x128xi32, #tpu.memory_space<vmem>> -> memref<1x1x128xi32, #tpu.memory_space<vmem>>
      %dma_wait3A_823 = tpu.memref_squeeze %dma_wait3A_822 : memref<1x1x128xi32, #tpu.memory_space<vmem>> -> memref<128xi32, #tpu.memory_space<vmem>>
      %dma_wait3A_824 = arith.constant 0 : i32
      %dma_wait3A_825 = arith.constant 0 : i32
      %dma_wait3A_826 = tpu.memref_slice %arg10[%dma_wait3A_824, %dma_wait3A_825] : memref<10112x128xf32, #tpu.memory_space<vmem_shared>> -> memref<10112x128xf32, #tpu.memory_space<vmem_shared>>
      tpu.wait_indirect_dma semaphore(%arg18 : memref<!tpu.dma_semaphore, #tpu.memory_space<semaphore_mem>>) src(%arg9 : memref<128x128xf32, #tpu.memory_space<vmem>>) dst(%dma_wait3A_826 : memref<10112x128xf32, #tpu.memory_space<vmem_shared>>)
    } else {
    }
    %eq3A_3 = arith.constant 1 : i32
    %eq3A_4 = arith.cmpi eq, %arg0, %eq3A_3 : i32
    %convert_element_type3A_5 = arith.extui %eq3A_4 : i1 to i32
    %cond3A_6 = arith.constant 0 : i32
    %cond3A_7 = arith.cmpi ne, %convert_element_type3A_5, %cond3A_6 : i32
    scf.if %cond3A_7 {
      %run_scoped3A = arith.constant 0 : i32
      %run_scoped3A_9 = arith.constant 0 : i32
      "tpu.region"() ({
        %run_scoped3A_42 = tpu.sem_alloc : memref<!tpu.dma_semaphore, #tpu.memory_space<semaphore_mem>>
        %dma_start3A_43 = arith.constant 0 : i32
        %dma_start3A_44 = arith.constant 0 : i32
        %dma_start3A_45 = tpu.memref_slice %arg7[%run_scoped3A_9, %dma_start3A_43, %dma_start3A_44] : memref<4x2x128xi32, #tpu.memory_space<vmem>> -> memref<1x2x128xi32, #tpu.memory_space<vmem>>
        %dma_start3A_46 = tpu.memref_squeeze %dma_start3A_45 : memref<1x2x128xi32, #tpu.memory_space<vmem>> -> memref<2x128xi32, #tpu.memory_space<vmem>>
        %dma_start3A_47 = arith.constant 0 : i32
        %dma_start3A_48 = arith.constant 0 : i32
        %dma_start3A_49 = tpu.memref_slice %arg3[%arg1, %run_scoped3A, %dma_start3A_47, %dma_start3A_48] : memref<16x45x2x128xi32, #tpu.memory_space<hbm>> -> memref<1x1x2x128xi32, #tpu.memory_space<hbm>>
        %dma_start3A_50 = tpu.memref_squeeze %dma_start3A_49 : memref<1x1x2x128xi32, #tpu.memory_space<hbm>> -> memref<2x128xi32, #tpu.memory_space<hbm>>
        %dma_start3A_51 = arith.constant 0 : i32
        %dma_start3A_52 = arith.constant 0 : i32
        %dma_start3A_53 = tpu.memref_slice %arg7[%run_scoped3A_9, %dma_start3A_51, %dma_start3A_52] : memref<4x2x128xi32, #tpu.memory_space<vmem>> -> memref<1x2x128xi32, #tpu.memory_space<vmem>>
        %dma_start3A_54 = tpu.memref_squeeze %dma_start3A_53 : memref<1x2x128xi32, #tpu.memory_space<vmem>> -> memref<2x128xi32, #tpu.memory_space<vmem>>
        %dma_start3A_55 = arith.constant 0 : i32
        %dma_start3A_56 = arith.constant 0 : i32
        %dma_start3A_57 = tpu.memref_slice %arg3[%arg1, %run_scoped3A, %dma_start3A_55, %dma_start3A_56] : memref<16x45x2x128xi32, #tpu.memory_space<hbm>> -> memref<1x1x2x128xi32, #tpu.memory_space<hbm>>
        %dma_start3A_58 = tpu.memref_squeeze %dma_start3A_57 : memref<1x1x2x128xi32, #tpu.memory_space<hbm>> -> memref<2x128xi32, #tpu.memory_space<hbm>>
        tpu.enqueue_dma source(%dma_start3A_58 : memref<2x128xi32, #tpu.memory_space<hbm>>) target(%dma_start3A_54 : memref<2x128xi32, #tpu.memory_space<vmem>>) target_semaphore(%run_scoped3A_42 : memref<!tpu.dma_semaphore, #tpu.memory_space<semaphore_mem>>)
        %dma_wait3A_59 = arith.constant 0 : i32
        %dma_wait3A_60 = arith.constant 0 : i32
        %dma_wait3A_61 = tpu.memref_slice %arg7[%run_scoped3A_9, %dma_wait3A_59, %dma_wait3A_60] : memref<4x2x128xi32, #tpu.memory_space<vmem>> -> memref<1x2x128xi32, #tpu.memory_space<vmem>>
        %dma_wait3A_62 = tpu.memref_squeeze %dma_wait3A_61 : memref<1x2x128xi32, #tpu.memory_space<vmem>> -> memref<2x128xi32, #tpu.memory_space<vmem>>
        %dma_wait3A_63 = arith.constant 0 : i32
        %dma_wait3A_64 = arith.constant 0 : i32
        %dma_wait3A_65 = tpu.memref_slice %arg3[%arg1, %run_scoped3A, %dma_wait3A_63, %dma_wait3A_64] : memref<16x45x2x128xi32, #tpu.memory_space<hbm>> -> memref<1x1x2x128xi32, #tpu.memory_space<hbm>>
        %dma_wait3A_66 = tpu.memref_squeeze %dma_wait3A_65 : memref<1x1x2x128xi32, #tpu.memory_space<hbm>> -> memref<2x128xi32, #tpu.memory_space<hbm>>
        %dma_wait3A_67 = arith.constant 0 : i32
        %dma_wait3A_68 = arith.constant 0 : i32
        %dma_wait3A_69 = tpu.memref_slice %arg7[%run_scoped3A_9, %dma_wait3A_67, %dma_wait3A_68] : memref<4x2x128xi32, #tpu.memory_space<vmem>> -> memref<1x2x128xi32, #tpu.memory_space<vmem>>
        %dma_wait3A_70 = tpu.memref_squeeze %dma_wait3A_69 : memref<1x2x128xi32, #tpu.memory_space<vmem>> -> memref<2x128xi32, #tpu.memory_space<vmem>>
        %dma_wait3A_71 = arith.constant 0 : i32
        %dma_wait3A_72 = arith.constant 0 : i32
        %dma_wait3A_73 = tpu.memref_slice %arg3[%arg1, %run_scoped3A, %dma_wait3A_71, %dma_wait3A_72] : memref<16x45x2x128xi32, #tpu.memory_space<hbm>> -> memref<1x1x2x128xi32, #tpu.memory_space<hbm>>
        %dma_wait3A_74 = tpu.memref_squeeze %dma_wait3A_73 : memref<1x1x2x128xi32, #tpu.memory_space<hbm>> -> memref<2x128xi32, #tpu.memory_space<hbm>>
        tpu.wait_dma2 semaphore(%run_scoped3A_42 : memref<!tpu.dma_semaphore, #tpu.memory_space<semaphore_mem>>) src(%dma_wait3A_74 : memref<2x128xi32, #tpu.memory_space<hbm>>) dst(%dma_wait3A_70 : memref<2x128xi32, #tpu.memory_space<vmem>>)
        tpu.yield
      }) : () -> ()
      %dma_start3A = arith.constant 0 : i32
      %dma_start3A_10 = arith.constant 0 : i32
      %dma_start3A_11 = arith.constant 0 : i32
      %dma_start3A_12 = arith.constant 0 : i32
      %dma_start3A_13 = tpu.memref_slice %arg7[%dma_start3A, %dma_start3A_11, %dma_start3A_12] : memref<4x2x128xi32, #tpu.memory_space<vmem>> -> memref<1x2x128xi32, #tpu.memory_space<vmem>>
      %dma_start3A_14 = tpu.memref_squeeze %dma_start3A_13 : memref<1x2x128xi32, #tpu.memory_space<vmem>> -> memref<2x128xi32, #tpu.memory_space<vmem>>
      %dma_start3A_15 = arith.constant 0 : i32
      %dma_start3A_16 = tpu.memref_slice %dma_start3A_14[%dma_start3A_10, %dma_start3A_15] : memref<2x128xi32, #tpu.memory_space<vmem>> -> memref<1x128xi32, #tpu.memory_space<vmem>>
      %dma_start3A_17 = tpu.memref_squeeze %dma_start3A_16 : memref<1x128xi32, #tpu.memory_space<vmem>> -> memref<128xi32, #tpu.memory_space<vmem>>
      %dma_start3A_18 = arith.constant 0 : i32
      %dma_start3A_19 = arith.constant 0 : i32
      %dma_start3A_20 = tpu.memref_slice %arg4[%dma_start3A_18, %dma_start3A_19] : memref<10000x128xf32, #tpu.memory_space<hbm>> -> memref<10000x128xf32, #tpu.memory_space<hbm>>
      tpu.enqueue_indirect_dma source(%dma_start3A_20 : memref<10000x128xf32, #tpu.memory_space<hbm>>) target(%arg8 : memref<128x128xf32, #tpu.memory_space<vmem>>) offsets(%dma_start3A_17 : memref<128xi32, #tpu.memory_space<vmem>>) semaphore(%arg15 : memref<!tpu.dma_semaphore, #tpu.memory_space<semaphore_mem>>)
      %run_scoped3A_21 = arith.constant 1 : i32
      %run_scoped3A_22 = arith.constant 1 : i32
      "tpu.region"() ({
        %run_scoped3A_42 = tpu.sem_alloc : memref<!tpu.dma_semaphore, #tpu.memory_space<semaphore_mem>>
        %dma_start3A_43 = arith.constant 0 : i32
        %dma_start3A_44 = arith.constant 0 : i32
        %dma_start3A_45 = tpu.memref_slice %arg7[%run_scoped3A_22, %dma_start3A_43, %dma_start3A_44] : memref<4x2x128xi32, #tpu.memory_space<vmem>> -> memref<1x2x128xi32, #tpu.memory_space<vmem>>
        %dma_start3A_46 = tpu.memref_squeeze %dma_start3A_45 : memref<1x2x128xi32, #tpu.memory_space<vmem>> -> memref<2x128xi32, #tpu.memory_space<vmem>>
        %dma_start3A_47 = arith.constant 0 : i32
        %dma_start3A_48 = arith.constant 0 : i32
        %dma_start3A_49 = tpu.memref_slice %arg3[%arg1, %run_scoped3A_21, %dma_start3A_47, %dma_start3A_48] : memref<16x45x2x128xi32, #tpu.memory_space<hbm>> -> memref<1x1x2x128xi32, #tpu.memory_space<hbm>>
        %dma_start3A_50 = tpu.memref_squeeze %dma_start3A_49 : memref<1x1x2x128xi32, #tpu.memory_space<hbm>> -> memref<2x128xi32, #tpu.memory_space<hbm>>
        %dma_start3A_51 = arith.constant 0 : i32
        %dma_start3A_52 = arith.constant 0 : i32
        %dma_start3A_53 = tpu.memref_slice %arg7[%run_scoped3A_22, %dma_start3A_51, %dma_start3A_52] : memref<4x2x128xi32, #tpu.memory_space<vmem>> -> memref<1x2x128xi32, #tpu.memory_space<vmem>>
        %dma_start3A_54 = tpu.memref_squeeze %dma_start3A_53 : memref<1x2x128xi32, #tpu.memory_space<vmem>> -> memref<2x128xi32, #tpu.memory_space<vmem>>
        %dma_start3A_55 = arith.constant 0 : i32
        %dma_start3A_56 = arith.constant 0 : i32
        %dma_start3A_57 = tpu.memref_slice %arg3[%arg1, %run_scoped3A_21, %dma_start3A_55, %dma_start3A_56] : memref<16x45x2x128xi32, #tpu.memory_space<hbm>> -> memref<1x1x2x128xi32, #tpu.memory_space<hbm>>
        %dma_start3A_58 = tpu.memref_squeeze %dma_start3A_57 : memref<1x1x2x128xi32, #tpu.memory_space<hbm>> -> memref<2x128xi32, #tpu.memory_space<hbm>>
        tpu.enqueue_dma source(%dma_start3A_58 : memref<2x128xi32, #tpu.memory_space<hbm>>) target(%dma_start3A_54 : memref<2x128xi32, #tpu.memory_space<vmem>>) target_semaphore(%run_scoped3A_42 : memref<!tpu.dma_semaphore, #tpu.memory_space<semaphore_mem>>)
        %dma_wait3A_59 = arith.constant 0 : i32
        %dma_wait3A_60 = arith.constant 0 : i32
        %dma_wait3A_61 = tpu.memref_slice %arg7[%run_scoped3A_22, %dma_wait3A_59, %dma_wait3A_60] : memref<4x2x128xi32, #tpu.memory_space<vmem>> -> memref<1x2x128xi32, #tpu.memory_space<vmem>>
        %dma_wait3A_62 = tpu.memref_squeeze %dma_wait3A_61 : memref<1x2x128xi32, #tpu.memory_space<vmem>> -> memref<2x128xi32, #tpu.memory_space<vmem>>
        %dma_wait3A_63 = arith.constant 0 : i32
        %dma_wait3A_64 = arith.constant 0 : i32
        %dma_wait3A_65 = tpu.memref_slice %arg3[%arg1, %run_scoped3A_21, %dma_wait3A_63, %dma_wait3A_64] : memref<16x45x2x128xi32, #tpu.memory_space<hbm>> -> memref<1x1x2x128xi32, #tpu.memory_space<hbm>>
        %dma_wait3A_66 = tpu.memref_squeeze %dma_wait3A_65 : memref<1x1x2x128xi32, #tpu.memory_space<hbm>> -> memref<2x128xi32, #tpu.memory_space<hbm>>
        %dma_wait3A_67 = arith.constant 0 : i32
        %dma_wait3A_68 = arith.constant 0 : i32
        %dma_wait3A_69 = tpu.memref_slice %arg7[%run_scoped3A_22, %dma_wait3A_67, %dma_wait3A_68] : memref<4x2x128xi32, #tpu.memory_space<vmem>> -> memref<1x2x128xi32, #tpu.memory_space<vmem>>
        %dma_wait3A_70 = tpu.memref_squeeze %dma_wait3A_69 : memref<1x2x128xi32, #tpu.memory_space<vmem>> -> memref<2x128xi32, #tpu.memory_space<vmem>>
        %dma_wait3A_71 = arith.constant 0 : i32
        %dma_wait3A_72 = arith.constant 0 : i32
        %dma_wait3A_73 = tpu.memref_slice %arg3[%arg1, %run_scoped3A_21, %dma_wait3A_71, %dma_wait3A_72] : memref<16x45x2x128xi32, #tpu.memory_space<hbm>> -> memref<1x1x2x128xi32, #tpu.memory_space<hbm>>
        %dma_wait3A_74 = tpu.memref_squeeze %dma_wait3A_73 : memref<1x1x2x128xi32, #tpu.memory_space<hbm>> -> memref<2x128xi32, #tpu.memory_space<hbm>>
        tpu.wait_dma2 semaphore(%run_scoped3A_42 : memref<!tpu.dma_semaphore, #tpu.memory_space<semaphore_mem>>) src(%dma_wait3A_74 : memref<2x128xi32, #tpu.memory_space<hbm>>) dst(%dma_wait3A_70 : memref<2x128xi32, #tpu.memory_space<vmem>>)
        tpu.yield
      }) : () -> ()
      %scan3A = arith.constant 1 : i32
      %scan3A_23 = arith.constant 0 : i32
      %scan3A_24 = arith.constant 0 : i32
      %scan3A_25 = arith.constant 22 : i32
      %scan3A_26 = arith.addi %scan3A_24, %scan3A_25 : i32
      %scan3A_27 = arith.constant 1 : i32
      scf.for %scan3A_42 = %scan3A_24 to %scan3A_26 step %scan3A_27  : i32 {
        %mul3A_43 = arith.constant 1 : i32
        %mul3A_44 = arith.muli %scan3A_42, %mul3A_43 : i32
        %add3A = arith.constant 0 : i32
        %add3A_45 = arith.addi %add3A, %mul3A_44 : i32
        %mul3A_46 = arith.constant 2 : i32
        %mul3A_47 = arith.muli %add3A_45, %mul3A_46 : i32
        %dma_start3A_48 = arith.constant 0 : i32
        %dma_start3A_49 = arith.constant 0 : i32
        %dma_start3A_50 = arith.constant 0 : i32
        %dma_start3A_51 = tpu.memref_slice %arg7[%scan3A, %dma_start3A_49, %dma_start3A_50] : memref<4x2x128xi32, #tpu.memory_space<vmem>> -> memref<1x2x128xi32, #tpu.memory_space<vmem>>
        %dma_start3A_52 = tpu.memref_squeeze %dma_start3A_51 : memref<1x2x128xi32, #tpu.memory_space<vmem>> -> memref<2x128xi32, #tpu.memory_space<vmem>>
        %dma_start3A_53 = arith.constant 0 : i32
        %dma_start3A_54 = tpu.memref_slice %dma_start3A_52[%dma_start3A_48, %dma_start3A_53] : memref<2x128xi32, #tpu.memory_space<vmem>> -> memref<1x128xi32, #tpu.memory_space<vmem>>
        %dma_start3A_55 = tpu.memref_squeeze %dma_start3A_54 : memref<1x128xi32, #tpu.memory_space<vmem>> -> memref<128xi32, #tpu.memory_space<vmem>>
        %dma_start3A_56 = arith.constant 0 : i32
        %dma_start3A_57 = arith.constant 0 : i32
        %dma_start3A_58 = tpu.memref_slice %arg4[%dma_start3A_56, %dma_start3A_57] : memref<10000x128xf32, #tpu.memory_space<hbm>> -> memref<10000x128xf32, #tpu.memory_space<hbm>>
        tpu.enqueue_indirect_dma source(%dma_start3A_58 : memref<10000x128xf32, #tpu.memory_space<hbm>>) target(%arg9 : memref<128x128xf32, #tpu.memory_space<vmem>>) offsets(%dma_start3A_55 : memref<128xi32, #tpu.memory_space<vmem>>) semaphore(%arg16 : memref<!tpu.dma_semaphore, #tpu.memory_space<semaphore_mem>>)
        %dma_wait3A_59 = arith.constant 0 : i32
        %dma_wait3A_60 = arith.constant 0 : i32
        %dma_wait3A_61 = arith.constant 0 : i32
        %dma_wait3A_62 = tpu.memref_slice %arg7[%scan3A_23, %dma_wait3A_60, %dma_wait3A_61] : memref<4x2x128xi32, #tpu.memory_space<vmem>> -> memref<1x2x128xi32, #tpu.memory_space<vmem>>
        %dma_wait3A_63 = tpu.memref_squeeze %dma_wait3A_62 : memref<1x2x128xi32, #tpu.memory_space<vmem>> -> memref<2x128xi32, #tpu.memory_space<vmem>>
        %dma_wait3A_64 = arith.constant 0 : i32
        %dma_wait3A_65 = tpu.memref_slice %dma_wait3A_63[%dma_wait3A_59, %dma_wait3A_64] : memref<2x128xi32, #tpu.memory_space<vmem>> -> memref<1x128xi32, #tpu.memory_space<vmem>>
        %dma_wait3A_66 = tpu.memref_squeeze %dma_wait3A_65 : memref<1x128xi32, #tpu.memory_space<vmem>> -> memref<128xi32, #tpu.memory_space<vmem>>
        %dma_wait3A_67 = arith.constant 0 : i32
        %dma_wait3A_68 = arith.constant 0 : i32
        %dma_wait3A_69 = tpu.memref_slice %arg4[%dma_wait3A_67, %dma_wait3A_68] : memref<10000x128xf32, #tpu.memory_space<hbm>> -> memref<10000x128xf32, #tpu.memory_space<hbm>>
        tpu.wait_indirect_dma semaphore(%arg15 : memref<!tpu.dma_semaphore, #tpu.memory_space<semaphore_mem>>) src(%dma_wait3A_69 : memref<10000x128xf32, #tpu.memory_space<hbm>>) dst(%arg8 : memref<128x128xf32, #tpu.memory_space<vmem>>)
        %run_scoped3A_70 = arith.constant 1 : i32
        "tpu.region"() ({
          %run_scoped3A_99 = tpu.sem_alloc : memref<!tpu.dma_semaphore, #tpu.memory_space<semaphore_mem>>
          %dma_start3A_100 = arith.constant 0 : i32
          %dma_start3A_101 = arith.constant 0 : i32
          %dma_start3A_102 = tpu.memref_slice %arg7[%scan3A_23, %dma_start3A_100, %dma_start3A_101] : memref<4x2x128xi32, #tpu.memory_space<vmem>> -> memref<1x2x128xi32, #tpu.memory_space<vmem>>
          %dma_start3A_103 = tpu.memref_squeeze %dma_start3A_102 : memref<1x2x128xi32, #tpu.memory_space<vmem>> -> memref<2x128xi32, #tpu.memory_space<vmem>>
          %dma_start3A_104 = arith.constant 0 : i32
          %dma_start3A_105 = tpu.memref_slice %dma_start3A_103[%run_scoped3A_70, %dma_start3A_104] : memref<2x128xi32, #tpu.memory_space<vmem>> -> memref<1x128xi32, #tpu.memory_space<vmem>>
          %dma_start3A_106 = tpu.memref_squeeze %dma_start3A_105 : memref<1x128xi32, #tpu.memory_space<vmem>> -> memref<128xi32, #tpu.memory_space<vmem>>
          %dma_start3A_107 = arith.constant 0 : i32
          %dma_start3A_108 = arith.constant 0 : i32
          %dma_start3A_109 = tpu.memref_slice %arg10[%dma_start3A_107, %dma_start3A_108] : memref<10112x128xf32, #tpu.memory_space<vmem_shared>> -> memref<10112x128xf32, #tpu.memory_space<vmem_shared>>
          tpu.enqueue_indirect_dma source(%arg8 : memref<128x128xf32, #tpu.memory_space<vmem>>) target(%dma_start3A_109 : memref<10112x128xf32, #tpu.memory_space<vmem_shared>>) offsets(%dma_start3A_106 : memref<128xi32, #tpu.memory_space<vmem>>) semaphore(%run_scoped3A_99 : memref<!tpu.dma_semaphore, #tpu.memory_space<semaphore_mem>>) {add = true}
          %dma_wait3A_110 = arith.constant 0 : i32
          %dma_wait3A_111 = arith.constant 0 : i32
          %dma_wait3A_112 = tpu.memref_slice %arg7[%scan3A_23, %dma_wait3A_110, %dma_wait3A_111] : memref<4x2x128xi32, #tpu.memory_space<vmem>> -> memref<1x2x128xi32, #tpu.memory_space<vmem>>
          %dma_wait3A_113 = tpu.memref_squeeze %dma_wait3A_112 : memref<1x2x128xi32, #tpu.memory_space<vmem>> -> memref<2x128xi32, #tpu.memory_space<vmem>>
          %dma_wait3A_114 = arith.constant 0 : i32
          %dma_wait3A_115 = tpu.memref_slice %dma_wait3A_113[%run_scoped3A_70, %dma_wait3A_114] : memref<2x128xi32, #tpu.memory_space<vmem>> -> memref<1x128xi32, #tpu.memory_space<vmem>>
          %dma_wait3A_116 = tpu.memref_squeeze %dma_wait3A_115 : memref<1x128xi32, #tpu.memory_space<vmem>> -> memref<128xi32, #tpu.memory_space<vmem>>
          %dma_wait3A_117 = arith.constant 0 : i32
          %dma_wait3A_118 = arith.constant 0 : i32
          %dma_wait3A_119 = tpu.memref_slice %arg10[%dma_wait3A_117, %dma_wait3A_118] : memref<10112x128xf32, #tpu.memory_space<vmem_shared>> -> memref<10112x128xf32, #tpu.memory_space<vmem_shared>>
          tpu.wait_indirect_dma semaphore(%run_scoped3A_99 : memref<!tpu.dma_semaphore, #tpu.memory_space<semaphore_mem>>) src(%arg8 : memref<128x128xf32, #tpu.memory_space<vmem>>) dst(%dma_wait3A_119 : memref<10112x128xf32, #tpu.memory_space<vmem_shared>>)
          tpu.yield
        }) : () -> ()
        %add3A_71 = arith.constant 2 : i32
        %add3A_72 = arith.addi %mul3A_47, %add3A_71 : i32
        "tpu.region"() ({
          %run_scoped3A_99 = tpu.sem_alloc : memref<!tpu.dma_semaphore, #tpu.memory_space<semaphore_mem>>
          %dma_start3A_100 = arith.constant 0 : i32
          %dma_start3A_101 = arith.constant 0 : i32
          %dma_start3A_102 = tpu.memref_slice %arg7[%scan3A_23, %dma_start3A_100, %dma_start3A_101] : memref<4x2x128xi32, #tpu.memory_space<vmem>> -> memref<1x2x128xi32, #tpu.memory_space<vmem>>
          %dma_start3A_103 = tpu.memref_squeeze %dma_start3A_102 : memref<1x2x128xi32, #tpu.memory_space<vmem>> -> memref<2x128xi32, #tpu.memory_space<vmem>>
          %dma_start3A_104 = arith.constant 0 : i32
          %dma_start3A_105 = arith.constant 0 : i32
          %dma_start3A_106 = tpu.memref_slice %arg3[%arg1, %add3A_72, %dma_start3A_104, %dma_start3A_105] : memref<16x45x2x128xi32, #tpu.memory_space<hbm>> -> memref<1x1x2x128xi32, #tpu.memory_space<hbm>>
          %dma_start3A_107 = tpu.memref_squeeze %dma_start3A_106 : memref<1x1x2x128xi32, #tpu.memory_space<hbm>> -> memref<2x128xi32, #tpu.memory_space<hbm>>
          %dma_start3A_108 = arith.constant 0 : i32
          %dma_start3A_109 = arith.constant 0 : i32
          %dma_start3A_110 = tpu.memref_slice %arg7[%scan3A_23, %dma_start3A_108, %dma_start3A_109] : memref<4x2x128xi32, #tpu.memory_space<vmem>> -> memref<1x2x128xi32, #tpu.memory_space<vmem>>
          %dma_start3A_111 = tpu.memref_squeeze %dma_start3A_110 : memref<1x2x128xi32, #tpu.memory_space<vmem>> -> memref<2x128xi32, #tpu.memory_space<vmem>>
          %dma_start3A_112 = arith.constant 0 : i32
          %dma_start3A_113 = arith.constant 0 : i32
          %dma_start3A_114 = tpu.memref_slice %arg3[%arg1, %add3A_72, %dma_start3A_112, %dma_start3A_113] : memref<16x45x2x128xi32, #tpu.memory_space<hbm>> -> memref<1x1x2x128xi32, #tpu.memory_space<hbm>>
          %dma_start3A_115 = tpu.memref_squeeze %dma_start3A_114 : memref<1x1x2x128xi32, #tpu.memory_space<hbm>> -> memref<2x128xi32, #tpu.memory_space<hbm>>
          tpu.enqueue_dma source(%dma_start3A_115 : memref<2x128xi32, #tpu.memory_space<hbm>>) target(%dma_start3A_111 : memref<2x128xi32, #tpu.memory_space<vmem>>) target_semaphore(%run_scoped3A_99 : memref<!tpu.dma_semaphore, #tpu.memory_space<semaphore_mem>>)
          %dma_wait3A_116 = arith.constant 0 : i32
          %dma_wait3A_117 = arith.constant 0 : i32
          %dma_wait3A_118 = tpu.memref_slice %arg7[%scan3A_23, %dma_wait3A_116, %dma_wait3A_117] : memref<4x2x128xi32, #tpu.memory_space<vmem>> -> memref<1x2x128xi32, #tpu.memory_space<vmem>>
          %dma_wait3A_119 = tpu.memref_squeeze %dma_wait3A_118 : memref<1x2x128xi32, #tpu.memory_space<vmem>> -> memref<2x128xi32, #tpu.memory_space<vmem>>
          %dma_wait3A_120 = arith.constant 0 : i32
          %dma_wait3A_121 = arith.constant 0 : i32
          %dma_wait3A_122 = tpu.memref_slice %arg3[%arg1, %add3A_72, %dma_wait3A_120, %dma_wait3A_121] : memref<16x45x2x128xi32, #tpu.memory_space<hbm>> -> memref<1x1x2x128xi32, #tpu.memory_space<hbm>>
          %dma_wait3A_123 = tpu.memref_squeeze %dma_wait3A_122 : memref<1x1x2x128xi32, #tpu.memory_space<hbm>> -> memref<2x128xi32, #tpu.memory_space<hbm>>
          %dma_wait3A_124 = arith.constant 0 : i32
          %dma_wait3A_125 = arith.constant 0 : i32
          %dma_wait3A_126 = tpu.memref_slice %arg7[%scan3A_23, %dma_wait3A_124, %dma_wait3A_125] : memref<4x2x128xi32, #tpu.memory_space<vmem>> -> memref<1x2x128xi32, #tpu.memory_space<vmem>>
          %dma_wait3A_127 = tpu.memref_squeeze %dma_wait3A_126 : memref<1x2x128xi32, #tpu.memory_space<vmem>> -> memref<2x128xi32, #tpu.memory_space<vmem>>
          %dma_wait3A_128 = arith.constant 0 : i32
          %dma_wait3A_129 = arith.constant 0 : i32
          %dma_wait3A_130 = tpu.memref_slice %arg3[%arg1, %add3A_72, %dma_wait3A_128, %dma_wait3A_129] : memref<16x45x2x128xi32, #tpu.memory_space<hbm>> -> memref<1x1x2x128xi32, #tpu.memory_space<hbm>>
          %dma_wait3A_131 = tpu.memref_squeeze %dma_wait3A_130 : memref<1x1x2x128xi32, #tpu.memory_space<hbm>> -> memref<2x128xi32, #tpu.memory_space<hbm>>
          tpu.wait_dma2 semaphore(%run_scoped3A_99 : memref<!tpu.dma_semaphore, #tpu.memory_space<semaphore_mem>>) src(%dma_wait3A_131 : memref<2x128xi32, #tpu.memory_space<hbm>>) dst(%dma_wait3A_127 : memref<2x128xi32, #tpu.memory_space<vmem>>)
          tpu.yield
        }) : () -> ()
        %dma_start3A_73 = arith.constant 0 : i32
        %dma_start3A_74 = arith.constant 0 : i32
        %dma_start3A_75 = arith.constant 0 : i32
        %dma_start3A_76 = tpu.memref_slice %arg7[%scan3A_23, %dma_start3A_74, %dma_start3A_75] : memref<4x2x128xi32, #tpu.memory_space<vmem>> -> memref<1x2x128xi32, #tpu.memory_space<vmem>>
        %dma_start3A_77 = tpu.memref_squeeze %dma_start3A_76 : memref<1x2x128xi32, #tpu.memory_space<vmem>> -> memref<2x128xi32, #tpu.memory_space<vmem>>
        %dma_start3A_78 = arith.constant 0 : i32
        %dma_start3A_79 = tpu.memref_slice %dma_start3A_77[%dma_start3A_73, %dma_start3A_78] : memref<2x128xi32, #tpu.memory_space<vmem>> -> memref<1x128xi32, #tpu.memory_space<vmem>>
        %dma_start3A_80 = tpu.memref_squeeze %dma_start3A_79 : memref<1x128xi32, #tpu.memory_space<vmem>> -> memref<128xi32, #tpu.memory_space<vmem>>
        %dma_start3A_81 = arith.constant 0 : i32
        %dma_start3A_82 = arith.constant 0 : i32
        %dma_start3A_83 = tpu.memref_slice %arg4[%dma_start3A_81, %dma_start3A_82] : memref<10000x128xf32, #tpu.memory_space<hbm>> -> memref<10000x128xf32, #tpu.memory_space<hbm>>
        tpu.enqueue_indirect_dma source(%dma_start3A_83 : memref<10000x128xf32, #tpu.memory_space<hbm>>) target(%arg8 : memref<128x128xf32, #tpu.memory_space<vmem>>) offsets(%dma_start3A_80 : memref<128xi32, #tpu.memory_space<vmem>>) semaphore(%arg15 : memref<!tpu.dma_semaphore, #tpu.memory_space<semaphore_mem>>)
        %dma_wait3A_84 = arith.constant 0 : i32
        %dma_wait3A_85 = arith.constant 0 : i32
        %dma_wait3A_86 = arith.constant 0 : i32
        %dma_wait3A_87 = tpu.memref_slice %arg7[%scan3A, %dma_wait3A_85, %dma_wait3A_86] : memref<4x2x128xi32, #tpu.memory_space<vmem>> -> memref<1x2x128xi32, #tpu.memory_space<vmem>>
        %dma_wait3A_88 = tpu.memref_squeeze %dma_wait3A_87 : memref<1x2x128xi32, #tpu.memory_space<vmem>> -> memref<2x128xi32, #tpu.memory_space<vmem>>
        %dma_wait3A_89 = arith.constant 0 : i32
        %dma_wait3A_90 = tpu.memref_slice %dma_wait3A_88[%dma_wait3A_84, %dma_wait3A_89] : memref<2x128xi32, #tpu.memory_space<vmem>> -> memref<1x128xi32, #tpu.memory_space<vmem>>
        %dma_wait3A_91 = tpu.memref_squeeze %dma_wait3A_90 : memref<1x128xi32, #tpu.memory_space<vmem>> -> memref<128xi32, #tpu.memory_space<vmem>>
        %dma_wait3A_92 = arith.constant 0 : i32
        %dma_wait3A_93 = arith.constant 0 : i32
        %dma_wait3A_94 = tpu.memref_slice %arg4[%dma_wait3A_92, %dma_wait3A_93] : memref<10000x128xf32, #tpu.memory_space<hbm>> -> memref<10000x128xf32, #tpu.memory_space<hbm>>
        tpu.wait_indirect_dma semaphore(%arg16 : memref<!tpu.dma_semaphore, #tpu.memory_space<semaphore_mem>>) src(%dma_wait3A_94 : memref<10000x128xf32, #tpu.memory_space<hbm>>) dst(%arg9 : memref<128x128xf32, #tpu.memory_space<vmem>>)
        %run_scoped3A_95 = arith.constant 1 : i32
        "tpu.region"() ({
          %run_scoped3A_99 = tpu.sem_alloc : memref<!tpu.dma_semaphore, #tpu.memory_space<semaphore_mem>>
          %dma_start3A_100 = arith.constant 0 : i32
          %dma_start3A_101 = arith.constant 0 : i32
          %dma_start3A_102 = tpu.memref_slice %arg7[%scan3A, %dma_start3A_100, %dma_start3A_101] : memref<4x2x128xi32, #tpu.memory_space<vmem>> -> memref<1x2x128xi32, #tpu.memory_space<vmem>>
          %dma_start3A_103 = tpu.memref_squeeze %dma_start3A_102 : memref<1x2x128xi32, #tpu.memory_space<vmem>> -> memref<2x128xi32, #tpu.memory_space<vmem>>
          %dma_start3A_104 = arith.constant 0 : i32
          %dma_start3A_105 = tpu.memref_slice %dma_start3A_103[%run_scoped3A_95, %dma_start3A_104] : memref<2x128xi32, #tpu.memory_space<vmem>> -> memref<1x128xi32, #tpu.memory_space<vmem>>
          %dma_start3A_106 = tpu.memref_squeeze %dma_start3A_105 : memref<1x128xi32, #tpu.memory_space<vmem>> -> memref<128xi32, #tpu.memory_space<vmem>>
          %dma_start3A_107 = arith.constant 0 : i32
          %dma_start3A_108 = arith.constant 0 : i32
          %dma_start3A_109 = tpu.memref_slice %arg10[%dma_start3A_107, %dma_start3A_108] : memref<10112x128xf32, #tpu.memory_space<vmem_shared>> -> memref<10112x128xf32, #tpu.memory_space<vmem_shared>>
          tpu.enqueue_indirect_dma source(%arg9 : memref<128x128xf32, #tpu.memory_space<vmem>>) target(%dma_start3A_109 : memref<10112x128xf32, #tpu.memory_space<vmem_shared>>) offsets(%dma_start3A_106 : memref<128xi32, #tpu.memory_space<vmem>>) semaphore(%run_scoped3A_99 : memref<!tpu.dma_semaphore, #tpu.memory_space<semaphore_mem>>) {add = true}
          %dma_wait3A_110 = arith.constant 0 : i32
          %dma_wait3A_111 = arith.constant 0 : i32
          %dma_wait3A_112 = tpu.memref_slice %arg7[%scan3A, %dma_wait3A_110, %dma_wait3A_111] : memref<4x2x128xi32, #tpu.memory_space<vmem>> -> memref<1x2x128xi32, #tpu.memory_space<vmem>>
          %dma_wait3A_113 = tpu.memref_squeeze %dma_wait3A_112 : memref<1x2x128xi32, #tpu.memory_space<vmem>> -> memref<2x128xi32, #tpu.memory_space<vmem>>
          %dma_wait3A_114 = arith.constant 0 : i32
          %dma_wait3A_115 = tpu.memref_slice %dma_wait3A_113[%run_scoped3A_95, %dma_wait3A_114] : memref<2x128xi32, #tpu.memory_space<vmem>> -> memref<1x128xi32, #tpu.memory_space<vmem>>
          %dma_wait3A_116 = tpu.memref_squeeze %dma_wait3A_115 : memref<1x128xi32, #tpu.memory_space<vmem>> -> memref<128xi32, #tpu.memory_space<vmem>>
          %dma_wait3A_117 = arith.constant 0 : i32
          %dma_wait3A_118 = arith.constant 0 : i32
          %dma_wait3A_119 = tpu.memref_slice %arg10[%dma_wait3A_117, %dma_wait3A_118] : memref<10112x128xf32, #tpu.memory_space<vmem_shared>> -> memref<10112x128xf32, #tpu.memory_space<vmem_shared>>
          tpu.wait_indirect_dma semaphore(%run_scoped3A_99 : memref<!tpu.dma_semaphore, #tpu.memory_space<semaphore_mem>>) src(%arg9 : memref<128x128xf32, #tpu.memory_space<vmem>>) dst(%dma_wait3A_119 : memref<10112x128xf32, #tpu.memory_space<vmem_shared>>)
          tpu.yield
        }) : () -> ()
        %add3A_96 = arith.constant 3 : i32
        %add3A_97 = arith.addi %mul3A_47, %add3A_96 : i32
        %min3A = arith.constant 44 : i32
        %min3A_98 = arith.minsi %add3A_97, %min3A : i32
        "tpu.region"() ({
          %run_scoped3A_99 = tpu.sem_alloc : memref<!tpu.dma_semaphore, #tpu.memory_space<semaphore_mem>>
          %dma_start3A_100 = arith.constant 0 : i32
          %dma_start3A_101 = arith.constant 0 : i32
          %dma_start3A_102 = tpu.memref_slice %arg7[%scan3A, %dma_start3A_100, %dma_start3A_101] : memref<4x2x128xi32, #tpu.memory_space<vmem>> -> memref<1x2x128xi32, #tpu.memory_space<vmem>>
          %dma_start3A_103 = tpu.memref_squeeze %dma_start3A_102 : memref<1x2x128xi32, #tpu.memory_space<vmem>> -> memref<2x128xi32, #tpu.memory_space<vmem>>
          %dma_start3A_104 = arith.constant 0 : i32
          %dma_start3A_105 = arith.constant 0 : i32
          %dma_start3A_106 = tpu.memref_slice %arg3[%arg1, %min3A_98, %dma_start3A_104, %dma_start3A_105] : memref<16x45x2x128xi32, #tpu.memory_space<hbm>> -> memref<1x1x2x128xi32, #tpu.memory_space<hbm>>
          %dma_start3A_107 = tpu.memref_squeeze %dma_start3A_106 : memref<1x1x2x128xi32, #tpu.memory_space<hbm>> -> memref<2x128xi32, #tpu.memory_space<hbm>>
          %dma_start3A_108 = arith.constant 0 : i32
          %dma_start3A_109 = arith.constant 0 : i32
          %dma_start3A_110 = tpu.memref_slice %arg7[%scan3A, %dma_start3A_108, %dma_start3A_109] : memref<4x2x128xi32, #tpu.memory_space<vmem>> -> memref<1x2x128xi32, #tpu.memory_space<vmem>>
          %dma_start3A_111 = tpu.memref_squeeze %dma_start3A_110 : memref<1x2x128xi32, #tpu.memory_space<vmem>> -> memref<2x128xi32, #tpu.memory_space<vmem>>
          %dma_start3A_112 = arith.constant 0 : i32
          %dma_start3A_113 = arith.constant 0 : i32
          %dma_start3A_114 = tpu.memref_slice %arg3[%arg1, %min3A_98, %dma_start3A_112, %dma_start3A_113] : memref<16x45x2x128xi32, #tpu.memory_space<hbm>> -> memref<1x1x2x128xi32, #tpu.memory_space<hbm>>
          %dma_start3A_115 = tpu.memref_squeeze %dma_start3A_114 : memref<1x1x2x128xi32, #tpu.memory_space<hbm>> -> memref<2x128xi32, #tpu.memory_space<hbm>>
          tpu.enqueue_dma source(%dma_start3A_115 : memref<2x128xi32, #tpu.memory_space<hbm>>) target(%dma_start3A_111 : memref<2x128xi32, #tpu.memory_space<vmem>>) target_semaphore(%run_scoped3A_99 : memref<!tpu.dma_semaphore, #tpu.memory_space<semaphore_mem>>)
          %dma_wait3A_116 = arith.constant 0 : i32
          %dma_wait3A_117 = arith.constant 0 : i32
          %dma_wait3A_118 = tpu.memref_slice %arg7[%scan3A, %dma_wait3A_116, %dma_wait3A_117] : memref<4x2x128xi32, #tpu.memory_space<vmem>> -> memref<1x2x128xi32, #tpu.memory_space<vmem>>
          %dma_wait3A_119 = tpu.memref_squeeze %dma_wait3A_118 : memref<1x2x128xi32, #tpu.memory_space<vmem>> -> memref<2x128xi32, #tpu.memory_space<vmem>>
          %dma_wait3A_120 = arith.constant 0 : i32
          %dma_wait3A_121 = arith.constant 0 : i32
          %dma_wait3A_122 = tpu.memref_slice %arg3[%arg1, %min3A_98, %dma_wait3A_120, %dma_wait3A_121] : memref<16x45x2x128xi32, #tpu.memory_space<hbm>> -> memref<1x1x2x128xi32, #tpu.memory_space<hbm>>
          %dma_wait3A_123 = tpu.memref_squeeze %dma_wait3A_122 : memref<1x1x2x128xi32, #tpu.memory_space<hbm>> -> memref<2x128xi32, #tpu.memory_space<hbm>>
          %dma_wait3A_124 = arith.constant 0 : i32
          %dma_wait3A_125 = arith.constant 0 : i32
          %dma_wait3A_126 = tpu.memref_slice %arg7[%scan3A, %dma_wait3A_124, %dma_wait3A_125] : memref<4x2x128xi32, #tpu.memory_space<vmem>> -> memref<1x2x128xi32, #tpu.memory_space<vmem>>
          %dma_wait3A_127 = tpu.memref_squeeze %dma_wait3A_126 : memref<1x2x128xi32, #tpu.memory_space<vmem>> -> memref<2x128xi32, #tpu.memory_space<vmem>>
          %dma_wait3A_128 = arith.constant 0 : i32
          %dma_wait3A_129 = arith.constant 0 : i32
          %dma_wait3A_130 = tpu.memref_slice %arg3[%arg1, %min3A_98, %dma_wait3A_128, %dma_wait3A_129] : memref<16x45x2x128xi32, #tpu.memory_space<hbm>> -> memref<1x1x2x128xi32, #tpu.memory_space<hbm>>
          %dma_wait3A_131 = tpu.memref_squeeze %dma_wait3A_130 : memref<1x1x2x128xi32, #tpu.memory_space<hbm>> -> memref<2x128xi32, #tpu.memory_space<hbm>>
          tpu.wait_dma2 semaphore(%run_scoped3A_99 : memref<!tpu.dma_semaphore, #tpu.memory_space<semaphore_mem>>) src(%dma_wait3A_131 : memref<2x128xi32, #tpu.memory_space<hbm>>) dst(%dma_wait3A_127 : memref<2x128xi32, #tpu.memory_space<vmem>>)
          tpu.yield
        }) : () -> ()
      }
      %scan3A_28 = arith.constant 22 : i32
      %dma_wait3A = arith.constant 0 : i32
      %dma_wait3A_29 = arith.constant 0 : i32
      %dma_wait3A_30 = arith.constant 0 : i32
      %dma_wait3A_31 = arith.constant 0 : i32
      %dma_wait3A_32 = tpu.memref_slice %arg7[%dma_wait3A, %dma_wait3A_30, %dma_wait3A_31] : memref<4x2x128xi32, #tpu.memory_space<vmem>> -> memref<1x2x128xi32, #tpu.memory_space<vmem>>
      %dma_wait3A_33 = tpu.memref_squeeze %dma_wait3A_32 : memref<1x2x128xi32, #tpu.memory_space<vmem>> -> memref<2x128xi32, #tpu.memory_space<vmem>>
      %dma_wait3A_34 = arith.constant 0 : i32
      %dma_wait3A_35 = tpu.memref_slice %dma_wait3A_33[%dma_wait3A_29, %dma_wait3A_34] : memref<2x128xi32, #tpu.memory_space<vmem>> -> memref<1x128xi32, #tpu.memory_space<vmem>>
      %dma_wait3A_36 = tpu.memref_squeeze %dma_wait3A_35 : memref<1x128xi32, #tpu.memory_space<vmem>> -> memref<128xi32, #tpu.memory_space<vmem>>
      %dma_wait3A_37 = arith.constant 0 : i32
      %dma_wait3A_38 = arith.constant 0 : i32
      %dma_wait3A_39 = tpu.memref_slice %arg4[%dma_wait3A_37, %dma_wait3A_38] : memref<10000x128xf32, #tpu.memory_space<hbm>> -> memref<10000x128xf32, #tpu.memory_space<hbm>>
      tpu.wait_indirect_dma semaphore(%arg15 : memref<!tpu.dma_semaphore, #tpu.memory_space<semaphore_mem>>) src(%dma_wait3A_39 : memref<10000x128xf32, #tpu.memory_space<hbm>>) dst(%arg8 : memref<128x128xf32, #tpu.memory_space<vmem>>)
      %run_scoped3A_40 = arith.constant 0 : i32
      %run_scoped3A_41 = arith.constant 1 : i32
      "tpu.region"() ({
        %run_scoped3A_42 = tpu.sem_alloc : memref<!tpu.dma_semaphore, #tpu.memory_space<semaphore_mem>>
        %dma_start3A_43 = arith.constant 0 : i32
        %dma_start3A_44 = arith.constant 0 : i32
        %dma_start3A_45 = tpu.memref_slice %arg7[%run_scoped3A_40, %dma_start3A_43, %dma_start3A_44] : memref<4x2x128xi32, #tpu.memory_space<vmem>> -> memref<1x2x128xi32, #tpu.memory_space<vmem>>
        %dma_start3A_46 = tpu.memref_squeeze %dma_start3A_45 : memref<1x2x128xi32, #tpu.memory_space<vmem>> -> memref<2x128xi32, #tpu.memory_space<vmem>>
        %dma_start3A_47 = arith.constant 0 : i32
        %dma_start3A_48 = tpu.memref_slice %dma_start3A_46[%run_scoped3A_41, %dma_start3A_47] : memref<2x128xi32, #tpu.memory_space<vmem>> -> memref<1x128xi32, #tpu.memory_space<vmem>>
        %dma_start3A_49 = tpu.memref_squeeze %dma_start3A_48 : memref<1x128xi32, #tpu.memory_space<vmem>> -> memref<128xi32, #tpu.memory_space<vmem>>
        %dma_start3A_50 = arith.constant 0 : i32
        %dma_start3A_51 = arith.constant 0 : i32
        %dma_start3A_52 = tpu.memref_slice %arg10[%dma_start3A_50, %dma_start3A_51] : memref<10112x128xf32, #tpu.memory_space<vmem_shared>> -> memref<10112x128xf32, #tpu.memory_space<vmem_shared>>
        tpu.enqueue_indirect_dma source(%arg8 : memref<128x128xf32, #tpu.memory_space<vmem>>) target(%dma_start3A_52 : memref<10112x128xf32, #tpu.memory_space<vmem_shared>>) offsets(%dma_start3A_49 : memref<128xi32, #tpu.memory_space<vmem>>) semaphore(%run_scoped3A_42 : memref<!tpu.dma_semaphore, #tpu.memory_space<semaphore_mem>>) {add = true}
        %dma_wait3A_53 = arith.constant 0 : i32
        %dma_wait3A_54 = arith.constant 0 : i32
        %dma_wait3A_55 = tpu.memref_slice %arg7[%run_scoped3A_40, %dma_wait3A_53, %dma_wait3A_54] : memref<4x2x128xi32, #tpu.memory_space<vmem>> -> memref<1x2x128xi32, #tpu.memory_space<vmem>>
        %dma_wait3A_56 = tpu.memref_squeeze %dma_wait3A_55 : memref<1x2x128xi32, #tpu.memory_space<vmem>> -> memref<2x128xi32, #tpu.memory_space<vmem>>
        %dma_wait3A_57 = arith.constant 0 : i32
        %dma_wait3A_58 = tpu.memref_slice %dma_wait3A_56[%run_scoped3A_41, %dma_wait3A_57] : memref<2x128xi32, #tpu.memory_space<vmem>> -> memref<1x128xi32, #tpu.memory_space<vmem>>
        %dma_wait3A_59 = tpu.memref_squeeze %dma_wait3A_58 : memref<1x128xi32, #tpu.memory_space<vmem>> -> memref<128xi32, #tpu.memory_space<vmem>>
        %dma_wait3A_60 = arith.constant 0 : i32
        %dma_wait3A_61 = arith.constant 0 : i32
        %dma_wait3A_62 = tpu.memref_slice %arg10[%dma_wait3A_60, %dma_wait3A_61] : memref<10112x128xf32, #tpu.memory_space<vmem_shared>> -> memref<10112x128xf32, #tpu.memory_space<vmem_shared>>
        tpu.wait_indirect_dma semaphore(%run_scoped3A_42 : memref<!tpu.dma_semaphore, #tpu.memory_space<semaphore_mem>>) src(%arg8 : memref<128x128xf32, #tpu.memory_space<vmem>>) dst(%dma_wait3A_62 : memref<10112x128xf32, #tpu.memory_space<vmem_shared>>)
        tpu.yield
      }) : () -> ()
    } else {
    }
    %barrier3A_8 = arith.constant 0 : index
    tpu.barrier barrier_id(%barrier3A_8)
    "tpu.region"() ({
      %run_scoped3A = tpu.sem_alloc : memref<!tpu.dma_semaphore, #tpu.memory_space<semaphore_mem>>
      %dma_start3A = arith.constant 0 : i32
      %dma_start3A_9 = tpu.memref_slice %arg6[%arg0, %multiple_of3A, %dma_start3A] : memref<2x10112x128xf32, #tpu.memory_space<hbm>> -> memref<1x632x128xf32, #tpu.memory_space<hbm>>
      %dma_start3A_10 = tpu.memref_squeeze %dma_start3A_9 : memref<1x632x128xf32, #tpu.memory_space<hbm>> -> memref<632x128xf32, #tpu.memory_space<hbm>>
      %dma_start3A_11 = arith.constant 0 : i32
      %dma_start3A_12 = tpu.memref_slice %arg10[%multiple_of3A, %dma_start3A_11] : memref<10112x128xf32, #tpu.memory_space<vmem_shared>> -> memref<632x128xf32, #tpu.memory_space<vmem_shared>>
      tpu.enqueue_dma source(%dma_start3A_12 : memref<632x128xf32, #tpu.memory_space<vmem_shared>>) target(%dma_start3A_10 : memref<632x128xf32, #tpu.memory_space<hbm>>) target_semaphore(%run_scoped3A : memref<!tpu.dma_semaphore, #tpu.memory_space<semaphore_mem>>)
      %dma_wait3A = arith.constant 0 : i32
      %dma_wait3A_13 = tpu.memref_slice %arg6[%arg0, %multiple_of3A, %dma_wait3A] : memref<2x10112x128xf32, #tpu.memory_space<hbm>> -> memref<1x632x128xf32, #tpu.memory_space<hbm>>
      %dma_wait3A_14 = tpu.memref_squeeze %dma_wait3A_13 : memref<1x632x128xf32, #tpu.memory_space<hbm>> -> memref<632x128xf32, #tpu.memory_space<hbm>>
      %dma_wait3A_15 = arith.constant 0 : i32
      %dma_wait3A_16 = tpu.memref_slice %arg10[%multiple_of3A, %dma_wait3A_15] : memref<10112x128xf32, #tpu.memory_space<vmem_shared>> -> memref<632x128xf32, #tpu.memory_space<vmem_shared>>
      tpu.wait_dma2 semaphore(%run_scoped3A : memref<!tpu.dma_semaphore, #tpu.memory_space<semaphore_mem>>) src(%dma_wait3A_16 : memref<632x128xf32, #tpu.memory_space<vmem_shared>>) dst(%dma_wait3A_14 : memref<632x128xf32, #tpu.memory_space<hbm>>)
      tpu.yield
    }) : () -> ()
    return
  }
}

module attributes {stable_mosaic.version = 14 : i64} {
  func.func @_tc_matmul(%arg0: memref<10000x128xf32, #tpu.memory_space<vmem>>, %arg1: memref<128x128xf32, #tpu.memory_space<vmem>>, %arg2: memref<10000x128xf32, #tpu.memory_space<vmem>>) attributes {dimension_semantics = [], scalar_prefetch = 0 : i64, scratch_operands = 0 : i64, tpu.core_type = #tpu.core_type<tc>} {
    %get3A = arith.constant 0 : index
    %get3A_0 = arith.constant 0 : index
    %get3A_1 = vector.load %arg0[%get3A, %get3A_0] : memref<10000x128xf32, #tpu.memory_space<vmem>>, vector<10000x128xf32>
    %get3A_2 = arith.constant 0 : index
    %get3A_3 = arith.constant 0 : index
    %get3A_4 = vector.load %arg1[%get3A_2, %get3A_3] : memref<128x128xf32, #tpu.memory_space<vmem>>, vector<128x128xf32>
    %dot_general3A = arith.constant dense<0.000000e+00> : vector<10000x128xf32>
    %dot_general3A_5 = tpu.matmul %get3A_1, %get3A_4, %dot_general3A {dimension_numbers = #tpu.dot_dimension_numbers<[1], [0], [0], [1], [0, 0, 1, 1], [], []>, precision = #tpu.contract_precision<fp32>, transpose_lhs_hint = false} : vector<10000x128xf32>, vector<128x128xf32>, vector<10000x128xf32> -> vector<10000x128xf32>
    %swap3A = arith.constant 0 : index
    %swap3A_6 = arith.constant 0 : index
    %swap3A_7 = vector.load %arg2[%swap3A, %swap3A_6] : memref<10000x128xf32, #tpu.memory_space<vmem>>, vector<10000x128xf32>
    tpu.vector_store %arg2[%swap3A, %swap3A_6], %dot_general3A_5 {strides = array<i32>} : memref<10000x128xf32, #tpu.memory_space<vmem>>, vector<10000x128xf32>,
    return
  }
}

module attributes {stable_mosaic.version = 14 : i64} {
  func.func @_tc_scale(%arg0: memref<2x10112x128xf32, #tpu.memory_space<vmem>>, %arg1: memref<10000x128xf32, #tpu.memory_space<vmem>>, %arg2: memref<10000x128xf32, #tpu.memory_space<vmem>>, %arg3: memref<10000x1xf32, #tpu.memory_space<vmem>>) attributes {dimension_semantics = [], scalar_prefetch = 0 : i64, scratch_operands = 0 : i64, tpu.core_type = #tpu.core_type<tc>} {
    %get3A = arith.constant 0 : index
    %get3A_0 = arith.constant 0 : index
    %get3A_1 = arith.constant 0 : index
    %get3A_2 = vector.load %arg0[%get3A, %get3A_0, %get3A_1] : memref<2x10112x128xf32, #tpu.memory_space<vmem>>, vector<1x10000x1xf32>
    %get3A_3 = vector.shape_cast %get3A_2 : vector<1x10000x1xf32> to vector<10000x1xf32>
    %get3A_4 = arith.constant 1 : index
    %get3A_5 = arith.constant 0 : index
    %get3A_6 = arith.constant 0 : index
    %get3A_7 = vector.load %arg0[%get3A_4, %get3A_5, %get3A_6] : memref<2x10112x128xf32, #tpu.memory_space<vmem>>, vector<1x10000x1xf32>
    %get3A_8 = vector.shape_cast %get3A_7 : vector<1x10000x1xf32> to vector<10000x1xf32>
    %add3A = arith.addf %get3A_3, %get3A_8 : vector<10000x1xf32>
    %add3A_9 = arith.constant 1.000000e+00 : f32
    %add3A_10 = vector.broadcast %add3A_9 : f32 to vector<10000x1xf32>
    %add3A_11 = arith.addf %add3A, %add3A_10 : vector<10000x1xf32>
    %rsqrt3A = math.rsqrt %add3A_11 : vector<10000x1xf32>
    %swap3A = arith.constant 0 : index
    %swap3A_12 = arith.constant 0 : index
    %swap3A_13 = vector.load %arg3[%swap3A, %swap3A_12] : memref<10000x1xf32, #tpu.memory_space<vmem>>, vector<10000x1xf32>
    tpu.vector_store %arg3[%swap3A, %swap3A_12], %rsqrt3A {strides = array<i32>} : memref<10000x1xf32, #tpu.memory_space<vmem>>, vector<10000x1xf32>,
    %get3A_14 = arith.constant 0 : index
    %get3A_15 = arith.constant 0 : index
    %get3A_16 = vector.load %arg1[%get3A_14, %get3A_15] : memref<10000x128xf32, #tpu.memory_space<vmem>>, vector<10000x128xf32>
    %mul3A = vector.broadcast %rsqrt3A : vector<10000x1xf32> to vector<10000x128xf32>
    %mul3A_17 = arith.mulf %get3A_16, %mul3A : vector<10000x128xf32>
    %swap3A_18 = arith.constant 0 : index
    %swap3A_19 = arith.constant 0 : index
    %swap3A_20 = vector.load %arg2[%swap3A_18, %swap3A_19] : memref<10000x128xf32, #tpu.memory_space<vmem>>, vector<10000x128xf32>
    tpu.vector_store %arg2[%swap3A_18, %swap3A_19], %mul3A_17 {strides = array<i32>} : memref<10000x128xf32, #tpu.memory_space<vmem>>, vector<10000x128xf32>,
    return
  }
}

module attributes {stable_mosaic.version = 14 : i64} {
  func.func @_tc_mid(%arg0: memref<2x10112x128xf32, #tpu.memory_space<vmem>>, %arg1: memref<10000x128xf32, #tpu.memory_space<vmem>>, %arg2: memref<10000x1xf32, #tpu.memory_space<vmem>>, %arg3: memref<128xf32, #tpu.memory_space<vmem>>, %arg4: memref<128x128xf32, #tpu.memory_space<vmem>>, %arg5: memref<10000x128xf32, #tpu.memory_space<vmem>>) attributes {dimension_semantics = [], scalar_prefetch = 0 : i64, scratch_operands = 0 : i64, tpu.core_type = #tpu.core_type<tc>} {
    %get3A = arith.constant 0 : index
    %get3A_0 = arith.constant 0 : index
    %get3A_1 = arith.constant 0 : index
    %get3A_2 = vector.load %arg0[%get3A, %get3A_0, %get3A_1] : memref<2x10112x128xf32, #tpu.memory_space<vmem>>, vector<1x10000x128xf32>
    %get3A_3 = vector.shape_cast %get3A_2 : vector<1x10000x128xf32> to vector<10000x128xf32>
    %get3A_4 = arith.constant 1 : index
    %get3A_5 = arith.constant 0 : index
    %get3A_6 = arith.constant 0 : index
    %get3A_7 = vector.load %arg0[%get3A_4, %get3A_5, %get3A_6] : memref<2x10112x128xf32, #tpu.memory_space<vmem>>, vector<1x10000x128xf32>
    %get3A_8 = vector.shape_cast %get3A_7 : vector<1x10000x128xf32> to vector<10000x128xf32>
    %add3A = arith.addf %get3A_3, %get3A_8 : vector<10000x128xf32>
    %get3A_9 = arith.constant 0 : index
    %get3A_10 = arith.constant 0 : index
    %get3A_11 = vector.load %arg1[%get3A_9, %get3A_10] : memref<10000x128xf32, #tpu.memory_space<vmem>>, vector<10000x128xf32>
    %add3A_12 = arith.addf %add3A, %get3A_11 : vector<10000x128xf32>
    %get3A_13 = arith.constant 0 : index
    %get3A_14 = arith.constant 0 : index
    %get3A_15 = vector.load %arg2[%get3A_13, %get3A_14] : memref<10000x1xf32, #tpu.memory_space<vmem>>, vector<10000x1xf32>
    %mul3A = vector.broadcast %get3A_15 : vector<10000x1xf32> to vector<10000x128xf32>
    %mul3A_16 = arith.mulf %add3A_12, %mul3A : vector<10000x128xf32>
    %get3A_17 = arith.constant 0 : index
    %get3A_18 = vector.load %arg3[%get3A_17] : memref<128xf32, #tpu.memory_space<vmem>>, vector<128xf32>
    %broadcast_in_dim3A = vector.shape_cast %get3A_18 : vector<128xf32> to vector<1x128xf32>
    %add3A_19 = vector.broadcast %broadcast_in_dim3A : vector<1x128xf32> to vector<10000x128xf32>
    %add3A_20 = arith.addf %mul3A_16, %add3A_19 : vector<10000x128xf32>
    %max3A = arith.constant 0.000000e+00 : f32
    %max3A_21 = vector.broadcast %max3A : f32 to vector<10000x128xf32>
    %max3A_22 = arith.maximumf %add3A_20, %max3A_21 : vector<10000x128xf32>
    %get3A_23 = arith.constant 0 : index
    %get3A_24 = arith.constant 0 : index
    %get3A_25 = vector.load %arg4[%get3A_23, %get3A_24] : memref<128x128xf32, #tpu.memory_space<vmem>>, vector<128x128xf32>
    %dot_general3A = arith.constant dense<0.000000e+00> : vector<10000x128xf32>
    %dot_general3A_26 = tpu.matmul %max3A_22, %get3A_25, %dot_general3A {dimension_numbers = #tpu.dot_dimension_numbers<[1], [0], [0], [1], [0, 0, 1, 1], [], []>, transpose_lhs_hint = false} : vector<10000x128xf32>, vector<128x128xf32>, vector<10000x128xf32> -> vector<10000x128xf32>
    %get3A_27 = arith.constant 0 : index
    %get3A_28 = arith.constant 0 : index
    %get3A_29 = vector.load %arg2[%get3A_27, %get3A_28] : memref<10000x1xf32, #tpu.memory_space<vmem>>, vector<10000x1xf32>
    %mul3A_30 = vector.broadcast %get3A_29 : vector<10000x1xf32> to vector<10000x128xf32>
    %mul3A_31 = arith.mulf %dot_general3A_26, %mul3A_30 : vector<10000x128xf32>
    %swap3A = arith.constant 0 : index
    %swap3A_32 = arith.constant 0 : index
    %swap3A_33 = vector.load %arg5[%swap3A, %swap3A_32] : memref<10000x128xf32, #tpu.memory_space<vmem>>, vector<10000x128xf32>
    tpu.vector_store %arg5[%swap3A, %swap3A_32], %mul3A_31 {strides = array<i32>} : memref<10000x128xf32, #tpu.memory_space<vmem>>, vector<10000x128xf32>,
    return
  }
}

module attributes {stable_mosaic.version = 14 : i64} {
  func.func @_tc_final(%arg0: memref<2x10112x128xf32, #tpu.memory_space<vmem>>, %arg1: memref<10000x128xf32, #tpu.memory_space<vmem>>, %arg2: memref<10000x1xf32, #tpu.memory_space<vmem>>, %arg3: memref<128xf32, #tpu.memory_space<vmem>>, %arg4: memref<1x10000xi32, #tpu.memory_space<vmem>>, %arg5: memref<64x128xf32, #tpu.memory_space<vmem>>) attributes {dimension_semantics = [], scalar_prefetch = 0 : i64, scratch_operands = 0 : i64, tpu.core_type = #tpu.core_type<tc>} {
    %get3A = arith.constant 0 : index
    %get3A_0 = arith.constant 0 : index
    %get3A_1 = arith.constant 0 : index
    %get3A_2 = vector.load %arg0[%get3A, %get3A_0, %get3A_1] : memref<2x10112x128xf32, #tpu.memory_space<vmem>>, vector<1x10000x128xf32>
    %get3A_3 = vector.shape_cast %get3A_2 : vector<1x10000x128xf32> to vector<10000x128xf32>
    %get3A_4 = arith.constant 1 : index
    %get3A_5 = arith.constant 0 : index
    %get3A_6 = arith.constant 0 : index
    %get3A_7 = vector.load %arg0[%get3A_4, %get3A_5, %get3A_6] : memref<2x10112x128xf32, #tpu.memory_space<vmem>>, vector<1x10000x128xf32>
    %get3A_8 = vector.shape_cast %get3A_7 : vector<1x10000x128xf32> to vector<10000x128xf32>
    %add3A = arith.addf %get3A_3, %get3A_8 : vector<10000x128xf32>
    %get3A_9 = arith.constant 0 : index
    %get3A_10 = arith.constant 0 : index
    %get3A_11 = vector.load %arg1[%get3A_9, %get3A_10] : memref<10000x128xf32, #tpu.memory_space<vmem>>, vector<10000x128xf32>
    %add3A_12 = arith.addf %add3A, %get3A_11 : vector<10000x128xf32>
    %get3A_13 = arith.constant 0 : index
    %get3A_14 = arith.constant 0 : index
    %get3A_15 = vector.load %arg2[%get3A_13, %get3A_14] : memref<10000x1xf32, #tpu.memory_space<vmem>>, vector<10000x1xf32>
    %mul3A = vector.broadcast %get3A_15 : vector<10000x1xf32> to vector<10000x128xf32>
    %mul3A_16 = arith.mulf %add3A_12, %mul3A : vector<10000x128xf32>
    %get3A_17 = arith.constant 0 : index
    %get3A_18 = vector.load %arg3[%get3A_17] : memref<128xf32, #tpu.memory_space<vmem>>, vector<128xf32>
    %broadcast_in_dim3A = vector.shape_cast %get3A_18 : vector<128xf32> to vector<1x128xf32>
    %add3A_19 = vector.broadcast %broadcast_in_dim3A : vector<1x128xf32> to vector<10000x128xf32>
    %add3A_20 = arith.addf %mul3A_16, %add3A_19 : vector<10000x128xf32>
    %max3A = arith.constant 0.000000e+00 : f32
    %max3A_21 = vector.broadcast %max3A : f32 to vector<10000x128xf32>
    %max3A_22 = arith.maximumf %add3A_20, %max3A_21 : vector<10000x128xf32>
    %iota3A = tpu.iota {dimensions = array<i32: 0>} : vector<64x10000xi32>
    %get3A_23 = arith.constant 0 : index
    %get3A_24 = arith.constant 0 : index
    %get3A_25 = vector.load %arg4[%get3A_23, %get3A_24] : memref<1x10000xi32, #tpu.memory_space<vmem>>, vector<1x10000xi32>
    %eq3A = vector.broadcast %get3A_25 : vector<1x10000xi32> to vector<64x10000xi32>
    %eq3A_26 = arith.cmpi eq, %eq3A, %iota3A : vector<64x10000xi32>
    %convert_element_type3A = arith.extui %eq3A_26 : vector<64x10000xi1> to vector<64x10000xi32>
    %convert_element_type3A_27 = arith.sitofp %convert_element_type3A : vector<64x10000xi32> to vector<64x10000xf32>
    %convert_element_type3A_28 = arith.truncf %convert_element_type3A_27 : vector<64x10000xf32> to vector<64x10000xbf16>
    %convert_element_type3A_29 = arith.truncf %max3A_22 : vector<10000x128xf32> to vector<10000x128xbf16>
    %dot_general3A = arith.constant dense<0.000000e+00> : vector<64x128xf32>
    %dot_general3A_30 = tpu.matmul %convert_element_type3A_28, %convert_element_type3A_29, %dot_general3A {dimension_numbers = #tpu.dot_dimension_numbers<[1], [0], [0], [1], [0, 0, 1, 1], [], []>, transpose_lhs_hint = false} : vector<64x10000xbf16>, vector<10000x128xbf16>, vector<64x128xf32> -> vector<64x128xf32>
    %reduce_sum3A = arith.constant dense<0.000000e+00> : vector<64xf32>
    %reduce_sum3A_31 = vector.multi_reduction <add>, %convert_element_type3A_27, %reduce_sum3A [1] : vector<64x10000xf32> to vector<64xf32>
    %broadcast_in_dim3A_32 = vector.shape_cast %reduce_sum3A_31 : vector<64xf32> to vector<64x1xf32>
    %max3A_33 = arith.constant 1.000000e+00 : f32
    %max3A_34 = vector.broadcast %max3A_33 : f32 to vector<64x1xf32>
    %max3A_35 = arith.maximumf %broadcast_in_dim3A_32, %max3A_34 : vector<64x1xf32>
    %div3A = vector.broadcast %max3A_35 : vector<64x1xf32> to vector<64x128xf32>
    %div3A_36 = arith.divf %dot_general3A_30, %div3A : vector<64x128xf32>
    %swap3A = arith.constant 0 : index
    %swap3A_37 = arith.constant 0 : index
    %swap3A_38 = vector.load %arg5[%swap3A, %swap3A_37] : memref<64x128xf32, #tpu.memory_space<vmem>>, vector<64x128xf32>
    tpu.vector_store %arg5[%swap3A, %swap3A_37], %div3A_36 {strides = array<i32>} : memref<64x128xf32, #tpu.memory_space<vmem>>, vector<64x128xf32>,
    return
  }
}

</mosaic_0001>

<sc_bundles>
// kernel: kernel.12.cloned.1.call-start
scs
__scs_entry_jumppad:
0x0: {  	(pc) =	sbr.rel $0x88, $3  }
0x1: {  	(tag) =	ssettag $0x0;
	lr =	simm.s32 $0x1  }
0x2: {  	[smem:$0x3F9A] =	sst lr;
	_ =	strace $0xD0000000  }
0x3: {  	_ = 	snop  }
0x4: {  	_ = 	snop  }
0x5: {  	_ = 	snop  }
0x6: {  	_ = 	snop  }
0x7: {  	_ = 	snop  }
__scs_overlays_trampoline_lowered:
0x8: {  	[smem:$0x3FA9] =	sst s0  }
0x9: {  	[smem:$0x3FAA] =	sst s1  }
0xa: {  	[smem:$0x3FAB] =	sst s2  }
0xb: {  	[smem:$0x3FAC] =	sst s3  }
0xc: {  	[smem:$0x3FAD] =	sst s4  }
0xd: {  	[smem:$0x3FAE] =	sst s5  }
0xe: {  	[smem:$0x3FAF] =	sst s6  }
0xf: {  	[smem:$0x3FB0] =	sst s7  }
0x10: {  	[smem:$0x3FB1] =	sst s8  }
0x11: {  	[smem:$0x3FB2] =	sst s9;
	s0 =	simm.s32 @!p0 $0x0  }
0x12: {  	s1 =	sld [smem:$0x3F98];
	s0 =	simm.s32 @p0 $0x1  }
0x13: {  	[smem:$0x3FB3] =	sst s0;
	s0 =	simm.s32 @!p1 $0x0  }
0x14: {  	s2 =	sld [smem:$0x3F97];
	s0 =	simm.s32 @p1 $0x1  }
0x15: {  	[smem:$0x3FB4] =	sst s0;
	s0 =	simm.s32 @!p2 $0x0  }
0x16: {  	s3 =	sld [smem:$0x3FDB];
	s0 =	simm.s32 @p2 $0x1  }
0x17: {  	s4 =	simm.s32 $0x1BF5;
	[smem:$0x3FB6] =	sst s0  }
0x18: {  	s0 =	sld [smem:$0x3F99];
	_ =	swait.ge [sflag:s4], $0x0  }
0x19: {  	s7 =	sld [smem:$0x3F9A]  }
0x1a: {  	s8 =	sadd.s32 $0xFFFFE003, lr  }
0x1b: {  	s9 =	sadd.s32 $0xFFFFFEF7, lr;
	s5 =	simm.s32 $0xFFFFFFFF;
	p2 =	slt.u32 s8, $0xFFFFF086  }
0x1c: {  	p1 =	slt.u32 s9, $0xF7A;
	s5 =	simm.s32 @!p2 $0x0  }
0x1d: {  	s5 =	simm.s32 @p1 $0x1;
	p0 =	seq.s32 s7, s2  }
0x1e: {  	s7 =	smul.u32 @!p0 $0xF7A, s2;
	p2 =	seq.s32 @!p0 s5, $0x0  }
0x1f: {  	s9 =	smul.u32 $0xF7A, s1;
	s8 =	simm.s32 @!p0 $0x1BF5;
	p2 =	por !p2, p0  }
0x20: {  	[sflag:s8] =	ssyncset.s32 @!p0 $0xFFFFF086;
	s6 =	sadd.s32 @!p0 s3, s7;
	s7 =	simm.s32 @!p0 $0x108  }
0x21: {  	s3 =	sadd.s32 s3, s9;
	s6 =	sadd.s32 @!p0 $0x88, s6;
	s7 =	simm.s32 @p2 $0x1082  }
0x22: {  	[simem:s7], [sflag:s8] =	dma.local @!p0 [hbm:s6], $0xF7A  }
0x23: {  	s9 =	sor.u32 $0xD0000000, s2;
	s6 =	simm.s32 $0x108;
	_ =	swait.ge @!p0 [sflag:s8], $0x0  }
0x24: {  	s3 =	sadd.s32 $0x88, s3;
	s6 =	simm.s32 @!p1 $0x1082;
	[sflag:s4] =	ssyncset.s32 $0xFFFFF086  }
0x25: {  	[simem:s6], [sflag:s4] =	dma.local [hbm:s3], $0xF7A  }
0x26: {  	[smem:$0x3F9A] =	sst s1;
	(tag) =	ssettag s2;
	_ =	strace s9  }
0x27: {  	s1 =	sld [smem:$0x3FAA]  }
0x28: {  	s2 =	sld [smem:$0x3FAB]  }
0x29: {  	s4 =	sld [smem:$0x3FAD]  }
0x2a: {  	p0 =	seq.s32 s5, $0x0;
	s5 =	sld [smem:$0x3FAE]  }
0x2b: {  	s6 =	sld [smem:$0x3FAF]  }
0x2c: {  	s7 =	sld [smem:$0x3FB0]  }
0x2d: {  	s3 =	simm.s32 $0x108;
	s8 =	sld [smem:$0x3FB1]  }
0x2e: {  	s3 =	simm.s32 @!p0 $0x1082;
	s9 =	sld [smem:$0x3FB2]  }
0x2f: {  	lr =	sadd.s32 s0, s3;
	s0 =	sld [smem:$0x3FA9]  }
0x30: {  	s3 =	sld [smem:$0x3FAC]  }
0x31: {  	[smem:$0x3FB5] =	sst s10  }
0x32: {  	s10 =	sld [smem:$0x3FB3];
	_ =	sdelay $0x3  }
0x33: {  	p0 =	seq.s32 s10, $0x1;
	s10 =	sld [smem:$0x3FB5];
	_ =	sdelay $0x3  }
0x34: {  	[smem:$0x3FB5] =	sst s10  }
0x35: {  	s10 =	sld [smem:$0x3FB4];
	_ =	sdelay $0x3  }
0x36: {  	p1 =	seq.s32 s10, $0x1;
	s10 =	sld [smem:$0x3FB5];
	_ =	sdelay $0x3  }
0x37: {  	[smem:$0x3FB5] =	sst s10  }
0x38: {  	s10 =	sld [smem:$0x3FB6]  }
0x39: {  	_ = 	snop;
	(pc) =	sbr.ind lr, $3  }
0x3a: {  	_ = 	snop  }
0x3b: {  	_ = 	snop  }
0x3c: {  	p2 =	seq.s32 s10, $0x1;
	s10 =	sld [smem:$0x3FB5]  }
0x3d: {  	_ =	shalt  }
0x3e: {  	_ =	shalt  }
0x3f: {  	_ =	shalt  }
0x40: {  	_ =	shalt  }
0x41: {  	_ =	shalt  }
0x42: {  	_ =	shalt  }
0x43: {  	_ =	shalt  }
0x44: {  	_ =	shalt  }
0x45: {  	_ =	shalt  }
0x46: {  	_ =	shalt  }
0x47: {  	_ =	shalt  }
0x48: {  	_ =	shalt  }
0x49: {  	_ =	shalt  }
0x4a: {  	_ =	shalt  }
0x4b: {  	_ =	shalt  }
0x4c: {  	_ =	shalt  }
0x4d: {  	_ =	shalt  }
0x4e: {  	_ =	shalt  }
0x4f: {  	_ =	shalt  }
0x50: {  	_ =	shalt  }
0x51: {  	_ =	shalt  }
0x52: {  	_ =	shalt  }
0x53: {  	_ =	shalt  }
0x54: {  	_ =	shalt  }
0x55: {  	_ =	shalt  }
0x56: {  	_ =	shalt  }
0x57: {  	_ =	shalt  }
0x58: {  	_ =	shalt  }
0x59: {  	_ =	shalt  }
0x5a: {  	_ =	shalt  }
0x5b: {  	_ =	shalt  }
0x5c: {  	_ =	shalt  }
0x5d: {  	_ =	shalt  }
0x5e: {  	_ =	shalt  }
0x5f: {  	_ =	shalt  }
0x60: {  	_ =	shalt  }
0x61: {  	_ =	shalt  }
0x62: {  	_ =	shalt  }
0x63: {  	_ =	shalt  }
0x64: {  	_ =	shalt  }
0x65: {  	_ =	shalt  }
0x66: {  	_ =	shalt  }
0x67: {  	_ =	shalt  }
0x68: {  	_ =	shalt  }
0x69: {  	_ =	shalt  }
0x6a: {  	_ =	shalt  }
0x6b: {  	_ =	shalt  }
0x6c: {  	_ =	shalt  }
0x6d: {  	_ =	shalt  }
0x6e: {  	_ =	shalt  }
0x6f: {  	_ =	shalt  }
0x70: {  	_ =	shalt  }
0x71: {  	_ =	shalt  }
0x72: {  	_ =	shalt  }
0x73: {  	_ =	shalt  }
0x74: {  	_ =	shalt  }
0x75: {  	_ =	shalt  }
0x76: {  	_ =	shalt  }
0x77: {  	_ =	shalt  }
0x78: {  	_ =	shalt  }
0x79: {  	_ =	shalt  }
0x7a: {  	_ =	shalt  }
0x7b: {  	_ =	shalt  }
0x7c: {  	_ =	shalt  }
0x7d: {  	_ =	shalt  }
0x7e: {  	_ =	shalt  }
0x7f: {  	_ =	shalt  }
0x80: {  	_ =	shalt  }
0x81: {  	_ =	shalt  }
0x82: {  	_ =	shalt  }
0x83: {  	_ =	shalt  }
0x84: {  	_ =	shalt  }
0x85: {  	_ =	shalt  }
0x86: {  	_ =	shalt  }
0x87: {  	_ =	shalt  }
.Lfunc_end0:
.L_simem_size_0:
called_computation.1_lowered:
.L_overlay_start_0:
0x88: {  	s2 =	sld [smem:$0x3FD9]  }
0x89: {  	s3 =	sld [smem:$0x3FFE];
	_ =	sdelay $0x1  }
0x8a: {  	s1 =	srdreg.scid  }
0x8b: {  	s0 =	sand.u32 $0x1, s1  }
0x8c: {  	s16 =	sshll.u32 s0, $0xA;
	s2 =	sadd.s32 s3, s2  }
0x8d: {  	s2 =	sadd.s32 s2, s16  }
0x8e: {  	[smem:$0x3FC1] =	sst s2  }
0x8f: {  	_ = 	snop  }
0x90: {  	(tm) =	ssettm $0x1  }
0x91: {  	s17 =	sld [smem:$0x3FFB];
	_ =	sdelay $0x3  }
0x92: {  	_ =	strace s17  }
0x93: {  	s2 =	sld [smem:$0x3FFC];
	_ =	sdelay $0x3  }
0x94: {  	_ =	strace s2  }
0x95: {  	s2 =	sld [smem:$0x3FFD];
	_ =	sdelay $0x3  }
0x96: {  	_ =	strace s2  }
0x97: {  	_ =	strace $0x8FFFFFFF  }
0x98: {  	s18 =	sld [smem:$0x3FDB];
	_ =	sdelay $0x1  }
0x99: {  	s19 =	simm.s32 $_scs_section_size  }
0x9a: {  	s4 =	simm.s32 $_size__tile_overlayer_lowered;
	s5 =	simm.s32 $_tile_overlayer_lowered  }
0x9b: {  	s22 =	simm.s32 $0x1BFF;
	s21 =	sshll.u32 s5, $0x1;
	s2 =	sadd.s32 s19, s18  }
0x9c: {  	s6 =	simm.s32 $0x0;
	s20 =	sshll.u32 s4, $0x1;
	s4 =	sadd.s32 s21, s2  }
0x9d: {  	[timem:s6], [sflag:s22] =	dma.local [hbm:s4], s20  }
0x9e: {  	_ =	swait.ge [sflag:s22], s20  }
0x9f: {  	s3 =	ssub.s32 $0x0, s20;
	[sflag:s22] =	ssyncset.done $0x0  }
0xa0: {  	[sflag:s22] =	ssyncadd.s32 s3;
	_ =	sdelay $0x1  }
0xa1: {  	s23 =	simm.s32 $0x1B8B  }
0xa2: {  	_ =	swait.ge [sflag:s23], $0x1  }
0xa3: {  	[sflag:s23] =	ssyncset.done $0x0  }
0xa4: {  	s25 =	simm.s32 $0x1B8E;
	s24 =	sld [smem:$0x3FFE];
	[sflag:s23] =	ssyncadd.s32 $0xFFFFFFFF  }
0xa5: {  	s26 =	simm.s32 $execute0_lowered;
	[smem:$0x3FD2] =	sst s25  }
0xa6: {  	s4 =	sshll.u32 s26, $0x1;
	_ =	strace $0x80000049;
	[dreg:$0x1] =	wrdreg $0xFFFFFFFF  }
0xa7: {  	s28 =	simm.s32 $_size_execute0_lowered;
	s2 =	sadd.s32 s2, s4;
	[dreg:$0x0] =	wrdreg $0x0  }
0xa8: {  	s4 =	sshll.u32 s28, $0x1;
	[dreg:$0x2] =	wrdreg s2  }
0xa9: {  	[dreg:$0x3] =	wrdreg s4  }
0xaa: {  	[dreg:$0x4] =	wrdreg $0xC0  }
0xab: {  	_ =	task [dreg:s6], $0x5FFFF  }
0xac: {  	[dreg:$0x1] =	wrdreg $0xFFFFFFFF  }
0xad: {  	[dreg:$0x0] =	wrdreg $0x60  }
0xae: {  	[dreg:$0x2] =	wrdreg s24  }
0xaf: {  	[dreg:$0x3] =	wrdreg $0x84000  }
0xb0: {  	[dreg:$0x4] =	wrdreg $0x9  }
0xb1: {  	_ =	task.clear_ibuf [dreg:s6], $0x5FFFF;
	_ =	strace $0x90000049  }
0xb2: {  	s29 =	simm.s32 $0x9;
	_ =	strace $0x8000004B  }
0xb3: {  	_ =	swait.ge [sflag:s29], $0x1  }
0xb4: {  	[sflag:s29] =	ssyncadd.s32 $0xFFFFFFFF  }
0xb5: {  	_ =	strace $0x9000004B  }
0xb6: {  	_ =	sfence  }
0xb7: {  	s30 =	sld [smem:$0x0];
	_ =	sdelay $0x2  }
0xb8: {  	s31 =	sshll.u32 s1, $0xD;
	s1 =	sshrl.u32 s1, $0x2  }
0xb9: {  	s3 =	sand.u32 $0x4000, s31;
	s1 =	sadd.s32 s1, s30  }
0xba: {  	s0 =	sor.u32 s3, s0;
	s1 =	sshll.u32 s1, $0x11  }
0xbb: {  	s0 =	sor.u32 s1, s0  }
0xbc: {  	s0 =	sadd.s32 $0x8F2B, s0  }
0xbd: {  	[sflag:s0] =	ssyncadd.remote.s32 $0x1  }
0xbe: {  	_ =	sfence.sel $0xFFFF  }
0xbf: {  	[dreg:$0x0] =	wrdreg $0xFFFFFFFF;
	(pc) =	sbr.abs _section_cstart, $3  }
0xc0: {  	[dreg:$0x1] =	wrdreg $0xFFFFFFFF  }
0xc1: {  	_ =	task.clear_ibuf [dreg:s6], $0x2FFFF;
	_ =	strace $0x9FFFFFFF  }
0xc2: {  	(tm) =	ssettm $0x7FFFFFFF  }
0xc3: {  	_ =	shalt  }
tec
execute0_lowered:
.L_overlay_start_1:
0x0: {  	(tag) =	ssettag $0x1  }
0x1: {  	s0 =	rddreg [dreg:$0x0]  }
0x2: {  	s2 =	rddreg [dreg:$0x1];
	s3 =	simm.s32 $0x0  }
0x3: {  	s13 =	stileid.u32;
	s4 =	srdreg.scid;
	s28 =	simm.s32 $0x9  }
0x4: {  	s29 =	simm.s32 $0x80;
	s30 =	simm.s32 $0x400;
	s1 =	smul.u32 $0x13C00, s13  }
0x5: {  	s31 =	simm.s32 $0x100;
	[smem:$0x7FF] =	sst s3;
	s10 =	smul.u32 $0x4F000, s13  }
0x6: {  	s5 =	sand.u32 $0x1, s4;
	s6 =	sadd.s32 $0x89800, s0;
	s12 =	smul.u32 $0x7000, s13  }
0x7: {  	s9 =	sadd.s32 $0x83E00, s0;
	s4 =	sadd.s32 $0x34600, s0;
	s20 =	smul.u32 $0x2D00, s13  }
0x8: {  	_ =	strace $0x8000004A;
	s8 =	smul.u32 $0x13C000, s5;
	s22 =	ssub.s32 $0x2, s5  }
0x9: {  	p0 =	seq.s32 s5, $0x1;
	s7 =	sshrl.u32 s1, $0x3;
	s23 =	sshrl.u32 s10, $0x2  }
0xa: {  	s25 =	sshrl.u32 s12, $0x3;
	s1 =	sadd.s32 s1, s8;
	s8 =	sadd.s32 s23, s2  }
0xb: {  	s5 =	sshrl.u32 s20, $0x3;
	s26 =	sadd.s32 s6, s25;
	[dreg:$0x3] =	wrdreg s8  }
0xc: {  	s7 =	sadd.s32 s7, s0;
	s5 =	sadd.s32 s9, s5;
	[dreg:$0x5] =	wrdreg s26  }
0xd: {  	s24 =	sshll.u32 s13, $0x6;
	s7 =	sadd.s32 $0xCE00, s7;
	[dreg:$0x11] =	wrdreg s5  }
0xe: {  	s11 =	sshrl.u32 s22, $0x1;
	s12 =	sadd.s32 $0x20, s26;
	[dreg:$0x4] =	wrdreg s7  }
0xf: {  	s20 =	simm.s32 $0x280;
	s14 =	sadd.s32 $0x40, s26;
	[dreg:$0x6] =	wrdreg s12  }
0x10: {  	s23 =	smul.u32 $0xE00, s13;
	s15 =	sadd.s32 $0x60, s26;
	[dreg:$0x7] =	wrdreg s14  }
0x11: {  	s1 =	sshrl.u32 s1, $0x3;
	s16 =	sadd.s32 $0x80, s26;
	[dreg:$0x8] =	wrdreg s15  }
0x12: {  	s17 =	sadd.s32 $0xA0, s26;
	s18 =	sadd.s32 $0xC0, s26;
	[dreg:$0x9] =	wrdreg s16  }
0x13: {  	s19 =	sadd.s32 $0xD60, s26;
	s21 =	sadd.s32 $0xD80, s26;
	[dreg:$0xa] =	wrdreg s17  }
0x14: {  	s10 =	sadd.s32 $0xDC0, s26;
	s25 =	sadd.s32 $0xDE0, s26;
	[dreg:$0xb] =	wrdreg s18  }
0x15: {  	s0 =	sadd.s32 s1, s0;
	s1 =	ssub.s32 s22, s11;
	[dreg:$0xc] =	wrdreg s19  }
0x16: {  	s7 =	sor.u32 $0x1C09, s24;
	[dreg:$0xd] =	wrdreg s21;
	s22 =	sadd.s32 $0xDA0, s26  }
0x17: {  	[dreg:$0xf] =	wrdreg s10;
	s24 =	smul.u32 $0x5A0, s13;
	s19 =	sadd.s32 s23, s6  }
0x18: {  	[dreg:$0x10] =	wrdreg s25;
	s26 =	sadd.s32 $0x20, s5;
	s10 =	simm.s32 $0x180  }
0x19: {  	s11 =	simm.s32 $0x200;
	s12 =	simm.s32 $0x1;
	s13 =	simm.s32 $0x2  }
0x1a: {  	s14 =	simm.s32 $0x300;
	s15 =	simm.s32 $0x7;
	s16 =	simm.s32 $0x3  }
.Ltmp0:
0x1b: {  	s17 =	simm.s32 $0x8;
	s18 =	simm.s32 $0x4;
	(pc) =	sbr.rel .LBB2_1-.Ltmp0, $4  }
0x1c: {  	s23 =	simm.s32 $0x380;
	s21 =	simm.s32 $0x0;
	[dreg:$0xe] =	wrdreg s22  }
0x1d: {  	[dreg:$0x12] =	wrdreg s26;
	s0 =	sadd.s32 $0x97800, s0;
	s25 =	smax.u32 s1, $0x1  }
0x1e: {  	s26 =	sadd.s32 $0x580, s5;
	s1 =	simm.s32 $0x5;
	s22 =	sadd.s32 s24, s9  }
0x1f: {  	[dreg:$0x13] =	wrdreg s0;
	s0 =	simm.s32 $0x4400;
	s9 =	simm.s32 $0x6  }
.LBB2_7:
0x20: {  	[sflag:s28] =	ssyncadd.s32 $0xFFFFFF00  }
0x21: {  	[tilespmem:s0], [sflag:$0x6] =	stream.indirect.gather [hbm4b:s4+s29], $0x80, s31, s29, $0xb8;
	[tilespmem:$0x1C000] =	vst v63  }
0x22: {  	_ =	swait.ge [sflag:s1], $0x4000  }
0x23: {  	[sflag:s1] =	ssyncset.done $0x0  }
0x24: {  	s5 =	simm.s32 $0x9;
	[sflag:s1] =	ssyncadd.s32 $0xFFFFC000  }
0x25: {  	[spmem:s2] =	stream.indirect.scatter.add.f32 [tilespmem:s30], [sflag:$0x9], $0x80, s29, s29, $0xb8;
	[tilespmem:$0x1C000] =	vst v63  }
0x26: {  	_ =	swait.ge [sflag:s5], $0x4000  }
0x27: {  	[sflag:s5] =	ssyncset.done $0x0  }
0x28: {  	[sflag:s5] =	ssyncadd.s32 $0xFFFFC000  }
0x29: {  	[tilespmem:s3], [sflag:$0x9] =	stream.linear.gather [hbm4b:s26+s3], $0x100, $0x38;
	[tilespmem:$0x1C000] =	vst v63  }
0x2a: {  	_ =	swait.ge [sflag:s5], $0x100  }
0x2b: {  	[sflag:s5] =	ssyncset.done $0x0  }
0x2c: {  	[sflag:s5] =	ssyncadd.s32 $0xFFFFFF00  }
0x2d: {  	[tilespmem:s30], [sflag:$0x5] =	stream.indirect.gather [hbm4b:s4+s29], $0x80, s3, s29, $0xb8;
	[tilespmem:$0x1C000] =	vst v63  }
0x2e: {  	_ =	swait.ge [sflag:s9], $0x4000  }
0x2f: {  	[sflag:s9] =	ssyncset.done $0x0  }
0x30: {  	[sflag:s9] =	ssyncadd.s32 $0xFFFFC000  }
0x31: {  	[spmem:s2] =	stream.indirect.scatter.add.f32 [tilespmem:s0], [sflag:$0x9], $0x80, s10, s29, $0xb8;
	[tilespmem:$0x1C000] =	vst v63  }
0x32: {  	_ =	swait.ge [sflag:s5], $0x4000  }
0x33: {  	[sflag:s5] =	ssyncset.done $0x0  }
0x34: {  	[sflag:s5] =	ssyncadd.s32 $0xFFFFC000  }
0x35: {  	[tilespmem:s31], [sflag:$0x9] =	stream.linear.gather [hbm4b:s26+s3], $0x100, $0x38;
	[tilespmem:$0x1C000] =	vst v63  }
0x36: {  	_ =	swait.ge [sflag:s5], $0x100  }
0x37: {  	[sflag:s5] =	ssyncset.done $0x0  }
0x38: {  	[sflag:s5] =	ssyncadd.s32 $0xFFFFFF00  }
0x39: {  	_ =	swait.ge [sflag:s1], $0x4000  }
0x3a: {  	[sflag:s1] =	ssyncset.done $0x0  }
0x3b: {  	[sflag:s1] =	ssyncadd.s32 $0xFFFFC000  }
0x3c: {  	[spmem:s2] =	stream.indirect.scatter.add.f32 [tilespmem:s30], [sflag:$0x9], $0x80, s29, s29, $0xb8;
	[tilespmem:$0x1C000] =	vst v63  }
.LBB2_8:
0x3d: {  	_ =	swait.ge [sflag:s5], $0x4000  }
0x3e: {  	[sflag:s5] =	ssyncset.done $0x0  }
0x3f: {  	s21 =	sadd.s32 $0x1, s21;
	[sflag:s5] =	ssyncadd.s32 $0xFFFFC000  }
0x40: {  	p1 =	sne.s32 s21, s25;
	[bflag:$0x0] =	sbarrier.arrive $0xFFFF  }
.Ltmp1:
0x41: {  	s24 =	rddreg [dreg:$0x13];
	(pc) =	sbr.rel @!p1 .LBB2_9-.Ltmp1, $4  }
0x42: {  	[hbm:s24], [sflag:s7] =	dma.local [spmem:s8], $0x2780  }
0x43: {  	_ =	swait.ge [sflag:s28], $0x2780  }
0x44: {  	[sflag:s28] =	ssyncset.done $0x0  }
0x45: {  	[sflag:s28] =	ssyncadd.s32 $0xFFFFD880  }
.LBB2_1:
0x46: {  	s5 =	rddreg [dreg:$0x3]  }
0x47: {  	s24 =	rddreg [dreg:$0x4];
	s8 =	sshrl.u32 s5, $0x3  }
0x48: {  	[spmem:s8], [sflag:s7] =	dma.local [hbm:s24], $0x2780  }
.Ltmp2:
0x49: {  	_ =	swait.ge [sflag:s28], $0x2780;
	(pc) =	sbr.rel @!p0 .LBB2_2-.Ltmp2, $3  }
0x4a: {  	[sflag:s28] =	ssyncset.done $0x0  }
0x4b: {  	[sflag:s28] =	ssyncadd.s32 $0xFFFFD880  }
0x4c: {  	[bflag:$0x0] =	sbarrier.arrive $0xFFFF;
	_ =	sdelay $0x1  }
0x4d: {  	s5 =	rddreg [dreg:$0x11]  }
0x4e: {  	[tilespmem:s3], [sflag:$0x9] =	stream.linear.gather [hbm4b:s5+s3], $0x100, $0x38;
	[tilespmem:$0x1C000] =	vst v63  }
0x4f: {  	_ =	swait.ge [sflag:s28], $0x100  }
0x50: {  	[sflag:s28] =	ssyncset.done $0x0  }
0x51: {  	[sflag:s28] =	ssyncadd.s32 $0xFFFFFF00  }
0x52: {  	[tilespmem:s30], [sflag:$0x5] =	stream.indirect.gather [hbm4b:s4+s29], $0x80, s3, s29, $0xb8;
	[tilespmem:$0x1C000] =	vst v63  }
0x53: {  	s6 =	rddreg [dreg:$0x12]  }
0x54: {  	[tilespmem:s31], [sflag:$0x9] =	stream.linear.gather [hbm4b:s6+s3], $0x100, $0x38;
	[tilespmem:$0x1C000] =	vst v63  }
0x55: {  	_ =	swait.ge [sflag:s28], $0x100  }
0x56: {  	[sflag:s28] =	ssyncset.done $0x0  }
0x57: {  	[sflag:s28] =	ssyncadd.s32 $0xFFFFFF00  }
0x58: {  	[tilespmem:s0], [sflag:$0x6] =	stream.indirect.gather [hbm4b:s4+s29], $0x80, s31, s29, $0xb8;
	[tilespmem:$0x1C000] =	vst v63  }
0x59: {  	_ =	swait.ge [sflag:s1], $0x4000  }
0x5a: {  	[sflag:s1] =	ssyncset.done $0x0  }
0x5b: {  	[sflag:s1] =	ssyncadd.s32 $0xFFFFC000  }
0x5c: {  	[spmem:s2] =	stream.indirect.scatter.add.f32 [tilespmem:s30], [sflag:$0x9], $0x80, s29, s29, $0xb8;
	[tilespmem:$0x1C000] =	vst v63  }
0x5d: {  	_ =	swait.ge [sflag:s28], $0x4000  }
0x5e: {  	s24 =	sadd.s32 $0xFFFFFAC0, s22;
	[sflag:s28] =	ssyncset.done $0x0  }
0x5f: {  	s6 =	sadd.s32 $0x580, s24;
	[sflag:s28] =	ssyncadd.s32 $0xFFFFC000  }
0x60: {  	[tilespmem:s3], [sflag:$0x9] =	stream.linear.gather [hbm4b:s6+s3], $0x100, $0x38;
	[tilespmem:$0x1C000] =	vst v63  }
0x61: {  	_ =	swait.ge [sflag:s28], $0x100  }
0x62: {  	[sflag:s28] =	ssyncset.done $0x0  }
0x63: {  	[sflag:s28] =	ssyncadd.s32 $0xFFFFFF00  }
0x64: {  	[tilespmem:s30], [sflag:$0x5] =	stream.indirect.gather [hbm4b:s4+s29], $0x80, s3, s29, $0xb8;
	[tilespmem:$0x1C000] =	vst v63  }
0x65: {  	_ =	swait.ge [sflag:s9], $0x4000  }
0x66: {  	[sflag:s9] =	ssyncset.done $0x0  }
0x67: {  	[sflag:s9] =	ssyncadd.s32 $0xFFFFC000  }
0x68: {  	[spmem:s2] =	stream.indirect.scatter.add.f32 [tilespmem:s0], [sflag:$0x9], $0x80, s10, s29, $0xb8;
	[tilespmem:$0x1C000] =	vst v63  }
0x69: {  	_ =	swait.ge [sflag:s28], $0x4000  }
0x6a: {  	[sflag:s28] =	ssyncset.done $0x0  }
0x6b: {  	s5 =	sadd.s32 $0x5A0, s24;
	[sflag:s28] =	ssyncadd.s32 $0xFFFFC000  }
0x6c: {  	[tilespmem:s31], [sflag:$0x9] =	stream.linear.gather [hbm4b:s5+s3], $0x100, $0x38;
	[tilespmem:$0x1C000] =	vst v63  }
0x6d: {  	_ =	swait.ge [sflag:s28], $0x100  }
0x6e: {  	s5 =	simm.s32 $0xFFFFFB00;
	[sflag:s28] =	ssyncset.done $0x0  }
.LBB2_6:
0x6f: {  	p1 =	sne.s32 s5, $0xFFFFFFC0  }
0x70: {  	[sflag:s28] =	ssyncadd.s32 $0xFFFFFF00;
	s6 =	smov.u32 s5;
	s5 =	sadd.s32 $0x40, s5  }
0x71: {  	[tilespmem:s0], [sflag:$0x6] =	stream.indirect.gather [hbm4b:s4+s29], $0x80, s31, s29, $0xb8;
	[tilespmem:$0x1C000] =	vst v63  }
0x72: {  	_ =	swait.ge [sflag:s1], $0x4000  }
0x73: {  	[sflag:s1] =	ssyncset.done $0x0  }
0x74: {  	[sflag:s1] =	ssyncadd.s32 $0xFFFFC000  }
0x75: {  	[spmem:s2] =	stream.indirect.scatter.add.f32 [tilespmem:s30], [sflag:$0x9], $0x80, s29, s29, $0xb8;
	[tilespmem:$0x1C000] =	vst v63  }
0x76: {  	_ =	swait.ge [sflag:s28], $0x4000  }
0x77: {  	s6 =	sadd.s32 s6, s22;
	[sflag:s28] =	ssyncset.done $0x0  }
0x78: {  	s24 =	sadd.s32 $0x580, s6;
	[sflag:s28] =	ssyncadd.s32 $0xFFFFC000  }
0x79: {  	[tilespmem:s3], [sflag:$0x9] =	stream.linear.gather [hbm4b:s24+s3], $0x100, $0x38;
	[tilespmem:$0x1C000] =	vst v63  }
0x7a: {  	_ =	swait.ge [sflag:s28], $0x100  }
0x7b: {  	[sflag:s28] =	ssyncset.done $0x0  }
0x7c: {  	[sflag:s28] =	ssyncadd.s32 $0xFFFFFF00  }
0x7d: {  	[tilespmem:s30], [sflag:$0x5] =	stream.indirect.gather [hbm4b:s4+s29], $0x80, s3, s29, $0xb8;
	[tilespmem:$0x1C000] =	vst v63  }
0x7e: {  	_ =	swait.ge [sflag:s9], $0x4000  }
0x7f: {  	[sflag:s9] =	ssyncset.done $0x0  }
0x80: {  	[sflag:s9] =	ssyncadd.s32 $0xFFFFC000  }
0x81: {  	[spmem:s2] =	stream.indirect.scatter.add.f32 [tilespmem:s0], [sflag:$0x9], $0x80, s10, s29, $0xb8;
	[tilespmem:$0x1C000] =	vst v63  }
0x82: {  	_ =	swait.ge [sflag:s28], $0x4000  }
.Ltmp3:
0x83: {  	[sflag:s28] =	ssyncset.done $0x0;
	(pc) =	sbr.rel @p1 .LBB2_6-.Ltmp3, $4  }
0x84: {  	s6 =	sadd.s32 $0x5A0, s6;
	[sflag:s28] =	ssyncadd.s32 $0xFFFFC000  }
0x85: {  	[tilespmem:s31], [sflag:$0x9] =	stream.linear.gather [hbm4b:s6+s3], $0x100, $0x38;
	[tilespmem:$0x1C000] =	vst v63  }
0x86: {  	_ =	swait.ge [sflag:s28], $0x100  }
0x87: {  	[sflag:s28] =	ssyncset.done $0x0  }
.Ltmp4:
0x88: {  	_ = 	snop;
	(pc) =	sbr.rel .LBB2_7-.Ltmp4, $1  }
0x89: {  	_ =	sdelay $0x3  }
.LBB2_2:
0x8a: {  	s5 =	rddreg [dreg:$0x5]  }
0x8b: {  	[tilespmem:s3], [sflag:$0x1] =	stream.linear.gather [hbm4b:s5+s3], $0x100, $0x38;
	[tilespmem:$0x1C000] =	vst v63  }
0x8c: {  	s24 =	rddreg [dreg:$0x6]  }
0x8d: {  	[tilespmem:s31], [sflag:$0x2] =	stream.linear.gather [hbm4b:s24+s3], $0x100, $0x38;
	[tilespmem:$0x1C000] =	vst v63  }
0x8e: {  	s6 =	rddreg [dreg:$0x7]  }
0x8f: {  	[tilespmem:s11], [sflag:$0x3] =	stream.linear.gather [hbm4b:s6+s3], $0x100, $0x38;
	[tilespmem:$0x1C000] =	vst v63  }
0x90: {  	_ =	swait.ge [sflag:s12], $0x100  }
0x91: {  	[sflag:s12] =	ssyncset.done $0x0  }
0x92: {  	[sflag:s12] =	ssyncadd.s32 $0xFFFFFF00  }
0x93: {  	[tilespmem:s30], [sflag:$0x5] =	stream.indirect.gather [hbm4b:s4+s29], $0x80, s3, s29, $0xb8;
	[tilespmem:$0x1C000] =	vst v63  }
0x94: {  	_ =	swait.ge [sflag:s13], $0x100  }
0x95: {  	[sflag:s13] =	ssyncset.done $0x0  }
0x96: {  	[sflag:s13] =	ssyncadd.s32 $0xFFFFFF00  }
0x97: {  	[tilespmem:s0], [sflag:$0x6] =	stream.indirect.gather [hbm4b:s4+s29], $0x80, s31, s29, $0xb8;
	[tilespmem:$0x1C000] =	vst v63  }
0x98: {  	_ =	swait.ge [sflag:s1], $0x4000  }
0x99: {  	[sflag:s1] =	ssyncset.done $0x0  }
0x9a: {  	[sflag:s1] =	ssyncadd.s32 $0xFFFFC000  }
0x9b: {  	[spmem:s2] =	stream.indirect.scatter.add.f32 [tilespmem:s30], [sflag:$0x7], $0x80, s29, s29, $0xb8;
	[tilespmem:$0x1C000] =	vst v63  }
0x9c: {  	s24 =	rddreg [dreg:$0x8]  }
0x9d: {  	[tilespmem:s14], [sflag:$0x4] =	stream.linear.gather [hbm4b:s24+s3], $0x100, $0x38;
	[tilespmem:$0x1C000] =	vst v63  }
0x9e: {  	_ =	swait.ge [sflag:s15], $0x4000  }
0x9f: {  	[sflag:s15] =	ssyncset.done $0x0  }
0xa0: {  	[sflag:s15] =	ssyncadd.s32 $0xFFFFC000  }
0xa1: {  	_ =	swait.ge [sflag:s16], $0x100  }
0xa2: {  	[sflag:s16] =	ssyncset.done $0x0  }
0xa3: {  	[sflag:s16] =	ssyncadd.s32 $0xFFFFFF00  }
0xa4: {  	[tilespmem:s30], [sflag:$0x5] =	stream.indirect.gather [hbm4b:s4+s29], $0x80, s11, s29, $0xb8;
	[tilespmem:$0x1C000] =	vst v63  }
0xa5: {  	_ =	swait.ge [sflag:s9], $0x4000  }
0xa6: {  	[sflag:s9] =	ssyncset.done $0x0  }
0xa7: {  	[sflag:s9] =	ssyncadd.s32 $0xFFFFC000  }
0xa8: {  	[spmem:s2] =	stream.indirect.scatter.add.f32 [tilespmem:s0], [sflag:$0x8], $0x80, s10, s29, $0xb8;
	[tilespmem:$0x1C000] =	vst v63  }
0xa9: {  	s6 =	rddreg [dreg:$0x9]  }
0xaa: {  	[tilespmem:s3], [sflag:$0x1] =	stream.linear.gather [hbm4b:s6+s3], $0x100, $0x38;
	[tilespmem:$0x1C000] =	vst v63  }
0xab: {  	_ =	swait.ge [sflag:s17], $0x4000  }
0xac: {  	[sflag:s17] =	ssyncset.done $0x0  }
0xad: {  	[sflag:s17] =	ssyncadd.s32 $0xFFFFC000  }
0xae: {  	_ =	swait.ge [sflag:s18], $0x100  }
0xaf: {  	[sflag:s18] =	ssyncset.done $0x0  }
0xb0: {  	[sflag:s18] =	ssyncadd.s32 $0xFFFFFF00  }
0xb1: {  	[tilespmem:s0], [sflag:$0x6] =	stream.indirect.gather [hbm4b:s4+s29], $0x80, s14, s29, $0xb8;
	[tilespmem:$0x1C000] =	vst v63  }
0xb2: {  	_ =	swait.ge [sflag:s1], $0x4000  }
0xb3: {  	[sflag:s1] =	ssyncset.done $0x0  }
0xb4: {  	[sflag:s1] =	ssyncadd.s32 $0xFFFFC000  }
0xb5: {  	[spmem:s2] =	stream.indirect.scatter.add.f32 [tilespmem:s30], [sflag:$0x7], $0x80, s20, s29, $0xb8;
	[tilespmem:$0x1C000] =	vst v63  }
0xb6: {  	s24 =	rddreg [dreg:$0xa]  }
0xb7: {  	[tilespmem:s31], [sflag:$0x2] =	stream.linear.gather [hbm4b:s24+s3], $0x100, $0x38;
	[tilespmem:$0x1C000] =	vst v63  }
0xb8: {  	_ =	swait.ge [sflag:s15], $0x4000  }
0xb9: {  	[sflag:s15] =	ssyncset.done $0x0  }
0xba: {  	[sflag:s15] =	ssyncadd.s32 $0xFFFFC000  }
0xbb: {  	_ =	swait.ge [sflag:s12], $0x100  }
0xbc: {  	[sflag:s12] =	ssyncset.done $0x0  }
0xbd: {  	[sflag:s12] =	ssyncadd.s32 $0xFFFFFF00  }
0xbe: {  	[tilespmem:s30], [sflag:$0x5] =	stream.indirect.gather [hbm4b:s4+s29], $0x80, s3, s29, $0xb8;
	[tilespmem:$0x1C000] =	vst v63  }
0xbf: {  	_ =	swait.ge [sflag:s9], $0x4000  }
0xc0: {  	[sflag:s9] =	ssyncset.done $0x0  }
0xc1: {  	[sflag:s9] =	ssyncadd.s32 $0xFFFFC000  }
0xc2: {  	[spmem:s2] =	stream.indirect.scatter.add.f32 [tilespmem:s0], [sflag:$0x8], $0x80, s23, s29, $0xb8;
	[tilespmem:$0x1C000] =	vst v63  }
0xc3: {  	s6 =	rddreg [dreg:$0xb]  }
0xc4: {  	[tilespmem:s11], [sflag:$0x3] =	stream.linear.gather [hbm4b:s6+s3], $0x100, $0x38;
	[tilespmem:$0x1C000] =	vst v63  }
0xc5: {  	_ =	swait.ge [sflag:s17], $0x4000  }
0xc6: {  	[sflag:s17] =	ssyncset.done $0x0  }
0xc7: {  	[sflag:s17] =	ssyncadd.s32 $0xFFFFC000  }
0xc8: {  	_ =	swait.ge [sflag:s13], $0x100  }
0xc9: {  	[sflag:s13] =	ssyncset.done $0x0  }
0xca: {  	[sflag:s13] =	ssyncadd.s32 $0xFFFFFF00  }
0xcb: {  	[tilespmem:s0], [sflag:$0x6] =	stream.indirect.gather [hbm4b:s4+s29], $0x80, s31, s29, $0xb8;
	[tilespmem:$0x1C000] =	vst v63  }
0xcc: {  	_ =	swait.ge [sflag:s1], $0x4000  }
0xcd: {  	[sflag:s1] =	ssyncset.done $0x0  }
0xce: {  	s6 =	sadd.s32 $0xFFFFF380, s19;
	[sflag:s1] =	ssyncadd.s32 $0xFFFFC000  }
0xcf: {  	[spmem:s2] =	stream.indirect.scatter.add.f32 [tilespmem:s30], [sflag:$0x7], $0x80, s29, s29, $0xb8;
	[tilespmem:$0x1C000] =	vst v63  }
0xd0: {  	s24 =	sadd.s32 $0xD60, s6  }
0xd1: {  	[tilespmem:s14], [sflag:$0x4] =	stream.linear.gather [hbm4b:s24+s3], $0x100, $0x38;
	[tilespmem:$0x1C000] =	vst v63  }
0xd2: {  	_ =	swait.ge [sflag:s15], $0x4000  }
0xd3: {  	[sflag:s15] =	ssyncset.done $0x0  }
0xd4: {  	[sflag:s15] =	ssyncadd.s32 $0xFFFFC000  }
0xd5: {  	_ =	swait.ge [sflag:s16], $0x100  }
0xd6: {  	[sflag:s16] =	ssyncset.done $0x0  }
0xd7: {  	[sflag:s16] =	ssyncadd.s32 $0xFFFFFF00  }
0xd8: {  	[tilespmem:s30], [sflag:$0x5] =	stream.indirect.gather [hbm4b:s4+s29], $0x80, s11, s29, $0xb8;
	[tilespmem:$0x1C000] =	vst v63  }
0xd9: {  	_ =	swait.ge [sflag:s9], $0x4000  }
0xda: {  	[sflag:s9] =	ssyncset.done $0x0  }
0xdb: {  	[sflag:s9] =	ssyncadd.s32 $0xFFFFC000  }
0xdc: {  	[spmem:s2] =	stream.indirect.scatter.add.f32 [tilespmem:s0], [sflag:$0x8], $0x80, s10, s29, $0xb8;
	[tilespmem:$0x1C000] =	vst v63  }
0xdd: {  	s24 =	sadd.s32 $0xD80, s6  }
0xde: {  	[tilespmem:s3], [sflag:$0x1] =	stream.linear.gather [hbm4b:s24+s3], $0x100, $0x38;
	[tilespmem:$0x1C000] =	vst v63  }
0xdf: {  	_ =	swait.ge [sflag:s17], $0x4000  }
0xe0: {  	[sflag:s17] =	ssyncset.done $0x0  }
0xe1: {  	[sflag:s17] =	ssyncadd.s32 $0xFFFFC000  }
0xe2: {  	_ =	swait.ge [sflag:s18], $0x100  }
0xe3: {  	[sflag:s18] =	ssyncset.done $0x0  }
0xe4: {  	[sflag:s18] =	ssyncadd.s32 $0xFFFFFF00  }
0xe5: {  	[tilespmem:s0], [sflag:$0x6] =	stream.indirect.gather [hbm4b:s4+s29], $0x80, s14, s29, $0xb8;
	[tilespmem:$0x1C000] =	vst v63  }
0xe6: {  	_ =	swait.ge [sflag:s1], $0x4000  }
0xe7: {  	[sflag:s1] =	ssyncset.done $0x0  }
0xe8: {  	[sflag:s1] =	ssyncadd.s32 $0xFFFFC000  }
0xe9: {  	[spmem:s2] =	stream.indirect.scatter.add.f32 [tilespmem:s30], [sflag:$0x7], $0x80, s20, s29, $0xb8;
	[tilespmem:$0x1C000] =	vst v63  }
0xea: {  	s24 =	sadd.s32 $0xDA0, s6  }
0xeb: {  	[tilespmem:s31], [sflag:$0x2] =	stream.linear.gather [hbm4b:s24+s3], $0x100, $0x38;
	[tilespmem:$0x1C000] =	vst v63  }
0xec: {  	_ =	swait.ge [sflag:s15], $0x4000  }
0xed: {  	[sflag:s15] =	ssyncset.done $0x0  }
0xee: {  	[sflag:s15] =	ssyncadd.s32 $0xFFFFC000  }
0xef: {  	_ =	swait.ge [sflag:s12], $0x100  }
0xf0: {  	[sflag:s12] =	ssyncset.done $0x0  }
0xf1: {  	[sflag:s12] =	ssyncadd.s32 $0xFFFFFF00  }
0xf2: {  	[tilespmem:s30], [sflag:$0x5] =	stream.indirect.gather [hbm4b:s4+s29], $0x80, s3, s29, $0xb8;
	[tilespmem:$0x1C000] =	vst v63  }
0xf3: {  	_ =	swait.ge [sflag:s9], $0x4000  }
0xf4: {  	[sflag:s9] =	ssyncset.done $0x0  }
0xf5: {  	s5 =	simm.s32 $0xFFFFF400;
	s6 =	sadd.s32 $0xDC0, s6;
	[sflag:s9] =	ssyncadd.s32 $0xFFFFC000  }
0xf6: {  	[spmem:s2] =	stream.indirect.scatter.add.f32 [tilespmem:s0], [sflag:$0x8], $0x80, s23, s29, $0xb8;
	[tilespmem:$0x1C000] =	vst v63  }
.LBB2_3:
0xf7: {  	[tilespmem:s11], [sflag:$0x3] =	stream.linear.gather [hbm4b:s6+s3], $0x100, $0x38;
	[tilespmem:$0x1C000] =	vst v63  }
0xf8: {  	s6 =	smov.u32 s5  }
0xf9: {  	p1 =	sne.s32 s5, $0xFFFFFF80;
	s5 =	sadd.s32 $0x80, s5;
	_ =	swait.ge [sflag:s17], $0x4000  }
0xfa: {  	[sflag:s17] =	ssyncset.done $0x0  }
0xfb: {  	[sflag:s17] =	ssyncadd.s32 $0xFFFFC000  }
0xfc: {  	_ =	swait.ge [sflag:s13], $0x100  }
0xfd: {  	[sflag:s13] =	ssyncset.done $0x0  }
0xfe: {  	[sflag:s13] =	ssyncadd.s32 $0xFFFFFF00  }
0xff: {  	[tilespmem:s0], [sflag:$0x6] =	stream.indirect.gather [hbm4b:s4+s29], $0x80, s31, s29, $0xb8;
	[tilespmem:$0x1C000] =	vst v63  }
0x100: {  	_ =	swait.ge [sflag:s1], $0x4000  }
0x101: {  	[sflag:s1] =	ssyncset.done $0x0  }
0x102: {  	s6 =	sadd.s32 s6, s19;
	[sflag:s1] =	ssyncadd.s32 $0xFFFFC000  }
0x103: {  	[spmem:s2] =	stream.indirect.scatter.add.f32 [tilespmem:s30], [sflag:$0x7], $0x80, s29, s29, $0xb8;
	[tilespmem:$0x1C000] =	vst v63  }
0x104: {  	s24 =	sadd.s32 $0xD60, s6  }
0x105: {  	[tilespmem:s14], [sflag:$0x4] =	stream.linear.gather [hbm4b:s24+s3], $0x100, $0x38;
	[tilespmem:$0x1C000] =	vst v63  }
0x106: {  	_ =	swait.ge [sflag:s15], $0x4000  }
0x107: {  	[sflag:s15] =	ssyncset.done $0x0  }
0x108: {  	[sflag:s15] =	ssyncadd.s32 $0xFFFFC000  }
0x109: {  	_ =	swait.ge [sflag:s16], $0x100  }
0x10a: {  	[sflag:s16] =	ssyncset.done $0x0  }
0x10b: {  	[sflag:s16] =	ssyncadd.s32 $0xFFFFFF00  }
0x10c: {  	[tilespmem:s30], [sflag:$0x5] =	stream.indirect.gather [hbm4b:s4+s29], $0x80, s11, s29, $0xb8;
	[tilespmem:$0x1C000] =	vst v63  }
0x10d: {  	_ =	swait.ge [sflag:s9], $0x4000  }
0x10e: {  	[sflag:s9] =	ssyncset.done $0x0  }
0x10f: {  	[sflag:s9] =	ssyncadd.s32 $0xFFFFC000  }
0x110: {  	[spmem:s2] =	stream.indirect.scatter.add.f32 [tilespmem:s0], [sflag:$0x8], $0x80, s10, s29, $0xb8;
	[tilespmem:$0x1C000] =	vst v63  }
0x111: {  	s24 =	sadd.s32 $0xD80, s6  }
0x112: {  	[tilespmem:s3], [sflag:$0x1] =	stream.linear.gather [hbm4b:s24+s3], $0x100, $0x38;
	[tilespmem:$0x1C000] =	vst v63  }
0x113: {  	_ =	swait.ge [sflag:s17], $0x4000  }
0x114: {  	[sflag:s17] =	ssyncset.done $0x0  }
0x115: {  	[sflag:s17] =	ssyncadd.s32 $0xFFFFC000  }
0x116: {  	_ =	swait.ge [sflag:s18], $0x100  }
0x117: {  	[sflag:s18] =	ssyncset.done $0x0  }
0x118: {  	[sflag:s18] =	ssyncadd.s32 $0xFFFFFF00  }
0x119: {  	[tilespmem:s0], [sflag:$0x6] =	stream.indirect.gather [hbm4b:s4+s29], $0x80, s14, s29, $0xb8;
	[tilespmem:$0x1C000] =	vst v63  }
0x11a: {  	_ =	swait.ge [sflag:s1], $0x4000  }
0x11b: {  	[sflag:s1] =	ssyncset.done $0x0  }
0x11c: {  	[sflag:s1] =	ssyncadd.s32 $0xFFFFC000  }
0x11d: {  	[spmem:s2] =	stream.indirect.scatter.add.f32 [tilespmem:s30], [sflag:$0x7], $0x80, s20, s29, $0xb8;
	[tilespmem:$0x1C000] =	vst v63  }
0x11e: {  	s24 =	sadd.s32 $0xDA0, s6  }
0x11f: {  	[tilespmem:s31], [sflag:$0x2] =	stream.linear.gather [hbm4b:s24+s3], $0x100, $0x38;
	[tilespmem:$0x1C000] =	vst v63  }
0x120: {  	_ =	swait.ge [sflag:s15], $0x4000  }
0x121: {  	[sflag:s15] =	ssyncset.done $0x0  }
0x122: {  	[sflag:s15] =	ssyncadd.s32 $0xFFFFC000  }
0x123: {  	_ =	swait.ge [sflag:s12], $0x100  }
0x124: {  	[sflag:s12] =	ssyncset.done $0x0  }
0x125: {  	[sflag:s12] =	ssyncadd.s32 $0xFFFFFF00  }
0x126: {  	[tilespmem:s30], [sflag:$0x5] =	stream.indirect.gather [hbm4b:s4+s29], $0x80, s3, s29, $0xb8;
	[tilespmem:$0x1C000] =	vst v63  }
.Ltmp5:
0x127: {  	_ =	swait.ge [sflag:s9], $0x4000;
	(pc) =	sbr.rel @p1 .LBB2_3-.Ltmp5, $4  }
0x128: {  	[sflag:s9] =	ssyncset.done $0x0  }
0x129: {  	[sflag:s9] =	ssyncadd.s32 $0xFFFFC000  }
0x12a: {  	[spmem:s2] =	stream.indirect.scatter.add.f32 [tilespmem:s0], [sflag:$0x8], $0x80, s23, s29, $0xb8;
	[tilespmem:$0x1C000] =	vst v63  }
0x12b: {  	s6 =	sadd.s32 $0xDC0, s6  }
0x12c: {  	[tilespmem:s11], [sflag:$0x3] =	stream.linear.gather [hbm4b:s6+s3], $0x100, $0x38;
	[tilespmem:$0x1C000] =	vst v63  }
0x12d: {  	s5 =	simm.s32 $0x8  }
0x12e: {  	_ =	swait.ge [sflag:s5], $0x4000  }
0x12f: {  	[sflag:s5] =	ssyncset.done $0x0  }
0x130: {  	[sflag:s5] =	ssyncadd.s32 $0xFFFFC000  }
0x131: {  	_ =	swait.ge [sflag:s13], $0x100  }
0x132: {  	[sflag:s13] =	ssyncset.done $0x0  }
0x133: {  	[sflag:s13] =	ssyncadd.s32 $0xFFFFFF00  }
0x134: {  	[tilespmem:s0], [sflag:$0x6] =	stream.indirect.gather [hbm4b:s4+s29], $0x80, s31, s29, $0xb8;
	[tilespmem:$0x1C000] =	vst v63  }
0x135: {  	_ =	swait.ge [sflag:s1], $0x4000  }
0x136: {  	[sflag:s1] =	ssyncset.done $0x0  }
0x137: {  	[sflag:s1] =	ssyncadd.s32 $0xFFFFC000  }
0x138: {  	[spmem:s2] =	stream.indirect.scatter.add.f32 [tilespmem:s30], [sflag:$0x7], $0x80, s29, s29, $0xb8;
	[tilespmem:$0x1C000] =	vst v63  }
0x139: {  	s24 =	rddreg [dreg:$0xc]  }
0x13a: {  	[tilespmem:s14], [sflag:$0x4] =	stream.linear.gather [hbm4b:s24+s3], $0x100, $0x38;
	[tilespmem:$0x1C000] =	vst v63  }
0x13b: {  	_ =	swait.ge [sflag:s15], $0x4000  }
0x13c: {  	[sflag:s15] =	ssyncset.done $0x0  }
0x13d: {  	[sflag:s15] =	ssyncadd.s32 $0xFFFFC000  }
0x13e: {  	_ =	swait.ge [sflag:s16], $0x100  }
0x13f: {  	[sflag:s16] =	ssyncset.done $0x0  }
0x140: {  	[sflag:s16] =	ssyncadd.s32 $0xFFFFFF00  }
0x141: {  	[tilespmem:s30], [sflag:$0x5] =	stream.indirect.gather [hbm4b:s4+s29], $0x80, s11, s29, $0xb8;
	[tilespmem:$0x1C000] =	vst v63  }
0x142: {  	_ =	swait.ge [sflag:s9], $0x4000  }
0x143: {  	[sflag:s9] =	ssyncset.done $0x0  }
0x144: {  	[sflag:s9] =	ssyncadd.s32 $0xFFFFC000  }
0x145: {  	[spmem:s2] =	stream.indirect.scatter.add.f32 [tilespmem:s0], [sflag:$0x8], $0x80, s10, s29, $0xb8;
	[tilespmem:$0x1C000] =	vst v63  }
0x146: {  	s24 =	rddreg [dreg:$0xd]  }
0x147: {  	[tilespmem:s3], [sflag:$0x1] =	stream.linear.gather [hbm4b:s24+s3], $0x100, $0x38;
	[tilespmem:$0x1C000] =	vst v63  }
0x148: {  	_ =	swait.ge [sflag:s5], $0x4000  }
0x149: {  	[sflag:s5] =	ssyncset.done $0x0  }
0x14a: {  	[sflag:s5] =	ssyncadd.s32 $0xFFFFC000  }
0x14b: {  	_ =	swait.ge [sflag:s18], $0x100  }
0x14c: {  	[sflag:s18] =	ssyncset.done $0x0  }
0x14d: {  	[sflag:s18] =	ssyncadd.s32 $0xFFFFFF00  }
0x14e: {  	[tilespmem:s0], [sflag:$0x6] =	stream.indirect.gather [hbm4b:s4+s29], $0x80, s14, s29, $0xb8;
	[tilespmem:$0x1C000] =	vst v63  }
0x14f: {  	_ =	swait.ge [sflag:s1], $0x4000  }
0x150: {  	[sflag:s1] =	ssyncset.done $0x0  }
0x151: {  	[sflag:s1] =	ssyncadd.s32 $0xFFFFC000  }
0x152: {  	[spmem:s2] =	stream.indirect.scatter.add.f32 [tilespmem:s30], [sflag:$0x7], $0x80, s20, s29, $0xb8;
	[tilespmem:$0x1C000] =	vst v63  }
0x153: {  	s24 =	rddreg [dreg:$0xe]  }
0x154: {  	[tilespmem:s31], [sflag:$0x2] =	stream.linear.gather [hbm4b:s24+s3], $0x100, $0x38;
	[tilespmem:$0x1C000] =	vst v63  }
0x155: {  	_ =	swait.ge [sflag:s15], $0x4000  }
0x156: {  	[sflag:s15] =	ssyncset.done $0x0  }
0x157: {  	[sflag:s15] =	ssyncadd.s32 $0xFFFFC000  }
0x158: {  	_ =	swait.ge [sflag:s12], $0x100  }
0x159: {  	[sflag:s12] =	ssyncset.done $0x0  }
0x15a: {  	[sflag:s12] =	ssyncadd.s32 $0xFFFFFF00  }
0x15b: {  	[tilespmem:s30], [sflag:$0x5] =	stream.indirect.gather [hbm4b:s4+s29], $0x80, s3, s29, $0xb8;
	[tilespmem:$0x1C000] =	vst v63  }
0x15c: {  	_ =	swait.ge [sflag:s9], $0x4000  }
0x15d: {  	[sflag:s9] =	ssyncset.done $0x0  }
0x15e: {  	[sflag:s9] =	ssyncadd.s32 $0xFFFFC000  }
0x15f: {  	[spmem:s2] =	stream.indirect.scatter.add.f32 [tilespmem:s0], [sflag:$0x8], $0x80, s23, s29, $0xb8;
	[tilespmem:$0x1C000] =	vst v63  }
0x160: {  	s24 =	rddreg [dreg:$0xf]  }
0x161: {  	[tilespmem:s11], [sflag:$0x3] =	stream.linear.gather [hbm4b:s24+s3], $0x100, $0x38;
	[tilespmem:$0x1C000] =	vst v63  }
0x162: {  	_ =	swait.ge [sflag:s5], $0x4000  }
0x163: {  	[sflag:s5] =	ssyncset.done $0x0  }
0x164: {  	[sflag:s5] =	ssyncadd.s32 $0xFFFFC000  }
0x165: {  	_ =	swait.ge [sflag:s13], $0x100  }
0x166: {  	[sflag:s13] =	ssyncset.done $0x0  }
0x167: {  	[sflag:s13] =	ssyncadd.s32 $0xFFFFFF00  }
0x168: {  	[tilespmem:s0], [sflag:$0x6] =	stream.indirect.gather [hbm4b:s4+s29], $0x80, s31, s29, $0xb8;
	[tilespmem:$0x1C000] =	vst v63  }
0x169: {  	_ =	swait.ge [sflag:s1], $0x4000  }
0x16a: {  	[sflag:s1] =	ssyncset.done $0x0  }
0x16b: {  	[sflag:s1] =	ssyncadd.s32 $0xFFFFC000  }
0x16c: {  	[spmem:s2] =	stream.indirect.scatter.add.f32 [tilespmem:s30], [sflag:$0x7], $0x80, s29, s29, $0xb8;
	[tilespmem:$0x1C000] =	vst v63  }
0x16d: {  	s24 =	rddreg [dreg:$0x10]  }
0x16e: {  	[tilespmem:s14], [sflag:$0x4] =	stream.linear.gather [hbm4b:s24+s3], $0x100, $0x38;
	[tilespmem:$0x1C000] =	vst v63  }
0x16f: {  	_ =	swait.ge [sflag:s15], $0x4000  }
0x170: {  	[sflag:s15] =	ssyncset.done $0x0  }
0x171: {  	[sflag:s15] =	ssyncadd.s32 $0xFFFFC000  }
0x172: {  	_ =	swait.ge [sflag:s16], $0x100  }
0x173: {  	[sflag:s16] =	ssyncset.done $0x0  }
0x174: {  	[sflag:s16] =	ssyncadd.s32 $0xFFFFFF00  }
0x175: {  	[tilespmem:s30], [sflag:$0x5] =	stream.indirect.gather [hbm4b:s4+s29], $0x80, s11, s29, $0xb8;
	[tilespmem:$0x1C000] =	vst v63  }
0x176: {  	_ =	swait.ge [sflag:s9], $0x4000  }
0x177: {  	[sflag:s9] =	ssyncset.done $0x0  }
0x178: {  	[sflag:s9] =	ssyncadd.s32 $0xFFFFC000  }
0x179: {  	[spmem:s2] =	stream.indirect.scatter.add.f32 [tilespmem:s0], [sflag:$0x8], $0x80, s10, s29, $0xb8;
	[tilespmem:$0x1C000] =	vst v63  }
0x17a: {  	_ =	swait.ge [sflag:s5], $0x4000  }
0x17b: {  	[sflag:s5] =	ssyncset.done $0x0  }
0x17c: {  	[sflag:s5] =	ssyncadd.s32 $0xFFFFC000  }
0x17d: {  	_ =	swait.ge [sflag:s18], $0x100  }
0x17e: {  	[sflag:s18] =	ssyncset.done $0x0  }
0x17f: {  	[sflag:s18] =	ssyncadd.s32 $0xFFFFFF00  }
0x180: {  	[tilespmem:s0], [sflag:$0x6] =	stream.indirect.gather [hbm4b:s4+s29], $0x80, s14, s29, $0xb8;
	[tilespmem:$0x1C000] =	vst v63  }
0x181: {  	_ =	swait.ge [sflag:s1], $0x4000  }
0x182: {  	[sflag:s1] =	ssyncset.done $0x0  }
0x183: {  	[sflag:s1] =	ssyncadd.s32 $0xFFFFC000  }
0x184: {  	[spmem:s2] =	stream.indirect.scatter.add.f32 [tilespmem:s30], [sflag:$0x7], $0x80, s20, s29, $0xb8;
	[tilespmem:$0x1C000] =	vst v63  }
0x185: {  	_ =	swait.ge [sflag:s15], $0x4000  }
0x186: {  	[sflag:s15] =	ssyncset.done $0x0  }
.Ltmp6:
0x187: {  	[sflag:s15] =	ssyncadd.s32 $0xFFFFC000;
	(pc) =	sbr.rel .LBB2_8-.Ltmp6, $4  }
0x188: {  	_ =	swait.ge [sflag:s9], $0x4000  }
0x189: {  	[sflag:s9] =	ssyncset.done $0x0  }
0x18a: {  	[sflag:s9] =	ssyncadd.s32 $0xFFFFC000  }
0x18b: {  	[spmem:s2] =	stream.indirect.scatter.add.f32 [tilespmem:s0], [sflag:$0x8], $0x80, s23, s29, $0xb8;
	[tilespmem:$0x1C000] =	vst v63  }
.LBB2_9:
0x18c: {  	_ =	sfence.sel $0x180000  }
0x18d: {  	[bflag:$0x0] =	sbarrier.arrive $0xFFFF  }
0x18e: {  	_ =	strace $0x9000004A  }
0x18f: {  	s0 =	stileid.u32;
	[bflag:$0x2] =	sbarrier.arrive $0xFFFF  }
0x190: {  	p0 =	sne.s32 s0, $0x0;
	s0 =	rddreg [dreg:$0x2]  }
0x191: {  	s0 =	sadd.s32 @!p0 $0x100000, s0  }
0x192: {  	[sflag:s0] =	ssyncadd.tile.s32 @!p0 $0x1;
	_ =	shalt  }
.Lfunc_end2:
_tile_overlayer_lowered:
.L_overlay_start_2:
0x193: {  	(tag) =	ssettag $0x2  }
0x194: {  	s0 =	rddreg [dreg:$0x0];
	s2 =	stileid.u32  }
0x195: {  	s1 =	rddreg [dreg:$0x1];
	p0 =	sne.s32 s2, $0x0  }
0x196: {  	s3 =	rddreg [dreg:$0x2];
	[bflag:$0x3] =	sbarrier.arrive $0xFFFF;
	s2 =	simm.s32 @!p0 $0x1C09  }
0x197: {  	[timem:s3], [sflag:s2] =	dma.local @!p0 [hbm:s0], s1  }
0x198: {  	s0 =	simm.s32 @!p0 $0x9  }
0x199: {  	_ =	swait.ge @!p0 [sflag:s0], s1  }
0x19a: {  	s1 =	ssub.s32 @!p0 $0x0, s1;
	[sflag:s0] =	ssyncset.done @!p0 $0x0  }
0x19b: {  	[sflag:s0] =	ssyncadd.s32 @!p0 s1  }
0x19c: {  	[bflag:$0x3] =	sbarrier.arrive $0xFFFF  }
0x19d: {  	_ =	shalt  }

// kernel: kernel.15.cloned.1.call-start
scs
__scs_entry_jumppad:
0x0: {  	(pc) =	sbr.rel $0x88, $3  }
0x1: {  	(tag) =	ssettag $0x0;
	lr =	simm.s32 $0x1  }
0x2: {  	[smem:$0x3F9A] =	sst lr;
	_ =	strace $0xD0000000  }
0x3: {  	_ = 	snop  }
0x4: {  	_ = 	snop  }
0x5: {  	_ = 	snop  }
0x6: {  	_ = 	snop  }
0x7: {  	_ = 	snop  }
__scs_overlays_trampoline_lowered:
0x8: {  	[smem:$0x3FA9] =	sst s0  }
0x9: {  	[smem:$0x3FAA] =	sst s1  }
0xa: {  	[smem:$0x3FAB] =	sst s2  }
0xb: {  	[smem:$0x3FAC] =	sst s3  }
0xc: {  	[smem:$0x3FAD] =	sst s4  }
0xd: {  	[smem:$0x3FAE] =	sst s5  }
0xe: {  	[smem:$0x3FAF] =	sst s6  }
0xf: {  	[smem:$0x3FB0] =	sst s7  }
0x10: {  	[smem:$0x3FB1] =	sst s8  }
0x11: {  	[smem:$0x3FB2] =	sst s9;
	s0 =	simm.s32 @!p0 $0x0  }
0x12: {  	s1 =	sld [smem:$0x3F98];
	s0 =	simm.s32 @p0 $0x1  }
0x13: {  	[smem:$0x3FB3] =	sst s0;
	s0 =	simm.s32 @!p1 $0x0  }
0x14: {  	s2 =	sld [smem:$0x3F97];
	s0 =	simm.s32 @p1 $0x1  }
0x15: {  	[smem:$0x3FB4] =	sst s0;
	s0 =	simm.s32 @!p2 $0x0  }
0x16: {  	s3 =	sld [smem:$0x3FDB];
	s0 =	simm.s32 @p2 $0x1  }
0x17: {  	s4 =	simm.s32 $0x1BF5;
	[smem:$0x3FB6] =	sst s0  }
0x18: {  	s0 =	sld [smem:$0x3F99];
	_ =	swait.ge [sflag:s4], $0x0  }
0x19: {  	s7 =	sld [smem:$0x3F9A]  }
0x1a: {  	s8 =	sadd.s32 $0xFFFFE003, lr  }
0x1b: {  	s9 =	sadd.s32 $0xFFFFFEF7, lr;
	s5 =	simm.s32 $0xFFFFFFFF;
	p2 =	slt.u32 s8, $0xFFFFF086  }
0x1c: {  	p1 =	slt.u32 s9, $0xF7A;
	s5 =	simm.s32 @!p2 $0x0  }
0x1d: {  	s5 =	simm.s32 @p1 $0x1;
	p0 =	seq.s32 s7, s2  }
0x1e: {  	s7 =	smul.u32 @!p0 $0xF7A, s2;
	p2 =	seq.s32 @!p0 s5, $0x0  }
0x1f: {  	s9 =	smul.u32 $0xF7A, s1;
	s8 =	simm.s32 @!p0 $0x1BF5;
	p2 =	por !p2, p0  }
0x20: {  	[sflag:s8] =	ssyncset.s32 @!p0 $0xFFFFF086;
	s6 =	sadd.s32 @!p0 s3, s7;
	s7 =	simm.s32 @!p0 $0x108  }
0x21: {  	s3 =	sadd.s32 s3, s9;
	s6 =	sadd.s32 @!p0 $0x88, s6;
	s7 =	simm.s32 @p2 $0x1082  }
0x22: {  	[simem:s7], [sflag:s8] =	dma.local @!p0 [hbm:s6], $0xF7A  }
0x23: {  	s9 =	sor.u32 $0xD0000000, s2;
	s6 =	simm.s32 $0x108;
	_ =	swait.ge @!p0 [sflag:s8], $0x0  }
0x24: {  	s3 =	sadd.s32 $0x88, s3;
	s6 =	simm.s32 @!p1 $0x1082;
	[sflag:s4] =	ssyncset.s32 $0xFFFFF086  }
0x25: {  	[simem:s6], [sflag:s4] =	dma.local [hbm:s3], $0xF7A  }
0x26: {  	[smem:$0x3F9A] =	sst s1;
	(tag) =	ssettag s2;
	_ =	strace s9  }
0x27: {  	s1 =	sld [smem:$0x3FAA]  }
0x28: {  	s2 =	sld [smem:$0x3FAB]  }
0x29: {  	s4 =	sld [smem:$0x3FAD]  }
0x2a: {  	p0 =	seq.s32 s5, $0x0;
	s5 =	sld [smem:$0x3FAE]  }
0x2b: {  	s6 =	sld [smem:$0x3FAF]  }
0x2c: {  	s7 =	sld [smem:$0x3FB0]  }
0x2d: {  	s3 =	simm.s32 $0x108;
	s8 =	sld [smem:$0x3FB1]  }
0x2e: {  	s3 =	simm.s32 @!p0 $0x1082;
	s9 =	sld [smem:$0x3FB2]  }
0x2f: {  	lr =	sadd.s32 s0, s3;
	s0 =	sld [smem:$0x3FA9]  }
0x30: {  	s3 =	sld [smem:$0x3FAC]  }
0x31: {  	[smem:$0x3FB5] =	sst s10  }
0x32: {  	s10 =	sld [smem:$0x3FB3];
	_ =	sdelay $0x3  }
0x33: {  	p0 =	seq.s32 s10, $0x1;
	s10 =	sld [smem:$0x3FB5];
	_ =	sdelay $0x3  }
0x34: {  	[smem:$0x3FB5] =	sst s10  }
0x35: {  	s10 =	sld [smem:$0x3FB4];
	_ =	sdelay $0x3  }
0x36: {  	p1 =	seq.s32 s10, $0x1;
	s10 =	sld [smem:$0x3FB5];
	_ =	sdelay $0x3  }
0x37: {  	[smem:$0x3FB5] =	sst s10  }
0x38: {  	s10 =	sld [smem:$0x3FB6]  }
0x39: {  	_ = 	snop;
	(pc) =	sbr.ind lr, $3  }
0x3a: {  	_ = 	snop  }
0x3b: {  	_ = 	snop  }
0x3c: {  	p2 =	seq.s32 s10, $0x1;
	s10 =	sld [smem:$0x3FB5]  }
0x3d: {  	_ =	shalt  }
0x3e: {  	_ =	shalt  }
0x3f: {  	_ =	shalt  }
0x40: {  	_ =	shalt  }
0x41: {  	_ =	shalt  }
0x42: {  	_ =	shalt  }
0x43: {  	_ =	shalt  }
0x44: {  	_ =	shalt  }
0x45: {  	_ =	shalt  }
0x46: {  	_ =	shalt  }
0x47: {  	_ =	shalt  }
0x48: {  	_ =	shalt  }
0x49: {  	_ =	shalt  }
0x4a: {  	_ =	shalt  }
0x4b: {  	_ =	shalt  }
0x4c: {  	_ =	shalt  }
0x4d: {  	_ =	shalt  }
0x4e: {  	_ =	shalt  }
0x4f: {  	_ =	shalt  }
0x50: {  	_ =	shalt  }
0x51: {  	_ =	shalt  }
0x52: {  	_ =	shalt  }
0x53: {  	_ =	shalt  }
0x54: {  	_ =	shalt  }
0x55: {  	_ =	shalt  }
0x56: {  	_ =	shalt  }
0x57: {  	_ =	shalt  }
0x58: {  	_ =	shalt  }
0x59: {  	_ =	shalt  }
0x5a: {  	_ =	shalt  }
0x5b: {  	_ =	shalt  }
0x5c: {  	_ =	shalt  }
0x5d: {  	_ =	shalt  }
0x5e: {  	_ =	shalt  }
0x5f: {  	_ =	shalt  }
0x60: {  	_ =	shalt  }
0x61: {  	_ =	shalt  }
0x62: {  	_ =	shalt  }
0x63: {  	_ =	shalt  }
0x64: {  	_ =	shalt  }
0x65: {  	_ =	shalt  }
0x66: {  	_ =	shalt  }
0x67: {  	_ =	shalt  }
0x68: {  	_ =	shalt  }
0x69: {  	_ =	shalt  }
0x6a: {  	_ =	shalt  }
0x6b: {  	_ =	shalt  }
0x6c: {  	_ =	shalt  }
0x6d: {  	_ =	shalt  }
0x6e: {  	_ =	shalt  }
0x6f: {  	_ =	shalt  }
0x70: {  	_ =	shalt  }
0x71: {  	_ =	shalt  }
0x72: {  	_ =	shalt  }
0x73: {  	_ =	shalt  }
0x74: {  	_ =	shalt  }
0x75: {  	_ =	shalt  }
0x76: {  	_ =	shalt  }
0x77: {  	_ =	shalt  }
0x78: {  	_ =	shalt  }
0x79: {  	_ =	shalt  }
0x7a: {  	_ =	shalt  }
0x7b: {  	_ =	shalt  }
0x7c: {  	_ =	shalt  }
0x7d: {  	_ =	shalt  }
0x7e: {  	_ =	shalt  }
0x7f: {  	_ =	shalt  }
0x80: {  	_ =	shalt  }
0x81: {  	_ =	shalt  }
0x82: {  	_ =	shalt  }
0x83: {  	_ =	shalt  }
0x84: {  	_ =	shalt  }
0x85: {  	_ =	shalt  }
0x86: {  	_ =	shalt  }
0x87: {  	_ =	shalt  }
.Lfunc_end0:
.L_simem_size_0:
called_computation.2_lowered:
.L_overlay_start_0:
0x88: {  	s2 =	sld [smem:$0x3FD9]  }
0x89: {  	s3 =	sld [smem:$0x3FFE];
	_ =	sdelay $0x1  }
0x8a: {  	s1 =	srdreg.scid  }
0x8b: {  	s0 =	sand.u32 $0x1, s1  }
0x8c: {  	s16 =	sshll.u32 s0, $0xA;
	s2 =	sadd.s32 s3, s2  }
0x8d: {  	s2 =	sadd.s32 s2, s16  }
0x8e: {  	[smem:$0x3FC1] =	sst s2  }
0x8f: {  	_ = 	snop  }
0x90: {  	(tm) =	ssettm $0x1  }
0x91: {  	s17 =	sld [smem:$0x3FFB];
	_ =	sdelay $0x3  }
0x92: {  	_ =	strace s17  }
0x93: {  	s2 =	sld [smem:$0x3FFC];
	_ =	sdelay $0x3  }
0x94: {  	_ =	strace s2  }
0x95: {  	s2 =	sld [smem:$0x3FFD];
	_ =	sdelay $0x3  }
0x96: {  	_ =	strace s2  }
0x97: {  	_ =	strace $0x8FFFFFFF  }
0x98: {  	s18 =	sld [smem:$0x3FDB];
	_ =	sdelay $0x1  }
0x99: {  	s19 =	simm.s32 $_scs_section_size  }
0x9a: {  	s4 =	simm.s32 $_size__tile_overlayer_lowered;
	s5 =	simm.s32 $_tile_overlayer_lowered  }
0x9b: {  	s22 =	simm.s32 $0x1BFF;
	s21 =	sshll.u32 s5, $0x1;
	s2 =	sadd.s32 s19, s18  }
0x9c: {  	s6 =	simm.s32 $0x0;
	s20 =	sshll.u32 s4, $0x1;
	s4 =	sadd.s32 s21, s2  }
0x9d: {  	[timem:s6], [sflag:s22] =	dma.local [hbm:s4], s20  }
0x9e: {  	_ =	swait.ge [sflag:s22], s20  }
0x9f: {  	s3 =	ssub.s32 $0x0, s20;
	[sflag:s22] =	ssyncset.done $0x0  }
0xa0: {  	[sflag:s22] =	ssyncadd.s32 s3;
	_ =	sdelay $0x1  }
0xa1: {  	s23 =	simm.s32 $0x1B8B  }
0xa2: {  	_ =	swait.ge [sflag:s23], $0x1  }
0xa3: {  	[sflag:s23] =	ssyncset.done $0x0  }
0xa4: {  	s25 =	simm.s32 $0x1B8E;
	s24 =	sld [smem:$0x3FFE];
	[sflag:s23] =	ssyncadd.s32 $0xFFFFFFFF  }
0xa5: {  	s26 =	simm.s32 $execute0_lowered;
	[smem:$0x3FD2] =	sst s25  }
0xa6: {  	s4 =	sshll.u32 s26, $0x1;
	_ =	strace $0x8000004C;
	[dreg:$0x1] =	wrdreg $0xFFFFFFFF  }
0xa7: {  	s28 =	simm.s32 $_size_execute0_lowered;
	s2 =	sadd.s32 s2, s4;
	[dreg:$0x0] =	wrdreg $0x0  }
0xa8: {  	s4 =	sshll.u32 s28, $0x1;
	[dreg:$0x2] =	wrdreg s2  }
0xa9: {  	[dreg:$0x3] =	wrdreg s4  }
0xaa: {  	[dreg:$0x4] =	wrdreg $0xC0  }
0xab: {  	_ =	task [dreg:s6], $0x5FFFF  }
0xac: {  	[dreg:$0x1] =	wrdreg $0xFFFFFFFF  }
0xad: {  	[dreg:$0x0] =	wrdreg $0x60  }
0xae: {  	[dreg:$0x2] =	wrdreg s24  }
0xaf: {  	[dreg:$0x3] =	wrdreg $0x84000  }
0xb0: {  	[dreg:$0x4] =	wrdreg $0x9  }
0xb1: {  	_ =	task.clear_ibuf [dreg:s6], $0x5FFFF;
	_ =	strace $0x9000004C  }
0xb2: {  	s29 =	simm.s32 $0x9;
	_ =	strace $0x8000004E  }
0xb3: {  	_ =	swait.ge [sflag:s29], $0x1  }
0xb4: {  	[sflag:s29] =	ssyncadd.s32 $0xFFFFFFFF  }
0xb5: {  	_ =	strace $0x9000004E  }
0xb6: {  	_ =	sfence  }
0xb7: {  	s30 =	sld [smem:$0x0];
	_ =	sdelay $0x2  }
0xb8: {  	s31 =	sshll.u32 s1, $0xD;
	s1 =	sshrl.u32 s1, $0x2  }
0xb9: {  	s3 =	sand.u32 $0x4000, s31;
	s1 =	sadd.s32 s1, s30  }
0xba: {  	s0 =	sor.u32 s3, s0;
	s1 =	sshll.u32 s1, $0x11  }
0xbb: {  	s0 =	sor.u32 s1, s0  }
0xbc: {  	s0 =	sadd.s32 $0x8F2B, s0  }
0xbd: {  	[sflag:s0] =	ssyncadd.remote.s32 $0x1  }
0xbe: {  	_ =	sfence.sel $0xFFFF  }
0xbf: {  	[dreg:$0x0] =	wrdreg $0xFFFFFFFF;
	(pc) =	sbr.abs _section_cstart, $3  }
0xc0: {  	[dreg:$0x1] =	wrdreg $0xFFFFFFFF  }
0xc1: {  	_ =	task.clear_ibuf [dreg:s6], $0x2FFFF;
	_ =	strace $0x9FFFFFFF  }
0xc2: {  	(tm) =	ssettm $0x7FFFFFFF  }
0xc3: {  	_ =	shalt  }
tec
execute0_lowered:
.L_overlay_start_1:
0x0: {  	(tag) =	ssettag $0x1  }
0x1: {  	s0 =	rddreg [dreg:$0x0]  }
0x2: {  	s2 =	rddreg [dreg:$0x1];
	s3 =	simm.s32 $0x0  }
0x3: {  	s13 =	stileid.u32;
	s4 =	srdreg.scid;
	s28 =	simm.s32 $0x9  }
0x4: {  	s29 =	simm.s32 $0x80;
	s30 =	simm.s32 $0x400;
	s1 =	smul.u32 $0x13C00, s13  }
0x5: {  	s31 =	simm.s32 $0x100;
	[smem:$0x7FF] =	sst s3;
	s10 =	smul.u32 $0x4F000, s13  }
0x6: {  	s5 =	sand.u32 $0x1, s4;
	s6 =	sadd.s32 $0x89800, s0;
	s12 =	smul.u32 $0x7000, s13  }
0x7: {  	s9 =	sadd.s32 $0x83E00, s0;
	s4 =	sadd.s32 $0x34600, s0;
	s20 =	smul.u32 $0x2D00, s13  }
0x8: {  	_ =	strace $0x8000004D;
	s8 =	smul.u32 $0x13C000, s5;
	s22 =	ssub.s32 $0x2, s5  }
0x9: {  	p0 =	seq.s32 s5, $0x1;
	s7 =	sshrl.u32 s1, $0x3;
	s23 =	sshrl.u32 s10, $0x2  }
0xa: {  	s25 =	sshrl.u32 s12, $0x3;
	s1 =	sadd.s32 s1, s8;
	s8 =	sadd.s32 s23, s2  }
0xb: {  	s5 =	sshrl.u32 s20, $0x3;
	s26 =	sadd.s32 s6, s25;
	[dreg:$0x3] =	wrdreg s8  }
0xc: {  	s7 =	sadd.s32 s7, s0;
	s5 =	sadd.s32 s9, s5;
	[dreg:$0x5] =	wrdreg s26  }
0xd: {  	s24 =	sshll.u32 s13, $0x6;
	s7 =	sadd.s32 $0xCE00, s7;
	[dreg:$0x11] =	wrdreg s5  }
0xe: {  	s11 =	sshrl.u32 s22, $0x1;
	s12 =	sadd.s32 $0x20, s26;
	[dreg:$0x4] =	wrdreg s7  }
0xf: {  	s20 =	simm.s32 $0x280;
	s14 =	sadd.s32 $0x40, s26;
	[dreg:$0x6] =	wrdreg s12  }
0x10: {  	s23 =	smul.u32 $0xE00, s13;
	s15 =	sadd.s32 $0x60, s26;
	[dreg:$0x7] =	wrdreg s14  }
0x11: {  	s1 =	sshrl.u32 s1, $0x3;
	s16 =	sadd.s32 $0x80, s26;
	[dreg:$0x8] =	wrdreg s15  }
0x12: {  	s17 =	sadd.s32 $0xA0, s26;
	s18 =	sadd.s32 $0xC0, s26;
	[dreg:$0x9] =	wrdreg s16  }
0x13: {  	s19 =	sadd.s32 $0xD60, s26;
	s21 =	sadd.s32 $0xD80, s26;
	[dreg:$0xa] =	wrdreg s17  }
0x14: {  	s10 =	sadd.s32 $0xDC0, s26;
	s25 =	sadd.s32 $0xDE0, s26;
	[dreg:$0xb] =	wrdreg s18  }
0x15: {  	s0 =	sadd.s32 s1, s0;
	s1 =	ssub.s32 s22, s11;
	[dreg:$0xc] =	wrdreg s19  }
0x16: {  	s7 =	sor.u32 $0x1C09, s24;
	[dreg:$0xd] =	wrdreg s21;
	s22 =	sadd.s32 $0xDA0, s26  }
0x17: {  	[dreg:$0xf] =	wrdreg s10;
	s24 =	smul.u32 $0x5A0, s13;
	s19 =	sadd.s32 s23, s6  }
0x18: {  	[dreg:$0x10] =	wrdreg s25;
	s26 =	sadd.s32 $0x20, s5;
	s10 =	simm.s32 $0x180  }
0x19: {  	s11 =	simm.s32 $0x200;
	s12 =	simm.s32 $0x1;
	s13 =	simm.s32 $0x2  }
0x1a: {  	s14 =	simm.s32 $0x300;
	s15 =	simm.s32 $0x7;
	s16 =	simm.s32 $0x3  }
.Ltmp0:
0x1b: {  	s17 =	simm.s32 $0x8;
	s18 =	simm.s32 $0x4;
	(pc) =	sbr.rel .LBB2_1-.Ltmp0, $4  }
0x1c: {  	s23 =	simm.s32 $0x380;
	s21 =	simm.s32 $0x0;
	[dreg:$0xe] =	wrdreg s22  }
0x1d: {  	[dreg:$0x12] =	wrdreg s26;
	s0 =	sadd.s32 $0x97800, s0;
	s25 =	smax.u32 s1, $0x1  }
0x1e: {  	s26 =	sadd.s32 $0x580, s5;
	s1 =	simm.s32 $0x5;
	s22 =	sadd.s32 s24, s9  }
0x1f: {  	[dreg:$0x13] =	wrdreg s0;
	s0 =	simm.s32 $0x4400;
	s9 =	simm.s32 $0x6  }
.LBB2_7:
0x20: {  	[sflag:s28] =	ssyncadd.s32 $0xFFFFFF00  }
0x21: {  	[tilespmem:s0], [sflag:$0x6] =	stream.indirect.gather [hbm4b:s4+s29], $0x80, s31, s29, $0xb8;
	[tilespmem:$0x1C000] =	vst v63  }
0x22: {  	_ =	swait.ge [sflag:s1], $0x4000  }
0x23: {  	[sflag:s1] =	ssyncset.done $0x0  }
0x24: {  	s5 =	simm.s32 $0x9;
	[sflag:s1] =	ssyncadd.s32 $0xFFFFC000  }
0x25: {  	[spmem:s2] =	stream.indirect.scatter.add.f32 [tilespmem:s30], [sflag:$0x9], $0x80, s29, s29, $0xb8;
	[tilespmem:$0x1C000] =	vst v63  }
0x26: {  	_ =	swait.ge [sflag:s5], $0x4000  }
0x27: {  	[sflag:s5] =	ssyncset.done $0x0  }
0x28: {  	[sflag:s5] =	ssyncadd.s32 $0xFFFFC000  }
0x29: {  	[tilespmem:s3], [sflag:$0x9] =	stream.linear.gather [hbm4b:s26+s3], $0x100, $0x38;
	[tilespmem:$0x1C000] =	vst v63  }
0x2a: {  	_ =	swait.ge [sflag:s5], $0x100  }
0x2b: {  	[sflag:s5] =	ssyncset.done $0x0  }
0x2c: {  	[sflag:s5] =	ssyncadd.s32 $0xFFFFFF00  }
0x2d: {  	[tilespmem:s30], [sflag:$0x5] =	stream.indirect.gather [hbm4b:s4+s29], $0x80, s3, s29, $0xb8;
	[tilespmem:$0x1C000] =	vst v63  }
0x2e: {  	_ =	swait.ge [sflag:s9], $0x4000  }
0x2f: {  	[sflag:s9] =	ssyncset.done $0x0  }
0x30: {  	[sflag:s9] =	ssyncadd.s32 $0xFFFFC000  }
0x31: {  	[spmem:s2] =	stream.indirect.scatter.add.f32 [tilespmem:s0], [sflag:$0x9], $0x80, s10, s29, $0xb8;
	[tilespmem:$0x1C000] =	vst v63  }
0x32: {  	_ =	swait.ge [sflag:s5], $0x4000  }
0x33: {  	[sflag:s5] =	ssyncset.done $0x0  }
0x34: {  	[sflag:s5] =	ssyncadd.s32 $0xFFFFC000  }
0x35: {  	[tilespmem:s31], [sflag:$0x9] =	stream.linear.gather [hbm4b:s26+s3], $0x100, $0x38;
	[tilespmem:$0x1C000] =	vst v63  }
0x36: {  	_ =	swait.ge [sflag:s5], $0x100  }
0x37: {  	[sflag:s5] =	ssyncset.done $0x0  }
0x38: {  	[sflag:s5] =	ssyncadd.s32 $0xFFFFFF00  }
0x39: {  	_ =	swait.ge [sflag:s1], $0x4000  }
0x3a: {  	[sflag:s1] =	ssyncset.done $0x0  }
0x3b: {  	[sflag:s1] =	ssyncadd.s32 $0xFFFFC000  }
0x3c: {  	[spmem:s2] =	stream.indirect.scatter.add.f32 [tilespmem:s30], [sflag:$0x9], $0x80, s29, s29, $0xb8;
	[tilespmem:$0x1C000] =	vst v63  }
.LBB2_8:
0x3d: {  	_ =	swait.ge [sflag:s5], $0x4000  }
0x3e: {  	[sflag:s5] =	ssyncset.done $0x0  }
0x3f: {  	s21 =	sadd.s32 $0x1, s21;
	[sflag:s5] =	ssyncadd.s32 $0xFFFFC000  }
0x40: {  	p1 =	sne.s32 s21, s25;
	[bflag:$0x0] =	sbarrier.arrive $0xFFFF  }
.Ltmp1:
0x41: {  	s24 =	rddreg [dreg:$0x13];
	(pc) =	sbr.rel @!p1 .LBB2_9-.Ltmp1, $4  }
0x42: {  	[hbm:s24], [sflag:s7] =	dma.local [spmem:s8], $0x2780  }
0x43: {  	_ =	swait.ge [sflag:s28], $0x2780  }
0x44: {  	[sflag:s28] =	ssyncset.done $0x0  }
0x45: {  	[sflag:s28] =	ssyncadd.s32 $0xFFFFD880  }
.LBB2_1:
0x46: {  	s5 =	rddreg [dreg:$0x3]  }
0x47: {  	s24 =	rddreg [dreg:$0x4];
	s8 =	sshrl.u32 s5, $0x3  }
0x48: {  	[spmem:s8], [sflag:s7] =	dma.local [hbm:s24], $0x2780  }
.Ltmp2:
0x49: {  	_ =	swait.ge [sflag:s28], $0x2780;
	(pc) =	sbr.rel @!p0 .LBB2_2-.Ltmp2, $3  }
0x4a: {  	[sflag:s28] =	ssyncset.done $0x0  }
0x4b: {  	[sflag:s28] =	ssyncadd.s32 $0xFFFFD880  }
0x4c: {  	[bflag:$0x0] =	sbarrier.arrive $0xFFFF;
	_ =	sdelay $0x1  }
0x4d: {  	s5 =	rddreg [dreg:$0x11]  }
0x4e: {  	[tilespmem:s3], [sflag:$0x9] =	stream.linear.gather [hbm4b:s5+s3], $0x100, $0x38;
	[tilespmem:$0x1C000] =	vst v63  }
0x4f: {  	_ =	swait.ge [sflag:s28], $0x100  }
0x50: {  	[sflag:s28] =	ssyncset.done $0x0  }
0x51: {  	[sflag:s28] =	ssyncadd.s32 $0xFFFFFF00  }
0x52: {  	[tilespmem:s30], [sflag:$0x5] =	stream.indirect.gather [hbm4b:s4+s29], $0x80, s3, s29, $0xb8;
	[tilespmem:$0x1C000] =	vst v63  }
0x53: {  	s6 =	rddreg [dreg:$0x12]  }
0x54: {  	[tilespmem:s31], [sflag:$0x9] =	stream.linear.gather [hbm4b:s6+s3], $0x100, $0x38;
	[tilespmem:$0x1C000] =	vst v63  }
0x55: {  	_ =	swait.ge [sflag:s28], $0x100  }
0x56: {  	[sflag:s28] =	ssyncset.done $0x0  }
0x57: {  	[sflag:s28] =	ssyncadd.s32 $0xFFFFFF00  }
0x58: {  	[tilespmem:s0], [sflag:$0x6] =	stream.indirect.gather [hbm4b:s4+s29], $0x80, s31, s29, $0xb8;
	[tilespmem:$0x1C000] =	vst v63  }
0x59: {  	_ =	swait.ge [sflag:s1], $0x4000  }
0x5a: {  	[sflag:s1] =	ssyncset.done $0x0  }
0x5b: {  	[sflag:s1] =	ssyncadd.s32 $0xFFFFC000  }
0x5c: {  	[spmem:s2] =	stream.indirect.scatter.add.f32 [tilespmem:s30], [sflag:$0x9], $0x80, s29, s29, $0xb8;
	[tilespmem:$0x1C000] =	vst v63  }
0x5d: {  	_ =	swait.ge [sflag:s28], $0x4000  }
0x5e: {  	s24 =	sadd.s32 $0xFFFFFAC0, s22;
	[sflag:s28] =	ssyncset.done $0x0  }
0x5f: {  	s6 =	sadd.s32 $0x580, s24;
	[sflag:s28] =	ssyncadd.s32 $0xFFFFC000  }
0x60: {  	[tilespmem:s3], [sflag:$0x9] =	stream.linear.gather [hbm4b:s6+s3], $0x100, $0x38;
	[tilespmem:$0x1C000] =	vst v63  }
0x61: {  	_ =	swait.ge [sflag:s28], $0x100  }
0x62: {  	[sflag:s28] =	ssyncset.done $0x0  }
0x63: {  	[sflag:s28] =	ssyncadd.s32 $0xFFFFFF00  }
0x64: {  	[tilespmem:s30], [sflag:$0x5] =	stream.indirect.gather [hbm4b:s4+s29], $0x80, s3, s29, $0xb8;
	[tilespmem:$0x1C000] =	vst v63  }
0x65: {  	_ =	swait.ge [sflag:s9], $0x4000  }
0x66: {  	[sflag:s9] =	ssyncset.done $0x0  }
0x67: {  	[sflag:s9] =	ssyncadd.s32 $0xFFFFC000  }
0x68: {  	[spmem:s2] =	stream.indirect.scatter.add.f32 [tilespmem:s0], [sflag:$0x9], $0x80, s10, s29, $0xb8;
	[tilespmem:$0x1C000] =	vst v63  }
0x69: {  	_ =	swait.ge [sflag:s28], $0x4000  }
0x6a: {  	[sflag:s28] =	ssyncset.done $0x0  }
0x6b: {  	s5 =	sadd.s32 $0x5A0, s24;
	[sflag:s28] =	ssyncadd.s32 $0xFFFFC000  }
0x6c: {  	[tilespmem:s31], [sflag:$0x9] =	stream.linear.gather [hbm4b:s5+s3], $0x100, $0x38;
	[tilespmem:$0x1C000] =	vst v63  }
0x6d: {  	_ =	swait.ge [sflag:s28], $0x100  }
0x6e: {  	s5 =	simm.s32 $0xFFFFFB00;
	[sflag:s28] =	ssyncset.done $0x0  }
.LBB2_6:
0x6f: {  	p1 =	sne.s32 s5, $0xFFFFFFC0  }
0x70: {  	[sflag:s28] =	ssyncadd.s32 $0xFFFFFF00;
	s6 =	smov.u32 s5;
	s5 =	sadd.s32 $0x40, s5  }
0x71: {  	[tilespmem:s0], [sflag:$0x6] =	stream.indirect.gather [hbm4b:s4+s29], $0x80, s31, s29, $0xb8;
	[tilespmem:$0x1C000] =	vst v63  }
0x72: {  	_ =	swait.ge [sflag:s1], $0x4000  }
0x73: {  	[sflag:s1] =	ssyncset.done $0x0  }
0x74: {  	[sflag:s1] =	ssyncadd.s32 $0xFFFFC000  }
0x75: {  	[spmem:s2] =	stream.indirect.scatter.add.f32 [tilespmem:s30], [sflag:$0x9], $0x80, s29, s29, $0xb8;
	[tilespmem:$0x1C000] =	vst v63  }
0x76: {  	_ =	swait.ge [sflag:s28], $0x4000  }
0x77: {  	s6 =	sadd.s32 s6, s22;
	[sflag:s28] =	ssyncset.done $0x0  }
0x78: {  	s24 =	sadd.s32 $0x580, s6;
	[sflag:s28] =	ssyncadd.s32 $0xFFFFC000  }
0x79: {  	[tilespmem:s3], [sflag:$0x9] =	stream.linear.gather [hbm4b:s24+s3], $0x100, $0x38;
	[tilespmem:$0x1C000] =	vst v63  }
0x7a: {  	_ =	swait.ge [sflag:s28], $0x100  }
0x7b: {  	[sflag:s28] =	ssyncset.done $0x0  }
0x7c: {  	[sflag:s28] =	ssyncadd.s32 $0xFFFFFF00  }
0x7d: {  	[tilespmem:s30], [sflag:$0x5] =	stream.indirect.gather [hbm4b:s4+s29], $0x80, s3, s29, $0xb8;
	[tilespmem:$0x1C000] =	vst v63  }
0x7e: {  	_ =	swait.ge [sflag:s9], $0x4000  }
0x7f: {  	[sflag:s9] =	ssyncset.done $0x0  }
0x80: {  	[sflag:s9] =	ssyncadd.s32 $0xFFFFC000  }
0x81: {  	[spmem:s2] =	stream.indirect.scatter.add.f32 [tilespmem:s0], [sflag:$0x9], $0x80, s10, s29, $0xb8;
	[tilespmem:$0x1C000] =	vst v63  }
0x82: {  	_ =	swait.ge [sflag:s28], $0x4000  }
.Ltmp3:
0x83: {  	[sflag:s28] =	ssyncset.done $0x0;
	(pc) =	sbr.rel @p1 .LBB2_6-.Ltmp3, $4  }
0x84: {  	s6 =	sadd.s32 $0x5A0, s6;
	[sflag:s28] =	ssyncadd.s32 $0xFFFFC000  }
0x85: {  	[tilespmem:s31], [sflag:$0x9] =	stream.linear.gather [hbm4b:s6+s3], $0x100, $0x38;
	[tilespmem:$0x1C000] =	vst v63  }
0x86: {  	_ =	swait.ge [sflag:s28], $0x100  }
0x87: {  	[sflag:s28] =	ssyncset.done $0x0  }
.Ltmp4:
0x88: {  	_ = 	snop;
	(pc) =	sbr.rel .LBB2_7-.Ltmp4, $1  }
0x89: {  	_ =	sdelay $0x3  }
.LBB2_2:
0x8a: {  	s5 =	rddreg [dreg:$0x5]  }
0x8b: {  	[tilespmem:s3], [sflag:$0x1] =	stream.linear.gather [hbm4b:s5+s3], $0x100, $0x38;
	[tilespmem:$0x1C000] =	vst v63  }
0x8c: {  	s24 =	rddreg [dreg:$0x6]  }
0x8d: {  	[tilespmem:s31], [sflag:$0x2] =	stream.linear.gather [hbm4b:s24+s3], $0x100, $0x38;
	[tilespmem:$0x1C000] =	vst v63  }
0x8e: {  	s6 =	rddreg [dreg:$0x7]  }
0x8f: {  	[tilespmem:s11], [sflag:$0x3] =	stream.linear.gather [hbm4b:s6+s3], $0x100, $0x38;
	[tilespmem:$0x1C000] =	vst v63  }
0x90: {  	_ =	swait.ge [sflag:s12], $0x100  }
0x91: {  	[sflag:s12] =	ssyncset.done $0x0  }
0x92: {  	[sflag:s12] =	ssyncadd.s32 $0xFFFFFF00  }
0x93: {  	[tilespmem:s30], [sflag:$0x5] =	stream.indirect.gather [hbm4b:s4+s29], $0x80, s3, s29, $0xb8;
	[tilespmem:$0x1C000] =	vst v63  }
0x94: {  	_ =	swait.ge [sflag:s13], $0x100  }
0x95: {  	[sflag:s13] =	ssyncset.done $0x0  }
0x96: {  	[sflag:s13] =	ssyncadd.s32 $0xFFFFFF00  }
0x97: {  	[tilespmem:s0], [sflag:$0x6] =	stream.indirect.gather [hbm4b:s4+s29], $0x80, s31, s29, $0xb8;
	[tilespmem:$0x1C000] =	vst v63  }
0x98: {  	_ =	swait.ge [sflag:s1], $0x4000  }
0x99: {  	[sflag:s1] =	ssyncset.done $0x0  }
0x9a: {  	[sflag:s1] =	ssyncadd.s32 $0xFFFFC000  }
0x9b: {  	[spmem:s2] =	stream.indirect.scatter.add.f32 [tilespmem:s30], [sflag:$0x7], $0x80, s29, s29, $0xb8;
	[tilespmem:$0x1C000] =	vst v63  }
0x9c: {  	s24 =	rddreg [dreg:$0x8]  }
0x9d: {  	[tilespmem:s14], [sflag:$0x4] =	stream.linear.gather [hbm4b:s24+s3], $0x100, $0x38;
	[tilespmem:$0x1C000] =	vst v63  }
0x9e: {  	_ =	swait.ge [sflag:s15], $0x4000  }
0x9f: {  	[sflag:s15] =	ssyncset.done $0x0  }
0xa0: {  	[sflag:s15] =	ssyncadd.s32 $0xFFFFC000  }
0xa1: {  	_ =	swait.ge [sflag:s16], $0x100  }
0xa2: {  	[sflag:s16] =	ssyncset.done $0x0  }
0xa3: {  	[sflag:s16] =	ssyncadd.s32 $0xFFFFFF00  }
0xa4: {  	[tilespmem:s30], [sflag:$0x5] =	stream.indirect.gather [hbm4b:s4+s29], $0x80, s11, s29, $0xb8;
	[tilespmem:$0x1C000] =	vst v63  }
0xa5: {  	_ =	swait.ge [sflag:s9], $0x4000  }
0xa6: {  	[sflag:s9] =	ssyncset.done $0x0  }
0xa7: {  	[sflag:s9] =	ssyncadd.s32 $0xFFFFC000  }
0xa8: {  	[spmem:s2] =	stream.indirect.scatter.add.f32 [tilespmem:s0], [sflag:$0x8], $0x80, s10, s29, $0xb8;
	[tilespmem:$0x1C000] =	vst v63  }
0xa9: {  	s6 =	rddreg [dreg:$0x9]  }
0xaa: {  	[tilespmem:s3], [sflag:$0x1] =	stream.linear.gather [hbm4b:s6+s3], $0x100, $0x38;
	[tilespmem:$0x1C000] =	vst v63  }
0xab: {  	_ =	swait.ge [sflag:s17], $0x4000  }
0xac: {  	[sflag:s17] =	ssyncset.done $0x0  }
0xad: {  	[sflag:s17] =	ssyncadd.s32 $0xFFFFC000  }
0xae: {  	_ =	swait.ge [sflag:s18], $0x100  }
0xaf: {  	[sflag:s18] =	ssyncset.done $0x0  }
0xb0: {  	[sflag:s18] =	ssyncadd.s32 $0xFFFFFF00  }
0xb1: {  	[tilespmem:s0], [sflag:$0x6] =	stream.indirect.gather [hbm4b:s4+s29], $0x80, s14, s29, $0xb8;
	[tilespmem:$0x1C000] =	vst v63  }
0xb2: {  	_ =	swait.ge [sflag:s1], $0x4000  }
0xb3: {  	[sflag:s1] =	ssyncset.done $0x0  }
0xb4: {  	[sflag:s1] =	ssyncadd.s32 $0xFFFFC000  }
0xb5: {  	[spmem:s2] =	stream.indirect.scatter.add.f32 [tilespmem:s30], [sflag:$0x7], $0x80, s20, s29, $0xb8;
	[tilespmem:$0x1C000] =	vst v63  }
0xb6: {  	s24 =	rddreg [dreg:$0xa]  }
0xb7: {  	[tilespmem:s31], [sflag:$0x2] =	stream.linear.gather [hbm4b:s24+s3], $0x100, $0x38;
	[tilespmem:$0x1C000] =	vst v63  }
0xb8: {  	_ =	swait.ge [sflag:s15], $0x4000  }
0xb9: {  	[sflag:s15] =	ssyncset.done $0x0  }
0xba: {  	[sflag:s15] =	ssyncadd.s32 $0xFFFFC000  }
0xbb: {  	_ =	swait.ge [sflag:s12], $0x100  }
0xbc: {  	[sflag:s12] =	ssyncset.done $0x0  }
0xbd: {  	[sflag:s12] =	ssyncadd.s32 $0xFFFFFF00  }
0xbe: {  	[tilespmem:s30], [sflag:$0x5] =	stream.indirect.gather [hbm4b:s4+s29], $0x80, s3, s29, $0xb8;
	[tilespmem:$0x1C000] =	vst v63  }
0xbf: {  	_ =	swait.ge [sflag:s9], $0x4000  }
0xc0: {  	[sflag:s9] =	ssyncset.done $0x0  }
0xc1: {  	[sflag:s9] =	ssyncadd.s32 $0xFFFFC000  }
0xc2: {  	[spmem:s2] =	stream.indirect.scatter.add.f32 [tilespmem:s0], [sflag:$0x8], $0x80, s23, s29, $0xb8;
	[tilespmem:$0x1C000] =	vst v63  }
0xc3: {  	s6 =	rddreg [dreg:$0xb]  }
0xc4: {  	[tilespmem:s11], [sflag:$0x3] =	stream.linear.gather [hbm4b:s6+s3], $0x100, $0x38;
	[tilespmem:$0x1C000] =	vst v63  }
0xc5: {  	_ =	swait.ge [sflag:s17], $0x4000  }
0xc6: {  	[sflag:s17] =	ssyncset.done $0x0  }
0xc7: {  	[sflag:s17] =	ssyncadd.s32 $0xFFFFC000  }
0xc8: {  	_ =	swait.ge [sflag:s13], $0x100  }
0xc9: {  	[sflag:s13] =	ssyncset.done $0x0  }
0xca: {  	[sflag:s13] =	ssyncadd.s32 $0xFFFFFF00  }
0xcb: {  	[tilespmem:s0], [sflag:$0x6] =	stream.indirect.gather [hbm4b:s4+s29], $0x80, s31, s29, $0xb8;
	[tilespmem:$0x1C000] =	vst v63  }
0xcc: {  	_ =	swait.ge [sflag:s1], $0x4000  }
0xcd: {  	[sflag:s1] =	ssyncset.done $0x0  }
0xce: {  	s6 =	sadd.s32 $0xFFFFF380, s19;
	[sflag:s1] =	ssyncadd.s32 $0xFFFFC000  }
0xcf: {  	[spmem:s2] =	stream.indirect.scatter.add.f32 [tilespmem:s30], [sflag:$0x7], $0x80, s29, s29, $0xb8;
	[tilespmem:$0x1C000] =	vst v63  }
0xd0: {  	s24 =	sadd.s32 $0xD60, s6  }
0xd1: {  	[tilespmem:s14], [sflag:$0x4] =	stream.linear.gather [hbm4b:s24+s3], $0x100, $0x38;
	[tilespmem:$0x1C000] =	vst v63  }
0xd2: {  	_ =	swait.ge [sflag:s15], $0x4000  }
0xd3: {  	[sflag:s15] =	ssyncset.done $0x0  }
0xd4: {  	[sflag:s15] =	ssyncadd.s32 $0xFFFFC000  }
0xd5: {  	_ =	swait.ge [sflag:s16], $0x100  }
0xd6: {  	[sflag:s16] =	ssyncset.done $0x0  }
0xd7: {  	[sflag:s16] =	ssyncadd.s32 $0xFFFFFF00  }
0xd8: {  	[tilespmem:s30], [sflag:$0x5] =	stream.indirect.gather [hbm4b:s4+s29], $0x80, s11, s29, $0xb8;
	[tilespmem:$0x1C000] =	vst v63  }
0xd9: {  	_ =	swait.ge [sflag:s9], $0x4000  }
0xda: {  	[sflag:s9] =	ssyncset.done $0x0  }
0xdb: {  	[sflag:s9] =	ssyncadd.s32 $0xFFFFC000  }
0xdc: {  	[spmem:s2] =	stream.indirect.scatter.add.f32 [tilespmem:s0], [sflag:$0x8], $0x80, s10, s29, $0xb8;
	[tilespmem:$0x1C000] =	vst v63  }
0xdd: {  	s24 =	sadd.s32 $0xD80, s6  }
0xde: {  	[tilespmem:s3], [sflag:$0x1] =	stream.linear.gather [hbm4b:s24+s3], $0x100, $0x38;
	[tilespmem:$0x1C000] =	vst v63  }
0xdf: {  	_ =	swait.ge [sflag:s17], $0x4000  }
0xe0: {  	[sflag:s17] =	ssyncset.done $0x0  }
0xe1: {  	[sflag:s17] =	ssyncadd.s32 $0xFFFFC000  }
0xe2: {  	_ =	swait.ge [sflag:s18], $0x100  }
0xe3: {  	[sflag:s18] =	ssyncset.done $0x0  }
0xe4: {  	[sflag:s18] =	ssyncadd.s32 $0xFFFFFF00  }
0xe5: {  	[tilespmem:s0], [sflag:$0x6] =	stream.indirect.gather [hbm4b:s4+s29], $0x80, s14, s29, $0xb8;
	[tilespmem:$0x1C000] =	vst v63  }
0xe6: {  	_ =	swait.ge [sflag:s1], $0x4000  }
0xe7: {  	[sflag:s1] =	ssyncset.done $0x0  }
0xe8: {  	[sflag:s1] =	ssyncadd.s32 $0xFFFFC000  }
0xe9: {  	[spmem:s2] =	stream.indirect.scatter.add.f32 [tilespmem:s30], [sflag:$0x7], $0x80, s20, s29, $0xb8;
	[tilespmem:$0x1C000] =	vst v63  }
0xea: {  	s24 =	sadd.s32 $0xDA0, s6  }
0xeb: {  	[tilespmem:s31], [sflag:$0x2] =	stream.linear.gather [hbm4b:s24+s3], $0x100, $0x38;
	[tilespmem:$0x1C000] =	vst v63  }
0xec: {  	_ =	swait.ge [sflag:s15], $0x4000  }
0xed: {  	[sflag:s15] =	ssyncset.done $0x0  }
0xee: {  	[sflag:s15] =	ssyncadd.s32 $0xFFFFC000  }
0xef: {  	_ =	swait.ge [sflag:s12], $0x100  }
0xf0: {  	[sflag:s12] =	ssyncset.done $0x0  }
0xf1: {  	[sflag:s12] =	ssyncadd.s32 $0xFFFFFF00  }
0xf2: {  	[tilespmem:s30], [sflag:$0x5] =	stream.indirect.gather [hbm4b:s4+s29], $0x80, s3, s29, $0xb8;
	[tilespmem:$0x1C000] =	vst v63  }
0xf3: {  	_ =	swait.ge [sflag:s9], $0x4000  }
0xf4: {  	[sflag:s9] =	ssyncset.done $0x0  }
0xf5: {  	s5 =	simm.s32 $0xFFFFF400;
	s6 =	sadd.s32 $0xDC0, s6;
	[sflag:s9] =	ssyncadd.s32 $0xFFFFC000  }
0xf6: {  	[spmem:s2] =	stream.indirect.scatter.add.f32 [tilespmem:s0], [sflag:$0x8], $0x80, s23, s29, $0xb8;
	[tilespmem:$0x1C000] =	vst v63  }
.LBB2_3:
0xf7: {  	[tilespmem:s11], [sflag:$0x3] =	stream.linear.gather [hbm4b:s6+s3], $0x100, $0x38;
	[tilespmem:$0x1C000] =	vst v63  }
0xf8: {  	s6 =	smov.u32 s5  }
0xf9: {  	p1 =	sne.s32 s5, $0xFFFFFF80;
	s5 =	sadd.s32 $0x80, s5;
	_ =	swait.ge [sflag:s17], $0x4000  }
0xfa: {  	[sflag:s17] =	ssyncset.done $0x0  }
0xfb: {  	[sflag:s17] =	ssyncadd.s32 $0xFFFFC000  }
0xfc: {  	_ =	swait.ge [sflag:s13], $0x100  }
0xfd: {  	[sflag:s13] =	ssyncset.done $0x0  }
0xfe: {  	[sflag:s13] =	ssyncadd.s32 $0xFFFFFF00  }
0xff: {  	[tilespmem:s0], [sflag:$0x6] =	stream.indirect.gather [hbm4b:s4+s29], $0x80, s31, s29, $0xb8;
	[tilespmem:$0x1C000] =	vst v63  }
0x100: {  	_ =	swait.ge [sflag:s1], $0x4000  }
0x101: {  	[sflag:s1] =	ssyncset.done $0x0  }
0x102: {  	s6 =	sadd.s32 s6, s19;
	[sflag:s1] =	ssyncadd.s32 $0xFFFFC000  }
0x103: {  	[spmem:s2] =	stream.indirect.scatter.add.f32 [tilespmem:s30], [sflag:$0x7], $0x80, s29, s29, $0xb8;
	[tilespmem:$0x1C000] =	vst v63  }
0x104: {  	s24 =	sadd.s32 $0xD60, s6  }
0x105: {  	[tilespmem:s14], [sflag:$0x4] =	stream.linear.gather [hbm4b:s24+s3], $0x100, $0x38;
	[tilespmem:$0x1C000] =	vst v63  }
0x106: {  	_ =	swait.ge [sflag:s15], $0x4000  }
0x107: {  	[sflag:s15] =	ssyncset.done $0x0  }
0x108: {  	[sflag:s15] =	ssyncadd.s32 $0xFFFFC000  }
0x109: {  	_ =	swait.ge [sflag:s16], $0x100  }
0x10a: {  	[sflag:s16] =	ssyncset.done $0x0  }
0x10b: {  	[sflag:s16] =	ssyncadd.s32 $0xFFFFFF00  }
0x10c: {  	[tilespmem:s30], [sflag:$0x5] =	stream.indirect.gather [hbm4b:s4+s29], $0x80, s11, s29, $0xb8;
	[tilespmem:$0x1C000] =	vst v63  }
0x10d: {  	_ =	swait.ge [sflag:s9], $0x4000  }
0x10e: {  	[sflag:s9] =	ssyncset.done $0x0  }
0x10f: {  	[sflag:s9] =	ssyncadd.s32 $0xFFFFC000  }
0x110: {  	[spmem:s2] =	stream.indirect.scatter.add.f32 [tilespmem:s0], [sflag:$0x8], $0x80, s10, s29, $0xb8;
	[tilespmem:$0x1C000] =	vst v63  }
0x111: {  	s24 =	sadd.s32 $0xD80, s6  }
0x112: {  	[tilespmem:s3], [sflag:$0x1] =	stream.linear.gather [hbm4b:s24+s3], $0x100, $0x38;
	[tilespmem:$0x1C000] =	vst v63  }
0x113: {  	_ =	swait.ge [sflag:s17], $0x4000  }
0x114: {  	[sflag:s17] =	ssyncset.done $0x0  }
0x115: {  	[sflag:s17] =	ssyncadd.s32 $0xFFFFC000  }
0x116: {  	_ =	swait.ge [sflag:s18], $0x100  }
0x117: {  	[sflag:s18] =	ssyncset.done $0x0  }
0x118: {  	[sflag:s18] =	ssyncadd.s32 $0xFFFFFF00  }
0x119: {  	[tilespmem:s0], [sflag:$0x6] =	stream.indirect.gather [hbm4b:s4+s29], $0x80, s14, s29, $0xb8;
	[tilespmem:$0x1C000] =	vst v63  }
0x11a: {  	_ =	swait.ge [sflag:s1], $0x4000  }
0x11b: {  	[sflag:s1] =	ssyncset.done $0x0  }
0x11c: {  	[sflag:s1] =	ssyncadd.s32 $0xFFFFC000  }
0x11d: {  	[spmem:s2] =	stream.indirect.scatter.add.f32 [tilespmem:s30], [sflag:$0x7], $0x80, s20, s29, $0xb8;
	[tilespmem:$0x1C000] =	vst v63  }
0x11e: {  	s24 =	sadd.s32 $0xDA0, s6  }
0x11f: {  	[tilespmem:s31], [sflag:$0x2] =	stream.linear.gather [hbm4b:s24+s3], $0x100, $0x38;
	[tilespmem:$0x1C000] =	vst v63  }
0x120: {  	_ =	swait.ge [sflag:s15], $0x4000  }
0x121: {  	[sflag:s15] =	ssyncset.done $0x0  }
0x122: {  	[sflag:s15] =	ssyncadd.s32 $0xFFFFC000  }
0x123: {  	_ =	swait.ge [sflag:s12], $0x100  }
0x124: {  	[sflag:s12] =	ssyncset.done $0x0  }
0x125: {  	[sflag:s12] =	ssyncadd.s32 $0xFFFFFF00  }
0x126: {  	[tilespmem:s30], [sflag:$0x5] =	stream.indirect.gather [hbm4b:s4+s29], $0x80, s3, s29, $0xb8;
	[tilespmem:$0x1C000] =	vst v63  }
.Ltmp5:
0x127: {  	_ =	swait.ge [sflag:s9], $0x4000;
	(pc) =	sbr.rel @p1 .LBB2_3-.Ltmp5, $4  }
0x128: {  	[sflag:s9] =	ssyncset.done $0x0  }
0x129: {  	[sflag:s9] =	ssyncadd.s32 $0xFFFFC000  }
0x12a: {  	[spmem:s2] =	stream.indirect.scatter.add.f32 [tilespmem:s0], [sflag:$0x8], $0x80, s23, s29, $0xb8;
	[tilespmem:$0x1C000] =	vst v63  }
0x12b: {  	s6 =	sadd.s32 $0xDC0, s6  }
0x12c: {  	[tilespmem:s11], [sflag:$0x3] =	stream.linear.gather [hbm4b:s6+s3], $0x100, $0x38;
	[tilespmem:$0x1C000] =	vst v63  }
0x12d: {  	s5 =	simm.s32 $0x8  }
0x12e: {  	_ =	swait.ge [sflag:s5], $0x4000  }
0x12f: {  	[sflag:s5] =	ssyncset.done $0x0  }
0x130: {  	[sflag:s5] =	ssyncadd.s32 $0xFFFFC000  }
0x131: {  	_ =	swait.ge [sflag:s13], $0x100  }
0x132: {  	[sflag:s13] =	ssyncset.done $0x0  }
0x133: {  	[sflag:s13] =	ssyncadd.s32 $0xFFFFFF00  }
0x134: {  	[tilespmem:s0], [sflag:$0x6] =	stream.indirect.gather [hbm4b:s4+s29], $0x80, s31, s29, $0xb8;
	[tilespmem:$0x1C000] =	vst v63  }
0x135: {  	_ =	swait.ge [sflag:s1], $0x4000  }
0x136: {  	[sflag:s1] =	ssyncset.done $0x0  }
0x137: {  	[sflag:s1] =	ssyncadd.s32 $0xFFFFC000  }
0x138: {  	[spmem:s2] =	stream.indirect.scatter.add.f32 [tilespmem:s30], [sflag:$0x7], $0x80, s29, s29, $0xb8;
	[tilespmem:$0x1C000] =	vst v63  }
0x139: {  	s24 =	rddreg [dreg:$0xc]  }
0x13a: {  	[tilespmem:s14], [sflag:$0x4] =	stream.linear.gather [hbm4b:s24+s3], $0x100, $0x38;
	[tilespmem:$0x1C000] =	vst v63  }
0x13b: {  	_ =	swait.ge [sflag:s15], $0x4000  }
0x13c: {  	[sflag:s15] =	ssyncset.done $0x0  }
0x13d: {  	[sflag:s15] =	ssyncadd.s32 $0xFFFFC000  }
0x13e: {  	_ =	swait.ge [sflag:s16], $0x100  }
0x13f: {  	[sflag:s16] =	ssyncset.done $0x0  }
0x140: {  	[sflag:s16] =	ssyncadd.s32 $0xFFFFFF00  }
0x141: {  	[tilespmem:s30], [sflag:$0x5] =	stream.indirect.gather [hbm4b:s4+s29], $0x80, s11, s29, $0xb8;
	[tilespmem:$0x1C000] =	vst v63  }
0x142: {  	_ =	swait.ge [sflag:s9], $0x4000  }
0x143: {  	[sflag:s9] =	ssyncset.done $0x0  }
0x144: {  	[sflag:s9] =	ssyncadd.s32 $0xFFFFC000  }
0x145: {  	[spmem:s2] =	stream.indirect.scatter.add.f32 [tilespmem:s0], [sflag:$0x8], $0x80, s10, s29, $0xb8;
	[tilespmem:$0x1C000] =	vst v63  }
0x146: {  	s24 =	rddreg [dreg:$0xd]  }
0x147: {  	[tilespmem:s3], [sflag:$0x1] =	stream.linear.gather [hbm4b:s24+s3], $0x100, $0x38;
	[tilespmem:$0x1C000] =	vst v63  }
0x148: {  	_ =	swait.ge [sflag:s5], $0x4000  }
0x149: {  	[sflag:s5] =	ssyncset.done $0x0  }
0x14a: {  	[sflag:s5] =	ssyncadd.s32 $0xFFFFC000  }
0x14b: {  	_ =	swait.ge [sflag:s18], $0x100  }
0x14c: {  	[sflag:s18] =	ssyncset.done $0x0  }
0x14d: {  	[sflag:s18] =	ssyncadd.s32 $0xFFFFFF00  }
0x14e: {  	[tilespmem:s0], [sflag:$0x6] =	stream.indirect.gather [hbm4b:s4+s29], $0x80, s14, s29, $0xb8;
	[tilespmem:$0x1C000] =	vst v63  }
0x14f: {  	_ =	swait.ge [sflag:s1], $0x4000  }
0x150: {  	[sflag:s1] =	ssyncset.done $0x0  }
0x151: {  	[sflag:s1] =	ssyncadd.s32 $0xFFFFC000  }
0x152: {  	[spmem:s2] =	stream.indirect.scatter.add.f32 [tilespmem:s30], [sflag:$0x7], $0x80, s20, s29, $0xb8;
	[tilespmem:$0x1C000] =	vst v63  }
0x153: {  	s24 =	rddreg [dreg:$0xe]  }
0x154: {  	[tilespmem:s31], [sflag:$0x2] =	stream.linear.gather [hbm4b:s24+s3], $0x100, $0x38;
	[tilespmem:$0x1C000] =	vst v63  }
0x155: {  	_ =	swait.ge [sflag:s15], $0x4000  }
0x156: {  	[sflag:s15] =	ssyncset.done $0x0  }
0x157: {  	[sflag:s15] =	ssyncadd.s32 $0xFFFFC000  }
0x158: {  	_ =	swait.ge [sflag:s12], $0x100  }
0x159: {  	[sflag:s12] =	ssyncset.done $0x0  }
0x15a: {  	[sflag:s12] =	ssyncadd.s32 $0xFFFFFF00  }
0x15b: {  	[tilespmem:s30], [sflag:$0x5] =	stream.indirect.gather [hbm4b:s4+s29], $0x80, s3, s29, $0xb8;
	[tilespmem:$0x1C000] =	vst v63  }
0x15c: {  	_ =	swait.ge [sflag:s9], $0x4000  }
0x15d: {  	[sflag:s9] =	ssyncset.done $0x0  }
0x15e: {  	[sflag:s9] =	ssyncadd.s32 $0xFFFFC000  }
0x15f: {  	[spmem:s2] =	stream.indirect.scatter.add.f32 [tilespmem:s0], [sflag:$0x8], $0x80, s23, s29, $0xb8;
	[tilespmem:$0x1C000] =	vst v63  }
0x160: {  	s24 =	rddreg [dreg:$0xf]  }
0x161: {  	[tilespmem:s11], [sflag:$0x3] =	stream.linear.gather [hbm4b:s24+s3], $0x100, $0x38;
	[tilespmem:$0x1C000] =	vst v63  }
0x162: {  	_ =	swait.ge [sflag:s5], $0x4000  }
0x163: {  	[sflag:s5] =	ssyncset.done $0x0  }
0x164: {  	[sflag:s5] =	ssyncadd.s32 $0xFFFFC000  }
0x165: {  	_ =	swait.ge [sflag:s13], $0x100  }
0x166: {  	[sflag:s13] =	ssyncset.done $0x0  }
0x167: {  	[sflag:s13] =	ssyncadd.s32 $0xFFFFFF00  }
0x168: {  	[tilespmem:s0], [sflag:$0x6] =	stream.indirect.gather [hbm4b:s4+s29], $0x80, s31, s29, $0xb8;
	[tilespmem:$0x1C000] =	vst v63  }
0x169: {  	_ =	swait.ge [sflag:s1], $0x4000  }
0x16a: {  	[sflag:s1] =	ssyncset.done $0x0  }
0x16b: {  	[sflag:s1] =	ssyncadd.s32 $0xFFFFC000  }
0x16c: {  	[spmem:s2] =	stream.indirect.scatter.add.f32 [tilespmem:s30], [sflag:$0x7], $0x80, s29, s29, $0xb8;
	[tilespmem:$0x1C000] =	vst v63  }
0x16d: {  	s24 =	rddreg [dreg:$0x10]  }
0x16e: {  	[tilespmem:s14], [sflag:$0x4] =	stream.linear.gather [hbm4b:s24+s3], $0x100, $0x38;
	[tilespmem:$0x1C000] =	vst v63  }
0x16f: {  	_ =	swait.ge [sflag:s15], $0x4000  }
0x170: {  	[sflag:s15] =	ssyncset.done $0x0  }
0x171: {  	[sflag:s15] =	ssyncadd.s32 $0xFFFFC000  }
0x172: {  	_ =	swait.ge [sflag:s16], $0x100  }
0x173: {  	[sflag:s16] =	ssyncset.done $0x0  }
0x174: {  	[sflag:s16] =	ssyncadd.s32 $0xFFFFFF00  }
0x175: {  	[tilespmem:s30], [sflag:$0x5] =	stream.indirect.gather [hbm4b:s4+s29], $0x80, s11, s29, $0xb8;
	[tilespmem:$0x1C000] =	vst v63  }
0x176: {  	_ =	swait.ge [sflag:s9], $0x4000  }
0x177: {  	[sflag:s9] =	ssyncset.done $0x0  }
0x178: {  	[sflag:s9] =	ssyncadd.s32 $0xFFFFC000  }
0x179: {  	[spmem:s2] =	stream.indirect.scatter.add.f32 [tilespmem:s0], [sflag:$0x8], $0x80, s10, s29, $0xb8;
	[tilespmem:$0x1C000] =	vst v63  }
0x17a: {  	_ =	swait.ge [sflag:s5], $0x4000  }
0x17b: {  	[sflag:s5] =	ssyncset.done $0x0  }
0x17c: {  	[sflag:s5] =	ssyncadd.s32 $0xFFFFC000  }
0x17d: {  	_ =	swait.ge [sflag:s18], $0x100  }
0x17e: {  	[sflag:s18] =	ssyncset.done $0x0  }
0x17f: {  	[sflag:s18] =	ssyncadd.s32 $0xFFFFFF00  }
0x180: {  	[tilespmem:s0], [sflag:$0x6] =	stream.indirect.gather [hbm4b:s4+s29], $0x80, s14, s29, $0xb8;
	[tilespmem:$0x1C000] =	vst v63  }
0x181: {  	_ =	swait.ge [sflag:s1], $0x4000  }
0x182: {  	[sflag:s1] =	ssyncset.done $0x0  }
0x183: {  	[sflag:s1] =	ssyncadd.s32 $0xFFFFC000  }
0x184: {  	[spmem:s2] =	stream.indirect.scatter.add.f32 [tilespmem:s30], [sflag:$0x7], $0x80, s20, s29, $0xb8;
	[tilespmem:$0x1C000] =	vst v63  }
0x185: {  	_ =	swait.ge [sflag:s15], $0x4000  }
0x186: {  	[sflag:s15] =	ssyncset.done $0x0  }
.Ltmp6:
0x187: {  	[sflag:s15] =	ssyncadd.s32 $0xFFFFC000;
	(pc) =	sbr.rel .LBB2_8-.Ltmp6, $4  }
0x188: {  	_ =	swait.ge [sflag:s9], $0x4000  }
0x189: {  	[sflag:s9] =	ssyncset.done $0x0  }
0x18a: {  	[sflag:s9] =	ssyncadd.s32 $0xFFFFC000  }
0x18b: {  	[spmem:s2] =	stream.indirect.scatter.add.f32 [tilespmem:s0], [sflag:$0x8], $0x80, s23, s29, $0xb8;
	[tilespmem:$0x1C000] =	vst v63  }
.LBB2_9:
0x18c: {  	_ =	sfence.sel $0x180000  }
0x18d: {  	[bflag:$0x0] =	sbarrier.arrive $0xFFFF  }
0x18e: {  	_ =	strace $0x9000004D  }
0x18f: {  	s0 =	stileid.u32;
	[bflag:$0x2] =	sbarrier.arrive $0xFFFF  }
0x190: {  	p0 =	sne.s32 s0, $0x0;
	s0 =	rddreg [dreg:$0x2]  }
0x191: {  	s0 =	sadd.s32 @!p0 $0x100000, s0  }
0x192: {  	[sflag:s0] =	ssyncadd.tile.s32 @!p0 $0x1;
	_ =	shalt  }
.Lfunc_end2:
_tile_overlayer_lowered:
.L_overlay_start_2:
0x193: {  	(tag) =	ssettag $0x2  }
0x194: {  	s0 =	rddreg [dreg:$0x0];
	s2 =	stileid.u32  }
0x195: {  	s1 =	rddreg [dreg:$0x1];
	p0 =	sne.s32 s2, $0x0  }
0x196: {  	s3 =	rddreg [dreg:$0x2];
	[bflag:$0x3] =	sbarrier.arrive $0xFFFF;
	s2 =	simm.s32 @!p0 $0x1C09  }
0x197: {  	[timem:s3], [sflag:s2] =	dma.local @!p0 [hbm:s0], s1  }
0x198: {  	s0 =	simm.s32 @!p0 $0x9  }
0x199: {  	_ =	swait.ge @!p0 [sflag:s0], s1  }
0x19a: {  	s1 =	ssub.s32 @!p0 $0x0, s1;
	[sflag:s0] =	ssyncset.done @!p0 $0x0  }
0x19b: {  	[sflag:s0] =	ssyncadd.s32 @!p0 s1  }
0x19c: {  	[bflag:$0x3] =	sbarrier.arrive $0xFFFF  }
0x19d: {  	_ =	shalt  }

// kernel: kernel.9.cloned.1.call-start
scs
__scs_entry_jumppad:
0x0: {  	(pc) =	sbr.rel $0x88, $3  }
0x1: {  	(tag) =	ssettag $0x0;
	lr =	simm.s32 $0x1  }
0x2: {  	[smem:$0x3F9A] =	sst lr;
	_ =	strace $0xD0000000  }
0x3: {  	_ = 	snop  }
0x4: {  	_ = 	snop  }
0x5: {  	_ = 	snop  }
0x6: {  	_ = 	snop  }
0x7: {  	_ = 	snop  }
__scs_overlays_trampoline_lowered:
0x8: {  	[smem:$0x3FA9] =	sst s0  }
0x9: {  	[smem:$0x3FAA] =	sst s1  }
0xa: {  	[smem:$0x3FAB] =	sst s2  }
0xb: {  	[smem:$0x3FAC] =	sst s3  }
0xc: {  	[smem:$0x3FAD] =	sst s4  }
0xd: {  	[smem:$0x3FAE] =	sst s5  }
0xe: {  	[smem:$0x3FAF] =	sst s6  }
0xf: {  	[smem:$0x3FB0] =	sst s7  }
0x10: {  	[smem:$0x3FB1] =	sst s8  }
0x11: {  	[smem:$0x3FB2] =	sst s9;
	s0 =	simm.s32 @!p0 $0x0  }
0x12: {  	s1 =	sld [smem:$0x3F98];
	s0 =	simm.s32 @p0 $0x1  }
0x13: {  	[smem:$0x3FB3] =	sst s0;
	s0 =	simm.s32 @!p1 $0x0  }
0x14: {  	s2 =	sld [smem:$0x3F97];
	s0 =	simm.s32 @p1 $0x1  }
0x15: {  	[smem:$0x3FB4] =	sst s0;
	s0 =	simm.s32 @!p2 $0x0  }
0x16: {  	s3 =	sld [smem:$0x3FDB];
	s0 =	simm.s32 @p2 $0x1  }
0x17: {  	s4 =	simm.s32 $0x1BF5;
	[smem:$0x3FB6] =	sst s0  }
0x18: {  	s0 =	sld [smem:$0x3F99];
	_ =	swait.ge [sflag:s4], $0x0  }
0x19: {  	s7 =	sld [smem:$0x3F9A]  }
0x1a: {  	s8 =	sadd.s32 $0xFFFFE003, lr  }
0x1b: {  	s9 =	sadd.s32 $0xFFFFFEF7, lr;
	s5 =	simm.s32 $0xFFFFFFFF;
	p2 =	slt.u32 s8, $0xFFFFF086  }
0x1c: {  	p1 =	slt.u32 s9, $0xF7A;
	s5 =	simm.s32 @!p2 $0x0  }
0x1d: {  	s5 =	simm.s32 @p1 $0x1;
	p0 =	seq.s32 s7, s2  }
0x1e: {  	s7 =	smul.u32 @!p0 $0xF7A, s2;
	p2 =	seq.s32 @!p0 s5, $0x0  }
0x1f: {  	s9 =	smul.u32 $0xF7A, s1;
	s8 =	simm.s32 @!p0 $0x1BF5;
	p2 =	por !p2, p0  }
0x20: {  	[sflag:s8] =	ssyncset.s32 @!p0 $0xFFFFF086;
	s6 =	sadd.s32 @!p0 s3, s7;
	s7 =	simm.s32 @!p0 $0x108  }
0x21: {  	s3 =	sadd.s32 s3, s9;
	s6 =	sadd.s32 @!p0 $0x88, s6;
	s7 =	simm.s32 @p2 $0x1082  }
0x22: {  	[simem:s7], [sflag:s8] =	dma.local @!p0 [hbm:s6], $0xF7A  }
0x23: {  	s9 =	sor.u32 $0xD0000000, s2;
	s6 =	simm.s32 $0x108;
	_ =	swait.ge @!p0 [sflag:s8], $0x0  }
0x24: {  	s3 =	sadd.s32 $0x88, s3;
	s6 =	simm.s32 @!p1 $0x1082;
	[sflag:s4] =	ssyncset.s32 $0xFFFFF086  }
0x25: {  	[simem:s6], [sflag:s4] =	dma.local [hbm:s3], $0xF7A  }
0x26: {  	[smem:$0x3F9A] =	sst s1;
	(tag) =	ssettag s2;
	_ =	strace s9  }
0x27: {  	s1 =	sld [smem:$0x3FAA]  }
0x28: {  	s2 =	sld [smem:$0x3FAB]  }
0x29: {  	s4 =	sld [smem:$0x3FAD]  }
0x2a: {  	p0 =	seq.s32 s5, $0x0;
	s5 =	sld [smem:$0x3FAE]  }
0x2b: {  	s6 =	sld [smem:$0x3FAF]  }
0x2c: {  	s7 =	sld [smem:$0x3FB0]  }
0x2d: {  	s3 =	simm.s32 $0x108;
	s8 =	sld [smem:$0x3FB1]  }
0x2e: {  	s3 =	simm.s32 @!p0 $0x1082;
	s9 =	sld [smem:$0x3FB2]  }
0x2f: {  	lr =	sadd.s32 s0, s3;
	s0 =	sld [smem:$0x3FA9]  }
0x30: {  	s3 =	sld [smem:$0x3FAC]  }
0x31: {  	[smem:$0x3FB5] =	sst s10  }
0x32: {  	s10 =	sld [smem:$0x3FB3];
	_ =	sdelay $0x3  }
0x33: {  	p0 =	seq.s32 s10, $0x1;
	s10 =	sld [smem:$0x3FB5];
	_ =	sdelay $0x3  }
0x34: {  	[smem:$0x3FB5] =	sst s10  }
0x35: {  	s10 =	sld [smem:$0x3FB4];
	_ =	sdelay $0x3  }
0x36: {  	p1 =	seq.s32 s10, $0x1;
	s10 =	sld [smem:$0x3FB5];
	_ =	sdelay $0x3  }
0x37: {  	[smem:$0x3FB5] =	sst s10  }
0x38: {  	s10 =	sld [smem:$0x3FB6]  }
0x39: {  	_ = 	snop;
	(pc) =	sbr.ind lr, $3  }
0x3a: {  	_ = 	snop  }
0x3b: {  	_ = 	snop  }
0x3c: {  	p2 =	seq.s32 s10, $0x1;
	s10 =	sld [smem:$0x3FB5]  }
0x3d: {  	_ =	shalt  }
0x3e: {  	_ =	shalt  }
0x3f: {  	_ =	shalt  }
0x40: {  	_ =	shalt  }
0x41: {  	_ =	shalt  }
0x42: {  	_ =	shalt  }
0x43: {  	_ =	shalt  }
0x44: {  	_ =	shalt  }
0x45: {  	_ =	shalt  }
0x46: {  	_ =	shalt  }
0x47: {  	_ =	shalt  }
0x48: {  	_ =	shalt  }
0x49: {  	_ =	shalt  }
0x4a: {  	_ =	shalt  }
0x4b: {  	_ =	shalt  }
0x4c: {  	_ =	shalt  }
0x4d: {  	_ =	shalt  }
0x4e: {  	_ =	shalt  }
0x4f: {  	_ =	shalt  }
0x50: {  	_ =	shalt  }
0x51: {  	_ =	shalt  }
0x52: {  	_ =	shalt  }
0x53: {  	_ =	shalt  }
0x54: {  	_ =	shalt  }
0x55: {  	_ =	shalt  }
0x56: {  	_ =	shalt  }
0x57: {  	_ =	shalt  }
0x58: {  	_ =	shalt  }
0x59: {  	_ =	shalt  }
0x5a: {  	_ =	shalt  }
0x5b: {  	_ =	shalt  }
0x5c: {  	_ =	shalt  }
0x5d: {  	_ =	shalt  }
0x5e: {  	_ =	shalt  }
0x5f: {  	_ =	shalt  }
0x60: {  	_ =	shalt  }
0x61: {  	_ =	shalt  }
0x62: {  	_ =	shalt  }
0x63: {  	_ =	shalt  }
0x64: {  	_ =	shalt  }
0x65: {  	_ =	shalt  }
0x66: {  	_ =	shalt  }
0x67: {  	_ =	shalt  }
0x68: {  	_ =	shalt  }
0x69: {  	_ =	shalt  }
0x6a: {  	_ =	shalt  }
0x6b: {  	_ =	shalt  }
0x6c: {  	_ =	shalt  }
0x6d: {  	_ =	shalt  }
0x6e: {  	_ =	shalt  }
0x6f: {  	_ =	shalt  }
0x70: {  	_ =	shalt  }
0x71: {  	_ =	shalt  }
0x72: {  	_ =	shalt  }
0x73: {  	_ =	shalt  }
0x74: {  	_ =	shalt  }
0x75: {  	_ =	shalt  }
0x76: {  	_ =	shalt  }
0x77: {  	_ =	shalt  }
0x78: {  	_ =	shalt  }
0x79: {  	_ =	shalt  }
0x7a: {  	_ =	shalt  }
0x7b: {  	_ =	shalt  }
0x7c: {  	_ =	shalt  }
0x7d: {  	_ =	shalt  }
0x7e: {  	_ =	shalt  }
0x7f: {  	_ =	shalt  }
0x80: {  	_ =	shalt  }
0x81: {  	_ =	shalt  }
0x82: {  	_ =	shalt  }
0x83: {  	_ =	shalt  }
0x84: {  	_ =	shalt  }
0x85: {  	_ =	shalt  }
0x86: {  	_ =	shalt  }
0x87: {  	_ =	shalt  }
.Lfunc_end0:
.L_simem_size_0:
called_computation_lowered:
.L_overlay_start_0:
0x88: {  	s2 =	sld [smem:$0x3FD9]  }
0x89: {  	s3 =	sld [smem:$0x3FFE];
	_ =	sdelay $0x1  }
0x8a: {  	s1 =	srdreg.scid  }
0x8b: {  	s0 =	sand.u32 $0x1, s1  }
0x8c: {  	s16 =	sshll.u32 s0, $0xA;
	s2 =	sadd.s32 s3, s2  }
0x8d: {  	s2 =	sadd.s32 s2, s16  }
0x8e: {  	[smem:$0x3FC1] =	sst s2  }
0x8f: {  	_ = 	snop  }
0x90: {  	(tm) =	ssettm $0x1  }
0x91: {  	s17 =	sld [smem:$0x3FFB];
	_ =	sdelay $0x3  }
0x92: {  	_ =	strace s17  }
0x93: {  	s2 =	sld [smem:$0x3FFC];
	_ =	sdelay $0x3  }
0x94: {  	_ =	strace s2  }
0x95: {  	s2 =	sld [smem:$0x3FFD];
	_ =	sdelay $0x3  }
0x96: {  	_ =	strace s2  }
0x97: {  	_ =	strace $0x8FFFFFFF  }
0x98: {  	s18 =	sld [smem:$0x3FDB];
	_ =	sdelay $0x1  }
0x99: {  	s19 =	simm.s32 $_scs_section_size  }
0x9a: {  	s4 =	simm.s32 $_size__tile_overlayer_lowered;
	s5 =	simm.s32 $_tile_overlayer_lowered  }
0x9b: {  	s22 =	simm.s32 $0x1BFF;
	s21 =	sshll.u32 s5, $0x1;
	s2 =	sadd.s32 s19, s18  }
0x9c: {  	s6 =	simm.s32 $0x0;
	s20 =	sshll.u32 s4, $0x1;
	s4 =	sadd.s32 s21, s2  }
0x9d: {  	[timem:s6], [sflag:s22] =	dma.local [hbm:s4], s20  }
0x9e: {  	_ =	swait.ge [sflag:s22], s20  }
0x9f: {  	s3 =	ssub.s32 $0x0, s20;
	[sflag:s22] =	ssyncset.done $0x0  }
0xa0: {  	[sflag:s22] =	ssyncadd.s32 s3;
	_ =	sdelay $0x1  }
0xa1: {  	s23 =	simm.s32 $0x1B8B  }
0xa2: {  	_ =	swait.ge [sflag:s23], $0x1  }
0xa3: {  	[sflag:s23] =	ssyncset.done $0x0  }
0xa4: {  	s25 =	simm.s32 $0x1B8E;
	s24 =	sld [smem:$0x3FFE];
	[sflag:s23] =	ssyncadd.s32 $0xFFFFFFFF  }
0xa5: {  	s26 =	simm.s32 $execute0_lowered;
	[smem:$0x3FD2] =	sst s25  }
0xa6: {  	s4 =	sshll.u32 s26, $0x1;
	_ =	strace $0x80000046;
	[dreg:$0x1] =	wrdreg $0xFFFFFFFF  }
0xa7: {  	s28 =	simm.s32 $_size_execute0_lowered;
	s2 =	sadd.s32 s2, s4;
	[dreg:$0x0] =	wrdreg $0x0  }
0xa8: {  	s4 =	sshll.u32 s28, $0x1;
	[dreg:$0x2] =	wrdreg s2  }
0xa9: {  	[dreg:$0x3] =	wrdreg s4  }
0xaa: {  	[dreg:$0x4] =	wrdreg $0xC0  }
0xab: {  	_ =	task [dreg:s6], $0x5FFFF  }
0xac: {  	[dreg:$0x1] =	wrdreg $0xFFFFFFFF  }
0xad: {  	[dreg:$0x0] =	wrdreg $0x60  }
0xae: {  	[dreg:$0x2] =	wrdreg s24  }
0xaf: {  	[dreg:$0x3] =	wrdreg $0x68000  }
0xb0: {  	[dreg:$0x4] =	wrdreg $0x9  }
0xb1: {  	_ =	task.clear_ibuf [dreg:s6], $0x5FFFF;
	_ =	strace $0x90000046  }
0xb2: {  	s29 =	simm.s32 $0x9;
	_ =	strace $0x80000048  }
0xb3: {  	_ =	swait.ge [sflag:s29], $0x1  }
0xb4: {  	[sflag:s29] =	ssyncadd.s32 $0xFFFFFFFF  }
0xb5: {  	_ =	strace $0x90000048  }
0xb6: {  	_ =	sfence  }
0xb7: {  	s30 =	sld [smem:$0x0];
	_ =	sdelay $0x2  }
0xb8: {  	s31 =	sshll.u32 s1, $0xD;
	s1 =	sshrl.u32 s1, $0x2  }
0xb9: {  	s3 =	sand.u32 $0x4000, s31;
	s1 =	sadd.s32 s1, s30  }
0xba: {  	s0 =	sor.u32 s3, s0;
	s1 =	sshll.u32 s1, $0x11  }
0xbb: {  	s0 =	sor.u32 s1, s0  }
0xbc: {  	s0 =	sadd.s32 $0x8F2B, s0  }
0xbd: {  	[sflag:s0] =	ssyncadd.remote.s32 $0x1  }
0xbe: {  	_ =	sfence.sel $0xFFFF  }
0xbf: {  	[dreg:$0x0] =	wrdreg $0xFFFFFFFF;
	(pc) =	sbr.abs _section_cstart, $3  }
0xc0: {  	[dreg:$0x1] =	wrdreg $0xFFFFFFFF  }
0xc1: {  	_ =	task.clear_ibuf [dreg:s6], $0x2FFFF;
	_ =	strace $0x9FFFFFFF  }
0xc2: {  	(tm) =	ssettm $0x7FFFFFFF  }
0xc3: {  	_ =	shalt  }
tec
execute0_lowered:
.L_overlay_start_1:
0x0: {  	(tag) =	ssettag $0x1  }
0x1: {  	s0 =	srdreg.scid;
	s5 =	rddreg [dreg:$0x0]  }
0x2: {  	s2 =	rddreg [dreg:$0x1];
	s4 =	sand.u32 $0x1, s0;
	s0 =	stileid.u32  }
0x3: {  	s3 =	simm.s32 $0x0;
	s14 =	simm.s32 $0x0;
	s7 =	smul.u32 $0x13C00, s0  }
0x4: {  	[smem:$0x7FF] =	sst s3;
	s1 =	sshll.u32 s4, $0x4;
	s9 =	smul.u32 $0x13C000, s4  }
0x5: {  	s28 =	ssub.s32 $0x2, s4;
	s29 =	smul.u32 $0x4F000, s0;
	s4 =	sadd.s32 $0x34600, s5  }
0x6: {  	s31 =	sshll.u32 s0, $0x6;
	s6 =	sor.u32 s0, s1;
	s1 =	rddreg [dreg:$0x2]  }
0x7: {  	_ =	strace $0x80000047;
	s11 =	sshrl.u32 s28, $0x1;
	s6 =	smul.u32 $0x500, s6  }
0x8: {  	s8 =	sshrl.u32 s7, $0x3;
	s7 =	sadd.s32 s7, s9;
	s11 =	ssub.s32 s28, s11  }
0x9: {  	s30 =	sshrl.u32 s29, $0x2;
	s26 =	sadd.s32 s8, s5;
	s7 =	sshrl.u32 s7, $0x3  }
0xa: {  	s13 =	sadd.s32 s30, s2;
	s9 =	smax.u32 s11, $0x1;
	s11 =	simm.s32 $0x1  }
0xb: {  	s10 =	sadd.s32 s6, s5;
	s12 =	sadd.s32 s7, s5;
	s5 =	sadd.s32 $0xCE00, s26  }
0xc: {  	s6 =	sor.u32 $0x1C01, s31;
	s7 =	sadd.s32 $0x2E00, s10;
	s8 =	sadd.s32 $0x34E00, s12  }
0xd: {  	s10 =	sshrl.u32 s13, $0x3;
	s12 =	simm.s32 $0x2800;
	s13 =	simm.s32 $0x80  }
.LBB2_1:
0xe: {  	[spmem:s10], [sflag:s6] =	dma.local [hbm:s5], $0x2780  }
0xf: {  	_ =	swait.ge [sflag:s11], $0x2780  }
0x10: {  	[sflag:s11] =	ssyncset.done $0x0  }
0x11: {  	[sflag:s11] =	ssyncadd.s32 $0xFFFFD880  }
0x12: {  	[tilespmem:s12], [sflag:$0x1] =	stream.linear.gather [hbm4b:s4+s3], $0x4000, $0x38;
	[tilespmem:$0x1A400] =	vst v63  }
0x13: {  	_ =	swait.ge [sflag:s11], $0x4000  }
0x14: {  	[sflag:s11] =	ssyncset.done $0x0  }
0x15: {  	[sflag:s11] =	ssyncadd.s32 $0xFFFFC000  }
0x16: {  	[tilespmem:s3], [sflag:$0x1] =	stream.linear.gather [hbm4b:s7+s3], $0x2780, $0x38;
	[tilespmem:$0x1A400] =	vst v63  }
0x17: {  	_ =	swait.ge [sflag:s11], $0x2780  }
0x18: {  	[sflag:s11] =	ssyncset.done $0x0  }
0x19: {  	[sflag:s11] =	ssyncadd.s32 $0xFFFFD880  }
0x1a: {  	s15 =	simm.s32 $0x0;
	[bflag:$0x0] =	sbarrier.arrive $0xFFFF  }
0x1b: {  	[spmem:s2] =	stream.indirect.scatter.add.f32 [tilespmem:s12], [sflag:$0x1], $0x80, s15, s13, $0xb8;
	[tilespmem:$0x1A400] =	vst v63  }
0x1c: {  	_ =	swait.ge [sflag:s11], $0x4000  }
0x1d: {  	s15 =	simm.s32 $0x200;
	[sflag:s11] =	ssyncset.done $0x0  }
.LBB2_2:
0x1e: {  	s16 =	sshra.s32 s15, $0x2;
	[sflag:s11] =	ssyncadd.s32 $0xFFFFC000;
	p0 =	sne.s32 s15, $0x9C00  }
0x1f: {  	[spmem:s2] =	stream.indirect.scatter.add.f32 [tilespmem:s12], [sflag:$0x1], $0x80, s16, s13, $0xb8;
	[tilespmem:$0x1A400] =	vst v63  }
.Ltmp0:
0x20: {  	_ = 	snop;
	(pc) =	sbr.rel @p0 .LBB2_2-.Ltmp0, $4  }
0x21: {  	_ = 	snop  }
0x22: {  	s15 =	sadd.s32 $0x200, s15  }
0x23: {  	_ =	swait.ge [sflag:s11], $0x4000  }
0x24: {  	[sflag:s11] =	ssyncset.done $0x0  }
0x25: {  	s14 =	sadd.s32 $0x1, s14  }
0x26: {  	[sflag:s11] =	ssyncadd.s32 $0xFFFFC000;
	p0 =	sne.s32 s14, s9  }
.Ltmp1:
0x27: {  	[bflag:$0x0] =	sbarrier.arrive $0xFFFF;
	(pc) =	sbr.rel @p0 .LBB2_1-.Ltmp1, $4  }
0x28: {  	[hbm:s8], [sflag:s6] =	dma.local [spmem:s10], $0x2780  }
0x29: {  	_ =	swait.ge [sflag:s11], $0x2780  }
0x2a: {  	[sflag:s11] =	ssyncset.done $0x0  }
0x2b: {  	[sflag:s11] =	ssyncadd.s32 $0xFFFFD880  }
0x2c: {  	_ =	sfence.sel $0x180000  }
0x2d: {  	[bflag:$0x0] =	sbarrier.arrive $0xFFFF  }
0x2e: {  	p0 =	sne.s32 s0, $0x0;
	_ =	strace $0x90000047  }
0x2f: {  	s0 =	sadd.s32 @!p0 $0x100000, s1;
	[bflag:$0x2] =	sbarrier.arrive $0xFFFF  }
0x30: {  	[sflag:s0] =	ssyncadd.tile.s32 @!p0 $0x1;
	_ =	shalt  }
.Lfunc_end2:
_tile_overlayer_lowered:
.L_overlay_start_2:
0x31: {  	(tag) =	ssettag $0x2  }
0x32: {  	s0 =	rddreg [dreg:$0x0];
	s2 =	stileid.u32  }
0x33: {  	s1 =	rddreg [dreg:$0x1];
	p0 =	sne.s32 s2, $0x0  }
0x34: {  	s3 =	rddreg [dreg:$0x2];
	[bflag:$0x3] =	sbarrier.arrive $0xFFFF;
	s2 =	simm.s32 @!p0 $0x1C01  }
0x35: {  	[timem:s3], [sflag:s2] =	dma.local @!p0 [hbm:s0], s1  }
0x36: {  	s0 =	simm.s32 @!p0 $0x1  }
0x37: {  	_ =	swait.ge @!p0 [sflag:s0], s1  }
0x38: {  	s1 =	ssub.s32 @!p0 $0x0, s1;
	[sflag:s0] =	ssyncset.done @!p0 $0x0  }
0x39: {  	[sflag:s0] =	ssyncadd.s32 @!p0 s1  }
0x3a: {  	[bflag:$0x3] =	sbarrier.arrive $0xFFFF  }
0x3b: {  	_ =	shalt  }

</sc_bundles>
